<compile_context>
chip_gen: v7x
topology: tpu7x:2x2x1
jax: 0.10.2.dev20260603
libtpu: 0.0.44.dev20260713+nightly
codegen_flags: <defaults>
</compile_context>

<pallas_src>
import functools

import jax
import jax.numpy as jnp
from jax import lax
from jax.experimental import pallas as pl
from jax.experimental.pallas import tpu as pltpu
from jax.experimental.pallas import tpu_sc as plsc

B_, S_, D_ = 4, 8192, 1024
NC, NS, L = 2, 16, 16
NW = NC * NS
ROWS_PER_W = S_ // NW
C = 32
CHUNKS = ROWS_PER_W // C
CD = C * D_
T = CHUNKS * B_
UNROLL = 8

_mesh = plsc.VectorSubcoreMesh(core_axis_name="c", subcore_axis_name="s")


@functools.partial(
    pl.kernel,
    mesh=_mesh,
    out_type=jax.ShapeDtypeStruct((B_ * S_ * D_,), jnp.float32),
    scratch_types=[
        pltpu.VMEM((2 * CD,), jnp.float32),
        pltpu.VMEM((CD,), jnp.float32),
        pltpu.SemaphoreType.DMA,
        pltpu.SemaphoreType.DMA,
        pltpu.SemaphoreType.DMA,
        pltpu.SemaphoreType.DMA,
        pltpu.SemaphoreType.DMA,
        pltpu.SemaphoreType.DMA,
    ],
)
def _sc_add(x_hbm, emb_hbm, out_hbm, xbuf, ebuf,
            xs0, xs1, es0, es1, ss0, ss1):
    xsem = (xs0, xs1)
    esem = (es0, es1)
    ssem = (ss0, ss1)
    wid = lax.axis_index("s") * NC + lax.axis_index("c")
    base = wid * (ROWS_PER_W * D_)

    xloads = [None] * T
    eloads = [None] * CHUNKS
    stores = [None] * T

    def item_offsets(t):
        j, b = divmod(t, B_)
        off = b * (S_ * D_) + base + j * CD
        return j, b, off

    for t in range(T + 1):
        if t < T:
            j, b, off = item_offsets(t)
            if t >= 2:
                stores[t - 2].wait()
            xloads[t] = pltpu.async_copy(
                x_hbm.at[pl.ds(off, CD)],
                xbuf.at[pl.ds((t % 2) * CD, CD)],
                xsem[t % 2])
            if t == 0:
                eloads[0] = pltpu.async_copy(
                    emb_hbm.at[pl.ds(base, CD)],
                    ebuf,
                    esem[0])
        if t >= 1:
            tp = t - 1
            j, b, off = item_offsets(tp)
            xloads[tp].wait()
            if b == 0:
                eloads[j].wait()
            xoff = (tp % 2) * CD
            eoff = 0

            @plsc.parallel_loop(0, CD, L, unroll=UNROLL)
            def add_body(i, xoff=xoff, eoff=eoff):
                xs = pl.ds(xoff + i, L)
                es = pl.ds(eoff + i, L)
                xbuf[xs] = xbuf[xs] + ebuf[es]
            stores[tp] = pltpu.async_copy(
                xbuf.at[pl.ds(xoff, CD)],
                out_hbm.at[pl.ds(off, CD)],
                ssem[tp % 2])
            if b == B_ - 1 and j + 1 < CHUNKS:
                eloads[j + 1] = pltpu.async_copy(
                    emb_hbm.at[pl.ds(base + (j + 1) * CD, CD)],
                    ebuf,
                    esem[(j + 1) % 2])

    stores[T - 2].wait()
    stores[T - 1].wait()


def kernel(x, emb_table):
    b, s, d = x.shape
    out = _sc_add(x.reshape(-1), emb_table[:s].reshape(-1))
    return out.reshape(b, s, d)

# --- scband reference (transcript-rebuilt; emitter-appended) ---
"""Pipeline reference for scband-position-embedding-317827580113 (READ-ONLY COPY).

The authoritative reference and input builder live on the scoring server;
editing this copy changes nothing except your own understanding.
"""

import jax, jax.numpy as jnp
import numpy as np

B, S, D = 4, 8192, 1024
MAX_LEN = 8192


def setup_inputs(seed: int = 0) -> dict:
    key = jax.random.key(seed)
    k_x, k_emb = jax.random.split(key)
    x = jax.random.normal(k_x, (B, S, D), dtype=jnp.float32)
    emb_table = jax.random.normal(k_emb, (MAX_LEN, D), dtype=jnp.float32) * 0.02
    return {"x": x, "emb_table": emb_table}


def reference(x, emb_table):
    # PositionEmbedding with emb_type='learn':
    #   tmp = arange(x.size(1)); embedding = Embedding(tmp); repeat over batch; x + embedding
    seq_len = x.shape[1]
    idx = jnp.arange(seq_len)
    embedding = jnp.take(emb_table, idx, axis=0)            # [S, D] gather
    embedding = jnp.broadcast_to(embedding[None, :, :], x.shape)  # repeat([B,1,1])
    return x + embedding

if __name__ == "__main__":
    import jax
    _d = setup_inputs()
    print(jax.jit(kernel)(*tuple(_d.values())))

</pallas_src>

<mosaic_0001>
#map = affine_map<(d0, d1) -> (0)>
module attributes {stable_mosaic.version = 14 : i64} {
  func.func @_sc_add(%arg0: i32, %arg1: i32, %arg2: memref<33554432xf32, #tpu.memory_space<hbm>>, %arg3: memref<8388608xf32, #tpu.memory_space<hbm>>, %arg4: memref<33554432xf32, #tpu.memory_space<hbm>>, %arg5: memref<65536xf32, #tpu.memory_space<vmem>>, %arg6: memref<32768xf32, #tpu.memory_space<vmem>>, %arg7: memref<!tpu.dma_semaphore, #tpu.memory_space<semaphore_mem>>, %arg8: memref<!tpu.dma_semaphore, #tpu.memory_space<semaphore_mem>>, %arg9: memref<!tpu.dma_semaphore, #tpu.memory_space<semaphore_mem>>, %arg10: memref<!tpu.dma_semaphore, #tpu.memory_space<semaphore_mem>>, %arg11: memref<!tpu.dma_semaphore, #tpu.memory_space<semaphore_mem>>, %arg12: memref<!tpu.dma_semaphore, #tpu.memory_space<semaphore_mem>>) attributes {dimension_semantics = [#tpu.dimension_semantics<core_parallel>, #tpu.dimension_semantics<subcore_parallel>], iteration_bounds = array<i64: 2, 16>, scalar_prefetch = 0 : i64, scratch_operands = 8 : i64, tpu.core_type = #tpu.core_type<sc_vector_subcore>, window_params = [{transform_indices = #map}, {transform_indices = #map}, {transform_indices = #map}]} {
    %mul3A = arith.constant 2 : i32
    %mul3A_0 = arith.muli %arg1, %mul3A : i32
    %add3A = arith.addi %mul3A_0, %arg0 : i32
    %mul3A_1 = arith.constant 262144 : i32
    %mul3A_2 = arith.muli %add3A, %mul3A_1 : i32
    %add3A_3 = arith.constant 0 : i32
    %add3A_4 = arith.addi %add3A_3, %mul3A_2 : i32
    %add3A_5 = arith.constant 0 : i32
    %add3A_6 = arith.addi %add3A_4, %add3A_5 : i32
    %dma_start3A = arith.constant 0 : i32
    %dma_start3A_7 = tpu.memref_slice %arg5[%dma_start3A] : memref<65536xf32, #tpu.memory_space<vmem>> -> memref<32768xf32, #tpu.memory_space<vmem>>
    %dma_start3A_8 = tpu.memref_slice %arg2[%add3A_6] : memref<33554432xf32, #tpu.memory_space<hbm>> -> memref<32768xf32, #tpu.memory_space<hbm>>
    %dma_start3A_9 = arith.constant 0 : i32
    %dma_start3A_10 = tpu.memref_slice %arg5[%dma_start3A_9] : memref<65536xf32, #tpu.memory_space<vmem>> -> memref<32768xf32, #tpu.memory_space<vmem>>
    %dma_start3A_11 = tpu.memref_slice %arg2[%add3A_6] : memref<33554432xf32, #tpu.memory_space<hbm>> -> memref<32768xf32, #tpu.memory_space<hbm>>
    tpu.enqueue_dma source(%dma_start3A_11 : memref<32768xf32, #tpu.memory_space<hbm>>) target(%dma_start3A_10 : memref<32768xf32, #tpu.memory_space<vmem>>) target_semaphore(%arg7 : memref<!tpu.dma_semaphore, #tpu.memory_space<semaphore_mem>>)
    %dma_start3A_12 = tpu.memref_slice %arg3[%mul3A_2] : memref<8388608xf32, #tpu.memory_space<hbm>> -> memref<32768xf32, #tpu.memory_space<hbm>>
    %dma_start3A_13 = tpu.memref_slice %arg3[%mul3A_2] : memref<8388608xf32, #tpu.memory_space<hbm>> -> memref<32768xf32, #tpu.memory_space<hbm>>
    tpu.enqueue_dma source(%dma_start3A_13 : memref<32768xf32, #tpu.memory_space<hbm>>) target(%arg6 : memref<32768xf32, #tpu.memory_space<vmem>>) target_semaphore(%arg9 : memref<!tpu.dma_semaphore, #tpu.memory_space<semaphore_mem>>)
    %add3A_14 = arith.constant 8388608 : i32
    %add3A_15 = arith.addi %add3A_14, %mul3A_2 : i32
    %add3A_16 = arith.constant 0 : i32
    %add3A_17 = arith.addi %add3A_15, %add3A_16 : i32
    %dma_start3A_18 = arith.constant 32768 : i32
    %dma_start3A_19 = tpu.memref_slice %arg5[%dma_start3A_18] : memref<65536xf32, #tpu.memory_space<vmem>> -> memref<32768xf32, #tpu.memory_space<vmem>>
    %dma_start3A_20 = tpu.memref_slice %arg2[%add3A_17] : memref<33554432xf32, #tpu.memory_space<hbm>> -> memref<32768xf32, #tpu.memory_space<hbm>>
    %dma_start3A_21 = arith.constant 32768 : i32
    %dma_start3A_22 = tpu.memref_slice %arg5[%dma_start3A_21] : memref<65536xf32, #tpu.memory_space<vmem>> -> memref<32768xf32, #tpu.memory_space<vmem>>
    %dma_start3A_23 = tpu.memref_slice %arg2[%add3A_17] : memref<33554432xf32, #tpu.memory_space<hbm>> -> memref<32768xf32, #tpu.memory_space<hbm>>
    tpu.enqueue_dma source(%dma_start3A_23 : memref<32768xf32, #tpu.memory_space<hbm>>) target(%dma_start3A_22 : memref<32768xf32, #tpu.memory_space<vmem>>) target_semaphore(%arg8 : memref<!tpu.dma_semaphore, #tpu.memory_space<semaphore_mem>>)
    %add3A_24 = arith.constant 0 : i32
    %add3A_25 = arith.addi %add3A_24, %mul3A_2 : i32
    %add3A_26 = arith.constant 0 : i32
    %add3A_27 = arith.addi %add3A_25, %add3A_26 : i32
    %dma_wait3A = arith.constant 0 : i32
    %dma_wait3A_28 = tpu.memref_slice %arg5[%dma_wait3A] : memref<65536xf32, #tpu.memory_space<vmem>> -> memref<32768xf32, #tpu.memory_space<vmem>>
    %dma_wait3A_29 = tpu.memref_slice %arg2[%add3A_6] : memref<33554432xf32, #tpu.memory_space<hbm>> -> memref<32768xf32, #tpu.memory_space<hbm>>
    %dma_wait3A_30 = arith.constant 0 : i32
    %dma_wait3A_31 = tpu.memref_slice %arg5[%dma_wait3A_30] : memref<65536xf32, #tpu.memory_space<vmem>> -> memref<32768xf32, #tpu.memory_space<vmem>>
    %dma_wait3A_32 = tpu.memref_slice %arg2[%add3A_6] : memref<33554432xf32, #tpu.memory_space<hbm>> -> memref<32768xf32, #tpu.memory_space<hbm>>
    tpu.wait_dma2 semaphore(%arg7 : memref<!tpu.dma_semaphore, #tpu.memory_space<semaphore_mem>>) src(%dma_wait3A_32 : memref<32768xf32, #tpu.memory_space<hbm>>) dst(%dma_wait3A_31 : memref<32768xf32, #tpu.memory_space<vmem>>)
    %dma_wait3A_33 = tpu.memref_slice %arg3[%mul3A_2] : memref<8388608xf32, #tpu.memory_space<hbm>> -> memref<32768xf32, #tpu.memory_space<hbm>>
    %dma_wait3A_34 = tpu.memref_slice %arg3[%mul3A_2] : memref<8388608xf32, #tpu.memory_space<hbm>> -> memref<32768xf32, #tpu.memory_space<hbm>>
    tpu.wait_dma2 semaphore(%arg9 : memref<!tpu.dma_semaphore, #tpu.memory_space<semaphore_mem>>) src(%dma_wait3A_34 : memref<32768xf32, #tpu.memory_space<hbm>>) dst(%arg6 : memref<32768xf32, #tpu.memory_space<vmem>>)
    %parallel_loop3A = arith.constant 0 : i32
    %parallel_loop3A_35 = arith.constant 32768 : i32
    %parallel_loop3A_36 = arith.constant 16 : i32
    scf.for %parallel_loop3A_1166 = %parallel_loop3A to %parallel_loop3A_35 step %parallel_loop3A_36  : i32 {
      %parallel_loop3A_1167 = arith.constant 0 : i32
      %parallel_loop3A_1168 = arith.addi %parallel_loop3A_1167, %parallel_loop3A_1166 : i32
      %parallel_loop3A_1169 = arith.constant 0 : i32
      %parallel_loop3A_1170 = arith.addi %parallel_loop3A_1169, %parallel_loop3A_1166 : i32
      %parallel_loop3A_1171 = arith.index_cast %parallel_loop3A_1168 : i32 to index
      %parallel_loop3A_1172 = tpu.vector_load %arg5[%parallel_loop3A_1171] {strides = array<i32>} : memref<65536xf32, #tpu.memory_space<vmem>>, vector<16xf32>,
      %parallel_loop3A_1173 = vector.shape_cast %parallel_loop3A_1172 : vector<16xf32> to vector<16xf32>
      %parallel_loop3A_1174 = arith.index_cast %parallel_loop3A_1170 : i32 to index
      %parallel_loop3A_1175 = tpu.vector_load %arg6[%parallel_loop3A_1174] {strides = array<i32>} : memref<32768xf32, #tpu.memory_space<vmem>>, vector<16xf32>,
      %parallel_loop3A_1176 = vector.shape_cast %parallel_loop3A_1175 : vector<16xf32> to vector<16xf32>
      %parallel_loop3A_1177 = arith.addf %parallel_loop3A_1173, %parallel_loop3A_1176 : vector<16xf32>
      %parallel_loop3A_1178 = arith.index_cast %parallel_loop3A_1168 : i32 to index
      %parallel_loop3A_1179 = tpu.vector_load %arg5[%parallel_loop3A_1178] {strides = array<i32>} : memref<65536xf32, #tpu.memory_space<vmem>>, vector<16xf32>,
      %parallel_loop3A_1180 = vector.shape_cast %parallel_loop3A_1179 : vector<16xf32> to vector<16xf32>
      %parallel_loop3A_1181 = vector.shape_cast %parallel_loop3A_1177 : vector<16xf32> to vector<16xf32>
      tpu.vector_store %arg5[%parallel_loop3A_1178], %parallel_loop3A_1181 {strides = array<i32>} : memref<65536xf32, #tpu.memory_space<vmem>>, vector<16xf32>,
    } {sc.loop_unroll_factor = 8 : i64, sc.parallel_access}
    %dma_start3A_37 = arith.constant 0 : i32
    %dma_start3A_38 = tpu.memref_slice %arg5[%dma_start3A_37] : memref<65536xf32, #tpu.memory_space<vmem>> -> memref<32768xf32, #tpu.memory_space<vmem>>
    %dma_start3A_39 = tpu.memref_slice %arg4[%add3A_27] : memref<33554432xf32, #tpu.memory_space<hbm>> -> memref<32768xf32, #tpu.memory_space<hbm>>
    %dma_start3A_40 = tpu.memref_slice %arg4[%add3A_27] : memref<33554432xf32, #tpu.memory_space<hbm>> -> memref<32768xf32, #tpu.memory_space<hbm>>
    %dma_start3A_41 = arith.constant 0 : i32
    %dma_start3A_42 = tpu.memref_slice %arg5[%dma_start3A_41] : memref<65536xf32, #tpu.memory_space<vmem>> -> memref<32768xf32, #tpu.memory_space<vmem>>
    tpu.enqueue_dma source(%dma_start3A_42 : memref<32768xf32, #tpu.memory_space<vmem>>) target(%dma_start3A_40 : memref<32768xf32, #tpu.memory_space<hbm>>) target_semaphore(%arg11 : memref<!tpu.dma_semaphore, #tpu.memory_space<semaphore_mem>>)
    %add3A_43 = arith.constant 16777216 : i32
    %add3A_44 = arith.addi %add3A_43, %mul3A_2 : i32
    %add3A_45 = arith.constant 0 : i32
    %add3A_46 = arith.addi %add3A_44, %add3A_45 : i32
    %dma_wait3A_47 = arith.constant 0 : i32
    %dma_wait3A_48 = tpu.memref_slice %arg5[%dma_wait3A_47] : memref<65536xf32, #tpu.memory_space<vmem>> -> memref<32768xf32, #tpu.memory_space<vmem>>
    %dma_wait3A_49 = tpu.memref_slice %arg4[%add3A_27] : memref<33554432xf32, #tpu.memory_space<hbm>> -> memref<32768xf32, #tpu.memory_space<hbm>>
    %dma_wait3A_50 = tpu.memref_slice %arg4[%add3A_27] : memref<33554432xf32, #tpu.memory_space<hbm>> -> memref<32768xf32, #tpu.memory_space<hbm>>
    %dma_wait3A_51 = arith.constant 0 : i32
    %dma_wait3A_52 = tpu.memref_slice %arg5[%dma_wait3A_51] : memref<65536xf32, #tpu.memory_space<vmem>> -> memref<32768xf32, #tpu.memory_space<vmem>>
    tpu.wait_dma2 semaphore(%arg11 : memref<!tpu.dma_semaphore, #tpu.memory_space<semaphore_mem>>) src(%dma_wait3A_52 : memref<32768xf32, #tpu.memory_space<vmem>>) dst(%dma_wait3A_50 : memref<32768xf32, #tpu.memory_space<hbm>>)
    %dma_start3A_53 = arith.constant 0 : i32
    %dma_start3A_54 = tpu.memref_slice %arg5[%dma_start3A_53] : memref<65536xf32, #tpu.memory_space<vmem>> -> memref<32768xf32, #tpu.memory_space<vmem>>
    %dma_start3A_55 = tpu.memref_slice %arg2[%add3A_46] : memref<33554432xf32, #tpu.memory_space<hbm>> -> memref<32768xf32, #tpu.memory_space<hbm>>
    %dma_start3A_56 = arith.constant 0 : i32
    %dma_start3A_57 = tpu.memref_slice %arg5[%dma_start3A_56] : memref<65536xf32, #tpu.memory_space<vmem>> -> memref<32768xf32, #tpu.memory_space<vmem>>
    %dma_start3A_58 = tpu.memref_slice %arg2[%add3A_46] : memref<33554432xf32, #tpu.memory_space<hbm>> -> memref<32768xf32, #tpu.memory_space<hbm>>
    tpu.enqueue_dma source(%dma_start3A_58 : memref<32768xf32, #tpu.memory_space<hbm>>) target(%dma_start3A_57 : memref<32768xf32, #tpu.memory_space<vmem>>) target_semaphore(%arg7 : memref<!tpu.dma_semaphore, #tpu.memory_space<semaphore_mem>>)
    %add3A_59 = arith.constant 8388608 : i32
    %add3A_60 = arith.addi %add3A_59, %mul3A_2 : i32
    %add3A_61 = arith.constant 0 : i32
    %add3A_62 = arith.addi %add3A_60, %add3A_61 : i32
    %dma_wait3A_63 = arith.constant 32768 : i32
    %dma_wait3A_64 = tpu.memref_slice %arg5[%dma_wait3A_63] : memref<65536xf32, #tpu.memory_space<vmem>> -> memref<32768xf32, #tpu.memory_space<vmem>>
    %dma_wait3A_65 = tpu.memref_slice %arg2[%add3A_17] : memref<33554432xf32, #tpu.memory_space<hbm>> -> memref<32768xf32, #tpu.memory_space<hbm>>
    %dma_wait3A_66 = arith.constant 32768 : i32
    %dma_wait3A_67 = tpu.memref_slice %arg5[%dma_wait3A_66] : memref<65536xf32, #tpu.memory_space<vmem>> -> memref<32768xf32, #tpu.memory_space<vmem>>
    %dma_wait3A_68 = tpu.memref_slice %arg2[%add3A_17] : memref<33554432xf32, #tpu.memory_space<hbm>> -> memref<32768xf32, #tpu.memory_space<hbm>>
    tpu.wait_dma2 semaphore(%arg8 : memref<!tpu.dma_semaphore, #tpu.memory_space<semaphore_mem>>) src(%dma_wait3A_68 : memref<32768xf32, #tpu.memory_space<hbm>>) dst(%dma_wait3A_67 : memref<32768xf32, #tpu.memory_space<vmem>>)
    %parallel_loop3A_69 = arith.constant 0 : i32
    %parallel_loop3A_70 = arith.constant 32768 : i32
    %parallel_loop3A_71 = arith.constant 16 : i32
    scf.for %parallel_loop3A_1166 = %parallel_loop3A_69 to %parallel_loop3A_70 step %parallel_loop3A_71  : i32 {
      %parallel_loop3A_1167 = arith.constant 32768 : i32
      %parallel_loop3A_1168 = arith.addi %parallel_loop3A_1167, %parallel_loop3A_1166 : i32
      %parallel_loop3A_1169 = arith.constant 0 : i32
      %parallel_loop3A_1170 = arith.addi %parallel_loop3A_1169, %parallel_loop3A_1166 : i32
      %parallel_loop3A_1171 = arith.index_cast %parallel_loop3A_1168 : i32 to index
      %parallel_loop3A_1172 = tpu.vector_load %arg5[%parallel_loop3A_1171] {strides = array<i32>} : memref<65536xf32, #tpu.memory_space<vmem>>, vector<16xf32>,
      %parallel_loop3A_1173 = vector.shape_cast %parallel_loop3A_1172 : vector<16xf32> to vector<16xf32>
      %parallel_loop3A_1174 = arith.index_cast %parallel_loop3A_1170 : i32 to index
      %parallel_loop3A_1175 = tpu.vector_load %arg6[%parallel_loop3A_1174] {strides = array<i32>} : memref<32768xf32, #tpu.memory_space<vmem>>, vector<16xf32>,
      %parallel_loop3A_1176 = vector.shape_cast %parallel_loop3A_1175 : vector<16xf32> to vector<16xf32>
      %parallel_loop3A_1177 = arith.addf %parallel_loop3A_1173, %parallel_loop3A_1176 : vector<16xf32>
      %parallel_loop3A_1178 = arith.index_cast %parallel_loop3A_1168 : i32 to index
      %parallel_loop3A_1179 = tpu.vector_load %arg5[%parallel_loop3A_1178] {strides = array<i32>} : memref<65536xf32, #tpu.memory_space<vmem>>, vector<16xf32>,
      %parallel_loop3A_1180 = vector.shape_cast %parallel_loop3A_1179 : vector<16xf32> to vector<16xf32>
      %parallel_loop3A_1181 = vector.shape_cast %parallel_loop3A_1177 : vector<16xf32> to vector<16xf32>
      tpu.vector_store %arg5[%parallel_loop3A_1178], %parallel_loop3A_1181 {strides = array<i32>} : memref<65536xf32, #tpu.memory_space<vmem>>, vector<16xf32>,
    } {sc.loop_unroll_factor = 8 : i64, sc.parallel_access}
    %dma_start3A_72 = arith.constant 32768 : i32
    %dma_start3A_73 = tpu.memref_slice %arg5[%dma_start3A_72] : memref<65536xf32, #tpu.memory_space<vmem>> -> memref<32768xf32, #tpu.memory_space<vmem>>
    %dma_start3A_74 = tpu.memref_slice %arg4[%add3A_62] : memref<33554432xf32, #tpu.memory_space<hbm>> -> memref<32768xf32, #tpu.memory_space<hbm>>
    %dma_start3A_75 = tpu.memref_slice %arg4[%add3A_62] : memref<33554432xf32, #tpu.memory_space<hbm>> -> memref<32768xf32, #tpu.memory_space<hbm>>
    %dma_start3A_76 = arith.constant 32768 : i32
    %dma_start3A_77 = tpu.memref_slice %arg5[%dma_start3A_76] : memref<65536xf32, #tpu.memory_space<vmem>> -> memref<32768xf32, #tpu.memory_space<vmem>>
    tpu.enqueue_dma source(%dma_start3A_77 : memref<32768xf32, #tpu.memory_space<vmem>>) target(%dma_start3A_75 : memref<32768xf32, #tpu.memory_space<hbm>>) target_semaphore(%arg12 : memref<!tpu.dma_semaphore, #tpu.memory_space<semaphore_mem>>)
    %add3A_78 = arith.constant 25165824 : i32
    %add3A_79 = arith.addi %add3A_78, %mul3A_2 : i32
    %add3A_80 = arith.constant 0 : i32
    %add3A_81 = arith.addi %add3A_79, %add3A_80 : i32
    %dma_wait3A_82 = arith.constant 32768 : i32
    %dma_wait3A_83 = tpu.memref_slice %arg5[%dma_wait3A_82] : memref<65536xf32, #tpu.memory_space<vmem>> -> memref<32768xf32, #tpu.memory_space<vmem>>
    %dma_wait3A_84 = tpu.memref_slice %arg4[%add3A_62] : memref<33554432xf32, #tpu.memory_space<hbm>> -> memref<32768xf32, #tpu.memory_space<hbm>>
    %dma_wait3A_85 = tpu.memref_slice %arg4[%add3A_62] : memref<33554432xf32, #tpu.memory_space<hbm>> -> memref<32768xf32, #tpu.memory_space<hbm>>
    %dma_wait3A_86 = arith.constant 32768 : i32
    %dma_wait3A_87 = tpu.memref_slice %arg5[%dma_wait3A_86] : memref<65536xf32, #tpu.memory_space<vmem>> -> memref<32768xf32, #tpu.memory_space<vmem>>
    tpu.wait_dma2 semaphore(%arg12 : memref<!tpu.dma_semaphore, #tpu.memory_space<semaphore_mem>>) src(%dma_wait3A_87 : memref<32768xf32, #tpu.memory_space<vmem>>) dst(%dma_wait3A_85 : memref<32768xf32, #tpu.memory_space<hbm>>)
    %dma_start3A_88 = arith.constant 32768 : i32
    %dma_start3A_89 = tpu.memref_slice %arg5[%dma_start3A_88] : memref<65536xf32, #tpu.memory_space<vmem>> -> memref<32768xf32, #tpu.memory_space<vmem>>
    %dma_start3A_90 = tpu.memref_slice %arg2[%add3A_81] : memref<33554432xf32, #tpu.memory_space<hbm>> -> memref<32768xf32, #tpu.memory_space<hbm>>
    %dma_start3A_91 = arith.constant 32768 : i32
    %dma_start3A_92 = tpu.memref_slice %arg5[%dma_start3A_91] : memref<65536xf32, #tpu.memory_space<vmem>> -> memref<32768xf32, #tpu.memory_space<vmem>>
    %dma_start3A_93 = tpu.memref_slice %arg2[%add3A_81] : memref<33554432xf32, #tpu.memory_space<hbm>> -> memref<32768xf32, #tpu.memory_space<hbm>>
    tpu.enqueue_dma source(%dma_start3A_93 : memref<32768xf32, #tpu.memory_space<hbm>>) target(%dma_start3A_92 : memref<32768xf32, #tpu.memory_space<vmem>>) target_semaphore(%arg8 : memref<!tpu.dma_semaphore, #tpu.memory_space<semaphore_mem>>)
    %add3A_94 = arith.constant 16777216 : i32
    %add3A_95 = arith.addi %add3A_94, %mul3A_2 : i32
    %add3A_96 = arith.constant 0 : i32
    %add3A_97 = arith.addi %add3A_95, %add3A_96 : i32
    %dma_wait3A_98 = arith.constant 0 : i32
    %dma_wait3A_99 = tpu.memref_slice %arg5[%dma_wait3A_98] : memref<65536xf32, #tpu.memory_space<vmem>> -> memref<32768xf32, #tpu.memory_space<vmem>>
    %dma_wait3A_100 = tpu.memref_slice %arg2[%add3A_46] : memref<33554432xf32, #tpu.memory_space<hbm>> -> memref<32768xf32, #tpu.memory_space<hbm>>
    %dma_wait3A_101 = arith.constant 0 : i32
    %dma_wait3A_102 = tpu.memref_slice %arg5[%dma_wait3A_101] : memref<65536xf32, #tpu.memory_space<vmem>> -> memref<32768xf32, #tpu.memory_space<vmem>>
    %dma_wait3A_103 = tpu.memref_slice %arg2[%add3A_46] : memref<33554432xf32, #tpu.memory_space<hbm>> -> memref<32768xf32, #tpu.memory_space<hbm>>
    tpu.wait_dma2 semaphore(%arg7 : memref<!tpu.dma_semaphore, #tpu.memory_space<semaphore_mem>>) src(%dma_wait3A_103 : memref<32768xf32, #tpu.memory_space<hbm>>) dst(%dma_wait3A_102 : memref<32768xf32, #tpu.memory_space<vmem>>)
    %parallel_loop3A_104 = arith.constant 0 : i32
    %parallel_loop3A_105 = arith.constant 32768 : i32
    %parallel_loop3A_106 = arith.constant 16 : i32
    scf.for %parallel_loop3A_1166 = %parallel_loop3A_104 to %parallel_loop3A_105 step %parallel_loop3A_106  : i32 {
      %parallel_loop3A_1167 = arith.constant 0 : i32
      %parallel_loop3A_1168 = arith.addi %parallel_loop3A_1167, %parallel_loop3A_1166 : i32
      %parallel_loop3A_1169 = arith.constant 0 : i32
      %parallel_loop3A_1170 = arith.addi %parallel_loop3A_1169, %parallel_loop3A_1166 : i32
      %parallel_loop3A_1171 = arith.index_cast %parallel_loop3A_1168 : i32 to index
      %parallel_loop3A_1172 = tpu.vector_load %arg5[%parallel_loop3A_1171] {strides = array<i32>} : memref<65536xf32, #tpu.memory_space<vmem>>, vector<16xf32>,
      %parallel_loop3A_1173 = vector.shape_cast %parallel_loop3A_1172 : vector<16xf32> to vector<16xf32>
      %parallel_loop3A_1174 = arith.index_cast %parallel_loop3A_1170 : i32 to index
      %parallel_loop3A_1175 = tpu.vector_load %arg6[%parallel_loop3A_1174] {strides = array<i32>} : memref<32768xf32, #tpu.memory_space<vmem>>, vector<16xf32>,
      %parallel_loop3A_1176 = vector.shape_cast %parallel_loop3A_1175 : vector<16xf32> to vector<16xf32>
      %parallel_loop3A_1177 = arith.addf %parallel_loop3A_1173, %parallel_loop3A_1176 : vector<16xf32>
      %parallel_loop3A_1178 = arith.index_cast %parallel_loop3A_1168 : i32 to index
      %parallel_loop3A_1179 = tpu.vector_load %arg5[%parallel_loop3A_1178] {strides = array<i32>} : memref<65536xf32, #tpu.memory_space<vmem>>, vector<16xf32>,
      %parallel_loop3A_1180 = vector.shape_cast %parallel_loop3A_1179 : vector<16xf32> to vector<16xf32>
      %parallel_loop3A_1181 = vector.shape_cast %parallel_loop3A_1177 : vector<16xf32> to vector<16xf32>
      tpu.vector_store %arg5[%parallel_loop3A_1178], %parallel_loop3A_1181 {strides = array<i32>} : memref<65536xf32, #tpu.memory_space<vmem>>, vector<16xf32>,
    } {sc.loop_unroll_factor = 8 : i64, sc.parallel_access}
    %dma_start3A_107 = arith.constant 0 : i32
    %dma_start3A_108 = tpu.memref_slice %arg5[%dma_start3A_107] : memref<65536xf32, #tpu.memory_space<vmem>> -> memref<32768xf32, #tpu.memory_space<vmem>>
    %dma_start3A_109 = tpu.memref_slice %arg4[%add3A_97] : memref<33554432xf32, #tpu.memory_space<hbm>> -> memref<32768xf32, #tpu.memory_space<hbm>>
    %dma_start3A_110 = tpu.memref_slice %arg4[%add3A_97] : memref<33554432xf32, #tpu.memory_space<hbm>> -> memref<32768xf32, #tpu.memory_space<hbm>>
    %dma_start3A_111 = arith.constant 0 : i32
    %dma_start3A_112 = tpu.memref_slice %arg5[%dma_start3A_111] : memref<65536xf32, #tpu.memory_space<vmem>> -> memref<32768xf32, #tpu.memory_space<vmem>>
    tpu.enqueue_dma source(%dma_start3A_112 : memref<32768xf32, #tpu.memory_space<vmem>>) target(%dma_start3A_110 : memref<32768xf32, #tpu.memory_space<hbm>>) target_semaphore(%arg11 : memref<!tpu.dma_semaphore, #tpu.memory_space<semaphore_mem>>)
    %add3A_113 = arith.constant 0 : i32
    %add3A_114 = arith.addi %add3A_113, %mul3A_2 : i32
    %add3A_115 = arith.constant 32768 : i32
    %add3A_116 = arith.addi %add3A_114, %add3A_115 : i32
    %dma_wait3A_117 = arith.constant 0 : i32
    %dma_wait3A_118 = tpu.memref_slice %arg5[%dma_wait3A_117] : memref<65536xf32, #tpu.memory_space<vmem>> -> memref<32768xf32, #tpu.memory_space<vmem>>
    %dma_wait3A_119 = tpu.memref_slice %arg4[%add3A_97] : memref<33554432xf32, #tpu.memory_space<hbm>> -> memref<32768xf32, #tpu.memory_space<hbm>>
    %dma_wait3A_120 = tpu.memref_slice %arg4[%add3A_97] : memref<33554432xf32, #tpu.memory_space<hbm>> -> memref<32768xf32, #tpu.memory_space<hbm>>
    %dma_wait3A_121 = arith.constant 0 : i32
    %dma_wait3A_122 = tpu.memref_slice %arg5[%dma_wait3A_121] : memref<65536xf32, #tpu.memory_space<vmem>> -> memref<32768xf32, #tpu.memory_space<vmem>>
    tpu.wait_dma2 semaphore(%arg11 : memref<!tpu.dma_semaphore, #tpu.memory_space<semaphore_mem>>) src(%dma_wait3A_122 : memref<32768xf32, #tpu.memory_space<vmem>>) dst(%dma_wait3A_120 : memref<32768xf32, #tpu.memory_space<hbm>>)
    %dma_start3A_123 = arith.constant 0 : i32
    %dma_start3A_124 = tpu.memref_slice %arg5[%dma_start3A_123] : memref<65536xf32, #tpu.memory_space<vmem>> -> memref<32768xf32, #tpu.memory_space<vmem>>
    %dma_start3A_125 = tpu.memref_slice %arg2[%add3A_116] : memref<33554432xf32, #tpu.memory_space<hbm>> -> memref<32768xf32, #tpu.memory_space<hbm>>
    %dma_start3A_126 = arith.constant 0 : i32
    %dma_start3A_127 = tpu.memref_slice %arg5[%dma_start3A_126] : memref<65536xf32, #tpu.memory_space<vmem>> -> memref<32768xf32, #tpu.memory_space<vmem>>
    %dma_start3A_128 = tpu.memref_slice %arg2[%add3A_116] : memref<33554432xf32, #tpu.memory_space<hbm>> -> memref<32768xf32, #tpu.memory_space<hbm>>
    tpu.enqueue_dma source(%dma_start3A_128 : memref<32768xf32, #tpu.memory_space<hbm>>) target(%dma_start3A_127 : memref<32768xf32, #tpu.memory_space<vmem>>) target_semaphore(%arg7 : memref<!tpu.dma_semaphore, #tpu.memory_space<semaphore_mem>>)
    %add3A_129 = arith.constant 25165824 : i32
    %add3A_130 = arith.addi %add3A_129, %mul3A_2 : i32
    %add3A_131 = arith.constant 0 : i32
    %add3A_132 = arith.addi %add3A_130, %add3A_131 : i32
    %dma_wait3A_133 = arith.constant 32768 : i32
    %dma_wait3A_134 = tpu.memref_slice %arg5[%dma_wait3A_133] : memref<65536xf32, #tpu.memory_space<vmem>> -> memref<32768xf32, #tpu.memory_space<vmem>>
    %dma_wait3A_135 = tpu.memref_slice %arg2[%add3A_81] : memref<33554432xf32, #tpu.memory_space<hbm>> -> memref<32768xf32, #tpu.memory_space<hbm>>
    %dma_wait3A_136 = arith.constant 32768 : i32
    %dma_wait3A_137 = tpu.memref_slice %arg5[%dma_wait3A_136] : memref<65536xf32, #tpu.memory_space<vmem>> -> memref<32768xf32, #tpu.memory_space<vmem>>
    %dma_wait3A_138 = tpu.memref_slice %arg2[%add3A_81] : memref<33554432xf32, #tpu.memory_space<hbm>> -> memref<32768xf32, #tpu.memory_space<hbm>>
    tpu.wait_dma2 semaphore(%arg8 : memref<!tpu.dma_semaphore, #tpu.memory_space<semaphore_mem>>) src(%dma_wait3A_138 : memref<32768xf32, #tpu.memory_space<hbm>>) dst(%dma_wait3A_137 : memref<32768xf32, #tpu.memory_space<vmem>>)
    %parallel_loop3A_139 = arith.constant 0 : i32
    %parallel_loop3A_140 = arith.constant 32768 : i32
    %parallel_loop3A_141 = arith.constant 16 : i32
    scf.for %parallel_loop3A_1166 = %parallel_loop3A_139 to %parallel_loop3A_140 step %parallel_loop3A_141  : i32 {
      %parallel_loop3A_1167 = arith.constant 32768 : i32
      %parallel_loop3A_1168 = arith.addi %parallel_loop3A_1167, %parallel_loop3A_1166 : i32
      %parallel_loop3A_1169 = arith.constant 0 : i32
      %parallel_loop3A_1170 = arith.addi %parallel_loop3A_1169, %parallel_loop3A_1166 : i32
      %parallel_loop3A_1171 = arith.index_cast %parallel_loop3A_1168 : i32 to index
      %parallel_loop3A_1172 = tpu.vector_load %arg5[%parallel_loop3A_1171] {strides = array<i32>} : memref<65536xf32, #tpu.memory_space<vmem>>, vector<16xf32>,
      %parallel_loop3A_1173 = vector.shape_cast %parallel_loop3A_1172 : vector<16xf32> to vector<16xf32>
      %parallel_loop3A_1174 = arith.index_cast %parallel_loop3A_1170 : i32 to index
      %parallel_loop3A_1175 = tpu.vector_load %arg6[%parallel_loop3A_1174] {strides = array<i32>} : memref<32768xf32, #tpu.memory_space<vmem>>, vector<16xf32>,
      %parallel_loop3A_1176 = vector.shape_cast %parallel_loop3A_1175 : vector<16xf32> to vector<16xf32>
      %parallel_loop3A_1177 = arith.addf %parallel_loop3A_1173, %parallel_loop3A_1176 : vector<16xf32>
      %parallel_loop3A_1178 = arith.index_cast %parallel_loop3A_1168 : i32 to index
      %parallel_loop3A_1179 = tpu.vector_load %arg5[%parallel_loop3A_1178] {strides = array<i32>} : memref<65536xf32, #tpu.memory_space<vmem>>, vector<16xf32>,
      %parallel_loop3A_1180 = vector.shape_cast %parallel_loop3A_1179 : vector<16xf32> to vector<16xf32>
      %parallel_loop3A_1181 = vector.shape_cast %parallel_loop3A_1177 : vector<16xf32> to vector<16xf32>
      tpu.vector_store %arg5[%parallel_loop3A_1178], %parallel_loop3A_1181 {strides = array<i32>} : memref<65536xf32, #tpu.memory_space<vmem>>, vector<16xf32>,
    } {sc.loop_unroll_factor = 8 : i64, sc.parallel_access}
    %dma_start3A_142 = arith.constant 32768 : i32
    %dma_start3A_143 = tpu.memref_slice %arg5[%dma_start3A_142] : memref<65536xf32, #tpu.memory_space<vmem>> -> memref<32768xf32, #tpu.memory_space<vmem>>
    %dma_start3A_144 = tpu.memref_slice %arg4[%add3A_132] : memref<33554432xf32, #tpu.memory_space<hbm>> -> memref<32768xf32, #tpu.memory_space<hbm>>
    %dma_start3A_145 = tpu.memref_slice %arg4[%add3A_132] : memref<33554432xf32, #tpu.memory_space<hbm>> -> memref<32768xf32, #tpu.memory_space<hbm>>
    %dma_start3A_146 = arith.constant 32768 : i32
    %dma_start3A_147 = tpu.memref_slice %arg5[%dma_start3A_146] : memref<65536xf32, #tpu.memory_space<vmem>> -> memref<32768xf32, #tpu.memory_space<vmem>>
    tpu.enqueue_dma source(%dma_start3A_147 : memref<32768xf32, #tpu.memory_space<vmem>>) target(%dma_start3A_145 : memref<32768xf32, #tpu.memory_space<hbm>>) target_semaphore(%arg12 : memref<!tpu.dma_semaphore, #tpu.memory_space<semaphore_mem>>)
    %add3A_148 = arith.constant 32768 : i32
    %add3A_149 = arith.addi %mul3A_2, %add3A_148 : i32
    %dma_start3A_150 = tpu.memref_slice %arg3[%add3A_149] : memref<8388608xf32, #tpu.memory_space<hbm>> -> memref<32768xf32, #tpu.memory_space<hbm>>
    %dma_start3A_151 = tpu.memref_slice %arg3[%add3A_149] : memref<8388608xf32, #tpu.memory_space<hbm>> -> memref<32768xf32, #tpu.memory_space<hbm>>
    tpu.enqueue_dma source(%dma_start3A_151 : memref<32768xf32, #tpu.memory_space<hbm>>) target(%arg6 : memref<32768xf32, #tpu.memory_space<vmem>>) target_semaphore(%arg10 : memref<!tpu.dma_semaphore, #tpu.memory_space<semaphore_mem>>)
    %add3A_152 = arith.constant 8388608 : i32
    %add3A_153 = arith.addi %add3A_152, %mul3A_2 : i32
    %add3A_154 = arith.constant 32768 : i32
    %add3A_155 = arith.addi %add3A_153, %add3A_154 : i32
    %dma_wait3A_156 = arith.constant 32768 : i32
    %dma_wait3A_157 = tpu.memref_slice %arg5[%dma_wait3A_156] : memref<65536xf32, #tpu.memory_space<vmem>> -> memref<32768xf32, #tpu.memory_space<vmem>>
    %dma_wait3A_158 = tpu.memref_slice %arg4[%add3A_132] : memref<33554432xf32, #tpu.memory_space<hbm>> -> memref<32768xf32, #tpu.memory_space<hbm>>
    %dma_wait3A_159 = tpu.memref_slice %arg4[%add3A_132] : memref<33554432xf32, #tpu.memory_space<hbm>> -> memref<32768xf32, #tpu.memory_space<hbm>>
    %dma_wait3A_160 = arith.constant 32768 : i32
    %dma_wait3A_161 = tpu.memref_slice %arg5[%dma_wait3A_160] : memref<65536xf32, #tpu.memory_space<vmem>> -> memref<32768xf32, #tpu.memory_space<vmem>>
    tpu.wait_dma2 semaphore(%arg12 : memref<!tpu.dma_semaphore, #tpu.memory_space<semaphore_mem>>) src(%dma_wait3A_161 : memref<32768xf32, #tpu.memory_space<vmem>>) dst(%dma_wait3A_159 : memref<32768xf32, #tpu.memory_space<hbm>>)
    %dma_start3A_162 = arith.constant 32768 : i32
    %dma_start3A_163 = tpu.memref_slice %arg5[%dma_start3A_162] : memref<65536xf32, #tpu.memory_space<vmem>> -> memref<32768xf32, #tpu.memory_space<vmem>>
    %dma_start3A_164 = tpu.memref_slice %arg2[%add3A_155] : memref<33554432xf32, #tpu.memory_space<hbm>> -> memref<32768xf32, #tpu.memory_space<hbm>>
    %dma_start3A_165 = arith.constant 32768 : i32
    %dma_start3A_166 = tpu.memref_slice %arg5[%dma_start3A_165] : memref<65536xf32, #tpu.memory_space<vmem>> -> memref<32768xf32, #tpu.memory_space<vmem>>
    %dma_start3A_167 = tpu.memref_slice %arg2[%add3A_155] : memref<33554432xf32, #tpu.memory_space<hbm>> -> memref<32768xf32, #tpu.memory_space<hbm>>
    tpu.enqueue_dma source(%dma_start3A_167 : memref<32768xf32, #tpu.memory_space<hbm>>) target(%dma_start3A_166 : memref<32768xf32, #tpu.memory_space<vmem>>) target_semaphore(%arg8 : memref<!tpu.dma_semaphore, #tpu.memory_space<semaphore_mem>>)
    %add3A_168 = arith.constant 0 : i32
    %add3A_169 = arith.addi %add3A_168, %mul3A_2 : i32
    %add3A_170 = arith.constant 32768 : i32
    %add3A_171 = arith.addi %add3A_169, %add3A_170 : i32
    %dma_wait3A_172 = arith.constant 0 : i32
    %dma_wait3A_173 = tpu.memref_slice %arg5[%dma_wait3A_172] : memref<65536xf32, #tpu.memory_space<vmem>> -> memref<32768xf32, #tpu.memory_space<vmem>>
    %dma_wait3A_174 = tpu.memref_slice %arg2[%add3A_116] : memref<33554432xf32, #tpu.memory_space<hbm>> -> memref<32768xf32, #tpu.memory_space<hbm>>
    %dma_wait3A_175 = arith.constant 0 : i32
    %dma_wait3A_176 = tpu.memref_slice %arg5[%dma_wait3A_175] : memref<65536xf32, #tpu.memory_space<vmem>> -> memref<32768xf32, #tpu.memory_space<vmem>>
    %dma_wait3A_177 = tpu.memref_slice %arg2[%add3A_116] : memref<33554432xf32, #tpu.memory_space<hbm>> -> memref<32768xf32, #tpu.memory_space<hbm>>
    tpu.wait_dma2 semaphore(%arg7 : memref<!tpu.dma_semaphore, #tpu.memory_space<semaphore_mem>>) src(%dma_wait3A_177 : memref<32768xf32, #tpu.memory_space<hbm>>) dst(%dma_wait3A_176 : memref<32768xf32, #tpu.memory_space<vmem>>)
    %dma_wait3A_178 = tpu.memref_slice %arg3[%add3A_149] : memref<8388608xf32, #tpu.memory_space<hbm>> -> memref<32768xf32, #tpu.memory_space<hbm>>
    %dma_wait3A_179 = tpu.memref_slice %arg3[%add3A_149] : memref<8388608xf32, #tpu.memory_space<hbm>> -> memref<32768xf32, #tpu.memory_space<hbm>>
    tpu.wait_dma2 semaphore(%arg10 : memref<!tpu.dma_semaphore, #tpu.memory_space<semaphore_mem>>) src(%dma_wait3A_179 : memref<32768xf32, #tpu.memory_space<hbm>>) dst(%arg6 : memref<32768xf32, #tpu.memory_space<vmem>>)
    %parallel_loop3A_180 = arith.constant 0 : i32
    %parallel_loop3A_181 = arith.constant 32768 : i32
    %parallel_loop3A_182 = arith.constant 16 : i32
    scf.for %parallel_loop3A_1166 = %parallel_loop3A_180 to %parallel_loop3A_181 step %parallel_loop3A_182  : i32 {
      %parallel_loop3A_1167 = arith.constant 0 : i32
      %parallel_loop3A_1168 = arith.addi %parallel_loop3A_1167, %parallel_loop3A_1166 : i32
      %parallel_loop3A_1169 = arith.constant 0 : i32
      %parallel_loop3A_1170 = arith.addi %parallel_loop3A_1169, %parallel_loop3A_1166 : i32
      %parallel_loop3A_1171 = arith.index_cast %parallel_loop3A_1168 : i32 to index
      %parallel_loop3A_1172 = tpu.vector_load %arg5[%parallel_loop3A_1171] {strides = array<i32>} : memref<65536xf32, #tpu.memory_space<vmem>>, vector<16xf32>,
      %parallel_loop3A_1173 = vector.shape_cast %parallel_loop3A_1172 : vector<16xf32> to vector<16xf32>
      %parallel_loop3A_1174 = arith.index_cast %parallel_loop3A_1170 : i32 to index
      %parallel_loop3A_1175 = tpu.vector_load %arg6[%parallel_loop3A_1174] {strides = array<i32>} : memref<32768xf32, #tpu.memory_space<vmem>>, vector<16xf32>,
      %parallel_loop3A_1176 = vector.shape_cast %parallel_loop3A_1175 : vector<16xf32> to vector<16xf32>
      %parallel_loop3A_1177 = arith.addf %parallel_loop3A_1173, %parallel_loop3A_1176 : vector<16xf32>
      %parallel_loop3A_1178 = arith.index_cast %parallel_loop3A_1168 : i32 to index
      %parallel_loop3A_1179 = tpu.vector_load %arg5[%parallel_loop3A_1178] {strides = array<i32>} : memref<65536xf32, #tpu.memory_space<vmem>>, vector<16xf32>,
      %parallel_loop3A_1180 = vector.shape_cast %parallel_loop3A_1179 : vector<16xf32> to vector<16xf32>
      %parallel_loop3A_1181 = vector.shape_cast %parallel_loop3A_1177 : vector<16xf32> to vector<16xf32>
      tpu.vector_store %arg5[%parallel_loop3A_1178], %parallel_loop3A_1181 {strides = array<i32>} : memref<65536xf32, #tpu.memory_space<vmem>>, vector<16xf32>,
    } {sc.loop_unroll_factor = 8 : i64, sc.parallel_access}
    %dma_start3A_183 = arith.constant 0 : i32
    %dma_start3A_184 = tpu.memref_slice %arg5[%dma_start3A_183] : memref<65536xf32, #tpu.memory_space<vmem>> -> memref<32768xf32, #tpu.memory_space<vmem>>
    %dma_start3A_185 = tpu.memref_slice %arg4[%add3A_171] : memref<33554432xf32, #tpu.memory_space<hbm>> -> memref<32768xf32, #tpu.memory_space<hbm>>
    %dma_start3A_186 = tpu.memref_slice %arg4[%add3A_171] : memref<33554432xf32, #tpu.memory_space<hbm>> -> memref<32768xf32, #tpu.memory_space<hbm>>
    %dma_start3A_187 = arith.constant 0 : i32
    %dma_start3A_188 = tpu.memref_slice %arg5[%dma_start3A_187] : memref<65536xf32, #tpu.memory_space<vmem>> -> memref<32768xf32, #tpu.memory_space<vmem>>
    tpu.enqueue_dma source(%dma_start3A_188 : memref<32768xf32, #tpu.memory_space<vmem>>) target(%dma_start3A_186 : memref<32768xf32, #tpu.memory_space<hbm>>) target_semaphore(%arg11 : memref<!tpu.dma_semaphore, #tpu.memory_space<semaphore_mem>>)
    %add3A_189 = arith.constant 16777216 : i32
    %add3A_190 = arith.addi %add3A_189, %mul3A_2 : i32
    %add3A_191 = arith.constant 32768 : i32
    %add3A_192 = arith.addi %add3A_190, %add3A_191 : i32
    %dma_wait3A_193 = arith.constant 0 : i32
    %dma_wait3A_194 = tpu.memref_slice %arg5[%dma_wait3A_193] : memref<65536xf32, #tpu.memory_space<vmem>> -> memref<32768xf32, #tpu.memory_space<vmem>>
    %dma_wait3A_195 = tpu.memref_slice %arg4[%add3A_171] : memref<33554432xf32, #tpu.memory_space<hbm>> -> memref<32768xf32, #tpu.memory_space<hbm>>
    %dma_wait3A_196 = tpu.memref_slice %arg4[%add3A_171] : memref<33554432xf32, #tpu.memory_space<hbm>> -> memref<32768xf32, #tpu.memory_space<hbm>>
    %dma_wait3A_197 = arith.constant 0 : i32
    %dma_wait3A_198 = tpu.memref_slice %arg5[%dma_wait3A_197] : memref<65536xf32, #tpu.memory_space<vmem>> -> memref<32768xf32, #tpu.memory_space<vmem>>
    tpu.wait_dma2 semaphore(%arg11 : memref<!tpu.dma_semaphore, #tpu.memory_space<semaphore_mem>>) src(%dma_wait3A_198 : memref<32768xf32, #tpu.memory_space<vmem>>) dst(%dma_wait3A_196 : memref<32768xf32, #tpu.memory_space<hbm>>)
    %dma_start3A_199 = arith.constant 0 : i32
    %dma_start3A_200 = tpu.memref_slice %arg5[%dma_start3A_199] : memref<65536xf32, #tpu.memory_space<vmem>> -> memref<32768xf32, #tpu.memory_space<vmem>>
    %dma_start3A_201 = tpu.memref_slice %arg2[%add3A_192] : memref<33554432xf32, #tpu.memory_space<hbm>> -> memref<32768xf32, #tpu.memory_space<hbm>>
    %dma_start3A_202 = arith.constant 0 : i32
    %dma_start3A_203 = tpu.memref_slice %arg5[%dma_start3A_202] : memref<65536xf32, #tpu.memory_space<vmem>> -> memref<32768xf32, #tpu.memory_space<vmem>>
    %dma_start3A_204 = tpu.memref_slice %arg2[%add3A_192] : memref<33554432xf32, #tpu.memory_space<hbm>> -> memref<32768xf32, #tpu.memory_space<hbm>>
    tpu.enqueue_dma source(%dma_start3A_204 : memref<32768xf32, #tpu.memory_space<hbm>>) target(%dma_start3A_203 : memref<32768xf32, #tpu.memory_space<vmem>>) target_semaphore(%arg7 : memref<!tpu.dma_semaphore, #tpu.memory_space<semaphore_mem>>)
    %add3A_205 = arith.constant 8388608 : i32
    %add3A_206 = arith.addi %add3A_205, %mul3A_2 : i32
    %add3A_207 = arith.constant 32768 : i32
    %add3A_208 = arith.addi %add3A_206, %add3A_207 : i32
    %dma_wait3A_209 = arith.constant 32768 : i32
    %dma_wait3A_210 = tpu.memref_slice %arg5[%dma_wait3A_209] : memref<65536xf32, #tpu.memory_space<vmem>> -> memref<32768xf32, #tpu.memory_space<vmem>>
    %dma_wait3A_211 = tpu.memref_slice %arg2[%add3A_155] : memref<33554432xf32, #tpu.memory_space<hbm>> -> memref<32768xf32, #tpu.memory_space<hbm>>
    %dma_wait3A_212 = arith.constant 32768 : i32
    %dma_wait3A_213 = tpu.memref_slice %arg5[%dma_wait3A_212] : memref<65536xf32, #tpu.memory_space<vmem>> -> memref<32768xf32, #tpu.memory_space<vmem>>
    %dma_wait3A_214 = tpu.memref_slice %arg2[%add3A_155] : memref<33554432xf32, #tpu.memory_space<hbm>> -> memref<32768xf32, #tpu.memory_space<hbm>>
    tpu.wait_dma2 semaphore(%arg8 : memref<!tpu.dma_semaphore, #tpu.memory_space<semaphore_mem>>) src(%dma_wait3A_214 : memref<32768xf32, #tpu.memory_space<hbm>>) dst(%dma_wait3A_213 : memref<32768xf32, #tpu.memory_space<vmem>>)
    %parallel_loop3A_215 = arith.constant 0 : i32
    %parallel_loop3A_216 = arith.constant 32768 : i32
    %parallel_loop3A_217 = arith.constant 16 : i32
    scf.for %parallel_loop3A_1166 = %parallel_loop3A_215 to %parallel_loop3A_216 step %parallel_loop3A_217  : i32 {
      %parallel_loop3A_1167 = arith.constant 32768 : i32
      %parallel_loop3A_1168 = arith.addi %parallel_loop3A_1167, %parallel_loop3A_1166 : i32
      %parallel_loop3A_1169 = arith.constant 0 : i32
      %parallel_loop3A_1170 = arith.addi %parallel_loop3A_1169, %parallel_loop3A_1166 : i32
      %parallel_loop3A_1171 = arith.index_cast %parallel_loop3A_1168 : i32 to index
      %parallel_loop3A_1172 = tpu.vector_load %arg5[%parallel_loop3A_1171] {strides = array<i32>} : memref<65536xf32, #tpu.memory_space<vmem>>, vector<16xf32>,
      %parallel_loop3A_1173 = vector.shape_cast %parallel_loop3A_1172 : vector<16xf32> to vector<16xf32>
      %parallel_loop3A_1174 = arith.index_cast %parallel_loop3A_1170 : i32 to index
      %parallel_loop3A_1175 = tpu.vector_load %arg6[%parallel_loop3A_1174] {strides = array<i32>} : memref<32768xf32, #tpu.memory_space<vmem>>, vector<16xf32>,
      %parallel_loop3A_1176 = vector.shape_cast %parallel_loop3A_1175 : vector<16xf32> to vector<16xf32>
      %parallel_loop3A_1177 = arith.addf %parallel_loop3A_1173, %parallel_loop3A_1176 : vector<16xf32>
      %parallel_loop3A_1178 = arith.index_cast %parallel_loop3A_1168 : i32 to index
      %parallel_loop3A_1179 = tpu.vector_load %arg5[%parallel_loop3A_1178] {strides = array<i32>} : memref<65536xf32, #tpu.memory_space<vmem>>, vector<16xf32>,
      %parallel_loop3A_1180 = vector.shape_cast %parallel_loop3A_1179 : vector<16xf32> to vector<16xf32>
      %parallel_loop3A_1181 = vector.shape_cast %parallel_loop3A_1177 : vector<16xf32> to vector<16xf32>
      tpu.vector_store %arg5[%parallel_loop3A_1178], %parallel_loop3A_1181 {strides = array<i32>} : memref<65536xf32, #tpu.memory_space<vmem>>, vector<16xf32>,
    } {sc.loop_unroll_factor = 8 : i64, sc.parallel_access}
    %dma_start3A_218 = arith.constant 32768 : i32
    %dma_start3A_219 = tpu.memref_slice %arg5[%dma_start3A_218] : memref<65536xf32, #tpu.memory_space<vmem>> -> memref<32768xf32, #tpu.memory_space<vmem>>
    %dma_start3A_220 = tpu.memref_slice %arg4[%add3A_208] : memref<33554432xf32, #tpu.memory_space<hbm>> -> memref<32768xf32, #tpu.memory_space<hbm>>
    %dma_start3A_221 = tpu.memref_slice %arg4[%add3A_208] : memref<33554432xf32, #tpu.memory_space<hbm>> -> memref<32768xf32, #tpu.memory_space<hbm>>
    %dma_start3A_222 = arith.constant 32768 : i32
    %dma_start3A_223 = tpu.memref_slice %arg5[%dma_start3A_222] : memref<65536xf32, #tpu.memory_space<vmem>> -> memref<32768xf32, #tpu.memory_space<vmem>>
    tpu.enqueue_dma source(%dma_start3A_223 : memref<32768xf32, #tpu.memory_space<vmem>>) target(%dma_start3A_221 : memref<32768xf32, #tpu.memory_space<hbm>>) target_semaphore(%arg12 : memref<!tpu.dma_semaphore, #tpu.memory_space<semaphore_mem>>)
    %add3A_224 = arith.constant 25165824 : i32
    %add3A_225 = arith.addi %add3A_224, %mul3A_2 : i32
    %add3A_226 = arith.constant 32768 : i32
    %add3A_227 = arith.addi %add3A_225, %add3A_226 : i32
    %dma_wait3A_228 = arith.constant 32768 : i32
    %dma_wait3A_229 = tpu.memref_slice %arg5[%dma_wait3A_228] : memref<65536xf32, #tpu.memory_space<vmem>> -> memref<32768xf32, #tpu.memory_space<vmem>>
    %dma_wait3A_230 = tpu.memref_slice %arg4[%add3A_208] : memref<33554432xf32, #tpu.memory_space<hbm>> -> memref<32768xf32, #tpu.memory_space<hbm>>
    %dma_wait3A_231 = tpu.memref_slice %arg4[%add3A_208] : memref<33554432xf32, #tpu.memory_space<hbm>> -> memref<32768xf32, #tpu.memory_space<hbm>>
    %dma_wait3A_232 = arith.constant 32768 : i32
    %dma_wait3A_233 = tpu.memref_slice %arg5[%dma_wait3A_232] : memref<65536xf32, #tpu.memory_space<vmem>> -> memref<32768xf32, #tpu.memory_space<vmem>>
    tpu.wait_dma2 semaphore(%arg12 : memref<!tpu.dma_semaphore, #tpu.memory_space<semaphore_mem>>) src(%dma_wait3A_233 : memref<32768xf32, #tpu.memory_space<vmem>>) dst(%dma_wait3A_231 : memref<32768xf32, #tpu.memory_space<hbm>>)
    %dma_start3A_234 = arith.constant 32768 : i32
    %dma_start3A_235 = tpu.memref_slice %arg5[%dma_start3A_234] : memref<65536xf32, #tpu.memory_space<vmem>> -> memref<32768xf32, #tpu.memory_space<vmem>>
    %dma_start3A_236 = tpu.memref_slice %arg2[%add3A_227] : memref<33554432xf32, #tpu.memory_space<hbm>> -> memref<32768xf32, #tpu.memory_space<hbm>>
    %dma_start3A_237 = arith.constant 32768 : i32
    %dma_start3A_238 = tpu.memref_slice %arg5[%dma_start3A_237] : memref<65536xf32, #tpu.memory_space<vmem>> -> memref<32768xf32, #tpu.memory_space<vmem>>
    %dma_start3A_239 = tpu.memref_slice %arg2[%add3A_227] : memref<33554432xf32, #tpu.memory_space<hbm>> -> memref<32768xf32, #tpu.memory_space<hbm>>
    tpu.enqueue_dma source(%dma_start3A_239 : memref<32768xf32, #tpu.memory_space<hbm>>) target(%dma_start3A_238 : memref<32768xf32, #tpu.memory_space<vmem>>) target_semaphore(%arg8 : memref<!tpu.dma_semaphore, #tpu.memory_space<semaphore_mem>>)
    %add3A_240 = arith.constant 16777216 : i32
    %add3A_241 = arith.addi %add3A_240, %mul3A_2 : i32
    %add3A_242 = arith.constant 32768 : i32
    %add3A_243 = arith.addi %add3A_241, %add3A_242 : i32
    %dma_wait3A_244 = arith.constant 0 : i32
    %dma_wait3A_245 = tpu.memref_slice %arg5[%dma_wait3A_244] : memref<65536xf32, #tpu.memory_space<vmem>> -> memref<32768xf32, #tpu.memory_space<vmem>>
    %dma_wait3A_246 = tpu.memref_slice %arg2[%add3A_192] : memref<33554432xf32, #tpu.memory_space<hbm>> -> memref<32768xf32, #tpu.memory_space<hbm>>
    %dma_wait3A_247 = arith.constant 0 : i32
    %dma_wait3A_248 = tpu.memref_slice %arg5[%dma_wait3A_247] : memref<65536xf32, #tpu.memory_space<vmem>> -> memref<32768xf32, #tpu.memory_space<vmem>>
    %dma_wait3A_249 = tpu.memref_slice %arg2[%add3A_192] : memref<33554432xf32, #tpu.memory_space<hbm>> -> memref<32768xf32, #tpu.memory_space<hbm>>
    tpu.wait_dma2 semaphore(%arg7 : memref<!tpu.dma_semaphore, #tpu.memory_space<semaphore_mem>>) src(%dma_wait3A_249 : memref<32768xf32, #tpu.memory_space<hbm>>) dst(%dma_wait3A_248 : memref<32768xf32, #tpu.memory_space<vmem>>)
    %parallel_loop3A_250 = arith.constant 0 : i32
    %parallel_loop3A_251 = arith.constant 32768 : i32
    %parallel_loop3A_252 = arith.constant 16 : i32
    scf.for %parallel_loop3A_1166 = %parallel_loop3A_250 to %parallel_loop3A_251 step %parallel_loop3A_252  : i32 {
      %parallel_loop3A_1167 = arith.constant 0 : i32
      %parallel_loop3A_1168 = arith.addi %parallel_loop3A_1167, %parallel_loop3A_1166 : i32
      %parallel_loop3A_1169 = arith.constant 0 : i32
      %parallel_loop3A_1170 = arith.addi %parallel_loop3A_1169, %parallel_loop3A_1166 : i32
      %parallel_loop3A_1171 = arith.index_cast %parallel_loop3A_1168 : i32 to index
      %parallel_loop3A_1172 = tpu.vector_load %arg5[%parallel_loop3A_1171] {strides = array<i32>} : memref<65536xf32, #tpu.memory_space<vmem>>, vector<16xf32>,
      %parallel_loop3A_1173 = vector.shape_cast %parallel_loop3A_1172 : vector<16xf32> to vector<16xf32>
      %parallel_loop3A_1174 = arith.index_cast %parallel_loop3A_1170 : i32 to index
      %parallel_loop3A_1175 = tpu.vector_load %arg6[%parallel_loop3A_1174] {strides = array<i32>} : memref<32768xf32, #tpu.memory_space<vmem>>, vector<16xf32>,
      %parallel_loop3A_1176 = vector.shape_cast %parallel_loop3A_1175 : vector<16xf32> to vector<16xf32>
      %parallel_loop3A_1177 = arith.addf %parallel_loop3A_1173, %parallel_loop3A_1176 : vector<16xf32>
      %parallel_loop3A_1178 = arith.index_cast %parallel_loop3A_1168 : i32 to index
      %parallel_loop3A_1179 = tpu.vector_load %arg5[%parallel_loop3A_1178] {strides = array<i32>} : memref<65536xf32, #tpu.memory_space<vmem>>, vector<16xf32>,
      %parallel_loop3A_1180 = vector.shape_cast %parallel_loop3A_1179 : vector<16xf32> to vector<16xf32>
      %parallel_loop3A_1181 = vector.shape_cast %parallel_loop3A_1177 : vector<16xf32> to vector<16xf32>
      tpu.vector_store %arg5[%parallel_loop3A_1178], %parallel_loop3A_1181 {strides = array<i32>} : memref<65536xf32, #tpu.memory_space<vmem>>, vector<16xf32>,
    } {sc.loop_unroll_factor = 8 : i64, sc.parallel_access}
    %dma_start3A_253 = arith.constant 0 : i32
    %dma_start3A_254 = tpu.memref_slice %arg5[%dma_start3A_253] : memref<65536xf32, #tpu.memory_space<vmem>> -> memref<32768xf32, #tpu.memory_space<vmem>>
    %dma_start3A_255 = tpu.memref_slice %arg4[%add3A_243] : memref<33554432xf32, #tpu.memory_space<hbm>> -> memref<32768xf32, #tpu.memory_space<hbm>>
    %dma_start3A_256 = tpu.memref_slice %arg4[%add3A_243] : memref<33554432xf32, #tpu.memory_space<hbm>> -> memref<32768xf32, #tpu.memory_space<hbm>>
    %dma_start3A_257 = arith.constant 0 : i32
    %dma_start3A_258 = tpu.memref_slice %arg5[%dma_start3A_257] : memref<65536xf32, #tpu.memory_space<vmem>> -> memref<32768xf32, #tpu.memory_space<vmem>>
    tpu.enqueue_dma source(%dma_start3A_258 : memref<32768xf32, #tpu.memory_space<vmem>>) target(%dma_start3A_256 : memref<32768xf32, #tpu.memory_space<hbm>>) target_semaphore(%arg11 : memref<!tpu.dma_semaphore, #tpu.memory_space<semaphore_mem>>)
    %add3A_259 = arith.constant 0 : i32
    %add3A_260 = arith.addi %add3A_259, %mul3A_2 : i32
    %add3A_261 = arith.constant 65536 : i32
    %add3A_262 = arith.addi %add3A_260, %add3A_261 : i32
    %dma_wait3A_263 = arith.constant 0 : i32
    %dma_wait3A_264 = tpu.memref_slice %arg5[%dma_wait3A_263] : memref<65536xf32, #tpu.memory_space<vmem>> -> memref<32768xf32, #tpu.memory_space<vmem>>
    %dma_wait3A_265 = tpu.memref_slice %arg4[%add3A_243] : memref<33554432xf32, #tpu.memory_space<hbm>> -> memref<32768xf32, #tpu.memory_space<hbm>>
    %dma_wait3A_266 = tpu.memref_slice %arg4[%add3A_243] : memref<33554432xf32, #tpu.memory_space<hbm>> -> memref<32768xf32, #tpu.memory_space<hbm>>
    %dma_wait3A_267 = arith.constant 0 : i32
    %dma_wait3A_268 = tpu.memref_slice %arg5[%dma_wait3A_267] : memref<65536xf32, #tpu.memory_space<vmem>> -> memref<32768xf32, #tpu.memory_space<vmem>>
    tpu.wait_dma2 semaphore(%arg11 : memref<!tpu.dma_semaphore, #tpu.memory_space<semaphore_mem>>) src(%dma_wait3A_268 : memref<32768xf32, #tpu.memory_space<vmem>>) dst(%dma_wait3A_266 : memref<32768xf32, #tpu.memory_space<hbm>>)
    %dma_start3A_269 = arith.constant 0 : i32
    %dma_start3A_270 = tpu.memref_slice %arg5[%dma_start3A_269] : memref<65536xf32, #tpu.memory_space<vmem>> -> memref<32768xf32, #tpu.memory_space<vmem>>
    %dma_start3A_271 = tpu.memref_slice %arg2[%add3A_262] : memref<33554432xf32, #tpu.memory_space<hbm>> -> memref<32768xf32, #tpu.memory_space<hbm>>
    %dma_start3A_272 = arith.constant 0 : i32
    %dma_start3A_273 = tpu.memref_slice %arg5[%dma_start3A_272] : memref<65536xf32, #tpu.memory_space<vmem>> -> memref<32768xf32, #tpu.memory_space<vmem>>
    %dma_start3A_274 = tpu.memref_slice %arg2[%add3A_262] : memref<33554432xf32, #tpu.memory_space<hbm>> -> memref<32768xf32, #tpu.memory_space<hbm>>
    tpu.enqueue_dma source(%dma_start3A_274 : memref<32768xf32, #tpu.memory_space<hbm>>) target(%dma_start3A_273 : memref<32768xf32, #tpu.memory_space<vmem>>) target_semaphore(%arg7 : memref<!tpu.dma_semaphore, #tpu.memory_space<semaphore_mem>>)
    %add3A_275 = arith.constant 25165824 : i32
    %add3A_276 = arith.addi %add3A_275, %mul3A_2 : i32
    %add3A_277 = arith.constant 32768 : i32
    %add3A_278 = arith.addi %add3A_276, %add3A_277 : i32
    %dma_wait3A_279 = arith.constant 32768 : i32
    %dma_wait3A_280 = tpu.memref_slice %arg5[%dma_wait3A_279] : memref<65536xf32, #tpu.memory_space<vmem>> -> memref<32768xf32, #tpu.memory_space<vmem>>
    %dma_wait3A_281 = tpu.memref_slice %arg2[%add3A_227] : memref<33554432xf32, #tpu.memory_space<hbm>> -> memref<32768xf32, #tpu.memory_space<hbm>>
    %dma_wait3A_282 = arith.constant 32768 : i32
    %dma_wait3A_283 = tpu.memref_slice %arg5[%dma_wait3A_282] : memref<65536xf32, #tpu.memory_space<vmem>> -> memref<32768xf32, #tpu.memory_space<vmem>>
    %dma_wait3A_284 = tpu.memref_slice %arg2[%add3A_227] : memref<33554432xf32, #tpu.memory_space<hbm>> -> memref<32768xf32, #tpu.memory_space<hbm>>
    tpu.wait_dma2 semaphore(%arg8 : memref<!tpu.dma_semaphore, #tpu.memory_space<semaphore_mem>>) src(%dma_wait3A_284 : memref<32768xf32, #tpu.memory_space<hbm>>) dst(%dma_wait3A_283 : memref<32768xf32, #tpu.memory_space<vmem>>)
    %parallel_loop3A_285 = arith.constant 0 : i32
    %parallel_loop3A_286 = arith.constant 32768 : i32
    %parallel_loop3A_287 = arith.constant 16 : i32
    scf.for %parallel_loop3A_1166 = %parallel_loop3A_285 to %parallel_loop3A_286 step %parallel_loop3A_287  : i32 {
      %parallel_loop3A_1167 = arith.constant 32768 : i32
      %parallel_loop3A_1168 = arith.addi %parallel_loop3A_1167, %parallel_loop3A_1166 : i32
      %parallel_loop3A_1169 = arith.constant 0 : i32
      %parallel_loop3A_1170 = arith.addi %parallel_loop3A_1169, %parallel_loop3A_1166 : i32
      %parallel_loop3A_1171 = arith.index_cast %parallel_loop3A_1168 : i32 to index
      %parallel_loop3A_1172 = tpu.vector_load %arg5[%parallel_loop3A_1171] {strides = array<i32>} : memref<65536xf32, #tpu.memory_space<vmem>>, vector<16xf32>,
      %parallel_loop3A_1173 = vector.shape_cast %parallel_loop3A_1172 : vector<16xf32> to vector<16xf32>
      %parallel_loop3A_1174 = arith.index_cast %parallel_loop3A_1170 : i32 to index
      %parallel_loop3A_1175 = tpu.vector_load %arg6[%parallel_loop3A_1174] {strides = array<i32>} : memref<32768xf32, #tpu.memory_space<vmem>>, vector<16xf32>,
      %parallel_loop3A_1176 = vector.shape_cast %parallel_loop3A_1175 : vector<16xf32> to vector<16xf32>
      %parallel_loop3A_1177 = arith.addf %parallel_loop3A_1173, %parallel_loop3A_1176 : vector<16xf32>
      %parallel_loop3A_1178 = arith.index_cast %parallel_loop3A_1168 : i32 to index
      %parallel_loop3A_1179 = tpu.vector_load %arg5[%parallel_loop3A_1178] {strides = array<i32>} : memref<65536xf32, #tpu.memory_space<vmem>>, vector<16xf32>,
      %parallel_loop3A_1180 = vector.shape_cast %parallel_loop3A_1179 : vector<16xf32> to vector<16xf32>
      %parallel_loop3A_1181 = vector.shape_cast %parallel_loop3A_1177 : vector<16xf32> to vector<16xf32>
      tpu.vector_store %arg5[%parallel_loop3A_1178], %parallel_loop3A_1181 {strides = array<i32>} : memref<65536xf32, #tpu.memory_space<vmem>>, vector<16xf32>,
    } {sc.loop_unroll_factor = 8 : i64, sc.parallel_access}
    %dma_start3A_288 = arith.constant 32768 : i32
    %dma_start3A_289 = tpu.memref_slice %arg5[%dma_start3A_288] : memref<65536xf32, #tpu.memory_space<vmem>> -> memref<32768xf32, #tpu.memory_space<vmem>>
    %dma_start3A_290 = tpu.memref_slice %arg4[%add3A_278] : memref<33554432xf32, #tpu.memory_space<hbm>> -> memref<32768xf32, #tpu.memory_space<hbm>>
    %dma_start3A_291 = tpu.memref_slice %arg4[%add3A_278] : memref<33554432xf32, #tpu.memory_space<hbm>> -> memref<32768xf32, #tpu.memory_space<hbm>>
    %dma_start3A_292 = arith.constant 32768 : i32
    %dma_start3A_293 = tpu.memref_slice %arg5[%dma_start3A_292] : memref<65536xf32, #tpu.memory_space<vmem>> -> memref<32768xf32, #tpu.memory_space<vmem>>
    tpu.enqueue_dma source(%dma_start3A_293 : memref<32768xf32, #tpu.memory_space<vmem>>) target(%dma_start3A_291 : memref<32768xf32, #tpu.memory_space<hbm>>) target_semaphore(%arg12 : memref<!tpu.dma_semaphore, #tpu.memory_space<semaphore_mem>>)
    %add3A_294 = arith.constant 65536 : i32
    %add3A_295 = arith.addi %mul3A_2, %add3A_294 : i32
    %dma_start3A_296 = tpu.memref_slice %arg3[%add3A_295] : memref<8388608xf32, #tpu.memory_space<hbm>> -> memref<32768xf32, #tpu.memory_space<hbm>>
    %dma_start3A_297 = tpu.memref_slice %arg3[%add3A_295] : memref<8388608xf32, #tpu.memory_space<hbm>> -> memref<32768xf32, #tpu.memory_space<hbm>>
    tpu.enqueue_dma source(%dma_start3A_297 : memref<32768xf32, #tpu.memory_space<hbm>>) target(%arg6 : memref<32768xf32, #tpu.memory_space<vmem>>) target_semaphore(%arg9 : memref<!tpu.dma_semaphore, #tpu.memory_space<semaphore_mem>>)
    %add3A_298 = arith.constant 8388608 : i32
    %add3A_299 = arith.addi %add3A_298, %mul3A_2 : i32
    %add3A_300 = arith.constant 65536 : i32
    %add3A_301 = arith.addi %add3A_299, %add3A_300 : i32
    %dma_wait3A_302 = arith.constant 32768 : i32
    %dma_wait3A_303 = tpu.memref_slice %arg5[%dma_wait3A_302] : memref<65536xf32, #tpu.memory_space<vmem>> -> memref<32768xf32, #tpu.memory_space<vmem>>
    %dma_wait3A_304 = tpu.memref_slice %arg4[%add3A_278] : memref<33554432xf32, #tpu.memory_space<hbm>> -> memref<32768xf32, #tpu.memory_space<hbm>>
    %dma_wait3A_305 = tpu.memref_slice %arg4[%add3A_278] : memref<33554432xf32, #tpu.memory_space<hbm>> -> memref<32768xf32, #tpu.memory_space<hbm>>
    %dma_wait3A_306 = arith.constant 32768 : i32
    %dma_wait3A_307 = tpu.memref_slice %arg5[%dma_wait3A_306] : memref<65536xf32, #tpu.memory_space<vmem>> -> memref<32768xf32, #tpu.memory_space<vmem>>
    tpu.wait_dma2 semaphore(%arg12 : memref<!tpu.dma_semaphore, #tpu.memory_space<semaphore_mem>>) src(%dma_wait3A_307 : memref<32768xf32, #tpu.memory_space<vmem>>) dst(%dma_wait3A_305 : memref<32768xf32, #tpu.memory_space<hbm>>)
    %dma_start3A_308 = arith.constant 32768 : i32
    %dma_start3A_309 = tpu.memref_slice %arg5[%dma_start3A_308] : memref<65536xf32, #tpu.memory_space<vmem>> -> memref<32768xf32, #tpu.memory_space<vmem>>
    %dma_start3A_310 = tpu.memref_slice %arg2[%add3A_301] : memref<33554432xf32, #tpu.memory_space<hbm>> -> memref<32768xf32, #tpu.memory_space<hbm>>
    %dma_start3A_311 = arith.constant 32768 : i32
    %dma_start3A_312 = tpu.memref_slice %arg5[%dma_start3A_311] : memref<65536xf32, #tpu.memory_space<vmem>> -> memref<32768xf32, #tpu.memory_space<vmem>>
    %dma_start3A_313 = tpu.memref_slice %arg2[%add3A_301] : memref<33554432xf32, #tpu.memory_space<hbm>> -> memref<32768xf32, #tpu.memory_space<hbm>>
    tpu.enqueue_dma source(%dma_start3A_313 : memref<32768xf32, #tpu.memory_space<hbm>>) target(%dma_start3A_312 : memref<32768xf32, #tpu.memory_space<vmem>>) target_semaphore(%arg8 : memref<!tpu.dma_semaphore, #tpu.memory_space<semaphore_mem>>)
    %add3A_314 = arith.constant 0 : i32
    %add3A_315 = arith.addi %add3A_314, %mul3A_2 : i32
    %add3A_316 = arith.constant 65536 : i32
    %add3A_317 = arith.addi %add3A_315, %add3A_316 : i32
    %dma_wait3A_318 = arith.constant 0 : i32
    %dma_wait3A_319 = tpu.memref_slice %arg5[%dma_wait3A_318] : memref<65536xf32, #tpu.memory_space<vmem>> -> memref<32768xf32, #tpu.memory_space<vmem>>
    %dma_wait3A_320 = tpu.memref_slice %arg2[%add3A_262] : memref<33554432xf32, #tpu.memory_space<hbm>> -> memref<32768xf32, #tpu.memory_space<hbm>>
    %dma_wait3A_321 = arith.constant 0 : i32
    %dma_wait3A_322 = tpu.memref_slice %arg5[%dma_wait3A_321] : memref<65536xf32, #tpu.memory_space<vmem>> -> memref<32768xf32, #tpu.memory_space<vmem>>
    %dma_wait3A_323 = tpu.memref_slice %arg2[%add3A_262] : memref<33554432xf32, #tpu.memory_space<hbm>> -> memref<32768xf32, #tpu.memory_space<hbm>>
    tpu.wait_dma2 semaphore(%arg7 : memref<!tpu.dma_semaphore, #tpu.memory_space<semaphore_mem>>) src(%dma_wait3A_323 : memref<32768xf32, #tpu.memory_space<hbm>>) dst(%dma_wait3A_322 : memref<32768xf32, #tpu.memory_space<vmem>>)
    %dma_wait3A_324 = tpu.memref_slice %arg3[%add3A_295] : memref<8388608xf32, #tpu.memory_space<hbm>> -> memref<32768xf32, #tpu.memory_space<hbm>>
    %dma_wait3A_325 = tpu.memref_slice %arg3[%add3A_295] : memref<8388608xf32, #tpu.memory_space<hbm>> -> memref<32768xf32, #tpu.memory_space<hbm>>
    tpu.wait_dma2 semaphore(%arg9 : memref<!tpu.dma_semaphore, #tpu.memory_space<semaphore_mem>>) src(%dma_wait3A_325 : memref<32768xf32, #tpu.memory_space<hbm>>) dst(%arg6 : memref<32768xf32, #tpu.memory_space<vmem>>)
    %parallel_loop3A_326 = arith.constant 0 : i32
    %parallel_loop3A_327 = arith.constant 32768 : i32
    %parallel_loop3A_328 = arith.constant 16 : i32
    scf.for %parallel_loop3A_1166 = %parallel_loop3A_326 to %parallel_loop3A_327 step %parallel_loop3A_328  : i32 {
      %parallel_loop3A_1167 = arith.constant 0 : i32
      %parallel_loop3A_1168 = arith.addi %parallel_loop3A_1167, %parallel_loop3A_1166 : i32
      %parallel_loop3A_1169 = arith.constant 0 : i32
      %parallel_loop3A_1170 = arith.addi %parallel_loop3A_1169, %parallel_loop3A_1166 : i32
      %parallel_loop3A_1171 = arith.index_cast %parallel_loop3A_1168 : i32 to index
      %parallel_loop3A_1172 = tpu.vector_load %arg5[%parallel_loop3A_1171] {strides = array<i32>} : memref<65536xf32, #tpu.memory_space<vmem>>, vector<16xf32>,
      %parallel_loop3A_1173 = vector.shape_cast %parallel_loop3A_1172 : vector<16xf32> to vector<16xf32>
      %parallel_loop3A_1174 = arith.index_cast %parallel_loop3A_1170 : i32 to index
      %parallel_loop3A_1175 = tpu.vector_load %arg6[%parallel_loop3A_1174] {strides = array<i32>} : memref<32768xf32, #tpu.memory_space<vmem>>, vector<16xf32>,
      %parallel_loop3A_1176 = vector.shape_cast %parallel_loop3A_1175 : vector<16xf32> to vector<16xf32>
      %parallel_loop3A_1177 = arith.addf %parallel_loop3A_1173, %parallel_loop3A_1176 : vector<16xf32>
      %parallel_loop3A_1178 = arith.index_cast %parallel_loop3A_1168 : i32 to index
      %parallel_loop3A_1179 = tpu.vector_load %arg5[%parallel_loop3A_1178] {strides = array<i32>} : memref<65536xf32, #tpu.memory_space<vmem>>, vector<16xf32>,
      %parallel_loop3A_1180 = vector.shape_cast %parallel_loop3A_1179 : vector<16xf32> to vector<16xf32>
      %parallel_loop3A_1181 = vector.shape_cast %parallel_loop3A_1177 : vector<16xf32> to vector<16xf32>
      tpu.vector_store %arg5[%parallel_loop3A_1178], %parallel_loop3A_1181 {strides = array<i32>} : memref<65536xf32, #tpu.memory_space<vmem>>, vector<16xf32>,
    } {sc.loop_unroll_factor = 8 : i64, sc.parallel_access}
    %dma_start3A_329 = arith.constant 0 : i32
    %dma_start3A_330 = tpu.memref_slice %arg5[%dma_start3A_329] : memref<65536xf32, #tpu.memory_space<vmem>> -> memref<32768xf32, #tpu.memory_space<vmem>>
    %dma_start3A_331 = tpu.memref_slice %arg4[%add3A_317] : memref<33554432xf32, #tpu.memory_space<hbm>> -> memref<32768xf32, #tpu.memory_space<hbm>>
    %dma_start3A_332 = tpu.memref_slice %arg4[%add3A_317] : memref<33554432xf32, #tpu.memory_space<hbm>> -> memref<32768xf32, #tpu.memory_space<hbm>>
    %dma_start3A_333 = arith.constant 0 : i32
    %dma_start3A_334 = tpu.memref_slice %arg5[%dma_start3A_333] : memref<65536xf32, #tpu.memory_space<vmem>> -> memref<32768xf32, #tpu.memory_space<vmem>>
    tpu.enqueue_dma source(%dma_start3A_334 : memref<32768xf32, #tpu.memory_space<vmem>>) target(%dma_start3A_332 : memref<32768xf32, #tpu.memory_space<hbm>>) target_semaphore(%arg11 : memref<!tpu.dma_semaphore, #tpu.memory_space<semaphore_mem>>)
    %add3A_335 = arith.constant 16777216 : i32
    %add3A_336 = arith.addi %add3A_335, %mul3A_2 : i32
    %add3A_337 = arith.constant 65536 : i32
    %add3A_338 = arith.addi %add3A_336, %add3A_337 : i32
    %dma_wait3A_339 = arith.constant 0 : i32
    %dma_wait3A_340 = tpu.memref_slice %arg5[%dma_wait3A_339] : memref<65536xf32, #tpu.memory_space<vmem>> -> memref<32768xf32, #tpu.memory_space<vmem>>
    %dma_wait3A_341 = tpu.memref_slice %arg4[%add3A_317] : memref<33554432xf32, #tpu.memory_space<hbm>> -> memref<32768xf32, #tpu.memory_space<hbm>>
    %dma_wait3A_342 = tpu.memref_slice %arg4[%add3A_317] : memref<33554432xf32, #tpu.memory_space<hbm>> -> memref<32768xf32, #tpu.memory_space<hbm>>
    %dma_wait3A_343 = arith.constant 0 : i32
    %dma_wait3A_344 = tpu.memref_slice %arg5[%dma_wait3A_343] : memref<65536xf32, #tpu.memory_space<vmem>> -> memref<32768xf32, #tpu.memory_space<vmem>>
    tpu.wait_dma2 semaphore(%arg11 : memref<!tpu.dma_semaphore, #tpu.memory_space<semaphore_mem>>) src(%dma_wait3A_344 : memref<32768xf32, #tpu.memory_space<vmem>>) dst(%dma_wait3A_342 : memref<32768xf32, #tpu.memory_space<hbm>>)
    %dma_start3A_345 = arith.constant 0 : i32
    %dma_start3A_346 = tpu.memref_slice %arg5[%dma_start3A_345] : memref<65536xf32, #tpu.memory_space<vmem>> -> memref<32768xf32, #tpu.memory_space<vmem>>
    %dma_start3A_347 = tpu.memref_slice %arg2[%add3A_338] : memref<33554432xf32, #tpu.memory_space<hbm>> -> memref<32768xf32, #tpu.memory_space<hbm>>
    %dma_start3A_348 = arith.constant 0 : i32
    %dma_start3A_349 = tpu.memref_slice %arg5[%dma_start3A_348] : memref<65536xf32, #tpu.memory_space<vmem>> -> memref<32768xf32, #tpu.memory_space<vmem>>
    %dma_start3A_350 = tpu.memref_slice %arg2[%add3A_338] : memref<33554432xf32, #tpu.memory_space<hbm>> -> memref<32768xf32, #tpu.memory_space<hbm>>
    tpu.enqueue_dma source(%dma_start3A_350 : memref<32768xf32, #tpu.memory_space<hbm>>) target(%dma_start3A_349 : memref<32768xf32, #tpu.memory_space<vmem>>) target_semaphore(%arg7 : memref<!tpu.dma_semaphore, #tpu.memory_space<semaphore_mem>>)
    %add3A_351 = arith.constant 8388608 : i32
    %add3A_352 = arith.addi %add3A_351, %mul3A_2 : i32
    %add3A_353 = arith.constant 65536 : i32
    %add3A_354 = arith.addi %add3A_352, %add3A_353 : i32
    %dma_wait3A_355 = arith.constant 32768 : i32
    %dma_wait3A_356 = tpu.memref_slice %arg5[%dma_wait3A_355] : memref<65536xf32, #tpu.memory_space<vmem>> -> memref<32768xf32, #tpu.memory_space<vmem>>
    %dma_wait3A_357 = tpu.memref_slice %arg2[%add3A_301] : memref<33554432xf32, #tpu.memory_space<hbm>> -> memref<32768xf32, #tpu.memory_space<hbm>>
    %dma_wait3A_358 = arith.constant 32768 : i32
    %dma_wait3A_359 = tpu.memref_slice %arg5[%dma_wait3A_358] : memref<65536xf32, #tpu.memory_space<vmem>> -> memref<32768xf32, #tpu.memory_space<vmem>>
    %dma_wait3A_360 = tpu.memref_slice %arg2[%add3A_301] : memref<33554432xf32, #tpu.memory_space<hbm>> -> memref<32768xf32, #tpu.memory_space<hbm>>
    tpu.wait_dma2 semaphore(%arg8 : memref<!tpu.dma_semaphore, #tpu.memory_space<semaphore_mem>>) src(%dma_wait3A_360 : memref<32768xf32, #tpu.memory_space<hbm>>) dst(%dma_wait3A_359 : memref<32768xf32, #tpu.memory_space<vmem>>)
    %parallel_loop3A_361 = arith.constant 0 : i32
    %parallel_loop3A_362 = arith.constant 32768 : i32
    %parallel_loop3A_363 = arith.constant 16 : i32
    scf.for %parallel_loop3A_1166 = %parallel_loop3A_361 to %parallel_loop3A_362 step %parallel_loop3A_363  : i32 {
      %parallel_loop3A_1167 = arith.constant 32768 : i32
      %parallel_loop3A_1168 = arith.addi %parallel_loop3A_1167, %parallel_loop3A_1166 : i32
      %parallel_loop3A_1169 = arith.constant 0 : i32
      %parallel_loop3A_1170 = arith.addi %parallel_loop3A_1169, %parallel_loop3A_1166 : i32
      %parallel_loop3A_1171 = arith.index_cast %parallel_loop3A_1168 : i32 to index
      %parallel_loop3A_1172 = tpu.vector_load %arg5[%parallel_loop3A_1171] {strides = array<i32>} : memref<65536xf32, #tpu.memory_space<vmem>>, vector<16xf32>,
      %parallel_loop3A_1173 = vector.shape_cast %parallel_loop3A_1172 : vector<16xf32> to vector<16xf32>
      %parallel_loop3A_1174 = arith.index_cast %parallel_loop3A_1170 : i32 to index
      %parallel_loop3A_1175 = tpu.vector_load %arg6[%parallel_loop3A_1174] {strides = array<i32>} : memref<32768xf32, #tpu.memory_space<vmem>>, vector<16xf32>,
      %parallel_loop3A_1176 = vector.shape_cast %parallel_loop3A_1175 : vector<16xf32> to vector<16xf32>
      %parallel_loop3A_1177 = arith.addf %parallel_loop3A_1173, %parallel_loop3A_1176 : vector<16xf32>
      %parallel_loop3A_1178 = arith.index_cast %parallel_loop3A_1168 : i32 to index
      %parallel_loop3A_1179 = tpu.vector_load %arg5[%parallel_loop3A_1178] {strides = array<i32>} : memref<65536xf32, #tpu.memory_space<vmem>>, vector<16xf32>,
      %parallel_loop3A_1180 = vector.shape_cast %parallel_loop3A_1179 : vector<16xf32> to vector<16xf32>
      %parallel_loop3A_1181 = vector.shape_cast %parallel_loop3A_1177 : vector<16xf32> to vector<16xf32>
      tpu.vector_store %arg5[%parallel_loop3A_1178], %parallel_loop3A_1181 {strides = array<i32>} : memref<65536xf32, #tpu.memory_space<vmem>>, vector<16xf32>,
    } {sc.loop_unroll_factor = 8 : i64, sc.parallel_access}
    %dma_start3A_364 = arith.constant 32768 : i32
    %dma_start3A_365 = tpu.memref_slice %arg5[%dma_start3A_364] : memref<65536xf32, #tpu.memory_space<vmem>> -> memref<32768xf32, #tpu.memory_space<vmem>>
    %dma_start3A_366 = tpu.memref_slice %arg4[%add3A_354] : memref<33554432xf32, #tpu.memory_space<hbm>> -> memref<32768xf32, #tpu.memory_space<hbm>>
    %dma_start3A_367 = tpu.memref_slice %arg4[%add3A_354] : memref<33554432xf32, #tpu.memory_space<hbm>> -> memref<32768xf32, #tpu.memory_space<hbm>>
    %dma_start3A_368 = arith.constant 32768 : i32
    %dma_start3A_369 = tpu.memref_slice %arg5[%dma_start3A_368] : memref<65536xf32, #tpu.memory_space<vmem>> -> memref<32768xf32, #tpu.memory_space<vmem>>
    tpu.enqueue_dma source(%dma_start3A_369 : memref<32768xf32, #tpu.memory_space<vmem>>) target(%dma_start3A_367 : memref<32768xf32, #tpu.memory_space<hbm>>) target_semaphore(%arg12 : memref<!tpu.dma_semaphore, #tpu.memory_space<semaphore_mem>>)
    %add3A_370 = arith.constant 25165824 : i32
    %add3A_371 = arith.addi %add3A_370, %mul3A_2 : i32
    %add3A_372 = arith.constant 65536 : i32
    %add3A_373 = arith.addi %add3A_371, %add3A_372 : i32
    %dma_wait3A_374 = arith.constant 32768 : i32
    %dma_wait3A_375 = tpu.memref_slice %arg5[%dma_wait3A_374] : memref<65536xf32, #tpu.memory_space<vmem>> -> memref<32768xf32, #tpu.memory_space<vmem>>
    %dma_wait3A_376 = tpu.memref_slice %arg4[%add3A_354] : memref<33554432xf32, #tpu.memory_space<hbm>> -> memref<32768xf32, #tpu.memory_space<hbm>>
    %dma_wait3A_377 = tpu.memref_slice %arg4[%add3A_354] : memref<33554432xf32, #tpu.memory_space<hbm>> -> memref<32768xf32, #tpu.memory_space<hbm>>
    %dma_wait3A_378 = arith.constant 32768 : i32
    %dma_wait3A_379 = tpu.memref_slice %arg5[%dma_wait3A_378] : memref<65536xf32, #tpu.memory_space<vmem>> -> memref<32768xf32, #tpu.memory_space<vmem>>
    tpu.wait_dma2 semaphore(%arg12 : memref<!tpu.dma_semaphore, #tpu.memory_space<semaphore_mem>>) src(%dma_wait3A_379 : memref<32768xf32, #tpu.memory_space<vmem>>) dst(%dma_wait3A_377 : memref<32768xf32, #tpu.memory_space<hbm>>)
    %dma_start3A_380 = arith.constant 32768 : i32
    %dma_start3A_381 = tpu.memref_slice %arg5[%dma_start3A_380] : memref<65536xf32, #tpu.memory_space<vmem>> -> memref<32768xf32, #tpu.memory_space<vmem>>
    %dma_start3A_382 = tpu.memref_slice %arg2[%add3A_373] : memref<33554432xf32, #tpu.memory_space<hbm>> -> memref<32768xf32, #tpu.memory_space<hbm>>
    %dma_start3A_383 = arith.constant 32768 : i32
    %dma_start3A_384 = tpu.memref_slice %arg5[%dma_start3A_383] : memref<65536xf32, #tpu.memory_space<vmem>> -> memref<32768xf32, #tpu.memory_space<vmem>>
    %dma_start3A_385 = tpu.memref_slice %arg2[%add3A_373] : memref<33554432xf32, #tpu.memory_space<hbm>> -> memref<32768xf32, #tpu.memory_space<hbm>>
    tpu.enqueue_dma source(%dma_start3A_385 : memref<32768xf32, #tpu.memory_space<hbm>>) target(%dma_start3A_384 : memref<32768xf32, #tpu.memory_space<vmem>>) target_semaphore(%arg8 : memref<!tpu.dma_semaphore, #tpu.memory_space<semaphore_mem>>)
    %add3A_386 = arith.constant 16777216 : i32
    %add3A_387 = arith.addi %add3A_386, %mul3A_2 : i32
    %add3A_388 = arith.constant 65536 : i32
    %add3A_389 = arith.addi %add3A_387, %add3A_388 : i32
    %dma_wait3A_390 = arith.constant 0 : i32
    %dma_wait3A_391 = tpu.memref_slice %arg5[%dma_wait3A_390] : memref<65536xf32, #tpu.memory_space<vmem>> -> memref<32768xf32, #tpu.memory_space<vmem>>
    %dma_wait3A_392 = tpu.memref_slice %arg2[%add3A_338] : memref<33554432xf32, #tpu.memory_space<hbm>> -> memref<32768xf32, #tpu.memory_space<hbm>>
    %dma_wait3A_393 = arith.constant 0 : i32
    %dma_wait3A_394 = tpu.memref_slice %arg5[%dma_wait3A_393] : memref<65536xf32, #tpu.memory_space<vmem>> -> memref<32768xf32, #tpu.memory_space<vmem>>
    %dma_wait3A_395 = tpu.memref_slice %arg2[%add3A_338] : memref<33554432xf32, #tpu.memory_space<hbm>> -> memref<32768xf32, #tpu.memory_space<hbm>>
    tpu.wait_dma2 semaphore(%arg7 : memref<!tpu.dma_semaphore, #tpu.memory_space<semaphore_mem>>) src(%dma_wait3A_395 : memref<32768xf32, #tpu.memory_space<hbm>>) dst(%dma_wait3A_394 : memref<32768xf32, #tpu.memory_space<vmem>>)
    %parallel_loop3A_396 = arith.constant 0 : i32
    %parallel_loop3A_397 = arith.constant 32768 : i32
    %parallel_loop3A_398 = arith.constant 16 : i32
    scf.for %parallel_loop3A_1166 = %parallel_loop3A_396 to %parallel_loop3A_397 step %parallel_loop3A_398  : i32 {
      %parallel_loop3A_1167 = arith.constant 0 : i32
      %parallel_loop3A_1168 = arith.addi %parallel_loop3A_1167, %parallel_loop3A_1166 : i32
      %parallel_loop3A_1169 = arith.constant 0 : i32
      %parallel_loop3A_1170 = arith.addi %parallel_loop3A_1169, %parallel_loop3A_1166 : i32
      %parallel_loop3A_1171 = arith.index_cast %parallel_loop3A_1168 : i32 to index
      %parallel_loop3A_1172 = tpu.vector_load %arg5[%parallel_loop3A_1171] {strides = array<i32>} : memref<65536xf32, #tpu.memory_space<vmem>>, vector<16xf32>,
      %parallel_loop3A_1173 = vector.shape_cast %parallel_loop3A_1172 : vector<16xf32> to vector<16xf32>
      %parallel_loop3A_1174 = arith.index_cast %parallel_loop3A_1170 : i32 to index
      %parallel_loop3A_1175 = tpu.vector_load %arg6[%parallel_loop3A_1174] {strides = array<i32>} : memref<32768xf32, #tpu.memory_space<vmem>>, vector<16xf32>,
      %parallel_loop3A_1176 = vector.shape_cast %parallel_loop3A_1175 : vector<16xf32> to vector<16xf32>
      %parallel_loop3A_1177 = arith.addf %parallel_loop3A_1173, %parallel_loop3A_1176 : vector<16xf32>
      %parallel_loop3A_1178 = arith.index_cast %parallel_loop3A_1168 : i32 to index
      %parallel_loop3A_1179 = tpu.vector_load %arg5[%parallel_loop3A_1178] {strides = array<i32>} : memref<65536xf32, #tpu.memory_space<vmem>>, vector<16xf32>,
      %parallel_loop3A_1180 = vector.shape_cast %parallel_loop3A_1179 : vector<16xf32> to vector<16xf32>
      %parallel_loop3A_1181 = vector.shape_cast %parallel_loop3A_1177 : vector<16xf32> to vector<16xf32>
      tpu.vector_store %arg5[%parallel_loop3A_1178], %parallel_loop3A_1181 {strides = array<i32>} : memref<65536xf32, #tpu.memory_space<vmem>>, vector<16xf32>,
    } {sc.loop_unroll_factor = 8 : i64, sc.parallel_access}
    %dma_start3A_399 = arith.constant 0 : i32
    %dma_start3A_400 = tpu.memref_slice %arg5[%dma_start3A_399] : memref<65536xf32, #tpu.memory_space<vmem>> -> memref<32768xf32, #tpu.memory_space<vmem>>
    %dma_start3A_401 = tpu.memref_slice %arg4[%add3A_389] : memref<33554432xf32, #tpu.memory_space<hbm>> -> memref<32768xf32, #tpu.memory_space<hbm>>
    %dma_start3A_402 = tpu.memref_slice %arg4[%add3A_389] : memref<33554432xf32, #tpu.memory_space<hbm>> -> memref<32768xf32, #tpu.memory_space<hbm>>
    %dma_start3A_403 = arith.constant 0 : i32
    %dma_start3A_404 = tpu.memref_slice %arg5[%dma_start3A_403] : memref<65536xf32, #tpu.memory_space<vmem>> -> memref<32768xf32, #tpu.memory_space<vmem>>
    tpu.enqueue_dma source(%dma_start3A_404 : memref<32768xf32, #tpu.memory_space<vmem>>) target(%dma_start3A_402 : memref<32768xf32, #tpu.memory_space<hbm>>) target_semaphore(%arg11 : memref<!tpu.dma_semaphore, #tpu.memory_space<semaphore_mem>>)
    %add3A_405 = arith.constant 0 : i32
    %add3A_406 = arith.addi %add3A_405, %mul3A_2 : i32
    %add3A_407 = arith.constant 98304 : i32
    %add3A_408 = arith.addi %add3A_406, %add3A_407 : i32
    %dma_wait3A_409 = arith.constant 0 : i32
    %dma_wait3A_410 = tpu.memref_slice %arg5[%dma_wait3A_409] : memref<65536xf32, #tpu.memory_space<vmem>> -> memref<32768xf32, #tpu.memory_space<vmem>>
    %dma_wait3A_411 = tpu.memref_slice %arg4[%add3A_389] : memref<33554432xf32, #tpu.memory_space<hbm>> -> memref<32768xf32, #tpu.memory_space<hbm>>
    %dma_wait3A_412 = tpu.memref_slice %arg4[%add3A_389] : memref<33554432xf32, #tpu.memory_space<hbm>> -> memref<32768xf32, #tpu.memory_space<hbm>>
    %dma_wait3A_413 = arith.constant 0 : i32
    %dma_wait3A_414 = tpu.memref_slice %arg5[%dma_wait3A_413] : memref<65536xf32, #tpu.memory_space<vmem>> -> memref<32768xf32, #tpu.memory_space<vmem>>
    tpu.wait_dma2 semaphore(%arg11 : memref<!tpu.dma_semaphore, #tpu.memory_space<semaphore_mem>>) src(%dma_wait3A_414 : memref<32768xf32, #tpu.memory_space<vmem>>) dst(%dma_wait3A_412 : memref<32768xf32, #tpu.memory_space<hbm>>)
    %dma_start3A_415 = arith.constant 0 : i32
    %dma_start3A_416 = tpu.memref_slice %arg5[%dma_start3A_415] : memref<65536xf32, #tpu.memory_space<vmem>> -> memref<32768xf32, #tpu.memory_space<vmem>>
    %dma_start3A_417 = tpu.memref_slice %arg2[%add3A_408] : memref<33554432xf32, #tpu.memory_space<hbm>> -> memref<32768xf32, #tpu.memory_space<hbm>>
    %dma_start3A_418 = arith.constant 0 : i32
    %dma_start3A_419 = tpu.memref_slice %arg5[%dma_start3A_418] : memref<65536xf32, #tpu.memory_space<vmem>> -> memref<32768xf32, #tpu.memory_space<vmem>>
    %dma_start3A_420 = tpu.memref_slice %arg2[%add3A_408] : memref<33554432xf32, #tpu.memory_space<hbm>> -> memref<32768xf32, #tpu.memory_space<hbm>>
    tpu.enqueue_dma source(%dma_start3A_420 : memref<32768xf32, #tpu.memory_space<hbm>>) target(%dma_start3A_419 : memref<32768xf32, #tpu.memory_space<vmem>>) target_semaphore(%arg7 : memref<!tpu.dma_semaphore, #tpu.memory_space<semaphore_mem>>)
    %add3A_421 = arith.constant 25165824 : i32
    %add3A_422 = arith.addi %add3A_421, %mul3A_2 : i32
    %add3A_423 = arith.constant 65536 : i32
    %add3A_424 = arith.addi %add3A_422, %add3A_423 : i32
    %dma_wait3A_425 = arith.constant 32768 : i32
    %dma_wait3A_426 = tpu.memref_slice %arg5[%dma_wait3A_425] : memref<65536xf32, #tpu.memory_space<vmem>> -> memref<32768xf32, #tpu.memory_space<vmem>>
    %dma_wait3A_427 = tpu.memref_slice %arg2[%add3A_373] : memref<33554432xf32, #tpu.memory_space<hbm>> -> memref<32768xf32, #tpu.memory_space<hbm>>
    %dma_wait3A_428 = arith.constant 32768 : i32
    %dma_wait3A_429 = tpu.memref_slice %arg5[%dma_wait3A_428] : memref<65536xf32, #tpu.memory_space<vmem>> -> memref<32768xf32, #tpu.memory_space<vmem>>
    %dma_wait3A_430 = tpu.memref_slice %arg2[%add3A_373] : memref<33554432xf32, #tpu.memory_space<hbm>> -> memref<32768xf32, #tpu.memory_space<hbm>>
    tpu.wait_dma2 semaphore(%arg8 : memref<!tpu.dma_semaphore, #tpu.memory_space<semaphore_mem>>) src(%dma_wait3A_430 : memref<32768xf32, #tpu.memory_space<hbm>>) dst(%dma_wait3A_429 : memref<32768xf32, #tpu.memory_space<vmem>>)
    %parallel_loop3A_431 = arith.constant 0 : i32
    %parallel_loop3A_432 = arith.constant 32768 : i32
    %parallel_loop3A_433 = arith.constant 16 : i32
    scf.for %parallel_loop3A_1166 = %parallel_loop3A_431 to %parallel_loop3A_432 step %parallel_loop3A_433  : i32 {
      %parallel_loop3A_1167 = arith.constant 32768 : i32
      %parallel_loop3A_1168 = arith.addi %parallel_loop3A_1167, %parallel_loop3A_1166 : i32
      %parallel_loop3A_1169 = arith.constant 0 : i32
      %parallel_loop3A_1170 = arith.addi %parallel_loop3A_1169, %parallel_loop3A_1166 : i32
      %parallel_loop3A_1171 = arith.index_cast %parallel_loop3A_1168 : i32 to index
      %parallel_loop3A_1172 = tpu.vector_load %arg5[%parallel_loop3A_1171] {strides = array<i32>} : memref<65536xf32, #tpu.memory_space<vmem>>, vector<16xf32>,
      %parallel_loop3A_1173 = vector.shape_cast %parallel_loop3A_1172 : vector<16xf32> to vector<16xf32>
      %parallel_loop3A_1174 = arith.index_cast %parallel_loop3A_1170 : i32 to index
      %parallel_loop3A_1175 = tpu.vector_load %arg6[%parallel_loop3A_1174] {strides = array<i32>} : memref<32768xf32, #tpu.memory_space<vmem>>, vector<16xf32>,
      %parallel_loop3A_1176 = vector.shape_cast %parallel_loop3A_1175 : vector<16xf32> to vector<16xf32>
      %parallel_loop3A_1177 = arith.addf %parallel_loop3A_1173, %parallel_loop3A_1176 : vector<16xf32>
      %parallel_loop3A_1178 = arith.index_cast %parallel_loop3A_1168 : i32 to index
      %parallel_loop3A_1179 = tpu.vector_load %arg5[%parallel_loop3A_1178] {strides = array<i32>} : memref<65536xf32, #tpu.memory_space<vmem>>, vector<16xf32>,
      %parallel_loop3A_1180 = vector.shape_cast %parallel_loop3A_1179 : vector<16xf32> to vector<16xf32>
      %parallel_loop3A_1181 = vector.shape_cast %parallel_loop3A_1177 : vector<16xf32> to vector<16xf32>
      tpu.vector_store %arg5[%parallel_loop3A_1178], %parallel_loop3A_1181 {strides = array<i32>} : memref<65536xf32, #tpu.memory_space<vmem>>, vector<16xf32>,
    } {sc.loop_unroll_factor = 8 : i64, sc.parallel_access}
    %dma_start3A_434 = arith.constant 32768 : i32
    %dma_start3A_435 = tpu.memref_slice %arg5[%dma_start3A_434] : memref<65536xf32, #tpu.memory_space<vmem>> -> memref<32768xf32, #tpu.memory_space<vmem>>
    %dma_start3A_436 = tpu.memref_slice %arg4[%add3A_424] : memref<33554432xf32, #tpu.memory_space<hbm>> -> memref<32768xf32, #tpu.memory_space<hbm>>
    %dma_start3A_437 = tpu.memref_slice %arg4[%add3A_424] : memref<33554432xf32, #tpu.memory_space<hbm>> -> memref<32768xf32, #tpu.memory_space<hbm>>
    %dma_start3A_438 = arith.constant 32768 : i32
    %dma_start3A_439 = tpu.memref_slice %arg5[%dma_start3A_438] : memref<65536xf32, #tpu.memory_space<vmem>> -> memref<32768xf32, #tpu.memory_space<vmem>>
    tpu.enqueue_dma source(%dma_start3A_439 : memref<32768xf32, #tpu.memory_space<vmem>>) target(%dma_start3A_437 : memref<32768xf32, #tpu.memory_space<hbm>>) target_semaphore(%arg12 : memref<!tpu.dma_semaphore, #tpu.memory_space<semaphore_mem>>)
    %add3A_440 = arith.constant 98304 : i32
    %add3A_441 = arith.addi %mul3A_2, %add3A_440 : i32
    %dma_start3A_442 = tpu.memref_slice %arg3[%add3A_441] : memref<8388608xf32, #tpu.memory_space<hbm>> -> memref<32768xf32, #tpu.memory_space<hbm>>
    %dma_start3A_443 = tpu.memref_slice %arg3[%add3A_441] : memref<8388608xf32, #tpu.memory_space<hbm>> -> memref<32768xf32, #tpu.memory_space<hbm>>
    tpu.enqueue_dma source(%dma_start3A_443 : memref<32768xf32, #tpu.memory_space<hbm>>) target(%arg6 : memref<32768xf32, #tpu.memory_space<vmem>>) target_semaphore(%arg10 : memref<!tpu.dma_semaphore, #tpu.memory_space<semaphore_mem>>)
    %add3A_444 = arith.constant 8388608 : i32
    %add3A_445 = arith.addi %add3A_444, %mul3A_2 : i32
    %add3A_446 = arith.constant 98304 : i32
    %add3A_447 = arith.addi %add3A_445, %add3A_446 : i32
    %dma_wait3A_448 = arith.constant 32768 : i32
    %dma_wait3A_449 = tpu.memref_slice %arg5[%dma_wait3A_448] : memref<65536xf32, #tpu.memory_space<vmem>> -> memref<32768xf32, #tpu.memory_space<vmem>>
    %dma_wait3A_450 = tpu.memref_slice %arg4[%add3A_424] : memref<33554432xf32, #tpu.memory_space<hbm>> -> memref<32768xf32, #tpu.memory_space<hbm>>
    %dma_wait3A_451 = tpu.memref_slice %arg4[%add3A_424] : memref<33554432xf32, #tpu.memory_space<hbm>> -> memref<32768xf32, #tpu.memory_space<hbm>>
    %dma_wait3A_452 = arith.constant 32768 : i32
    %dma_wait3A_453 = tpu.memref_slice %arg5[%dma_wait3A_452] : memref<65536xf32, #tpu.memory_space<vmem>> -> memref<32768xf32, #tpu.memory_space<vmem>>
    tpu.wait_dma2 semaphore(%arg12 : memref<!tpu.dma_semaphore, #tpu.memory_space<semaphore_mem>>) src(%dma_wait3A_453 : memref<32768xf32, #tpu.memory_space<vmem>>) dst(%dma_wait3A_451 : memref<32768xf32, #tpu.memory_space<hbm>>)
    %dma_start3A_454 = arith.constant 32768 : i32
    %dma_start3A_455 = tpu.memref_slice %arg5[%dma_start3A_454] : memref<65536xf32, #tpu.memory_space<vmem>> -> memref<32768xf32, #tpu.memory_space<vmem>>
    %dma_start3A_456 = tpu.memref_slice %arg2[%add3A_447] : memref<33554432xf32, #tpu.memory_space<hbm>> -> memref<32768xf32, #tpu.memory_space<hbm>>
    %dma_start3A_457 = arith.constant 32768 : i32
    %dma_start3A_458 = tpu.memref_slice %arg5[%dma_start3A_457] : memref<65536xf32, #tpu.memory_space<vmem>> -> memref<32768xf32, #tpu.memory_space<vmem>>
    %dma_start3A_459 = tpu.memref_slice %arg2[%add3A_447] : memref<33554432xf32, #tpu.memory_space<hbm>> -> memref<32768xf32, #tpu.memory_space<hbm>>
    tpu.enqueue_dma source(%dma_start3A_459 : memref<32768xf32, #tpu.memory_space<hbm>>) target(%dma_start3A_458 : memref<32768xf32, #tpu.memory_space<vmem>>) target_semaphore(%arg8 : memref<!tpu.dma_semaphore, #tpu.memory_space<semaphore_mem>>)
    %add3A_460 = arith.constant 0 : i32
    %add3A_461 = arith.addi %add3A_460, %mul3A_2 : i32
    %add3A_462 = arith.constant 98304 : i32
    %add3A_463 = arith.addi %add3A_461, %add3A_462 : i32
    %dma_wait3A_464 = arith.constant 0 : i32
    %dma_wait3A_465 = tpu.memref_slice %arg5[%dma_wait3A_464] : memref<65536xf32, #tpu.memory_space<vmem>> -> memref<32768xf32, #tpu.memory_space<vmem>>
    %dma_wait3A_466 = tpu.memref_slice %arg2[%add3A_408] : memref<33554432xf32, #tpu.memory_space<hbm>> -> memref<32768xf32, #tpu.memory_space<hbm>>
    %dma_wait3A_467 = arith.constant 0 : i32
    %dma_wait3A_468 = tpu.memref_slice %arg5[%dma_wait3A_467] : memref<65536xf32, #tpu.memory_space<vmem>> -> memref<32768xf32, #tpu.memory_space<vmem>>
    %dma_wait3A_469 = tpu.memref_slice %arg2[%add3A_408] : memref<33554432xf32, #tpu.memory_space<hbm>> -> memref<32768xf32, #tpu.memory_space<hbm>>
    tpu.wait_dma2 semaphore(%arg7 : memref<!tpu.dma_semaphore, #tpu.memory_space<semaphore_mem>>) src(%dma_wait3A_469 : memref<32768xf32, #tpu.memory_space<hbm>>) dst(%dma_wait3A_468 : memref<32768xf32, #tpu.memory_space<vmem>>)
    %dma_wait3A_470 = tpu.memref_slice %arg3[%add3A_441] : memref<8388608xf32, #tpu.memory_space<hbm>> -> memref<32768xf32, #tpu.memory_space<hbm>>
    %dma_wait3A_471 = tpu.memref_slice %arg3[%add3A_441] : memref<8388608xf32, #tpu.memory_space<hbm>> -> memref<32768xf32, #tpu.memory_space<hbm>>
    tpu.wait_dma2 semaphore(%arg10 : memref<!tpu.dma_semaphore, #tpu.memory_space<semaphore_mem>>) src(%dma_wait3A_471 : memref<32768xf32, #tpu.memory_space<hbm>>) dst(%arg6 : memref<32768xf32, #tpu.memory_space<vmem>>)
    %parallel_loop3A_472 = arith.constant 0 : i32
    %parallel_loop3A_473 = arith.constant 32768 : i32
    %parallel_loop3A_474 = arith.constant 16 : i32
    scf.for %parallel_loop3A_1166 = %parallel_loop3A_472 to %parallel_loop3A_473 step %parallel_loop3A_474  : i32 {
      %parallel_loop3A_1167 = arith.constant 0 : i32
      %parallel_loop3A_1168 = arith.addi %parallel_loop3A_1167, %parallel_loop3A_1166 : i32
      %parallel_loop3A_1169 = arith.constant 0 : i32
      %parallel_loop3A_1170 = arith.addi %parallel_loop3A_1169, %parallel_loop3A_1166 : i32
      %parallel_loop3A_1171 = arith.index_cast %parallel_loop3A_1168 : i32 to index
      %parallel_loop3A_1172 = tpu.vector_load %arg5[%parallel_loop3A_1171] {strides = array<i32>} : memref<65536xf32, #tpu.memory_space<vmem>>, vector<16xf32>,
      %parallel_loop3A_1173 = vector.shape_cast %parallel_loop3A_1172 : vector<16xf32> to vector<16xf32>
      %parallel_loop3A_1174 = arith.index_cast %parallel_loop3A_1170 : i32 to index
      %parallel_loop3A_1175 = tpu.vector_load %arg6[%parallel_loop3A_1174] {strides = array<i32>} : memref<32768xf32, #tpu.memory_space<vmem>>, vector<16xf32>,
      %parallel_loop3A_1176 = vector.shape_cast %parallel_loop3A_1175 : vector<16xf32> to vector<16xf32>
      %parallel_loop3A_1177 = arith.addf %parallel_loop3A_1173, %parallel_loop3A_1176 : vector<16xf32>
      %parallel_loop3A_1178 = arith.index_cast %parallel_loop3A_1168 : i32 to index
      %parallel_loop3A_1179 = tpu.vector_load %arg5[%parallel_loop3A_1178] {strides = array<i32>} : memref<65536xf32, #tpu.memory_space<vmem>>, vector<16xf32>,
      %parallel_loop3A_1180 = vector.shape_cast %parallel_loop3A_1179 : vector<16xf32> to vector<16xf32>
      %parallel_loop3A_1181 = vector.shape_cast %parallel_loop3A_1177 : vector<16xf32> to vector<16xf32>
      tpu.vector_store %arg5[%parallel_loop3A_1178], %parallel_loop3A_1181 {strides = array<i32>} : memref<65536xf32, #tpu.memory_space<vmem>>, vector<16xf32>,
    } {sc.loop_unroll_factor = 8 : i64, sc.parallel_access}
    %dma_start3A_475 = arith.constant 0 : i32
    %dma_start3A_476 = tpu.memref_slice %arg5[%dma_start3A_475] : memref<65536xf32, #tpu.memory_space<vmem>> -> memref<32768xf32, #tpu.memory_space<vmem>>
    %dma_start3A_477 = tpu.memref_slice %arg4[%add3A_463] : memref<33554432xf32, #tpu.memory_space<hbm>> -> memref<32768xf32, #tpu.memory_space<hbm>>
    %dma_start3A_478 = tpu.memref_slice %arg4[%add3A_463] : memref<33554432xf32, #tpu.memory_space<hbm>> -> memref<32768xf32, #tpu.memory_space<hbm>>
    %dma_start3A_479 = arith.constant 0 : i32
    %dma_start3A_480 = tpu.memref_slice %arg5[%dma_start3A_479] : memref<65536xf32, #tpu.memory_space<vmem>> -> memref<32768xf32, #tpu.memory_space<vmem>>
    tpu.enqueue_dma source(%dma_start3A_480 : memref<32768xf32, #tpu.memory_space<vmem>>) target(%dma_start3A_478 : memref<32768xf32, #tpu.memory_space<hbm>>) target_semaphore(%arg11 : memref<!tpu.dma_semaphore, #tpu.memory_space<semaphore_mem>>)
    %add3A_481 = arith.constant 16777216 : i32
    %add3A_482 = arith.addi %add3A_481, %mul3A_2 : i32
    %add3A_483 = arith.constant 98304 : i32
    %add3A_484 = arith.addi %add3A_482, %add3A_483 : i32
    %dma_wait3A_485 = arith.constant 0 : i32
    %dma_wait3A_486 = tpu.memref_slice %arg5[%dma_wait3A_485] : memref<65536xf32, #tpu.memory_space<vmem>> -> memref<32768xf32, #tpu.memory_space<vmem>>
    %dma_wait3A_487 = tpu.memref_slice %arg4[%add3A_463] : memref<33554432xf32, #tpu.memory_space<hbm>> -> memref<32768xf32, #tpu.memory_space<hbm>>
    %dma_wait3A_488 = tpu.memref_slice %arg4[%add3A_463] : memref<33554432xf32, #tpu.memory_space<hbm>> -> memref<32768xf32, #tpu.memory_space<hbm>>
    %dma_wait3A_489 = arith.constant 0 : i32
    %dma_wait3A_490 = tpu.memref_slice %arg5[%dma_wait3A_489] : memref<65536xf32, #tpu.memory_space<vmem>> -> memref<32768xf32, #tpu.memory_space<vmem>>
    tpu.wait_dma2 semaphore(%arg11 : memref<!tpu.dma_semaphore, #tpu.memory_space<semaphore_mem>>) src(%dma_wait3A_490 : memref<32768xf32, #tpu.memory_space<vmem>>) dst(%dma_wait3A_488 : memref<32768xf32, #tpu.memory_space<hbm>>)
    %dma_start3A_491 = arith.constant 0 : i32
    %dma_start3A_492 = tpu.memref_slice %arg5[%dma_start3A_491] : memref<65536xf32, #tpu.memory_space<vmem>> -> memref<32768xf32, #tpu.memory_space<vmem>>
    %dma_start3A_493 = tpu.memref_slice %arg2[%add3A_484] : memref<33554432xf32, #tpu.memory_space<hbm>> -> memref<32768xf32, #tpu.memory_space<hbm>>
    %dma_start3A_494 = arith.constant 0 : i32
    %dma_start3A_495 = tpu.memref_slice %arg5[%dma_start3A_494] : memref<65536xf32, #tpu.memory_space<vmem>> -> memref<32768xf32, #tpu.memory_space<vmem>>
    %dma_start3A_496 = tpu.memref_slice %arg2[%add3A_484] : memref<33554432xf32, #tpu.memory_space<hbm>> -> memref<32768xf32, #tpu.memory_space<hbm>>
    tpu.enqueue_dma source(%dma_start3A_496 : memref<32768xf32, #tpu.memory_space<hbm>>) target(%dma_start3A_495 : memref<32768xf32, #tpu.memory_space<vmem>>) target_semaphore(%arg7 : memref<!tpu.dma_semaphore, #tpu.memory_space<semaphore_mem>>)
    %add3A_497 = arith.constant 8388608 : i32
    %add3A_498 = arith.addi %add3A_497, %mul3A_2 : i32
    %add3A_499 = arith.constant 98304 : i32
    %add3A_500 = arith.addi %add3A_498, %add3A_499 : i32
    %dma_wait3A_501 = arith.constant 32768 : i32
    %dma_wait3A_502 = tpu.memref_slice %arg5[%dma_wait3A_501] : memref<65536xf32, #tpu.memory_space<vmem>> -> memref<32768xf32, #tpu.memory_space<vmem>>
    %dma_wait3A_503 = tpu.memref_slice %arg2[%add3A_447] : memref<33554432xf32, #tpu.memory_space<hbm>> -> memref<32768xf32, #tpu.memory_space<hbm>>
    %dma_wait3A_504 = arith.constant 32768 : i32
    %dma_wait3A_505 = tpu.memref_slice %arg5[%dma_wait3A_504] : memref<65536xf32, #tpu.memory_space<vmem>> -> memref<32768xf32, #tpu.memory_space<vmem>>
    %dma_wait3A_506 = tpu.memref_slice %arg2[%add3A_447] : memref<33554432xf32, #tpu.memory_space<hbm>> -> memref<32768xf32, #tpu.memory_space<hbm>>
    tpu.wait_dma2 semaphore(%arg8 : memref<!tpu.dma_semaphore, #tpu.memory_space<semaphore_mem>>) src(%dma_wait3A_506 : memref<32768xf32, #tpu.memory_space<hbm>>) dst(%dma_wait3A_505 : memref<32768xf32, #tpu.memory_space<vmem>>)
    %parallel_loop3A_507 = arith.constant 0 : i32
    %parallel_loop3A_508 = arith.constant 32768 : i32
    %parallel_loop3A_509 = arith.constant 16 : i32
    scf.for %parallel_loop3A_1166 = %parallel_loop3A_507 to %parallel_loop3A_508 step %parallel_loop3A_509  : i32 {
      %parallel_loop3A_1167 = arith.constant 32768 : i32
      %parallel_loop3A_1168 = arith.addi %parallel_loop3A_1167, %parallel_loop3A_1166 : i32
      %parallel_loop3A_1169 = arith.constant 0 : i32
      %parallel_loop3A_1170 = arith.addi %parallel_loop3A_1169, %parallel_loop3A_1166 : i32
      %parallel_loop3A_1171 = arith.index_cast %parallel_loop3A_1168 : i32 to index
      %parallel_loop3A_1172 = tpu.vector_load %arg5[%parallel_loop3A_1171] {strides = array<i32>} : memref<65536xf32, #tpu.memory_space<vmem>>, vector<16xf32>,
      %parallel_loop3A_1173 = vector.shape_cast %parallel_loop3A_1172 : vector<16xf32> to vector<16xf32>
      %parallel_loop3A_1174 = arith.index_cast %parallel_loop3A_1170 : i32 to index
      %parallel_loop3A_1175 = tpu.vector_load %arg6[%parallel_loop3A_1174] {strides = array<i32>} : memref<32768xf32, #tpu.memory_space<vmem>>, vector<16xf32>,
      %parallel_loop3A_1176 = vector.shape_cast %parallel_loop3A_1175 : vector<16xf32> to vector<16xf32>
      %parallel_loop3A_1177 = arith.addf %parallel_loop3A_1173, %parallel_loop3A_1176 : vector<16xf32>
      %parallel_loop3A_1178 = arith.index_cast %parallel_loop3A_1168 : i32 to index
      %parallel_loop3A_1179 = tpu.vector_load %arg5[%parallel_loop3A_1178] {strides = array<i32>} : memref<65536xf32, #tpu.memory_space<vmem>>, vector<16xf32>,
      %parallel_loop3A_1180 = vector.shape_cast %parallel_loop3A_1179 : vector<16xf32> to vector<16xf32>
      %parallel_loop3A_1181 = vector.shape_cast %parallel_loop3A_1177 : vector<16xf32> to vector<16xf32>
      tpu.vector_store %arg5[%parallel_loop3A_1178], %parallel_loop3A_1181 {strides = array<i32>} : memref<65536xf32, #tpu.memory_space<vmem>>, vector<16xf32>,
    } {sc.loop_unroll_factor = 8 : i64, sc.parallel_access}
    %dma_start3A_510 = arith.constant 32768 : i32
    %dma_start3A_511 = tpu.memref_slice %arg5[%dma_start3A_510] : memref<65536xf32, #tpu.memory_space<vmem>> -> memref<32768xf32, #tpu.memory_space<vmem>>
    %dma_start3A_512 = tpu.memref_slice %arg4[%add3A_500] : memref<33554432xf32, #tpu.memory_space<hbm>> -> memref<32768xf32, #tpu.memory_space<hbm>>
    %dma_start3A_513 = tpu.memref_slice %arg4[%add3A_500] : memref<33554432xf32, #tpu.memory_space<hbm>> -> memref<32768xf32, #tpu.memory_space<hbm>>
    %dma_start3A_514 = arith.constant 32768 : i32
    %dma_start3A_515 = tpu.memref_slice %arg5[%dma_start3A_514] : memref<65536xf32, #tpu.memory_space<vmem>> -> memref<32768xf32, #tpu.memory_space<vmem>>
    tpu.enqueue_dma source(%dma_start3A_515 : memref<32768xf32, #tpu.memory_space<vmem>>) target(%dma_start3A_513 : memref<32768xf32, #tpu.memory_space<hbm>>) target_semaphore(%arg12 : memref<!tpu.dma_semaphore, #tpu.memory_space<semaphore_mem>>)
    %add3A_516 = arith.constant 25165824 : i32
    %add3A_517 = arith.addi %add3A_516, %mul3A_2 : i32
    %add3A_518 = arith.constant 98304 : i32
    %add3A_519 = arith.addi %add3A_517, %add3A_518 : i32
    %dma_wait3A_520 = arith.constant 32768 : i32
    %dma_wait3A_521 = tpu.memref_slice %arg5[%dma_wait3A_520] : memref<65536xf32, #tpu.memory_space<vmem>> -> memref<32768xf32, #tpu.memory_space<vmem>>
    %dma_wait3A_522 = tpu.memref_slice %arg4[%add3A_500] : memref<33554432xf32, #tpu.memory_space<hbm>> -> memref<32768xf32, #tpu.memory_space<hbm>>
    %dma_wait3A_523 = tpu.memref_slice %arg4[%add3A_500] : memref<33554432xf32, #tpu.memory_space<hbm>> -> memref<32768xf32, #tpu.memory_space<hbm>>
    %dma_wait3A_524 = arith.constant 32768 : i32
    %dma_wait3A_525 = tpu.memref_slice %arg5[%dma_wait3A_524] : memref<65536xf32, #tpu.memory_space<vmem>> -> memref<32768xf32, #tpu.memory_space<vmem>>
    tpu.wait_dma2 semaphore(%arg12 : memref<!tpu.dma_semaphore, #tpu.memory_space<semaphore_mem>>) src(%dma_wait3A_525 : memref<32768xf32, #tpu.memory_space<vmem>>) dst(%dma_wait3A_523 : memref<32768xf32, #tpu.memory_space<hbm>>)
    %dma_start3A_526 = arith.constant 32768 : i32
    %dma_start3A_527 = tpu.memref_slice %arg5[%dma_start3A_526] : memref<65536xf32, #tpu.memory_space<vmem>> -> memref<32768xf32, #tpu.memory_space<vmem>>
    %dma_start3A_528 = tpu.memref_slice %arg2[%add3A_519] : memref<33554432xf32, #tpu.memory_space<hbm>> -> memref<32768xf32, #tpu.memory_space<hbm>>
    %dma_start3A_529 = arith.constant 32768 : i32
    %dma_start3A_530 = tpu.memref_slice %arg5[%dma_start3A_529] : memref<65536xf32, #tpu.memory_space<vmem>> -> memref<32768xf32, #tpu.memory_space<vmem>>
    %dma_start3A_531 = tpu.memref_slice %arg2[%add3A_519] : memref<33554432xf32, #tpu.memory_space<hbm>> -> memref<32768xf32, #tpu.memory_space<hbm>>
    tpu.enqueue_dma source(%dma_start3A_531 : memref<32768xf32, #tpu.memory_space<hbm>>) target(%dma_start3A_530 : memref<32768xf32, #tpu.memory_space<vmem>>) target_semaphore(%arg8 : memref<!tpu.dma_semaphore, #tpu.memory_space<semaphore_mem>>)
    %add3A_532 = arith.constant 16777216 : i32
    %add3A_533 = arith.addi %add3A_532, %mul3A_2 : i32
    %add3A_534 = arith.constant 98304 : i32
    %add3A_535 = arith.addi %add3A_533, %add3A_534 : i32
    %dma_wait3A_536 = arith.constant 0 : i32
    %dma_wait3A_537 = tpu.memref_slice %arg5[%dma_wait3A_536] : memref<65536xf32, #tpu.memory_space<vmem>> -> memref<32768xf32, #tpu.memory_space<vmem>>
    %dma_wait3A_538 = tpu.memref_slice %arg2[%add3A_484] : memref<33554432xf32, #tpu.memory_space<hbm>> -> memref<32768xf32, #tpu.memory_space<hbm>>
    %dma_wait3A_539 = arith.constant 0 : i32
    %dma_wait3A_540 = tpu.memref_slice %arg5[%dma_wait3A_539] : memref<65536xf32, #tpu.memory_space<vmem>> -> memref<32768xf32, #tpu.memory_space<vmem>>
    %dma_wait3A_541 = tpu.memref_slice %arg2[%add3A_484] : memref<33554432xf32, #tpu.memory_space<hbm>> -> memref<32768xf32, #tpu.memory_space<hbm>>
    tpu.wait_dma2 semaphore(%arg7 : memref<!tpu.dma_semaphore, #tpu.memory_space<semaphore_mem>>) src(%dma_wait3A_541 : memref<32768xf32, #tpu.memory_space<hbm>>) dst(%dma_wait3A_540 : memref<32768xf32, #tpu.memory_space<vmem>>)
    %parallel_loop3A_542 = arith.constant 0 : i32
    %parallel_loop3A_543 = arith.constant 32768 : i32
    %parallel_loop3A_544 = arith.constant 16 : i32
    scf.for %parallel_loop3A_1166 = %parallel_loop3A_542 to %parallel_loop3A_543 step %parallel_loop3A_544  : i32 {
      %parallel_loop3A_1167 = arith.constant 0 : i32
      %parallel_loop3A_1168 = arith.addi %parallel_loop3A_1167, %parallel_loop3A_1166 : i32
      %parallel_loop3A_1169 = arith.constant 0 : i32
      %parallel_loop3A_1170 = arith.addi %parallel_loop3A_1169, %parallel_loop3A_1166 : i32
      %parallel_loop3A_1171 = arith.index_cast %parallel_loop3A_1168 : i32 to index
      %parallel_loop3A_1172 = tpu.vector_load %arg5[%parallel_loop3A_1171] {strides = array<i32>} : memref<65536xf32, #tpu.memory_space<vmem>>, vector<16xf32>,
      %parallel_loop3A_1173 = vector.shape_cast %parallel_loop3A_1172 : vector<16xf32> to vector<16xf32>
      %parallel_loop3A_1174 = arith.index_cast %parallel_loop3A_1170 : i32 to index
      %parallel_loop3A_1175 = tpu.vector_load %arg6[%parallel_loop3A_1174] {strides = array<i32>} : memref<32768xf32, #tpu.memory_space<vmem>>, vector<16xf32>,
      %parallel_loop3A_1176 = vector.shape_cast %parallel_loop3A_1175 : vector<16xf32> to vector<16xf32>
      %parallel_loop3A_1177 = arith.addf %parallel_loop3A_1173, %parallel_loop3A_1176 : vector<16xf32>
      %parallel_loop3A_1178 = arith.index_cast %parallel_loop3A_1168 : i32 to index
      %parallel_loop3A_1179 = tpu.vector_load %arg5[%parallel_loop3A_1178] {strides = array<i32>} : memref<65536xf32, #tpu.memory_space<vmem>>, vector<16xf32>,
      %parallel_loop3A_1180 = vector.shape_cast %parallel_loop3A_1179 : vector<16xf32> to vector<16xf32>
      %parallel_loop3A_1181 = vector.shape_cast %parallel_loop3A_1177 : vector<16xf32> to vector<16xf32>
      tpu.vector_store %arg5[%parallel_loop3A_1178], %parallel_loop3A_1181 {strides = array<i32>} : memref<65536xf32, #tpu.memory_space<vmem>>, vector<16xf32>,
    } {sc.loop_unroll_factor = 8 : i64, sc.parallel_access}
    %dma_start3A_545 = arith.constant 0 : i32
    %dma_start3A_546 = tpu.memref_slice %arg5[%dma_start3A_545] : memref<65536xf32, #tpu.memory_space<vmem>> -> memref<32768xf32, #tpu.memory_space<vmem>>
    %dma_start3A_547 = tpu.memref_slice %arg4[%add3A_535] : memref<33554432xf32, #tpu.memory_space<hbm>> -> memref<32768xf32, #tpu.memory_space<hbm>>
    %dma_start3A_548 = tpu.memref_slice %arg4[%add3A_535] : memref<33554432xf32, #tpu.memory_space<hbm>> -> memref<32768xf32, #tpu.memory_space<hbm>>
    %dma_start3A_549 = arith.constant 0 : i32
    %dma_start3A_550 = tpu.memref_slice %arg5[%dma_start3A_549] : memref<65536xf32, #tpu.memory_space<vmem>> -> memref<32768xf32, #tpu.memory_space<vmem>>
    tpu.enqueue_dma source(%dma_start3A_550 : memref<32768xf32, #tpu.memory_space<vmem>>) target(%dma_start3A_548 : memref<32768xf32, #tpu.memory_space<hbm>>) target_semaphore(%arg11 : memref<!tpu.dma_semaphore, #tpu.memory_space<semaphore_mem>>)
    %add3A_551 = arith.constant 0 : i32
    %add3A_552 = arith.addi %add3A_551, %mul3A_2 : i32
    %add3A_553 = arith.constant 131072 : i32
    %add3A_554 = arith.addi %add3A_552, %add3A_553 : i32
    %dma_wait3A_555 = arith.constant 0 : i32
    %dma_wait3A_556 = tpu.memref_slice %arg5[%dma_wait3A_555] : memref<65536xf32, #tpu.memory_space<vmem>> -> memref<32768xf32, #tpu.memory_space<vmem>>
    %dma_wait3A_557 = tpu.memref_slice %arg4[%add3A_535] : memref<33554432xf32, #tpu.memory_space<hbm>> -> memref<32768xf32, #tpu.memory_space<hbm>>
    %dma_wait3A_558 = tpu.memref_slice %arg4[%add3A_535] : memref<33554432xf32, #tpu.memory_space<hbm>> -> memref<32768xf32, #tpu.memory_space<hbm>>
    %dma_wait3A_559 = arith.constant 0 : i32
    %dma_wait3A_560 = tpu.memref_slice %arg5[%dma_wait3A_559] : memref<65536xf32, #tpu.memory_space<vmem>> -> memref<32768xf32, #tpu.memory_space<vmem>>
    tpu.wait_dma2 semaphore(%arg11 : memref<!tpu.dma_semaphore, #tpu.memory_space<semaphore_mem>>) src(%dma_wait3A_560 : memref<32768xf32, #tpu.memory_space<vmem>>) dst(%dma_wait3A_558 : memref<32768xf32, #tpu.memory_space<hbm>>)
    %dma_start3A_561 = arith.constant 0 : i32
    %dma_start3A_562 = tpu.memref_slice %arg5[%dma_start3A_561] : memref<65536xf32, #tpu.memory_space<vmem>> -> memref<32768xf32, #tpu.memory_space<vmem>>
    %dma_start3A_563 = tpu.memref_slice %arg2[%add3A_554] : memref<33554432xf32, #tpu.memory_space<hbm>> -> memref<32768xf32, #tpu.memory_space<hbm>>
    %dma_start3A_564 = arith.constant 0 : i32
    %dma_start3A_565 = tpu.memref_slice %arg5[%dma_start3A_564] : memref<65536xf32, #tpu.memory_space<vmem>> -> memref<32768xf32, #tpu.memory_space<vmem>>
    %dma_start3A_566 = tpu.memref_slice %arg2[%add3A_554] : memref<33554432xf32, #tpu.memory_space<hbm>> -> memref<32768xf32, #tpu.memory_space<hbm>>
    tpu.enqueue_dma source(%dma_start3A_566 : memref<32768xf32, #tpu.memory_space<hbm>>) target(%dma_start3A_565 : memref<32768xf32, #tpu.memory_space<vmem>>) target_semaphore(%arg7 : memref<!tpu.dma_semaphore, #tpu.memory_space<semaphore_mem>>)
    %add3A_567 = arith.constant 25165824 : i32
    %add3A_568 = arith.addi %add3A_567, %mul3A_2 : i32
    %add3A_569 = arith.constant 98304 : i32
    %add3A_570 = arith.addi %add3A_568, %add3A_569 : i32
    %dma_wait3A_571 = arith.constant 32768 : i32
    %dma_wait3A_572 = tpu.memref_slice %arg5[%dma_wait3A_571] : memref<65536xf32, #tpu.memory_space<vmem>> -> memref<32768xf32, #tpu.memory_space<vmem>>
    %dma_wait3A_573 = tpu.memref_slice %arg2[%add3A_519] : memref<33554432xf32, #tpu.memory_space<hbm>> -> memref<32768xf32, #tpu.memory_space<hbm>>
    %dma_wait3A_574 = arith.constant 32768 : i32
    %dma_wait3A_575 = tpu.memref_slice %arg5[%dma_wait3A_574] : memref<65536xf32, #tpu.memory_space<vmem>> -> memref<32768xf32, #tpu.memory_space<vmem>>
    %dma_wait3A_576 = tpu.memref_slice %arg2[%add3A_519] : memref<33554432xf32, #tpu.memory_space<hbm>> -> memref<32768xf32, #tpu.memory_space<hbm>>
    tpu.wait_dma2 semaphore(%arg8 : memref<!tpu.dma_semaphore, #tpu.memory_space<semaphore_mem>>) src(%dma_wait3A_576 : memref<32768xf32, #tpu.memory_space<hbm>>) dst(%dma_wait3A_575 : memref<32768xf32, #tpu.memory_space<vmem>>)
    %parallel_loop3A_577 = arith.constant 0 : i32
    %parallel_loop3A_578 = arith.constant 32768 : i32
    %parallel_loop3A_579 = arith.constant 16 : i32
    scf.for %parallel_loop3A_1166 = %parallel_loop3A_577 to %parallel_loop3A_578 step %parallel_loop3A_579  : i32 {
      %parallel_loop3A_1167 = arith.constant 32768 : i32
      %parallel_loop3A_1168 = arith.addi %parallel_loop3A_1167, %parallel_loop3A_1166 : i32
      %parallel_loop3A_1169 = arith.constant 0 : i32
      %parallel_loop3A_1170 = arith.addi %parallel_loop3A_1169, %parallel_loop3A_1166 : i32
      %parallel_loop3A_1171 = arith.index_cast %parallel_loop3A_1168 : i32 to index
      %parallel_loop3A_1172 = tpu.vector_load %arg5[%parallel_loop3A_1171] {strides = array<i32>} : memref<65536xf32, #tpu.memory_space<vmem>>, vector<16xf32>,
      %parallel_loop3A_1173 = vector.shape_cast %parallel_loop3A_1172 : vector<16xf32> to vector<16xf32>
      %parallel_loop3A_1174 = arith.index_cast %parallel_loop3A_1170 : i32 to index
      %parallel_loop3A_1175 = tpu.vector_load %arg6[%parallel_loop3A_1174] {strides = array<i32>} : memref<32768xf32, #tpu.memory_space<vmem>>, vector<16xf32>,
      %parallel_loop3A_1176 = vector.shape_cast %parallel_loop3A_1175 : vector<16xf32> to vector<16xf32>
      %parallel_loop3A_1177 = arith.addf %parallel_loop3A_1173, %parallel_loop3A_1176 : vector<16xf32>
      %parallel_loop3A_1178 = arith.index_cast %parallel_loop3A_1168 : i32 to index
      %parallel_loop3A_1179 = tpu.vector_load %arg5[%parallel_loop3A_1178] {strides = array<i32>} : memref<65536xf32, #tpu.memory_space<vmem>>, vector<16xf32>,
      %parallel_loop3A_1180 = vector.shape_cast %parallel_loop3A_1179 : vector<16xf32> to vector<16xf32>
      %parallel_loop3A_1181 = vector.shape_cast %parallel_loop3A_1177 : vector<16xf32> to vector<16xf32>
      tpu.vector_store %arg5[%parallel_loop3A_1178], %parallel_loop3A_1181 {strides = array<i32>} : memref<65536xf32, #tpu.memory_space<vmem>>, vector<16xf32>,
    } {sc.loop_unroll_factor = 8 : i64, sc.parallel_access}
    %dma_start3A_580 = arith.constant 32768 : i32
    %dma_start3A_581 = tpu.memref_slice %arg5[%dma_start3A_580] : memref<65536xf32, #tpu.memory_space<vmem>> -> memref<32768xf32, #tpu.memory_space<vmem>>
    %dma_start3A_582 = tpu.memref_slice %arg4[%add3A_570] : memref<33554432xf32, #tpu.memory_space<hbm>> -> memref<32768xf32, #tpu.memory_space<hbm>>
    %dma_start3A_583 = tpu.memref_slice %arg4[%add3A_570] : memref<33554432xf32, #tpu.memory_space<hbm>> -> memref<32768xf32, #tpu.memory_space<hbm>>
    %dma_start3A_584 = arith.constant 32768 : i32
    %dma_start3A_585 = tpu.memref_slice %arg5[%dma_start3A_584] : memref<65536xf32, #tpu.memory_space<vmem>> -> memref<32768xf32, #tpu.memory_space<vmem>>
    tpu.enqueue_dma source(%dma_start3A_585 : memref<32768xf32, #tpu.memory_space<vmem>>) target(%dma_start3A_583 : memref<32768xf32, #tpu.memory_space<hbm>>) target_semaphore(%arg12 : memref<!tpu.dma_semaphore, #tpu.memory_space<semaphore_mem>>)
    %add3A_586 = arith.constant 131072 : i32
    %add3A_587 = arith.addi %mul3A_2, %add3A_586 : i32
    %dma_start3A_588 = tpu.memref_slice %arg3[%add3A_587] : memref<8388608xf32, #tpu.memory_space<hbm>> -> memref<32768xf32, #tpu.memory_space<hbm>>
    %dma_start3A_589 = tpu.memref_slice %arg3[%add3A_587] : memref<8388608xf32, #tpu.memory_space<hbm>> -> memref<32768xf32, #tpu.memory_space<hbm>>
    tpu.enqueue_dma source(%dma_start3A_589 : memref<32768xf32, #tpu.memory_space<hbm>>) target(%arg6 : memref<32768xf32, #tpu.memory_space<vmem>>) target_semaphore(%arg9 : memref<!tpu.dma_semaphore, #tpu.memory_space<semaphore_mem>>)
    %add3A_590 = arith.constant 8388608 : i32
    %add3A_591 = arith.addi %add3A_590, %mul3A_2 : i32
    %add3A_592 = arith.constant 131072 : i32
    %add3A_593 = arith.addi %add3A_591, %add3A_592 : i32
    %dma_wait3A_594 = arith.constant 32768 : i32
    %dma_wait3A_595 = tpu.memref_slice %arg5[%dma_wait3A_594] : memref<65536xf32, #tpu.memory_space<vmem>> -> memref<32768xf32, #tpu.memory_space<vmem>>
    %dma_wait3A_596 = tpu.memref_slice %arg4[%add3A_570] : memref<33554432xf32, #tpu.memory_space<hbm>> -> memref<32768xf32, #tpu.memory_space<hbm>>
    %dma_wait3A_597 = tpu.memref_slice %arg4[%add3A_570] : memref<33554432xf32, #tpu.memory_space<hbm>> -> memref<32768xf32, #tpu.memory_space<hbm>>
    %dma_wait3A_598 = arith.constant 32768 : i32
    %dma_wait3A_599 = tpu.memref_slice %arg5[%dma_wait3A_598] : memref<65536xf32, #tpu.memory_space<vmem>> -> memref<32768xf32, #tpu.memory_space<vmem>>
    tpu.wait_dma2 semaphore(%arg12 : memref<!tpu.dma_semaphore, #tpu.memory_space<semaphore_mem>>) src(%dma_wait3A_599 : memref<32768xf32, #tpu.memory_space<vmem>>) dst(%dma_wait3A_597 : memref<32768xf32, #tpu.memory_space<hbm>>)
    %dma_start3A_600 = arith.constant 32768 : i32
    %dma_start3A_601 = tpu.memref_slice %arg5[%dma_start3A_600] : memref<65536xf32, #tpu.memory_space<vmem>> -> memref<32768xf32, #tpu.memory_space<vmem>>
    %dma_start3A_602 = tpu.memref_slice %arg2[%add3A_593] : memref<33554432xf32, #tpu.memory_space<hbm>> -> memref<32768xf32, #tpu.memory_space<hbm>>
    %dma_start3A_603 = arith.constant 32768 : i32
    %dma_start3A_604 = tpu.memref_slice %arg5[%dma_start3A_603] : memref<65536xf32, #tpu.memory_space<vmem>> -> memref<32768xf32, #tpu.memory_space<vmem>>
    %dma_start3A_605 = tpu.memref_slice %arg2[%add3A_593] : memref<33554432xf32, #tpu.memory_space<hbm>> -> memref<32768xf32, #tpu.memory_space<hbm>>
    tpu.enqueue_dma source(%dma_start3A_605 : memref<32768xf32, #tpu.memory_space<hbm>>) target(%dma_start3A_604 : memref<32768xf32, #tpu.memory_space<vmem>>) target_semaphore(%arg8 : memref<!tpu.dma_semaphore, #tpu.memory_space<semaphore_mem>>)
    %add3A_606 = arith.constant 0 : i32
    %add3A_607 = arith.addi %add3A_606, %mul3A_2 : i32
    %add3A_608 = arith.constant 131072 : i32
    %add3A_609 = arith.addi %add3A_607, %add3A_608 : i32
    %dma_wait3A_610 = arith.constant 0 : i32
    %dma_wait3A_611 = tpu.memref_slice %arg5[%dma_wait3A_610] : memref<65536xf32, #tpu.memory_space<vmem>> -> memref<32768xf32, #tpu.memory_space<vmem>>
    %dma_wait3A_612 = tpu.memref_slice %arg2[%add3A_554] : memref<33554432xf32, #tpu.memory_space<hbm>> -> memref<32768xf32, #tpu.memory_space<hbm>>
    %dma_wait3A_613 = arith.constant 0 : i32
    %dma_wait3A_614 = tpu.memref_slice %arg5[%dma_wait3A_613] : memref<65536xf32, #tpu.memory_space<vmem>> -> memref<32768xf32, #tpu.memory_space<vmem>>
    %dma_wait3A_615 = tpu.memref_slice %arg2[%add3A_554] : memref<33554432xf32, #tpu.memory_space<hbm>> -> memref<32768xf32, #tpu.memory_space<hbm>>
    tpu.wait_dma2 semaphore(%arg7 : memref<!tpu.dma_semaphore, #tpu.memory_space<semaphore_mem>>) src(%dma_wait3A_615 : memref<32768xf32, #tpu.memory_space<hbm>>) dst(%dma_wait3A_614 : memref<32768xf32, #tpu.memory_space<vmem>>)
    %dma_wait3A_616 = tpu.memref_slice %arg3[%add3A_587] : memref<8388608xf32, #tpu.memory_space<hbm>> -> memref<32768xf32, #tpu.memory_space<hbm>>
    %dma_wait3A_617 = tpu.memref_slice %arg3[%add3A_587] : memref<8388608xf32, #tpu.memory_space<hbm>> -> memref<32768xf32, #tpu.memory_space<hbm>>
    tpu.wait_dma2 semaphore(%arg9 : memref<!tpu.dma_semaphore, #tpu.memory_space<semaphore_mem>>) src(%dma_wait3A_617 : memref<32768xf32, #tpu.memory_space<hbm>>) dst(%arg6 : memref<32768xf32, #tpu.memory_space<vmem>>)
    %parallel_loop3A_618 = arith.constant 0 : i32
    %parallel_loop3A_619 = arith.constant 32768 : i32
    %parallel_loop3A_620 = arith.constant 16 : i32
    scf.for %parallel_loop3A_1166 = %parallel_loop3A_618 to %parallel_loop3A_619 step %parallel_loop3A_620  : i32 {
      %parallel_loop3A_1167 = arith.constant 0 : i32
      %parallel_loop3A_1168 = arith.addi %parallel_loop3A_1167, %parallel_loop3A_1166 : i32
      %parallel_loop3A_1169 = arith.constant 0 : i32
      %parallel_loop3A_1170 = arith.addi %parallel_loop3A_1169, %parallel_loop3A_1166 : i32
      %parallel_loop3A_1171 = arith.index_cast %parallel_loop3A_1168 : i32 to index
      %parallel_loop3A_1172 = tpu.vector_load %arg5[%parallel_loop3A_1171] {strides = array<i32>} : memref<65536xf32, #tpu.memory_space<vmem>>, vector<16xf32>,
      %parallel_loop3A_1173 = vector.shape_cast %parallel_loop3A_1172 : vector<16xf32> to vector<16xf32>
      %parallel_loop3A_1174 = arith.index_cast %parallel_loop3A_1170 : i32 to index
      %parallel_loop3A_1175 = tpu.vector_load %arg6[%parallel_loop3A_1174] {strides = array<i32>} : memref<32768xf32, #tpu.memory_space<vmem>>, vector<16xf32>,
      %parallel_loop3A_1176 = vector.shape_cast %parallel_loop3A_1175 : vector<16xf32> to vector<16xf32>
      %parallel_loop3A_1177 = arith.addf %parallel_loop3A_1173, %parallel_loop3A_1176 : vector<16xf32>
      %parallel_loop3A_1178 = arith.index_cast %parallel_loop3A_1168 : i32 to index
      %parallel_loop3A_1179 = tpu.vector_load %arg5[%parallel_loop3A_1178] {strides = array<i32>} : memref<65536xf32, #tpu.memory_space<vmem>>, vector<16xf32>,
      %parallel_loop3A_1180 = vector.shape_cast %parallel_loop3A_1179 : vector<16xf32> to vector<16xf32>
      %parallel_loop3A_1181 = vector.shape_cast %parallel_loop3A_1177 : vector<16xf32> to vector<16xf32>
      tpu.vector_store %arg5[%parallel_loop3A_1178], %parallel_loop3A_1181 {strides = array<i32>} : memref<65536xf32, #tpu.memory_space<vmem>>, vector<16xf32>,
    } {sc.loop_unroll_factor = 8 : i64, sc.parallel_access}
    %dma_start3A_621 = arith.constant 0 : i32
    %dma_start3A_622 = tpu.memref_slice %arg5[%dma_start3A_621] : memref<65536xf32, #tpu.memory_space<vmem>> -> memref<32768xf32, #tpu.memory_space<vmem>>
    %dma_start3A_623 = tpu.memref_slice %arg4[%add3A_609] : memref<33554432xf32, #tpu.memory_space<hbm>> -> memref<32768xf32, #tpu.memory_space<hbm>>
    %dma_start3A_624 = tpu.memref_slice %arg4[%add3A_609] : memref<33554432xf32, #tpu.memory_space<hbm>> -> memref<32768xf32, #tpu.memory_space<hbm>>
    %dma_start3A_625 = arith.constant 0 : i32
    %dma_start3A_626 = tpu.memref_slice %arg5[%dma_start3A_625] : memref<65536xf32, #tpu.memory_space<vmem>> -> memref<32768xf32, #tpu.memory_space<vmem>>
    tpu.enqueue_dma source(%dma_start3A_626 : memref<32768xf32, #tpu.memory_space<vmem>>) target(%dma_start3A_624 : memref<32768xf32, #tpu.memory_space<hbm>>) target_semaphore(%arg11 : memref<!tpu.dma_semaphore, #tpu.memory_space<semaphore_mem>>)
    %add3A_627 = arith.constant 16777216 : i32
    %add3A_628 = arith.addi %add3A_627, %mul3A_2 : i32
    %add3A_629 = arith.constant 131072 : i32
    %add3A_630 = arith.addi %add3A_628, %add3A_629 : i32
    %dma_wait3A_631 = arith.constant 0 : i32
    %dma_wait3A_632 = tpu.memref_slice %arg5[%dma_wait3A_631] : memref<65536xf32, #tpu.memory_space<vmem>> -> memref<32768xf32, #tpu.memory_space<vmem>>
    %dma_wait3A_633 = tpu.memref_slice %arg4[%add3A_609] : memref<33554432xf32, #tpu.memory_space<hbm>> -> memref<32768xf32, #tpu.memory_space<hbm>>
    %dma_wait3A_634 = tpu.memref_slice %arg4[%add3A_609] : memref<33554432xf32, #tpu.memory_space<hbm>> -> memref<32768xf32, #tpu.memory_space<hbm>>
    %dma_wait3A_635 = arith.constant 0 : i32
    %dma_wait3A_636 = tpu.memref_slice %arg5[%dma_wait3A_635] : memref<65536xf32, #tpu.memory_space<vmem>> -> memref<32768xf32, #tpu.memory_space<vmem>>
    tpu.wait_dma2 semaphore(%arg11 : memref<!tpu.dma_semaphore, #tpu.memory_space<semaphore_mem>>) src(%dma_wait3A_636 : memref<32768xf32, #tpu.memory_space<vmem>>) dst(%dma_wait3A_634 : memref<32768xf32, #tpu.memory_space<hbm>>)
    %dma_start3A_637 = arith.constant 0 : i32
    %dma_start3A_638 = tpu.memref_slice %arg5[%dma_start3A_637] : memref<65536xf32, #tpu.memory_space<vmem>> -> memref<32768xf32, #tpu.memory_space<vmem>>
    %dma_start3A_639 = tpu.memref_slice %arg2[%add3A_630] : memref<33554432xf32, #tpu.memory_space<hbm>> -> memref<32768xf32, #tpu.memory_space<hbm>>
    %dma_start3A_640 = arith.constant 0 : i32
    %dma_start3A_641 = tpu.memref_slice %arg5[%dma_start3A_640] : memref<65536xf32, #tpu.memory_space<vmem>> -> memref<32768xf32, #tpu.memory_space<vmem>>
    %dma_start3A_642 = tpu.memref_slice %arg2[%add3A_630] : memref<33554432xf32, #tpu.memory_space<hbm>> -> memref<32768xf32, #tpu.memory_space<hbm>>
    tpu.enqueue_dma source(%dma_start3A_642 : memref<32768xf32, #tpu.memory_space<hbm>>) target(%dma_start3A_641 : memref<32768xf32, #tpu.memory_space<vmem>>) target_semaphore(%arg7 : memref<!tpu.dma_semaphore, #tpu.memory_space<semaphore_mem>>)
    %add3A_643 = arith.constant 8388608 : i32
    %add3A_644 = arith.addi %add3A_643, %mul3A_2 : i32
    %add3A_645 = arith.constant 131072 : i32
    %add3A_646 = arith.addi %add3A_644, %add3A_645 : i32
    %dma_wait3A_647 = arith.constant 32768 : i32
    %dma_wait3A_648 = tpu.memref_slice %arg5[%dma_wait3A_647] : memref<65536xf32, #tpu.memory_space<vmem>> -> memref<32768xf32, #tpu.memory_space<vmem>>
    %dma_wait3A_649 = tpu.memref_slice %arg2[%add3A_593] : memref<33554432xf32, #tpu.memory_space<hbm>> -> memref<32768xf32, #tpu.memory_space<hbm>>
    %dma_wait3A_650 = arith.constant 32768 : i32
    %dma_wait3A_651 = tpu.memref_slice %arg5[%dma_wait3A_650] : memref<65536xf32, #tpu.memory_space<vmem>> -> memref<32768xf32, #tpu.memory_space<vmem>>
    %dma_wait3A_652 = tpu.memref_slice %arg2[%add3A_593] : memref<33554432xf32, #tpu.memory_space<hbm>> -> memref<32768xf32, #tpu.memory_space<hbm>>
    tpu.wait_dma2 semaphore(%arg8 : memref<!tpu.dma_semaphore, #tpu.memory_space<semaphore_mem>>) src(%dma_wait3A_652 : memref<32768xf32, #tpu.memory_space<hbm>>) dst(%dma_wait3A_651 : memref<32768xf32, #tpu.memory_space<vmem>>)
    %parallel_loop3A_653 = arith.constant 0 : i32
    %parallel_loop3A_654 = arith.constant 32768 : i32
    %parallel_loop3A_655 = arith.constant 16 : i32
    scf.for %parallel_loop3A_1166 = %parallel_loop3A_653 to %parallel_loop3A_654 step %parallel_loop3A_655  : i32 {
      %parallel_loop3A_1167 = arith.constant 32768 : i32
      %parallel_loop3A_1168 = arith.addi %parallel_loop3A_1167, %parallel_loop3A_1166 : i32
      %parallel_loop3A_1169 = arith.constant 0 : i32
      %parallel_loop3A_1170 = arith.addi %parallel_loop3A_1169, %parallel_loop3A_1166 : i32
      %parallel_loop3A_1171 = arith.index_cast %parallel_loop3A_1168 : i32 to index
      %parallel_loop3A_1172 = tpu.vector_load %arg5[%parallel_loop3A_1171] {strides = array<i32>} : memref<65536xf32, #tpu.memory_space<vmem>>, vector<16xf32>,
      %parallel_loop3A_1173 = vector.shape_cast %parallel_loop3A_1172 : vector<16xf32> to vector<16xf32>
      %parallel_loop3A_1174 = arith.index_cast %parallel_loop3A_1170 : i32 to index
      %parallel_loop3A_1175 = tpu.vector_load %arg6[%parallel_loop3A_1174] {strides = array<i32>} : memref<32768xf32, #tpu.memory_space<vmem>>, vector<16xf32>,
      %parallel_loop3A_1176 = vector.shape_cast %parallel_loop3A_1175 : vector<16xf32> to vector<16xf32>
      %parallel_loop3A_1177 = arith.addf %parallel_loop3A_1173, %parallel_loop3A_1176 : vector<16xf32>
      %parallel_loop3A_1178 = arith.index_cast %parallel_loop3A_1168 : i32 to index
      %parallel_loop3A_1179 = tpu.vector_load %arg5[%parallel_loop3A_1178] {strides = array<i32>} : memref<65536xf32, #tpu.memory_space<vmem>>, vector<16xf32>,
      %parallel_loop3A_1180 = vector.shape_cast %parallel_loop3A_1179 : vector<16xf32> to vector<16xf32>
      %parallel_loop3A_1181 = vector.shape_cast %parallel_loop3A_1177 : vector<16xf32> to vector<16xf32>
      tpu.vector_store %arg5[%parallel_loop3A_1178], %parallel_loop3A_1181 {strides = array<i32>} : memref<65536xf32, #tpu.memory_space<vmem>>, vector<16xf32>,
    } {sc.loop_unroll_factor = 8 : i64, sc.parallel_access}
    %dma_start3A_656 = arith.constant 32768 : i32
    %dma_start3A_657 = tpu.memref_slice %arg5[%dma_start3A_656] : memref<65536xf32, #tpu.memory_space<vmem>> -> memref<32768xf32, #tpu.memory_space<vmem>>
    %dma_start3A_658 = tpu.memref_slice %arg4[%add3A_646] : memref<33554432xf32, #tpu.memory_space<hbm>> -> memref<32768xf32, #tpu.memory_space<hbm>>
    %dma_start3A_659 = tpu.memref_slice %arg4[%add3A_646] : memref<33554432xf32, #tpu.memory_space<hbm>> -> memref<32768xf32, #tpu.memory_space<hbm>>
    %dma_start3A_660 = arith.constant 32768 : i32
    %dma_start3A_661 = tpu.memref_slice %arg5[%dma_start3A_660] : memref<65536xf32, #tpu.memory_space<vmem>> -> memref<32768xf32, #tpu.memory_space<vmem>>
    tpu.enqueue_dma source(%dma_start3A_661 : memref<32768xf32, #tpu.memory_space<vmem>>) target(%dma_start3A_659 : memref<32768xf32, #tpu.memory_space<hbm>>) target_semaphore(%arg12 : memref<!tpu.dma_semaphore, #tpu.memory_space<semaphore_mem>>)
    %add3A_662 = arith.constant 25165824 : i32
    %add3A_663 = arith.addi %add3A_662, %mul3A_2 : i32
    %add3A_664 = arith.constant 131072 : i32
    %add3A_665 = arith.addi %add3A_663, %add3A_664 : i32
    %dma_wait3A_666 = arith.constant 32768 : i32
    %dma_wait3A_667 = tpu.memref_slice %arg5[%dma_wait3A_666] : memref<65536xf32, #tpu.memory_space<vmem>> -> memref<32768xf32, #tpu.memory_space<vmem>>
    %dma_wait3A_668 = tpu.memref_slice %arg4[%add3A_646] : memref<33554432xf32, #tpu.memory_space<hbm>> -> memref<32768xf32, #tpu.memory_space<hbm>>
    %dma_wait3A_669 = tpu.memref_slice %arg4[%add3A_646] : memref<33554432xf32, #tpu.memory_space<hbm>> -> memref<32768xf32, #tpu.memory_space<hbm>>
    %dma_wait3A_670 = arith.constant 32768 : i32
    %dma_wait3A_671 = tpu.memref_slice %arg5[%dma_wait3A_670] : memref<65536xf32, #tpu.memory_space<vmem>> -> memref<32768xf32, #tpu.memory_space<vmem>>
    tpu.wait_dma2 semaphore(%arg12 : memref<!tpu.dma_semaphore, #tpu.memory_space<semaphore_mem>>) src(%dma_wait3A_671 : memref<32768xf32, #tpu.memory_space<vmem>>) dst(%dma_wait3A_669 : memref<32768xf32, #tpu.memory_space<hbm>>)
    %dma_start3A_672 = arith.constant 32768 : i32
    %dma_start3A_673 = tpu.memref_slice %arg5[%dma_start3A_672] : memref<65536xf32, #tpu.memory_space<vmem>> -> memref<32768xf32, #tpu.memory_space<vmem>>
    %dma_start3A_674 = tpu.memref_slice %arg2[%add3A_665] : memref<33554432xf32, #tpu.memory_space<hbm>> -> memref<32768xf32, #tpu.memory_space<hbm>>
    %dma_start3A_675 = arith.constant 32768 : i32
    %dma_start3A_676 = tpu.memref_slice %arg5[%dma_start3A_675] : memref<65536xf32, #tpu.memory_space<vmem>> -> memref<32768xf32, #tpu.memory_space<vmem>>
    %dma_start3A_677 = tpu.memref_slice %arg2[%add3A_665] : memref<33554432xf32, #tpu.memory_space<hbm>> -> memref<32768xf32, #tpu.memory_space<hbm>>
    tpu.enqueue_dma source(%dma_start3A_677 : memref<32768xf32, #tpu.memory_space<hbm>>) target(%dma_start3A_676 : memref<32768xf32, #tpu.memory_space<vmem>>) target_semaphore(%arg8 : memref<!tpu.dma_semaphore, #tpu.memory_space<semaphore_mem>>)
    %add3A_678 = arith.constant 16777216 : i32
    %add3A_679 = arith.addi %add3A_678, %mul3A_2 : i32
    %add3A_680 = arith.constant 131072 : i32
    %add3A_681 = arith.addi %add3A_679, %add3A_680 : i32
    %dma_wait3A_682 = arith.constant 0 : i32
    %dma_wait3A_683 = tpu.memref_slice %arg5[%dma_wait3A_682] : memref<65536xf32, #tpu.memory_space<vmem>> -> memref<32768xf32, #tpu.memory_space<vmem>>
    %dma_wait3A_684 = tpu.memref_slice %arg2[%add3A_630] : memref<33554432xf32, #tpu.memory_space<hbm>> -> memref<32768xf32, #tpu.memory_space<hbm>>
    %dma_wait3A_685 = arith.constant 0 : i32
    %dma_wait3A_686 = tpu.memref_slice %arg5[%dma_wait3A_685] : memref<65536xf32, #tpu.memory_space<vmem>> -> memref<32768xf32, #tpu.memory_space<vmem>>
    %dma_wait3A_687 = tpu.memref_slice %arg2[%add3A_630] : memref<33554432xf32, #tpu.memory_space<hbm>> -> memref<32768xf32, #tpu.memory_space<hbm>>
    tpu.wait_dma2 semaphore(%arg7 : memref<!tpu.dma_semaphore, #tpu.memory_space<semaphore_mem>>) src(%dma_wait3A_687 : memref<32768xf32, #tpu.memory_space<hbm>>) dst(%dma_wait3A_686 : memref<32768xf32, #tpu.memory_space<vmem>>)
    %parallel_loop3A_688 = arith.constant 0 : i32
    %parallel_loop3A_689 = arith.constant 32768 : i32
    %parallel_loop3A_690 = arith.constant 16 : i32
    scf.for %parallel_loop3A_1166 = %parallel_loop3A_688 to %parallel_loop3A_689 step %parallel_loop3A_690  : i32 {
      %parallel_loop3A_1167 = arith.constant 0 : i32
      %parallel_loop3A_1168 = arith.addi %parallel_loop3A_1167, %parallel_loop3A_1166 : i32
      %parallel_loop3A_1169 = arith.constant 0 : i32
      %parallel_loop3A_1170 = arith.addi %parallel_loop3A_1169, %parallel_loop3A_1166 : i32
      %parallel_loop3A_1171 = arith.index_cast %parallel_loop3A_1168 : i32 to index
      %parallel_loop3A_1172 = tpu.vector_load %arg5[%parallel_loop3A_1171] {strides = array<i32>} : memref<65536xf32, #tpu.memory_space<vmem>>, vector<16xf32>,
      %parallel_loop3A_1173 = vector.shape_cast %parallel_loop3A_1172 : vector<16xf32> to vector<16xf32>
      %parallel_loop3A_1174 = arith.index_cast %parallel_loop3A_1170 : i32 to index
      %parallel_loop3A_1175 = tpu.vector_load %arg6[%parallel_loop3A_1174] {strides = array<i32>} : memref<32768xf32, #tpu.memory_space<vmem>>, vector<16xf32>,
      %parallel_loop3A_1176 = vector.shape_cast %parallel_loop3A_1175 : vector<16xf32> to vector<16xf32>
      %parallel_loop3A_1177 = arith.addf %parallel_loop3A_1173, %parallel_loop3A_1176 : vector<16xf32>
      %parallel_loop3A_1178 = arith.index_cast %parallel_loop3A_1168 : i32 to index
      %parallel_loop3A_1179 = tpu.vector_load %arg5[%parallel_loop3A_1178] {strides = array<i32>} : memref<65536xf32, #tpu.memory_space<vmem>>, vector<16xf32>,
      %parallel_loop3A_1180 = vector.shape_cast %parallel_loop3A_1179 : vector<16xf32> to vector<16xf32>
      %parallel_loop3A_1181 = vector.shape_cast %parallel_loop3A_1177 : vector<16xf32> to vector<16xf32>
      tpu.vector_store %arg5[%parallel_loop3A_1178], %parallel_loop3A_1181 {strides = array<i32>} : memref<65536xf32, #tpu.memory_space<vmem>>, vector<16xf32>,
    } {sc.loop_unroll_factor = 8 : i64, sc.parallel_access}
    %dma_start3A_691 = arith.constant 0 : i32
    %dma_start3A_692 = tpu.memref_slice %arg5[%dma_start3A_691] : memref<65536xf32, #tpu.memory_space<vmem>> -> memref<32768xf32, #tpu.memory_space<vmem>>
    %dma_start3A_693 = tpu.memref_slice %arg4[%add3A_681] : memref<33554432xf32, #tpu.memory_space<hbm>> -> memref<32768xf32, #tpu.memory_space<hbm>>
    %dma_start3A_694 = tpu.memref_slice %arg4[%add3A_681] : memref<33554432xf32, #tpu.memory_space<hbm>> -> memref<32768xf32, #tpu.memory_space<hbm>>
    %dma_start3A_695 = arith.constant 0 : i32
    %dma_start3A_696 = tpu.memref_slice %arg5[%dma_start3A_695] : memref<65536xf32, #tpu.memory_space<vmem>> -> memref<32768xf32, #tpu.memory_space<vmem>>
    tpu.enqueue_dma source(%dma_start3A_696 : memref<32768xf32, #tpu.memory_space<vmem>>) target(%dma_start3A_694 : memref<32768xf32, #tpu.memory_space<hbm>>) target_semaphore(%arg11 : memref<!tpu.dma_semaphore, #tpu.memory_space<semaphore_mem>>)
    %add3A_697 = arith.constant 0 : i32
    %add3A_698 = arith.addi %add3A_697, %mul3A_2 : i32
    %add3A_699 = arith.constant 163840 : i32
    %add3A_700 = arith.addi %add3A_698, %add3A_699 : i32
    %dma_wait3A_701 = arith.constant 0 : i32
    %dma_wait3A_702 = tpu.memref_slice %arg5[%dma_wait3A_701] : memref<65536xf32, #tpu.memory_space<vmem>> -> memref<32768xf32, #tpu.memory_space<vmem>>
    %dma_wait3A_703 = tpu.memref_slice %arg4[%add3A_681] : memref<33554432xf32, #tpu.memory_space<hbm>> -> memref<32768xf32, #tpu.memory_space<hbm>>
    %dma_wait3A_704 = tpu.memref_slice %arg4[%add3A_681] : memref<33554432xf32, #tpu.memory_space<hbm>> -> memref<32768xf32, #tpu.memory_space<hbm>>
    %dma_wait3A_705 = arith.constant 0 : i32
    %dma_wait3A_706 = tpu.memref_slice %arg5[%dma_wait3A_705] : memref<65536xf32, #tpu.memory_space<vmem>> -> memref<32768xf32, #tpu.memory_space<vmem>>
    tpu.wait_dma2 semaphore(%arg11 : memref<!tpu.dma_semaphore, #tpu.memory_space<semaphore_mem>>) src(%dma_wait3A_706 : memref<32768xf32, #tpu.memory_space<vmem>>) dst(%dma_wait3A_704 : memref<32768xf32, #tpu.memory_space<hbm>>)
    %dma_start3A_707 = arith.constant 0 : i32
    %dma_start3A_708 = tpu.memref_slice %arg5[%dma_start3A_707] : memref<65536xf32, #tpu.memory_space<vmem>> -> memref<32768xf32, #tpu.memory_space<vmem>>
    %dma_start3A_709 = tpu.memref_slice %arg2[%add3A_700] : memref<33554432xf32, #tpu.memory_space<hbm>> -> memref<32768xf32, #tpu.memory_space<hbm>>
    %dma_start3A_710 = arith.constant 0 : i32
    %dma_start3A_711 = tpu.memref_slice %arg5[%dma_start3A_710] : memref<65536xf32, #tpu.memory_space<vmem>> -> memref<32768xf32, #tpu.memory_space<vmem>>
    %dma_start3A_712 = tpu.memref_slice %arg2[%add3A_700] : memref<33554432xf32, #tpu.memory_space<hbm>> -> memref<32768xf32, #tpu.memory_space<hbm>>
    tpu.enqueue_dma source(%dma_start3A_712 : memref<32768xf32, #tpu.memory_space<hbm>>) target(%dma_start3A_711 : memref<32768xf32, #tpu.memory_space<vmem>>) target_semaphore(%arg7 : memref<!tpu.dma_semaphore, #tpu.memory_space<semaphore_mem>>)
    %add3A_713 = arith.constant 25165824 : i32
    %add3A_714 = arith.addi %add3A_713, %mul3A_2 : i32
    %add3A_715 = arith.constant 131072 : i32
    %add3A_716 = arith.addi %add3A_714, %add3A_715 : i32
    %dma_wait3A_717 = arith.constant 32768 : i32
    %dma_wait3A_718 = tpu.memref_slice %arg5[%dma_wait3A_717] : memref<65536xf32, #tpu.memory_space<vmem>> -> memref<32768xf32, #tpu.memory_space<vmem>>
    %dma_wait3A_719 = tpu.memref_slice %arg2[%add3A_665] : memref<33554432xf32, #tpu.memory_space<hbm>> -> memref<32768xf32, #tpu.memory_space<hbm>>
    %dma_wait3A_720 = arith.constant 32768 : i32
    %dma_wait3A_721 = tpu.memref_slice %arg5[%dma_wait3A_720] : memref<65536xf32, #tpu.memory_space<vmem>> -> memref<32768xf32, #tpu.memory_space<vmem>>
    %dma_wait3A_722 = tpu.memref_slice %arg2[%add3A_665] : memref<33554432xf32, #tpu.memory_space<hbm>> -> memref<32768xf32, #tpu.memory_space<hbm>>
    tpu.wait_dma2 semaphore(%arg8 : memref<!tpu.dma_semaphore, #tpu.memory_space<semaphore_mem>>) src(%dma_wait3A_722 : memref<32768xf32, #tpu.memory_space<hbm>>) dst(%dma_wait3A_721 : memref<32768xf32, #tpu.memory_space<vmem>>)
    %parallel_loop3A_723 = arith.constant 0 : i32
    %parallel_loop3A_724 = arith.constant 32768 : i32
    %parallel_loop3A_725 = arith.constant 16 : i32
    scf.for %parallel_loop3A_1166 = %parallel_loop3A_723 to %parallel_loop3A_724 step %parallel_loop3A_725  : i32 {
      %parallel_loop3A_1167 = arith.constant 32768 : i32
      %parallel_loop3A_1168 = arith.addi %parallel_loop3A_1167, %parallel_loop3A_1166 : i32
      %parallel_loop3A_1169 = arith.constant 0 : i32
      %parallel_loop3A_1170 = arith.addi %parallel_loop3A_1169, %parallel_loop3A_1166 : i32
      %parallel_loop3A_1171 = arith.index_cast %parallel_loop3A_1168 : i32 to index
      %parallel_loop3A_1172 = tpu.vector_load %arg5[%parallel_loop3A_1171] {strides = array<i32>} : memref<65536xf32, #tpu.memory_space<vmem>>, vector<16xf32>,
      %parallel_loop3A_1173 = vector.shape_cast %parallel_loop3A_1172 : vector<16xf32> to vector<16xf32>
      %parallel_loop3A_1174 = arith.index_cast %parallel_loop3A_1170 : i32 to index
      %parallel_loop3A_1175 = tpu.vector_load %arg6[%parallel_loop3A_1174] {strides = array<i32>} : memref<32768xf32, #tpu.memory_space<vmem>>, vector<16xf32>,
      %parallel_loop3A_1176 = vector.shape_cast %parallel_loop3A_1175 : vector<16xf32> to vector<16xf32>
      %parallel_loop3A_1177 = arith.addf %parallel_loop3A_1173, %parallel_loop3A_1176 : vector<16xf32>
      %parallel_loop3A_1178 = arith.index_cast %parallel_loop3A_1168 : i32 to index
      %parallel_loop3A_1179 = tpu.vector_load %arg5[%parallel_loop3A_1178] {strides = array<i32>} : memref<65536xf32, #tpu.memory_space<vmem>>, vector<16xf32>,
      %parallel_loop3A_1180 = vector.shape_cast %parallel_loop3A_1179 : vector<16xf32> to vector<16xf32>
      %parallel_loop3A_1181 = vector.shape_cast %parallel_loop3A_1177 : vector<16xf32> to vector<16xf32>
      tpu.vector_store %arg5[%parallel_loop3A_1178], %parallel_loop3A_1181 {strides = array<i32>} : memref<65536xf32, #tpu.memory_space<vmem>>, vector<16xf32>,
    } {sc.loop_unroll_factor = 8 : i64, sc.parallel_access}
    %dma_start3A_726 = arith.constant 32768 : i32
    %dma_start3A_727 = tpu.memref_slice %arg5[%dma_start3A_726] : memref<65536xf32, #tpu.memory_space<vmem>> -> memref<32768xf32, #tpu.memory_space<vmem>>
    %dma_start3A_728 = tpu.memref_slice %arg4[%add3A_716] : memref<33554432xf32, #tpu.memory_space<hbm>> -> memref<32768xf32, #tpu.memory_space<hbm>>
    %dma_start3A_729 = tpu.memref_slice %arg4[%add3A_716] : memref<33554432xf32, #tpu.memory_space<hbm>> -> memref<32768xf32, #tpu.memory_space<hbm>>
    %dma_start3A_730 = arith.constant 32768 : i32
    %dma_start3A_731 = tpu.memref_slice %arg5[%dma_start3A_730] : memref<65536xf32, #tpu.memory_space<vmem>> -> memref<32768xf32, #tpu.memory_space<vmem>>
    tpu.enqueue_dma source(%dma_start3A_731 : memref<32768xf32, #tpu.memory_space<vmem>>) target(%dma_start3A_729 : memref<32768xf32, #tpu.memory_space<hbm>>) target_semaphore(%arg12 : memref<!tpu.dma_semaphore, #tpu.memory_space<semaphore_mem>>)
    %add3A_732 = arith.constant 163840 : i32
    %add3A_733 = arith.addi %mul3A_2, %add3A_732 : i32
    %dma_start3A_734 = tpu.memref_slice %arg3[%add3A_733] : memref<8388608xf32, #tpu.memory_space<hbm>> -> memref<32768xf32, #tpu.memory_space<hbm>>
    %dma_start3A_735 = tpu.memref_slice %arg3[%add3A_733] : memref<8388608xf32, #tpu.memory_space<hbm>> -> memref<32768xf32, #tpu.memory_space<hbm>>
    tpu.enqueue_dma source(%dma_start3A_735 : memref<32768xf32, #tpu.memory_space<hbm>>) target(%arg6 : memref<32768xf32, #tpu.memory_space<vmem>>) target_semaphore(%arg10 : memref<!tpu.dma_semaphore, #tpu.memory_space<semaphore_mem>>)
    %add3A_736 = arith.constant 8388608 : i32
    %add3A_737 = arith.addi %add3A_736, %mul3A_2 : i32
    %add3A_738 = arith.constant 163840 : i32
    %add3A_739 = arith.addi %add3A_737, %add3A_738 : i32
    %dma_wait3A_740 = arith.constant 32768 : i32
    %dma_wait3A_741 = tpu.memref_slice %arg5[%dma_wait3A_740] : memref<65536xf32, #tpu.memory_space<vmem>> -> memref<32768xf32, #tpu.memory_space<vmem>>
    %dma_wait3A_742 = tpu.memref_slice %arg4[%add3A_716] : memref<33554432xf32, #tpu.memory_space<hbm>> -> memref<32768xf32, #tpu.memory_space<hbm>>
    %dma_wait3A_743 = tpu.memref_slice %arg4[%add3A_716] : memref<33554432xf32, #tpu.memory_space<hbm>> -> memref<32768xf32, #tpu.memory_space<hbm>>
    %dma_wait3A_744 = arith.constant 32768 : i32
    %dma_wait3A_745 = tpu.memref_slice %arg5[%dma_wait3A_744] : memref<65536xf32, #tpu.memory_space<vmem>> -> memref<32768xf32, #tpu.memory_space<vmem>>
    tpu.wait_dma2 semaphore(%arg12 : memref<!tpu.dma_semaphore, #tpu.memory_space<semaphore_mem>>) src(%dma_wait3A_745 : memref<32768xf32, #tpu.memory_space<vmem>>) dst(%dma_wait3A_743 : memref<32768xf32, #tpu.memory_space<hbm>>)
    %dma_start3A_746 = arith.constant 32768 : i32
    %dma_start3A_747 = tpu.memref_slice %arg5[%dma_start3A_746] : memref<65536xf32, #tpu.memory_space<vmem>> -> memref<32768xf32, #tpu.memory_space<vmem>>
    %dma_start3A_748 = tpu.memref_slice %arg2[%add3A_739] : memref<33554432xf32, #tpu.memory_space<hbm>> -> memref<32768xf32, #tpu.memory_space<hbm>>
    %dma_start3A_749 = arith.constant 32768 : i32
    %dma_start3A_750 = tpu.memref_slice %arg5[%dma_start3A_749] : memref<65536xf32, #tpu.memory_space<vmem>> -> memref<32768xf32, #tpu.memory_space<vmem>>
    %dma_start3A_751 = tpu.memref_slice %arg2[%add3A_739] : memref<33554432xf32, #tpu.memory_space<hbm>> -> memref<32768xf32, #tpu.memory_space<hbm>>
    tpu.enqueue_dma source(%dma_start3A_751 : memref<32768xf32, #tpu.memory_space<hbm>>) target(%dma_start3A_750 : memref<32768xf32, #tpu.memory_space<vmem>>) target_semaphore(%arg8 : memref<!tpu.dma_semaphore, #tpu.memory_space<semaphore_mem>>)
    %add3A_752 = arith.constant 0 : i32
    %add3A_753 = arith.addi %add3A_752, %mul3A_2 : i32
    %add3A_754 = arith.constant 163840 : i32
    %add3A_755 = arith.addi %add3A_753, %add3A_754 : i32
    %dma_wait3A_756 = arith.constant 0 : i32
    %dma_wait3A_757 = tpu.memref_slice %arg5[%dma_wait3A_756] : memref<65536xf32, #tpu.memory_space<vmem>> -> memref<32768xf32, #tpu.memory_space<vmem>>
    %dma_wait3A_758 = tpu.memref_slice %arg2[%add3A_700] : memref<33554432xf32, #tpu.memory_space<hbm>> -> memref<32768xf32, #tpu.memory_space<hbm>>
    %dma_wait3A_759 = arith.constant 0 : i32
    %dma_wait3A_760 = tpu.memref_slice %arg5[%dma_wait3A_759] : memref<65536xf32, #tpu.memory_space<vmem>> -> memref<32768xf32, #tpu.memory_space<vmem>>
    %dma_wait3A_761 = tpu.memref_slice %arg2[%add3A_700] : memref<33554432xf32, #tpu.memory_space<hbm>> -> memref<32768xf32, #tpu.memory_space<hbm>>
    tpu.wait_dma2 semaphore(%arg7 : memref<!tpu.dma_semaphore, #tpu.memory_space<semaphore_mem>>) src(%dma_wait3A_761 : memref<32768xf32, #tpu.memory_space<hbm>>) dst(%dma_wait3A_760 : memref<32768xf32, #tpu.memory_space<vmem>>)
    %dma_wait3A_762 = tpu.memref_slice %arg3[%add3A_733] : memref<8388608xf32, #tpu.memory_space<hbm>> -> memref<32768xf32, #tpu.memory_space<hbm>>
    %dma_wait3A_763 = tpu.memref_slice %arg3[%add3A_733] : memref<8388608xf32, #tpu.memory_space<hbm>> -> memref<32768xf32, #tpu.memory_space<hbm>>
    tpu.wait_dma2 semaphore(%arg10 : memref<!tpu.dma_semaphore, #tpu.memory_space<semaphore_mem>>) src(%dma_wait3A_763 : memref<32768xf32, #tpu.memory_space<hbm>>) dst(%arg6 : memref<32768xf32, #tpu.memory_space<vmem>>)
    %parallel_loop3A_764 = arith.constant 0 : i32
    %parallel_loop3A_765 = arith.constant 32768 : i32
    %parallel_loop3A_766 = arith.constant 16 : i32
    scf.for %parallel_loop3A_1166 = %parallel_loop3A_764 to %parallel_loop3A_765 step %parallel_loop3A_766  : i32 {
      %parallel_loop3A_1167 = arith.constant 0 : i32
      %parallel_loop3A_1168 = arith.addi %parallel_loop3A_1167, %parallel_loop3A_1166 : i32
      %parallel_loop3A_1169 = arith.constant 0 : i32
      %parallel_loop3A_1170 = arith.addi %parallel_loop3A_1169, %parallel_loop3A_1166 : i32
      %parallel_loop3A_1171 = arith.index_cast %parallel_loop3A_1168 : i32 to index
      %parallel_loop3A_1172 = tpu.vector_load %arg5[%parallel_loop3A_1171] {strides = array<i32>} : memref<65536xf32, #tpu.memory_space<vmem>>, vector<16xf32>,
      %parallel_loop3A_1173 = vector.shape_cast %parallel_loop3A_1172 : vector<16xf32> to vector<16xf32>
      %parallel_loop3A_1174 = arith.index_cast %parallel_loop3A_1170 : i32 to index
      %parallel_loop3A_1175 = tpu.vector_load %arg6[%parallel_loop3A_1174] {strides = array<i32>} : memref<32768xf32, #tpu.memory_space<vmem>>, vector<16xf32>,
      %parallel_loop3A_1176 = vector.shape_cast %parallel_loop3A_1175 : vector<16xf32> to vector<16xf32>
      %parallel_loop3A_1177 = arith.addf %parallel_loop3A_1173, %parallel_loop3A_1176 : vector<16xf32>
      %parallel_loop3A_1178 = arith.index_cast %parallel_loop3A_1168 : i32 to index
      %parallel_loop3A_1179 = tpu.vector_load %arg5[%parallel_loop3A_1178] {strides = array<i32>} : memref<65536xf32, #tpu.memory_space<vmem>>, vector<16xf32>,
      %parallel_loop3A_1180 = vector.shape_cast %parallel_loop3A_1179 : vector<16xf32> to vector<16xf32>
      %parallel_loop3A_1181 = vector.shape_cast %parallel_loop3A_1177 : vector<16xf32> to vector<16xf32>
      tpu.vector_store %arg5[%parallel_loop3A_1178], %parallel_loop3A_1181 {strides = array<i32>} : memref<65536xf32, #tpu.memory_space<vmem>>, vector<16xf32>,
    } {sc.loop_unroll_factor = 8 : i64, sc.parallel_access}
    %dma_start3A_767 = arith.constant 0 : i32
    %dma_start3A_768 = tpu.memref_slice %arg5[%dma_start3A_767] : memref<65536xf32, #tpu.memory_space<vmem>> -> memref<32768xf32, #tpu.memory_space<vmem>>
    %dma_start3A_769 = tpu.memref_slice %arg4[%add3A_755] : memref<33554432xf32, #tpu.memory_space<hbm>> -> memref<32768xf32, #tpu.memory_space<hbm>>
    %dma_start3A_770 = tpu.memref_slice %arg4[%add3A_755] : memref<33554432xf32, #tpu.memory_space<hbm>> -> memref<32768xf32, #tpu.memory_space<hbm>>
    %dma_start3A_771 = arith.constant 0 : i32
    %dma_start3A_772 = tpu.memref_slice %arg5[%dma_start3A_771] : memref<65536xf32, #tpu.memory_space<vmem>> -> memref<32768xf32, #tpu.memory_space<vmem>>
    tpu.enqueue_dma source(%dma_start3A_772 : memref<32768xf32, #tpu.memory_space<vmem>>) target(%dma_start3A_770 : memref<32768xf32, #tpu.memory_space<hbm>>) target_semaphore(%arg11 : memref<!tpu.dma_semaphore, #tpu.memory_space<semaphore_mem>>)
    %add3A_773 = arith.constant 16777216 : i32
    %add3A_774 = arith.addi %add3A_773, %mul3A_2 : i32
    %add3A_775 = arith.constant 163840 : i32
    %add3A_776 = arith.addi %add3A_774, %add3A_775 : i32
    %dma_wait3A_777 = arith.constant 0 : i32
    %dma_wait3A_778 = tpu.memref_slice %arg5[%dma_wait3A_777] : memref<65536xf32, #tpu.memory_space<vmem>> -> memref<32768xf32, #tpu.memory_space<vmem>>
    %dma_wait3A_779 = tpu.memref_slice %arg4[%add3A_755] : memref<33554432xf32, #tpu.memory_space<hbm>> -> memref<32768xf32, #tpu.memory_space<hbm>>
    %dma_wait3A_780 = tpu.memref_slice %arg4[%add3A_755] : memref<33554432xf32, #tpu.memory_space<hbm>> -> memref<32768xf32, #tpu.memory_space<hbm>>
    %dma_wait3A_781 = arith.constant 0 : i32
    %dma_wait3A_782 = tpu.memref_slice %arg5[%dma_wait3A_781] : memref<65536xf32, #tpu.memory_space<vmem>> -> memref<32768xf32, #tpu.memory_space<vmem>>
    tpu.wait_dma2 semaphore(%arg11 : memref<!tpu.dma_semaphore, #tpu.memory_space<semaphore_mem>>) src(%dma_wait3A_782 : memref<32768xf32, #tpu.memory_space<vmem>>) dst(%dma_wait3A_780 : memref<32768xf32, #tpu.memory_space<hbm>>)
    %dma_start3A_783 = arith.constant 0 : i32
    %dma_start3A_784 = tpu.memref_slice %arg5[%dma_start3A_783] : memref<65536xf32, #tpu.memory_space<vmem>> -> memref<32768xf32, #tpu.memory_space<vmem>>
    %dma_start3A_785 = tpu.memref_slice %arg2[%add3A_776] : memref<33554432xf32, #tpu.memory_space<hbm>> -> memref<32768xf32, #tpu.memory_space<hbm>>
    %dma_start3A_786 = arith.constant 0 : i32
    %dma_start3A_787 = tpu.memref_slice %arg5[%dma_start3A_786] : memref<65536xf32, #tpu.memory_space<vmem>> -> memref<32768xf32, #tpu.memory_space<vmem>>
    %dma_start3A_788 = tpu.memref_slice %arg2[%add3A_776] : memref<33554432xf32, #tpu.memory_space<hbm>> -> memref<32768xf32, #tpu.memory_space<hbm>>
    tpu.enqueue_dma source(%dma_start3A_788 : memref<32768xf32, #tpu.memory_space<hbm>>) target(%dma_start3A_787 : memref<32768xf32, #tpu.memory_space<vmem>>) target_semaphore(%arg7 : memref<!tpu.dma_semaphore, #tpu.memory_space<semaphore_mem>>)
    %add3A_789 = arith.constant 8388608 : i32
    %add3A_790 = arith.addi %add3A_789, %mul3A_2 : i32
    %add3A_791 = arith.constant 163840 : i32
    %add3A_792 = arith.addi %add3A_790, %add3A_791 : i32
    %dma_wait3A_793 = arith.constant 32768 : i32
    %dma_wait3A_794 = tpu.memref_slice %arg5[%dma_wait3A_793] : memref<65536xf32, #tpu.memory_space<vmem>> -> memref<32768xf32, #tpu.memory_space<vmem>>
    %dma_wait3A_795 = tpu.memref_slice %arg2[%add3A_739] : memref<33554432xf32, #tpu.memory_space<hbm>> -> memref<32768xf32, #tpu.memory_space<hbm>>
    %dma_wait3A_796 = arith.constant 32768 : i32
    %dma_wait3A_797 = tpu.memref_slice %arg5[%dma_wait3A_796] : memref<65536xf32, #tpu.memory_space<vmem>> -> memref<32768xf32, #tpu.memory_space<vmem>>
    %dma_wait3A_798 = tpu.memref_slice %arg2[%add3A_739] : memref<33554432xf32, #tpu.memory_space<hbm>> -> memref<32768xf32, #tpu.memory_space<hbm>>
    tpu.wait_dma2 semaphore(%arg8 : memref<!tpu.dma_semaphore, #tpu.memory_space<semaphore_mem>>) src(%dma_wait3A_798 : memref<32768xf32, #tpu.memory_space<hbm>>) dst(%dma_wait3A_797 : memref<32768xf32, #tpu.memory_space<vmem>>)
    %parallel_loop3A_799 = arith.constant 0 : i32
    %parallel_loop3A_800 = arith.constant 32768 : i32
    %parallel_loop3A_801 = arith.constant 16 : i32
    scf.for %parallel_loop3A_1166 = %parallel_loop3A_799 to %parallel_loop3A_800 step %parallel_loop3A_801  : i32 {
      %parallel_loop3A_1167 = arith.constant 32768 : i32
      %parallel_loop3A_1168 = arith.addi %parallel_loop3A_1167, %parallel_loop3A_1166 : i32
      %parallel_loop3A_1169 = arith.constant 0 : i32
      %parallel_loop3A_1170 = arith.addi %parallel_loop3A_1169, %parallel_loop3A_1166 : i32
      %parallel_loop3A_1171 = arith.index_cast %parallel_loop3A_1168 : i32 to index
      %parallel_loop3A_1172 = tpu.vector_load %arg5[%parallel_loop3A_1171] {strides = array<i32>} : memref<65536xf32, #tpu.memory_space<vmem>>, vector<16xf32>,
      %parallel_loop3A_1173 = vector.shape_cast %parallel_loop3A_1172 : vector<16xf32> to vector<16xf32>
      %parallel_loop3A_1174 = arith.index_cast %parallel_loop3A_1170 : i32 to index
      %parallel_loop3A_1175 = tpu.vector_load %arg6[%parallel_loop3A_1174] {strides = array<i32>} : memref<32768xf32, #tpu.memory_space<vmem>>, vector<16xf32>,
      %parallel_loop3A_1176 = vector.shape_cast %parallel_loop3A_1175 : vector<16xf32> to vector<16xf32>
      %parallel_loop3A_1177 = arith.addf %parallel_loop3A_1173, %parallel_loop3A_1176 : vector<16xf32>
      %parallel_loop3A_1178 = arith.index_cast %parallel_loop3A_1168 : i32 to index
      %parallel_loop3A_1179 = tpu.vector_load %arg5[%parallel_loop3A_1178] {strides = array<i32>} : memref<65536xf32, #tpu.memory_space<vmem>>, vector<16xf32>,
      %parallel_loop3A_1180 = vector.shape_cast %parallel_loop3A_1179 : vector<16xf32> to vector<16xf32>
      %parallel_loop3A_1181 = vector.shape_cast %parallel_loop3A_1177 : vector<16xf32> to vector<16xf32>
      tpu.vector_store %arg5[%parallel_loop3A_1178], %parallel_loop3A_1181 {strides = array<i32>} : memref<65536xf32, #tpu.memory_space<vmem>>, vector<16xf32>,
    } {sc.loop_unroll_factor = 8 : i64, sc.parallel_access}
    %dma_start3A_802 = arith.constant 32768 : i32
    %dma_start3A_803 = tpu.memref_slice %arg5[%dma_start3A_802] : memref<65536xf32, #tpu.memory_space<vmem>> -> memref<32768xf32, #tpu.memory_space<vmem>>
    %dma_start3A_804 = tpu.memref_slice %arg4[%add3A_792] : memref<33554432xf32, #tpu.memory_space<hbm>> -> memref<32768xf32, #tpu.memory_space<hbm>>
    %dma_start3A_805 = tpu.memref_slice %arg4[%add3A_792] : memref<33554432xf32, #tpu.memory_space<hbm>> -> memref<32768xf32, #tpu.memory_space<hbm>>
    %dma_start3A_806 = arith.constant 32768 : i32
    %dma_start3A_807 = tpu.memref_slice %arg5[%dma_start3A_806] : memref<65536xf32, #tpu.memory_space<vmem>> -> memref<32768xf32, #tpu.memory_space<vmem>>
    tpu.enqueue_dma source(%dma_start3A_807 : memref<32768xf32, #tpu.memory_space<vmem>>) target(%dma_start3A_805 : memref<32768xf32, #tpu.memory_space<hbm>>) target_semaphore(%arg12 : memref<!tpu.dma_semaphore, #tpu.memory_space<semaphore_mem>>)
    %add3A_808 = arith.constant 25165824 : i32
    %add3A_809 = arith.addi %add3A_808, %mul3A_2 : i32
    %add3A_810 = arith.constant 163840 : i32
    %add3A_811 = arith.addi %add3A_809, %add3A_810 : i32
    %dma_wait3A_812 = arith.constant 32768 : i32
    %dma_wait3A_813 = tpu.memref_slice %arg5[%dma_wait3A_812] : memref<65536xf32, #tpu.memory_space<vmem>> -> memref<32768xf32, #tpu.memory_space<vmem>>
    %dma_wait3A_814 = tpu.memref_slice %arg4[%add3A_792] : memref<33554432xf32, #tpu.memory_space<hbm>> -> memref<32768xf32, #tpu.memory_space<hbm>>
    %dma_wait3A_815 = tpu.memref_slice %arg4[%add3A_792] : memref<33554432xf32, #tpu.memory_space<hbm>> -> memref<32768xf32, #tpu.memory_space<hbm>>
    %dma_wait3A_816 = arith.constant 32768 : i32
    %dma_wait3A_817 = tpu.memref_slice %arg5[%dma_wait3A_816] : memref<65536xf32, #tpu.memory_space<vmem>> -> memref<32768xf32, #tpu.memory_space<vmem>>
    tpu.wait_dma2 semaphore(%arg12 : memref<!tpu.dma_semaphore, #tpu.memory_space<semaphore_mem>>) src(%dma_wait3A_817 : memref<32768xf32, #tpu.memory_space<vmem>>) dst(%dma_wait3A_815 : memref<32768xf32, #tpu.memory_space<hbm>>)
    %dma_start3A_818 = arith.constant 32768 : i32
    %dma_start3A_819 = tpu.memref_slice %arg5[%dma_start3A_818] : memref<65536xf32, #tpu.memory_space<vmem>> -> memref<32768xf32, #tpu.memory_space<vmem>>
    %dma_start3A_820 = tpu.memref_slice %arg2[%add3A_811] : memref<33554432xf32, #tpu.memory_space<hbm>> -> memref<32768xf32, #tpu.memory_space<hbm>>
    %dma_start3A_821 = arith.constant 32768 : i32
    %dma_start3A_822 = tpu.memref_slice %arg5[%dma_start3A_821] : memref<65536xf32, #tpu.memory_space<vmem>> -> memref<32768xf32, #tpu.memory_space<vmem>>
    %dma_start3A_823 = tpu.memref_slice %arg2[%add3A_811] : memref<33554432xf32, #tpu.memory_space<hbm>> -> memref<32768xf32, #tpu.memory_space<hbm>>
    tpu.enqueue_dma source(%dma_start3A_823 : memref<32768xf32, #tpu.memory_space<hbm>>) target(%dma_start3A_822 : memref<32768xf32, #tpu.memory_space<vmem>>) target_semaphore(%arg8 : memref<!tpu.dma_semaphore, #tpu.memory_space<semaphore_mem>>)
    %add3A_824 = arith.constant 16777216 : i32
    %add3A_825 = arith.addi %add3A_824, %mul3A_2 : i32
    %add3A_826 = arith.constant 163840 : i32
    %add3A_827 = arith.addi %add3A_825, %add3A_826 : i32
    %dma_wait3A_828 = arith.constant 0 : i32
    %dma_wait3A_829 = tpu.memref_slice %arg5[%dma_wait3A_828] : memref<65536xf32, #tpu.memory_space<vmem>> -> memref<32768xf32, #tpu.memory_space<vmem>>
    %dma_wait3A_830 = tpu.memref_slice %arg2[%add3A_776] : memref<33554432xf32, #tpu.memory_space<hbm>> -> memref<32768xf32, #tpu.memory_space<hbm>>
    %dma_wait3A_831 = arith.constant 0 : i32
    %dma_wait3A_832 = tpu.memref_slice %arg5[%dma_wait3A_831] : memref<65536xf32, #tpu.memory_space<vmem>> -> memref<32768xf32, #tpu.memory_space<vmem>>
    %dma_wait3A_833 = tpu.memref_slice %arg2[%add3A_776] : memref<33554432xf32, #tpu.memory_space<hbm>> -> memref<32768xf32, #tpu.memory_space<hbm>>
    tpu.wait_dma2 semaphore(%arg7 : memref<!tpu.dma_semaphore, #tpu.memory_space<semaphore_mem>>) src(%dma_wait3A_833 : memref<32768xf32, #tpu.memory_space<hbm>>) dst(%dma_wait3A_832 : memref<32768xf32, #tpu.memory_space<vmem>>)
    %parallel_loop3A_834 = arith.constant 0 : i32
    %parallel_loop3A_835 = arith.constant 32768 : i32
    %parallel_loop3A_836 = arith.constant 16 : i32
    scf.for %parallel_loop3A_1166 = %parallel_loop3A_834 to %parallel_loop3A_835 step %parallel_loop3A_836  : i32 {
      %parallel_loop3A_1167 = arith.constant 0 : i32
      %parallel_loop3A_1168 = arith.addi %parallel_loop3A_1167, %parallel_loop3A_1166 : i32
      %parallel_loop3A_1169 = arith.constant 0 : i32
      %parallel_loop3A_1170 = arith.addi %parallel_loop3A_1169, %parallel_loop3A_1166 : i32
      %parallel_loop3A_1171 = arith.index_cast %parallel_loop3A_1168 : i32 to index
      %parallel_loop3A_1172 = tpu.vector_load %arg5[%parallel_loop3A_1171] {strides = array<i32>} : memref<65536xf32, #tpu.memory_space<vmem>>, vector<16xf32>,
      %parallel_loop3A_1173 = vector.shape_cast %parallel_loop3A_1172 : vector<16xf32> to vector<16xf32>
      %parallel_loop3A_1174 = arith.index_cast %parallel_loop3A_1170 : i32 to index
      %parallel_loop3A_1175 = tpu.vector_load %arg6[%parallel_loop3A_1174] {strides = array<i32>} : memref<32768xf32, #tpu.memory_space<vmem>>, vector<16xf32>,
      %parallel_loop3A_1176 = vector.shape_cast %parallel_loop3A_1175 : vector<16xf32> to vector<16xf32>
      %parallel_loop3A_1177 = arith.addf %parallel_loop3A_1173, %parallel_loop3A_1176 : vector<16xf32>
      %parallel_loop3A_1178 = arith.index_cast %parallel_loop3A_1168 : i32 to index
      %parallel_loop3A_1179 = tpu.vector_load %arg5[%parallel_loop3A_1178] {strides = array<i32>} : memref<65536xf32, #tpu.memory_space<vmem>>, vector<16xf32>,
      %parallel_loop3A_1180 = vector.shape_cast %parallel_loop3A_1179 : vector<16xf32> to vector<16xf32>
      %parallel_loop3A_1181 = vector.shape_cast %parallel_loop3A_1177 : vector<16xf32> to vector<16xf32>
      tpu.vector_store %arg5[%parallel_loop3A_1178], %parallel_loop3A_1181 {strides = array<i32>} : memref<65536xf32, #tpu.memory_space<vmem>>, vector<16xf32>,
    } {sc.loop_unroll_factor = 8 : i64, sc.parallel_access}
    %dma_start3A_837 = arith.constant 0 : i32
    %dma_start3A_838 = tpu.memref_slice %arg5[%dma_start3A_837] : memref<65536xf32, #tpu.memory_space<vmem>> -> memref<32768xf32, #tpu.memory_space<vmem>>
    %dma_start3A_839 = tpu.memref_slice %arg4[%add3A_827] : memref<33554432xf32, #tpu.memory_space<hbm>> -> memref<32768xf32, #tpu.memory_space<hbm>>
    %dma_start3A_840 = tpu.memref_slice %arg4[%add3A_827] : memref<33554432xf32, #tpu.memory_space<hbm>> -> memref<32768xf32, #tpu.memory_space<hbm>>
    %dma_start3A_841 = arith.constant 0 : i32
    %dma_start3A_842 = tpu.memref_slice %arg5[%dma_start3A_841] : memref<65536xf32, #tpu.memory_space<vmem>> -> memref<32768xf32, #tpu.memory_space<vmem>>
    tpu.enqueue_dma source(%dma_start3A_842 : memref<32768xf32, #tpu.memory_space<vmem>>) target(%dma_start3A_840 : memref<32768xf32, #tpu.memory_space<hbm>>) target_semaphore(%arg11 : memref<!tpu.dma_semaphore, #tpu.memory_space<semaphore_mem>>)
    %add3A_843 = arith.constant 0 : i32
    %add3A_844 = arith.addi %add3A_843, %mul3A_2 : i32
    %add3A_845 = arith.constant 196608 : i32
    %add3A_846 = arith.addi %add3A_844, %add3A_845 : i32
    %dma_wait3A_847 = arith.constant 0 : i32
    %dma_wait3A_848 = tpu.memref_slice %arg5[%dma_wait3A_847] : memref<65536xf32, #tpu.memory_space<vmem>> -> memref<32768xf32, #tpu.memory_space<vmem>>
    %dma_wait3A_849 = tpu.memref_slice %arg4[%add3A_827] : memref<33554432xf32, #tpu.memory_space<hbm>> -> memref<32768xf32, #tpu.memory_space<hbm>>
    %dma_wait3A_850 = tpu.memref_slice %arg4[%add3A_827] : memref<33554432xf32, #tpu.memory_space<hbm>> -> memref<32768xf32, #tpu.memory_space<hbm>>
    %dma_wait3A_851 = arith.constant 0 : i32
    %dma_wait3A_852 = tpu.memref_slice %arg5[%dma_wait3A_851] : memref<65536xf32, #tpu.memory_space<vmem>> -> memref<32768xf32, #tpu.memory_space<vmem>>
    tpu.wait_dma2 semaphore(%arg11 : memref<!tpu.dma_semaphore, #tpu.memory_space<semaphore_mem>>) src(%dma_wait3A_852 : memref<32768xf32, #tpu.memory_space<vmem>>) dst(%dma_wait3A_850 : memref<32768xf32, #tpu.memory_space<hbm>>)
    %dma_start3A_853 = arith.constant 0 : i32
    %dma_start3A_854 = tpu.memref_slice %arg5[%dma_start3A_853] : memref<65536xf32, #tpu.memory_space<vmem>> -> memref<32768xf32, #tpu.memory_space<vmem>>
    %dma_start3A_855 = tpu.memref_slice %arg2[%add3A_846] : memref<33554432xf32, #tpu.memory_space<hbm>> -> memref<32768xf32, #tpu.memory_space<hbm>>
    %dma_start3A_856 = arith.constant 0 : i32
    %dma_start3A_857 = tpu.memref_slice %arg5[%dma_start3A_856] : memref<65536xf32, #tpu.memory_space<vmem>> -> memref<32768xf32, #tpu.memory_space<vmem>>
    %dma_start3A_858 = tpu.memref_slice %arg2[%add3A_846] : memref<33554432xf32, #tpu.memory_space<hbm>> -> memref<32768xf32, #tpu.memory_space<hbm>>
    tpu.enqueue_dma source(%dma_start3A_858 : memref<32768xf32, #tpu.memory_space<hbm>>) target(%dma_start3A_857 : memref<32768xf32, #tpu.memory_space<vmem>>) target_semaphore(%arg7 : memref<!tpu.dma_semaphore, #tpu.memory_space<semaphore_mem>>)
    %add3A_859 = arith.constant 25165824 : i32
    %add3A_860 = arith.addi %add3A_859, %mul3A_2 : i32
    %add3A_861 = arith.constant 163840 : i32
    %add3A_862 = arith.addi %add3A_860, %add3A_861 : i32
    %dma_wait3A_863 = arith.constant 32768 : i32
    %dma_wait3A_864 = tpu.memref_slice %arg5[%dma_wait3A_863] : memref<65536xf32, #tpu.memory_space<vmem>> -> memref<32768xf32, #tpu.memory_space<vmem>>
    %dma_wait3A_865 = tpu.memref_slice %arg2[%add3A_811] : memref<33554432xf32, #tpu.memory_space<hbm>> -> memref<32768xf32, #tpu.memory_space<hbm>>
    %dma_wait3A_866 = arith.constant 32768 : i32
    %dma_wait3A_867 = tpu.memref_slice %arg5[%dma_wait3A_866] : memref<65536xf32, #tpu.memory_space<vmem>> -> memref<32768xf32, #tpu.memory_space<vmem>>
    %dma_wait3A_868 = tpu.memref_slice %arg2[%add3A_811] : memref<33554432xf32, #tpu.memory_space<hbm>> -> memref<32768xf32, #tpu.memory_space<hbm>>
    tpu.wait_dma2 semaphore(%arg8 : memref<!tpu.dma_semaphore, #tpu.memory_space<semaphore_mem>>) src(%dma_wait3A_868 : memref<32768xf32, #tpu.memory_space<hbm>>) dst(%dma_wait3A_867 : memref<32768xf32, #tpu.memory_space<vmem>>)
    %parallel_loop3A_869 = arith.constant 0 : i32
    %parallel_loop3A_870 = arith.constant 32768 : i32
    %parallel_loop3A_871 = arith.constant 16 : i32
    scf.for %parallel_loop3A_1166 = %parallel_loop3A_869 to %parallel_loop3A_870 step %parallel_loop3A_871  : i32 {
      %parallel_loop3A_1167 = arith.constant 32768 : i32
      %parallel_loop3A_1168 = arith.addi %parallel_loop3A_1167, %parallel_loop3A_1166 : i32
      %parallel_loop3A_1169 = arith.constant 0 : i32
      %parallel_loop3A_1170 = arith.addi %parallel_loop3A_1169, %parallel_loop3A_1166 : i32
      %parallel_loop3A_1171 = arith.index_cast %parallel_loop3A_1168 : i32 to index
      %parallel_loop3A_1172 = tpu.vector_load %arg5[%parallel_loop3A_1171] {strides = array<i32>} : memref<65536xf32, #tpu.memory_space<vmem>>, vector<16xf32>,
      %parallel_loop3A_1173 = vector.shape_cast %parallel_loop3A_1172 : vector<16xf32> to vector<16xf32>
      %parallel_loop3A_1174 = arith.index_cast %parallel_loop3A_1170 : i32 to index
      %parallel_loop3A_1175 = tpu.vector_load %arg6[%parallel_loop3A_1174] {strides = array<i32>} : memref<32768xf32, #tpu.memory_space<vmem>>, vector<16xf32>,
      %parallel_loop3A_1176 = vector.shape_cast %parallel_loop3A_1175 : vector<16xf32> to vector<16xf32>
      %parallel_loop3A_1177 = arith.addf %parallel_loop3A_1173, %parallel_loop3A_1176 : vector<16xf32>
      %parallel_loop3A_1178 = arith.index_cast %parallel_loop3A_1168 : i32 to index
      %parallel_loop3A_1179 = tpu.vector_load %arg5[%parallel_loop3A_1178] {strides = array<i32>} : memref<65536xf32, #tpu.memory_space<vmem>>, vector<16xf32>,
      %parallel_loop3A_1180 = vector.shape_cast %parallel_loop3A_1179 : vector<16xf32> to vector<16xf32>
      %parallel_loop3A_1181 = vector.shape_cast %parallel_loop3A_1177 : vector<16xf32> to vector<16xf32>
      tpu.vector_store %arg5[%parallel_loop3A_1178], %parallel_loop3A_1181 {strides = array<i32>} : memref<65536xf32, #tpu.memory_space<vmem>>, vector<16xf32>,
    } {sc.loop_unroll_factor = 8 : i64, sc.parallel_access}
    %dma_start3A_872 = arith.constant 32768 : i32
    %dma_start3A_873 = tpu.memref_slice %arg5[%dma_start3A_872] : memref<65536xf32, #tpu.memory_space<vmem>> -> memref<32768xf32, #tpu.memory_space<vmem>>
    %dma_start3A_874 = tpu.memref_slice %arg4[%add3A_862] : memref<33554432xf32, #tpu.memory_space<hbm>> -> memref<32768xf32, #tpu.memory_space<hbm>>
    %dma_start3A_875 = tpu.memref_slice %arg4[%add3A_862] : memref<33554432xf32, #tpu.memory_space<hbm>> -> memref<32768xf32, #tpu.memory_space<hbm>>
    %dma_start3A_876 = arith.constant 32768 : i32
    %dma_start3A_877 = tpu.memref_slice %arg5[%dma_start3A_876] : memref<65536xf32, #tpu.memory_space<vmem>> -> memref<32768xf32, #tpu.memory_space<vmem>>
    tpu.enqueue_dma source(%dma_start3A_877 : memref<32768xf32, #tpu.memory_space<vmem>>) target(%dma_start3A_875 : memref<32768xf32, #tpu.memory_space<hbm>>) target_semaphore(%arg12 : memref<!tpu.dma_semaphore, #tpu.memory_space<semaphore_mem>>)
    %add3A_878 = arith.constant 196608 : i32
    %add3A_879 = arith.addi %mul3A_2, %add3A_878 : i32
    %dma_start3A_880 = tpu.memref_slice %arg3[%add3A_879] : memref<8388608xf32, #tpu.memory_space<hbm>> -> memref<32768xf32, #tpu.memory_space<hbm>>
    %dma_start3A_881 = tpu.memref_slice %arg3[%add3A_879] : memref<8388608xf32, #tpu.memory_space<hbm>> -> memref<32768xf32, #tpu.memory_space<hbm>>
    tpu.enqueue_dma source(%dma_start3A_881 : memref<32768xf32, #tpu.memory_space<hbm>>) target(%arg6 : memref<32768xf32, #tpu.memory_space<vmem>>) target_semaphore(%arg9 : memref<!tpu.dma_semaphore, #tpu.memory_space<semaphore_mem>>)
    %add3A_882 = arith.constant 8388608 : i32
    %add3A_883 = arith.addi %add3A_882, %mul3A_2 : i32
    %add3A_884 = arith.constant 196608 : i32
    %add3A_885 = arith.addi %add3A_883, %add3A_884 : i32
    %dma_wait3A_886 = arith.constant 32768 : i32
    %dma_wait3A_887 = tpu.memref_slice %arg5[%dma_wait3A_886] : memref<65536xf32, #tpu.memory_space<vmem>> -> memref<32768xf32, #tpu.memory_space<vmem>>
    %dma_wait3A_888 = tpu.memref_slice %arg4[%add3A_862] : memref<33554432xf32, #tpu.memory_space<hbm>> -> memref<32768xf32, #tpu.memory_space<hbm>>
    %dma_wait3A_889 = tpu.memref_slice %arg4[%add3A_862] : memref<33554432xf32, #tpu.memory_space<hbm>> -> memref<32768xf32, #tpu.memory_space<hbm>>
    %dma_wait3A_890 = arith.constant 32768 : i32
    %dma_wait3A_891 = tpu.memref_slice %arg5[%dma_wait3A_890] : memref<65536xf32, #tpu.memory_space<vmem>> -> memref<32768xf32, #tpu.memory_space<vmem>>
    tpu.wait_dma2 semaphore(%arg12 : memref<!tpu.dma_semaphore, #tpu.memory_space<semaphore_mem>>) src(%dma_wait3A_891 : memref<32768xf32, #tpu.memory_space<vmem>>) dst(%dma_wait3A_889 : memref<32768xf32, #tpu.memory_space<hbm>>)
    %dma_start3A_892 = arith.constant 32768 : i32
    %dma_start3A_893 = tpu.memref_slice %arg5[%dma_start3A_892] : memref<65536xf32, #tpu.memory_space<vmem>> -> memref<32768xf32, #tpu.memory_space<vmem>>
    %dma_start3A_894 = tpu.memref_slice %arg2[%add3A_885] : memref<33554432xf32, #tpu.memory_space<hbm>> -> memref<32768xf32, #tpu.memory_space<hbm>>
    %dma_start3A_895 = arith.constant 32768 : i32
    %dma_start3A_896 = tpu.memref_slice %arg5[%dma_start3A_895] : memref<65536xf32, #tpu.memory_space<vmem>> -> memref<32768xf32, #tpu.memory_space<vmem>>
    %dma_start3A_897 = tpu.memref_slice %arg2[%add3A_885] : memref<33554432xf32, #tpu.memory_space<hbm>> -> memref<32768xf32, #tpu.memory_space<hbm>>
    tpu.enqueue_dma source(%dma_start3A_897 : memref<32768xf32, #tpu.memory_space<hbm>>) target(%dma_start3A_896 : memref<32768xf32, #tpu.memory_space<vmem>>) target_semaphore(%arg8 : memref<!tpu.dma_semaphore, #tpu.memory_space<semaphore_mem>>)
    %add3A_898 = arith.constant 0 : i32
    %add3A_899 = arith.addi %add3A_898, %mul3A_2 : i32
    %add3A_900 = arith.constant 196608 : i32
    %add3A_901 = arith.addi %add3A_899, %add3A_900 : i32
    %dma_wait3A_902 = arith.constant 0 : i32
    %dma_wait3A_903 = tpu.memref_slice %arg5[%dma_wait3A_902] : memref<65536xf32, #tpu.memory_space<vmem>> -> memref<32768xf32, #tpu.memory_space<vmem>>
    %dma_wait3A_904 = tpu.memref_slice %arg2[%add3A_846] : memref<33554432xf32, #tpu.memory_space<hbm>> -> memref<32768xf32, #tpu.memory_space<hbm>>
    %dma_wait3A_905 = arith.constant 0 : i32
    %dma_wait3A_906 = tpu.memref_slice %arg5[%dma_wait3A_905] : memref<65536xf32, #tpu.memory_space<vmem>> -> memref<32768xf32, #tpu.memory_space<vmem>>
    %dma_wait3A_907 = tpu.memref_slice %arg2[%add3A_846] : memref<33554432xf32, #tpu.memory_space<hbm>> -> memref<32768xf32, #tpu.memory_space<hbm>>
    tpu.wait_dma2 semaphore(%arg7 : memref<!tpu.dma_semaphore, #tpu.memory_space<semaphore_mem>>) src(%dma_wait3A_907 : memref<32768xf32, #tpu.memory_space<hbm>>) dst(%dma_wait3A_906 : memref<32768xf32, #tpu.memory_space<vmem>>)
    %dma_wait3A_908 = tpu.memref_slice %arg3[%add3A_879] : memref<8388608xf32, #tpu.memory_space<hbm>> -> memref<32768xf32, #tpu.memory_space<hbm>>
    %dma_wait3A_909 = tpu.memref_slice %arg3[%add3A_879] : memref<8388608xf32, #tpu.memory_space<hbm>> -> memref<32768xf32, #tpu.memory_space<hbm>>
    tpu.wait_dma2 semaphore(%arg9 : memref<!tpu.dma_semaphore, #tpu.memory_space<semaphore_mem>>) src(%dma_wait3A_909 : memref<32768xf32, #tpu.memory_space<hbm>>) dst(%arg6 : memref<32768xf32, #tpu.memory_space<vmem>>)
    %parallel_loop3A_910 = arith.constant 0 : i32
    %parallel_loop3A_911 = arith.constant 32768 : i32
    %parallel_loop3A_912 = arith.constant 16 : i32
    scf.for %parallel_loop3A_1166 = %parallel_loop3A_910 to %parallel_loop3A_911 step %parallel_loop3A_912  : i32 {
      %parallel_loop3A_1167 = arith.constant 0 : i32
      %parallel_loop3A_1168 = arith.addi %parallel_loop3A_1167, %parallel_loop3A_1166 : i32
      %parallel_loop3A_1169 = arith.constant 0 : i32
      %parallel_loop3A_1170 = arith.addi %parallel_loop3A_1169, %parallel_loop3A_1166 : i32
      %parallel_loop3A_1171 = arith.index_cast %parallel_loop3A_1168 : i32 to index
      %parallel_loop3A_1172 = tpu.vector_load %arg5[%parallel_loop3A_1171] {strides = array<i32>} : memref<65536xf32, #tpu.memory_space<vmem>>, vector<16xf32>,
      %parallel_loop3A_1173 = vector.shape_cast %parallel_loop3A_1172 : vector<16xf32> to vector<16xf32>
      %parallel_loop3A_1174 = arith.index_cast %parallel_loop3A_1170 : i32 to index
      %parallel_loop3A_1175 = tpu.vector_load %arg6[%parallel_loop3A_1174] {strides = array<i32>} : memref<32768xf32, #tpu.memory_space<vmem>>, vector<16xf32>,
      %parallel_loop3A_1176 = vector.shape_cast %parallel_loop3A_1175 : vector<16xf32> to vector<16xf32>
      %parallel_loop3A_1177 = arith.addf %parallel_loop3A_1173, %parallel_loop3A_1176 : vector<16xf32>
      %parallel_loop3A_1178 = arith.index_cast %parallel_loop3A_1168 : i32 to index
      %parallel_loop3A_1179 = tpu.vector_load %arg5[%parallel_loop3A_1178] {strides = array<i32>} : memref<65536xf32, #tpu.memory_space<vmem>>, vector<16xf32>,
      %parallel_loop3A_1180 = vector.shape_cast %parallel_loop3A_1179 : vector<16xf32> to vector<16xf32>
      %parallel_loop3A_1181 = vector.shape_cast %parallel_loop3A_1177 : vector<16xf32> to vector<16xf32>
      tpu.vector_store %arg5[%parallel_loop3A_1178], %parallel_loop3A_1181 {strides = array<i32>} : memref<65536xf32, #tpu.memory_space<vmem>>, vector<16xf32>,
    } {sc.loop_unroll_factor = 8 : i64, sc.parallel_access}
    %dma_start3A_913 = arith.constant 0 : i32
    %dma_start3A_914 = tpu.memref_slice %arg5[%dma_start3A_913] : memref<65536xf32, #tpu.memory_space<vmem>> -> memref<32768xf32, #tpu.memory_space<vmem>>
    %dma_start3A_915 = tpu.memref_slice %arg4[%add3A_901] : memref<33554432xf32, #tpu.memory_space<hbm>> -> memref<32768xf32, #tpu.memory_space<hbm>>
    %dma_start3A_916 = tpu.memref_slice %arg4[%add3A_901] : memref<33554432xf32, #tpu.memory_space<hbm>> -> memref<32768xf32, #tpu.memory_space<hbm>>
    %dma_start3A_917 = arith.constant 0 : i32
    %dma_start3A_918 = tpu.memref_slice %arg5[%dma_start3A_917] : memref<65536xf32, #tpu.memory_space<vmem>> -> memref<32768xf32, #tpu.memory_space<vmem>>
    tpu.enqueue_dma source(%dma_start3A_918 : memref<32768xf32, #tpu.memory_space<vmem>>) target(%dma_start3A_916 : memref<32768xf32, #tpu.memory_space<hbm>>) target_semaphore(%arg11 : memref<!tpu.dma_semaphore, #tpu.memory_space<semaphore_mem>>)
    %add3A_919 = arith.constant 16777216 : i32
    %add3A_920 = arith.addi %add3A_919, %mul3A_2 : i32
    %add3A_921 = arith.constant 196608 : i32
    %add3A_922 = arith.addi %add3A_920, %add3A_921 : i32
    %dma_wait3A_923 = arith.constant 0 : i32
    %dma_wait3A_924 = tpu.memref_slice %arg5[%dma_wait3A_923] : memref<65536xf32, #tpu.memory_space<vmem>> -> memref<32768xf32, #tpu.memory_space<vmem>>
    %dma_wait3A_925 = tpu.memref_slice %arg4[%add3A_901] : memref<33554432xf32, #tpu.memory_space<hbm>> -> memref<32768xf32, #tpu.memory_space<hbm>>
    %dma_wait3A_926 = tpu.memref_slice %arg4[%add3A_901] : memref<33554432xf32, #tpu.memory_space<hbm>> -> memref<32768xf32, #tpu.memory_space<hbm>>
    %dma_wait3A_927 = arith.constant 0 : i32
    %dma_wait3A_928 = tpu.memref_slice %arg5[%dma_wait3A_927] : memref<65536xf32, #tpu.memory_space<vmem>> -> memref<32768xf32, #tpu.memory_space<vmem>>
    tpu.wait_dma2 semaphore(%arg11 : memref<!tpu.dma_semaphore, #tpu.memory_space<semaphore_mem>>) src(%dma_wait3A_928 : memref<32768xf32, #tpu.memory_space<vmem>>) dst(%dma_wait3A_926 : memref<32768xf32, #tpu.memory_space<hbm>>)
    %dma_start3A_929 = arith.constant 0 : i32
    %dma_start3A_930 = tpu.memref_slice %arg5[%dma_start3A_929] : memref<65536xf32, #tpu.memory_space<vmem>> -> memref<32768xf32, #tpu.memory_space<vmem>>
    %dma_start3A_931 = tpu.memref_slice %arg2[%add3A_922] : memref<33554432xf32, #tpu.memory_space<hbm>> -> memref<32768xf32, #tpu.memory_space<hbm>>
    %dma_start3A_932 = arith.constant 0 : i32
    %dma_start3A_933 = tpu.memref_slice %arg5[%dma_start3A_932] : memref<65536xf32, #tpu.memory_space<vmem>> -> memref<32768xf32, #tpu.memory_space<vmem>>
    %dma_start3A_934 = tpu.memref_slice %arg2[%add3A_922] : memref<33554432xf32, #tpu.memory_space<hbm>> -> memref<32768xf32, #tpu.memory_space<hbm>>
    tpu.enqueue_dma source(%dma_start3A_934 : memref<32768xf32, #tpu.memory_space<hbm>>) target(%dma_start3A_933 : memref<32768xf32, #tpu.memory_space<vmem>>) target_semaphore(%arg7 : memref<!tpu.dma_semaphore, #tpu.memory_space<semaphore_mem>>)
    %add3A_935 = arith.constant 8388608 : i32
    %add3A_936 = arith.addi %add3A_935, %mul3A_2 : i32
    %add3A_937 = arith.constant 196608 : i32
    %add3A_938 = arith.addi %add3A_936, %add3A_937 : i32
    %dma_wait3A_939 = arith.constant 32768 : i32
    %dma_wait3A_940 = tpu.memref_slice %arg5[%dma_wait3A_939] : memref<65536xf32, #tpu.memory_space<vmem>> -> memref<32768xf32, #tpu.memory_space<vmem>>
    %dma_wait3A_941 = tpu.memref_slice %arg2[%add3A_885] : memref<33554432xf32, #tpu.memory_space<hbm>> -> memref<32768xf32, #tpu.memory_space<hbm>>
    %dma_wait3A_942 = arith.constant 32768 : i32
    %dma_wait3A_943 = tpu.memref_slice %arg5[%dma_wait3A_942] : memref<65536xf32, #tpu.memory_space<vmem>> -> memref<32768xf32, #tpu.memory_space<vmem>>
    %dma_wait3A_944 = tpu.memref_slice %arg2[%add3A_885] : memref<33554432xf32, #tpu.memory_space<hbm>> -> memref<32768xf32, #tpu.memory_space<hbm>>
    tpu.wait_dma2 semaphore(%arg8 : memref<!tpu.dma_semaphore, #tpu.memory_space<semaphore_mem>>) src(%dma_wait3A_944 : memref<32768xf32, #tpu.memory_space<hbm>>) dst(%dma_wait3A_943 : memref<32768xf32, #tpu.memory_space<vmem>>)
    %parallel_loop3A_945 = arith.constant 0 : i32
    %parallel_loop3A_946 = arith.constant 32768 : i32
    %parallel_loop3A_947 = arith.constant 16 : i32
    scf.for %parallel_loop3A_1166 = %parallel_loop3A_945 to %parallel_loop3A_946 step %parallel_loop3A_947  : i32 {
      %parallel_loop3A_1167 = arith.constant 32768 : i32
      %parallel_loop3A_1168 = arith.addi %parallel_loop3A_1167, %parallel_loop3A_1166 : i32
      %parallel_loop3A_1169 = arith.constant 0 : i32
      %parallel_loop3A_1170 = arith.addi %parallel_loop3A_1169, %parallel_loop3A_1166 : i32
      %parallel_loop3A_1171 = arith.index_cast %parallel_loop3A_1168 : i32 to index
      %parallel_loop3A_1172 = tpu.vector_load %arg5[%parallel_loop3A_1171] {strides = array<i32>} : memref<65536xf32, #tpu.memory_space<vmem>>, vector<16xf32>,
      %parallel_loop3A_1173 = vector.shape_cast %parallel_loop3A_1172 : vector<16xf32> to vector<16xf32>
      %parallel_loop3A_1174 = arith.index_cast %parallel_loop3A_1170 : i32 to index
      %parallel_loop3A_1175 = tpu.vector_load %arg6[%parallel_loop3A_1174] {strides = array<i32>} : memref<32768xf32, #tpu.memory_space<vmem>>, vector<16xf32>,
      %parallel_loop3A_1176 = vector.shape_cast %parallel_loop3A_1175 : vector<16xf32> to vector<16xf32>
      %parallel_loop3A_1177 = arith.addf %parallel_loop3A_1173, %parallel_loop3A_1176 : vector<16xf32>
      %parallel_loop3A_1178 = arith.index_cast %parallel_loop3A_1168 : i32 to index
      %parallel_loop3A_1179 = tpu.vector_load %arg5[%parallel_loop3A_1178] {strides = array<i32>} : memref<65536xf32, #tpu.memory_space<vmem>>, vector<16xf32>,
      %parallel_loop3A_1180 = vector.shape_cast %parallel_loop3A_1179 : vector<16xf32> to vector<16xf32>
      %parallel_loop3A_1181 = vector.shape_cast %parallel_loop3A_1177 : vector<16xf32> to vector<16xf32>
      tpu.vector_store %arg5[%parallel_loop3A_1178], %parallel_loop3A_1181 {strides = array<i32>} : memref<65536xf32, #tpu.memory_space<vmem>>, vector<16xf32>,
    } {sc.loop_unroll_factor = 8 : i64, sc.parallel_access}
    %dma_start3A_948 = arith.constant 32768 : i32
    %dma_start3A_949 = tpu.memref_slice %arg5[%dma_start3A_948] : memref<65536xf32, #tpu.memory_space<vmem>> -> memref<32768xf32, #tpu.memory_space<vmem>>
    %dma_start3A_950 = tpu.memref_slice %arg4[%add3A_938] : memref<33554432xf32, #tpu.memory_space<hbm>> -> memref<32768xf32, #tpu.memory_space<hbm>>
    %dma_start3A_951 = tpu.memref_slice %arg4[%add3A_938] : memref<33554432xf32, #tpu.memory_space<hbm>> -> memref<32768xf32, #tpu.memory_space<hbm>>
    %dma_start3A_952 = arith.constant 32768 : i32
    %dma_start3A_953 = tpu.memref_slice %arg5[%dma_start3A_952] : memref<65536xf32, #tpu.memory_space<vmem>> -> memref<32768xf32, #tpu.memory_space<vmem>>
    tpu.enqueue_dma source(%dma_start3A_953 : memref<32768xf32, #tpu.memory_space<vmem>>) target(%dma_start3A_951 : memref<32768xf32, #tpu.memory_space<hbm>>) target_semaphore(%arg12 : memref<!tpu.dma_semaphore, #tpu.memory_space<semaphore_mem>>)
    %add3A_954 = arith.constant 25165824 : i32
    %add3A_955 = arith.addi %add3A_954, %mul3A_2 : i32
    %add3A_956 = arith.constant 196608 : i32
    %add3A_957 = arith.addi %add3A_955, %add3A_956 : i32
    %dma_wait3A_958 = arith.constant 32768 : i32
    %dma_wait3A_959 = tpu.memref_slice %arg5[%dma_wait3A_958] : memref<65536xf32, #tpu.memory_space<vmem>> -> memref<32768xf32, #tpu.memory_space<vmem>>
    %dma_wait3A_960 = tpu.memref_slice %arg4[%add3A_938] : memref<33554432xf32, #tpu.memory_space<hbm>> -> memref<32768xf32, #tpu.memory_space<hbm>>
    %dma_wait3A_961 = tpu.memref_slice %arg4[%add3A_938] : memref<33554432xf32, #tpu.memory_space<hbm>> -> memref<32768xf32, #tpu.memory_space<hbm>>
    %dma_wait3A_962 = arith.constant 32768 : i32
    %dma_wait3A_963 = tpu.memref_slice %arg5[%dma_wait3A_962] : memref<65536xf32, #tpu.memory_space<vmem>> -> memref<32768xf32, #tpu.memory_space<vmem>>
    tpu.wait_dma2 semaphore(%arg12 : memref<!tpu.dma_semaphore, #tpu.memory_space<semaphore_mem>>) src(%dma_wait3A_963 : memref<32768xf32, #tpu.memory_space<vmem>>) dst(%dma_wait3A_961 : memref<32768xf32, #tpu.memory_space<hbm>>)
    %dma_start3A_964 = arith.constant 32768 : i32
    %dma_start3A_965 = tpu.memref_slice %arg5[%dma_start3A_964] : memref<65536xf32, #tpu.memory_space<vmem>> -> memref<32768xf32, #tpu.memory_space<vmem>>
    %dma_start3A_966 = tpu.memref_slice %arg2[%add3A_957] : memref<33554432xf32, #tpu.memory_space<hbm>> -> memref<32768xf32, #tpu.memory_space<hbm>>
    %dma_start3A_967 = arith.constant 32768 : i32
    %dma_start3A_968 = tpu.memref_slice %arg5[%dma_start3A_967] : memref<65536xf32, #tpu.memory_space<vmem>> -> memref<32768xf32, #tpu.memory_space<vmem>>
    %dma_start3A_969 = tpu.memref_slice %arg2[%add3A_957] : memref<33554432xf32, #tpu.memory_space<hbm>> -> memref<32768xf32, #tpu.memory_space<hbm>>
    tpu.enqueue_dma source(%dma_start3A_969 : memref<32768xf32, #tpu.memory_space<hbm>>) target(%dma_start3A_968 : memref<32768xf32, #tpu.memory_space<vmem>>) target_semaphore(%arg8 : memref<!tpu.dma_semaphore, #tpu.memory_space<semaphore_mem>>)
    %add3A_970 = arith.constant 16777216 : i32
    %add3A_971 = arith.addi %add3A_970, %mul3A_2 : i32
    %add3A_972 = arith.constant 196608 : i32
    %add3A_973 = arith.addi %add3A_971, %add3A_972 : i32
    %dma_wait3A_974 = arith.constant 0 : i32
    %dma_wait3A_975 = tpu.memref_slice %arg5[%dma_wait3A_974] : memref<65536xf32, #tpu.memory_space<vmem>> -> memref<32768xf32, #tpu.memory_space<vmem>>
    %dma_wait3A_976 = tpu.memref_slice %arg2[%add3A_922] : memref<33554432xf32, #tpu.memory_space<hbm>> -> memref<32768xf32, #tpu.memory_space<hbm>>
    %dma_wait3A_977 = arith.constant 0 : i32
    %dma_wait3A_978 = tpu.memref_slice %arg5[%dma_wait3A_977] : memref<65536xf32, #tpu.memory_space<vmem>> -> memref<32768xf32, #tpu.memory_space<vmem>>
    %dma_wait3A_979 = tpu.memref_slice %arg2[%add3A_922] : memref<33554432xf32, #tpu.memory_space<hbm>> -> memref<32768xf32, #tpu.memory_space<hbm>>
    tpu.wait_dma2 semaphore(%arg7 : memref<!tpu.dma_semaphore, #tpu.memory_space<semaphore_mem>>) src(%dma_wait3A_979 : memref<32768xf32, #tpu.memory_space<hbm>>) dst(%dma_wait3A_978 : memref<32768xf32, #tpu.memory_space<vmem>>)
    %parallel_loop3A_980 = arith.constant 0 : i32
    %parallel_loop3A_981 = arith.constant 32768 : i32
    %parallel_loop3A_982 = arith.constant 16 : i32
    scf.for %parallel_loop3A_1166 = %parallel_loop3A_980 to %parallel_loop3A_981 step %parallel_loop3A_982  : i32 {
      %parallel_loop3A_1167 = arith.constant 0 : i32
      %parallel_loop3A_1168 = arith.addi %parallel_loop3A_1167, %parallel_loop3A_1166 : i32
      %parallel_loop3A_1169 = arith.constant 0 : i32
      %parallel_loop3A_1170 = arith.addi %parallel_loop3A_1169, %parallel_loop3A_1166 : i32
      %parallel_loop3A_1171 = arith.index_cast %parallel_loop3A_1168 : i32 to index
      %parallel_loop3A_1172 = tpu.vector_load %arg5[%parallel_loop3A_1171] {strides = array<i32>} : memref<65536xf32, #tpu.memory_space<vmem>>, vector<16xf32>,
      %parallel_loop3A_1173 = vector.shape_cast %parallel_loop3A_1172 : vector<16xf32> to vector<16xf32>
      %parallel_loop3A_1174 = arith.index_cast %parallel_loop3A_1170 : i32 to index
      %parallel_loop3A_1175 = tpu.vector_load %arg6[%parallel_loop3A_1174] {strides = array<i32>} : memref<32768xf32, #tpu.memory_space<vmem>>, vector<16xf32>,
      %parallel_loop3A_1176 = vector.shape_cast %parallel_loop3A_1175 : vector<16xf32> to vector<16xf32>
      %parallel_loop3A_1177 = arith.addf %parallel_loop3A_1173, %parallel_loop3A_1176 : vector<16xf32>
      %parallel_loop3A_1178 = arith.index_cast %parallel_loop3A_1168 : i32 to index
      %parallel_loop3A_1179 = tpu.vector_load %arg5[%parallel_loop3A_1178] {strides = array<i32>} : memref<65536xf32, #tpu.memory_space<vmem>>, vector<16xf32>,
      %parallel_loop3A_1180 = vector.shape_cast %parallel_loop3A_1179 : vector<16xf32> to vector<16xf32>
      %parallel_loop3A_1181 = vector.shape_cast %parallel_loop3A_1177 : vector<16xf32> to vector<16xf32>
      tpu.vector_store %arg5[%parallel_loop3A_1178], %parallel_loop3A_1181 {strides = array<i32>} : memref<65536xf32, #tpu.memory_space<vmem>>, vector<16xf32>,
    } {sc.loop_unroll_factor = 8 : i64, sc.parallel_access}
    %dma_start3A_983 = arith.constant 0 : i32
    %dma_start3A_984 = tpu.memref_slice %arg5[%dma_start3A_983] : memref<65536xf32, #tpu.memory_space<vmem>> -> memref<32768xf32, #tpu.memory_space<vmem>>
    %dma_start3A_985 = tpu.memref_slice %arg4[%add3A_973] : memref<33554432xf32, #tpu.memory_space<hbm>> -> memref<32768xf32, #tpu.memory_space<hbm>>
    %dma_start3A_986 = tpu.memref_slice %arg4[%add3A_973] : memref<33554432xf32, #tpu.memory_space<hbm>> -> memref<32768xf32, #tpu.memory_space<hbm>>
    %dma_start3A_987 = arith.constant 0 : i32
    %dma_start3A_988 = tpu.memref_slice %arg5[%dma_start3A_987] : memref<65536xf32, #tpu.memory_space<vmem>> -> memref<32768xf32, #tpu.memory_space<vmem>>
    tpu.enqueue_dma source(%dma_start3A_988 : memref<32768xf32, #tpu.memory_space<vmem>>) target(%dma_start3A_986 : memref<32768xf32, #tpu.memory_space<hbm>>) target_semaphore(%arg11 : memref<!tpu.dma_semaphore, #tpu.memory_space<semaphore_mem>>)
    %add3A_989 = arith.constant 0 : i32
    %add3A_990 = arith.addi %add3A_989, %mul3A_2 : i32
    %add3A_991 = arith.constant 229376 : i32
    %add3A_992 = arith.addi %add3A_990, %add3A_991 : i32
    %dma_wait3A_993 = arith.constant 0 : i32
    %dma_wait3A_994 = tpu.memref_slice %arg5[%dma_wait3A_993] : memref<65536xf32, #tpu.memory_space<vmem>> -> memref<32768xf32, #tpu.memory_space<vmem>>
    %dma_wait3A_995 = tpu.memref_slice %arg4[%add3A_973] : memref<33554432xf32, #tpu.memory_space<hbm>> -> memref<32768xf32, #tpu.memory_space<hbm>>
    %dma_wait3A_996 = tpu.memref_slice %arg4[%add3A_973] : memref<33554432xf32, #tpu.memory_space<hbm>> -> memref<32768xf32, #tpu.memory_space<hbm>>
    %dma_wait3A_997 = arith.constant 0 : i32
    %dma_wait3A_998 = tpu.memref_slice %arg5[%dma_wait3A_997] : memref<65536xf32, #tpu.memory_space<vmem>> -> memref<32768xf32, #tpu.memory_space<vmem>>
    tpu.wait_dma2 semaphore(%arg11 : memref<!tpu.dma_semaphore, #tpu.memory_space<semaphore_mem>>) src(%dma_wait3A_998 : memref<32768xf32, #tpu.memory_space<vmem>>) dst(%dma_wait3A_996 : memref<32768xf32, #tpu.memory_space<hbm>>)
    %dma_start3A_999 = arith.constant 0 : i32
    %dma_start3A_1000 = tpu.memref_slice %arg5[%dma_start3A_999] : memref<65536xf32, #tpu.memory_space<vmem>> -> memref<32768xf32, #tpu.memory_space<vmem>>
    %dma_start3A_1001 = tpu.memref_slice %arg2[%add3A_992] : memref<33554432xf32, #tpu.memory_space<hbm>> -> memref<32768xf32, #tpu.memory_space<hbm>>
    %dma_start3A_1002 = arith.constant 0 : i32
    %dma_start3A_1003 = tpu.memref_slice %arg5[%dma_start3A_1002] : memref<65536xf32, #tpu.memory_space<vmem>> -> memref<32768xf32, #tpu.memory_space<vmem>>
    %dma_start3A_1004 = tpu.memref_slice %arg2[%add3A_992] : memref<33554432xf32, #tpu.memory_space<hbm>> -> memref<32768xf32, #tpu.memory_space<hbm>>
    tpu.enqueue_dma source(%dma_start3A_1004 : memref<32768xf32, #tpu.memory_space<hbm>>) target(%dma_start3A_1003 : memref<32768xf32, #tpu.memory_space<vmem>>) target_semaphore(%arg7 : memref<!tpu.dma_semaphore, #tpu.memory_space<semaphore_mem>>)
    %add3A_1005 = arith.constant 25165824 : i32
    %add3A_1006 = arith.addi %add3A_1005, %mul3A_2 : i32
    %add3A_1007 = arith.constant 196608 : i32
    %add3A_1008 = arith.addi %add3A_1006, %add3A_1007 : i32
    %dma_wait3A_1009 = arith.constant 32768 : i32
    %dma_wait3A_1010 = tpu.memref_slice %arg5[%dma_wait3A_1009] : memref<65536xf32, #tpu.memory_space<vmem>> -> memref<32768xf32, #tpu.memory_space<vmem>>
    %dma_wait3A_1011 = tpu.memref_slice %arg2[%add3A_957] : memref<33554432xf32, #tpu.memory_space<hbm>> -> memref<32768xf32, #tpu.memory_space<hbm>>
    %dma_wait3A_1012 = arith.constant 32768 : i32
    %dma_wait3A_1013 = tpu.memref_slice %arg5[%dma_wait3A_1012] : memref<65536xf32, #tpu.memory_space<vmem>> -> memref<32768xf32, #tpu.memory_space<vmem>>
    %dma_wait3A_1014 = tpu.memref_slice %arg2[%add3A_957] : memref<33554432xf32, #tpu.memory_space<hbm>> -> memref<32768xf32, #tpu.memory_space<hbm>>
    tpu.wait_dma2 semaphore(%arg8 : memref<!tpu.dma_semaphore, #tpu.memory_space<semaphore_mem>>) src(%dma_wait3A_1014 : memref<32768xf32, #tpu.memory_space<hbm>>) dst(%dma_wait3A_1013 : memref<32768xf32, #tpu.memory_space<vmem>>)
    %parallel_loop3A_1015 = arith.constant 0 : i32
    %parallel_loop3A_1016 = arith.constant 32768 : i32
    %parallel_loop3A_1017 = arith.constant 16 : i32
    scf.for %parallel_loop3A_1166 = %parallel_loop3A_1015 to %parallel_loop3A_1016 step %parallel_loop3A_1017  : i32 {
      %parallel_loop3A_1167 = arith.constant 32768 : i32
      %parallel_loop3A_1168 = arith.addi %parallel_loop3A_1167, %parallel_loop3A_1166 : i32
      %parallel_loop3A_1169 = arith.constant 0 : i32
      %parallel_loop3A_1170 = arith.addi %parallel_loop3A_1169, %parallel_loop3A_1166 : i32
      %parallel_loop3A_1171 = arith.index_cast %parallel_loop3A_1168 : i32 to index
      %parallel_loop3A_1172 = tpu.vector_load %arg5[%parallel_loop3A_1171] {strides = array<i32>} : memref<65536xf32, #tpu.memory_space<vmem>>, vector<16xf32>,
      %parallel_loop3A_1173 = vector.shape_cast %parallel_loop3A_1172 : vector<16xf32> to vector<16xf32>
      %parallel_loop3A_1174 = arith.index_cast %parallel_loop3A_1170 : i32 to index
      %parallel_loop3A_1175 = tpu.vector_load %arg6[%parallel_loop3A_1174] {strides = array<i32>} : memref<32768xf32, #tpu.memory_space<vmem>>, vector<16xf32>,
      %parallel_loop3A_1176 = vector.shape_cast %parallel_loop3A_1175 : vector<16xf32> to vector<16xf32>
      %parallel_loop3A_1177 = arith.addf %parallel_loop3A_1173, %parallel_loop3A_1176 : vector<16xf32>
      %parallel_loop3A_1178 = arith.index_cast %parallel_loop3A_1168 : i32 to index
      %parallel_loop3A_1179 = tpu.vector_load %arg5[%parallel_loop3A_1178] {strides = array<i32>} : memref<65536xf32, #tpu.memory_space<vmem>>, vector<16xf32>,
      %parallel_loop3A_1180 = vector.shape_cast %parallel_loop3A_1179 : vector<16xf32> to vector<16xf32>
      %parallel_loop3A_1181 = vector.shape_cast %parallel_loop3A_1177 : vector<16xf32> to vector<16xf32>
      tpu.vector_store %arg5[%parallel_loop3A_1178], %parallel_loop3A_1181 {strides = array<i32>} : memref<65536xf32, #tpu.memory_space<vmem>>, vector<16xf32>,
    } {sc.loop_unroll_factor = 8 : i64, sc.parallel_access}
    %dma_start3A_1018 = arith.constant 32768 : i32
    %dma_start3A_1019 = tpu.memref_slice %arg5[%dma_start3A_1018] : memref<65536xf32, #tpu.memory_space<vmem>> -> memref<32768xf32, #tpu.memory_space<vmem>>
    %dma_start3A_1020 = tpu.memref_slice %arg4[%add3A_1008] : memref<33554432xf32, #tpu.memory_space<hbm>> -> memref<32768xf32, #tpu.memory_space<hbm>>
    %dma_start3A_1021 = tpu.memref_slice %arg4[%add3A_1008] : memref<33554432xf32, #tpu.memory_space<hbm>> -> memref<32768xf32, #tpu.memory_space<hbm>>
    %dma_start3A_1022 = arith.constant 32768 : i32
    %dma_start3A_1023 = tpu.memref_slice %arg5[%dma_start3A_1022] : memref<65536xf32, #tpu.memory_space<vmem>> -> memref<32768xf32, #tpu.memory_space<vmem>>
    tpu.enqueue_dma source(%dma_start3A_1023 : memref<32768xf32, #tpu.memory_space<vmem>>) target(%dma_start3A_1021 : memref<32768xf32, #tpu.memory_space<hbm>>) target_semaphore(%arg12 : memref<!tpu.dma_semaphore, #tpu.memory_space<semaphore_mem>>)
    %add3A_1024 = arith.constant 229376 : i32
    %add3A_1025 = arith.addi %mul3A_2, %add3A_1024 : i32
    %dma_start3A_1026 = tpu.memref_slice %arg3[%add3A_1025] : memref<8388608xf32, #tpu.memory_space<hbm>> -> memref<32768xf32, #tpu.memory_space<hbm>>
    %dma_start3A_1027 = tpu.memref_slice %arg3[%add3A_1025] : memref<8388608xf32, #tpu.memory_space<hbm>> -> memref<32768xf32, #tpu.memory_space<hbm>>
    tpu.enqueue_dma source(%dma_start3A_1027 : memref<32768xf32, #tpu.memory_space<hbm>>) target(%arg6 : memref<32768xf32, #tpu.memory_space<vmem>>) target_semaphore(%arg10 : memref<!tpu.dma_semaphore, #tpu.memory_space<semaphore_mem>>)
    %add3A_1028 = arith.constant 8388608 : i32
    %add3A_1029 = arith.addi %add3A_1028, %mul3A_2 : i32
    %add3A_1030 = arith.constant 229376 : i32
    %add3A_1031 = arith.addi %add3A_1029, %add3A_1030 : i32
    %dma_wait3A_1032 = arith.constant 32768 : i32
    %dma_wait3A_1033 = tpu.memref_slice %arg5[%dma_wait3A_1032] : memref<65536xf32, #tpu.memory_space<vmem>> -> memref<32768xf32, #tpu.memory_space<vmem>>
    %dma_wait3A_1034 = tpu.memref_slice %arg4[%add3A_1008] : memref<33554432xf32, #tpu.memory_space<hbm>> -> memref<32768xf32, #tpu.memory_space<hbm>>
    %dma_wait3A_1035 = tpu.memref_slice %arg4[%add3A_1008] : memref<33554432xf32, #tpu.memory_space<hbm>> -> memref<32768xf32, #tpu.memory_space<hbm>>
    %dma_wait3A_1036 = arith.constant 32768 : i32
    %dma_wait3A_1037 = tpu.memref_slice %arg5[%dma_wait3A_1036] : memref<65536xf32, #tpu.memory_space<vmem>> -> memref<32768xf32, #tpu.memory_space<vmem>>
    tpu.wait_dma2 semaphore(%arg12 : memref<!tpu.dma_semaphore, #tpu.memory_space<semaphore_mem>>) src(%dma_wait3A_1037 : memref<32768xf32, #tpu.memory_space<vmem>>) dst(%dma_wait3A_1035 : memref<32768xf32, #tpu.memory_space<hbm>>)
    %dma_start3A_1038 = arith.constant 32768 : i32
    %dma_start3A_1039 = tpu.memref_slice %arg5[%dma_start3A_1038] : memref<65536xf32, #tpu.memory_space<vmem>> -> memref<32768xf32, #tpu.memory_space<vmem>>
    %dma_start3A_1040 = tpu.memref_slice %arg2[%add3A_1031] : memref<33554432xf32, #tpu.memory_space<hbm>> -> memref<32768xf32, #tpu.memory_space<hbm>>
    %dma_start3A_1041 = arith.constant 32768 : i32
    %dma_start3A_1042 = tpu.memref_slice %arg5[%dma_start3A_1041] : memref<65536xf32, #tpu.memory_space<vmem>> -> memref<32768xf32, #tpu.memory_space<vmem>>
    %dma_start3A_1043 = tpu.memref_slice %arg2[%add3A_1031] : memref<33554432xf32, #tpu.memory_space<hbm>> -> memref<32768xf32, #tpu.memory_space<hbm>>
    tpu.enqueue_dma source(%dma_start3A_1043 : memref<32768xf32, #tpu.memory_space<hbm>>) target(%dma_start3A_1042 : memref<32768xf32, #tpu.memory_space<vmem>>) target_semaphore(%arg8 : memref<!tpu.dma_semaphore, #tpu.memory_space<semaphore_mem>>)
    %add3A_1044 = arith.constant 0 : i32
    %add3A_1045 = arith.addi %add3A_1044, %mul3A_2 : i32
    %add3A_1046 = arith.constant 229376 : i32
    %add3A_1047 = arith.addi %add3A_1045, %add3A_1046 : i32
    %dma_wait3A_1048 = arith.constant 0 : i32
    %dma_wait3A_1049 = tpu.memref_slice %arg5[%dma_wait3A_1048] : memref<65536xf32, #tpu.memory_space<vmem>> -> memref<32768xf32, #tpu.memory_space<vmem>>
    %dma_wait3A_1050 = tpu.memref_slice %arg2[%add3A_992] : memref<33554432xf32, #tpu.memory_space<hbm>> -> memref<32768xf32, #tpu.memory_space<hbm>>
    %dma_wait3A_1051 = arith.constant 0 : i32
    %dma_wait3A_1052 = tpu.memref_slice %arg5[%dma_wait3A_1051] : memref<65536xf32, #tpu.memory_space<vmem>> -> memref<32768xf32, #tpu.memory_space<vmem>>
    %dma_wait3A_1053 = tpu.memref_slice %arg2[%add3A_992] : memref<33554432xf32, #tpu.memory_space<hbm>> -> memref<32768xf32, #tpu.memory_space<hbm>>
    tpu.wait_dma2 semaphore(%arg7 : memref<!tpu.dma_semaphore, #tpu.memory_space<semaphore_mem>>) src(%dma_wait3A_1053 : memref<32768xf32, #tpu.memory_space<hbm>>) dst(%dma_wait3A_1052 : memref<32768xf32, #tpu.memory_space<vmem>>)
    %dma_wait3A_1054 = tpu.memref_slice %arg3[%add3A_1025] : memref<8388608xf32, #tpu.memory_space<hbm>> -> memref<32768xf32, #tpu.memory_space<hbm>>
    %dma_wait3A_1055 = tpu.memref_slice %arg3[%add3A_1025] : memref<8388608xf32, #tpu.memory_space<hbm>> -> memref<32768xf32, #tpu.memory_space<hbm>>
    tpu.wait_dma2 semaphore(%arg10 : memref<!tpu.dma_semaphore, #tpu.memory_space<semaphore_mem>>) src(%dma_wait3A_1055 : memref<32768xf32, #tpu.memory_space<hbm>>) dst(%arg6 : memref<32768xf32, #tpu.memory_space<vmem>>)
    %parallel_loop3A_1056 = arith.constant 0 : i32
    %parallel_loop3A_1057 = arith.constant 32768 : i32
    %parallel_loop3A_1058 = arith.constant 16 : i32
    scf.for %parallel_loop3A_1166 = %parallel_loop3A_1056 to %parallel_loop3A_1057 step %parallel_loop3A_1058  : i32 {
      %parallel_loop3A_1167 = arith.constant 0 : i32
      %parallel_loop3A_1168 = arith.addi %parallel_loop3A_1167, %parallel_loop3A_1166 : i32
      %parallel_loop3A_1169 = arith.constant 0 : i32
      %parallel_loop3A_1170 = arith.addi %parallel_loop3A_1169, %parallel_loop3A_1166 : i32
      %parallel_loop3A_1171 = arith.index_cast %parallel_loop3A_1168 : i32 to index
      %parallel_loop3A_1172 = tpu.vector_load %arg5[%parallel_loop3A_1171] {strides = array<i32>} : memref<65536xf32, #tpu.memory_space<vmem>>, vector<16xf32>,
      %parallel_loop3A_1173 = vector.shape_cast %parallel_loop3A_1172 : vector<16xf32> to vector<16xf32>
      %parallel_loop3A_1174 = arith.index_cast %parallel_loop3A_1170 : i32 to index
      %parallel_loop3A_1175 = tpu.vector_load %arg6[%parallel_loop3A_1174] {strides = array<i32>} : memref<32768xf32, #tpu.memory_space<vmem>>, vector<16xf32>,
      %parallel_loop3A_1176 = vector.shape_cast %parallel_loop3A_1175 : vector<16xf32> to vector<16xf32>
      %parallel_loop3A_1177 = arith.addf %parallel_loop3A_1173, %parallel_loop3A_1176 : vector<16xf32>
      %parallel_loop3A_1178 = arith.index_cast %parallel_loop3A_1168 : i32 to index
      %parallel_loop3A_1179 = tpu.vector_load %arg5[%parallel_loop3A_1178] {strides = array<i32>} : memref<65536xf32, #tpu.memory_space<vmem>>, vector<16xf32>,
      %parallel_loop3A_1180 = vector.shape_cast %parallel_loop3A_1179 : vector<16xf32> to vector<16xf32>
      %parallel_loop3A_1181 = vector.shape_cast %parallel_loop3A_1177 : vector<16xf32> to vector<16xf32>
      tpu.vector_store %arg5[%parallel_loop3A_1178], %parallel_loop3A_1181 {strides = array<i32>} : memref<65536xf32, #tpu.memory_space<vmem>>, vector<16xf32>,
    } {sc.loop_unroll_factor = 8 : i64, sc.parallel_access}
    %dma_start3A_1059 = arith.constant 0 : i32
    %dma_start3A_1060 = tpu.memref_slice %arg5[%dma_start3A_1059] : memref<65536xf32, #tpu.memory_space<vmem>> -> memref<32768xf32, #tpu.memory_space<vmem>>
    %dma_start3A_1061 = tpu.memref_slice %arg4[%add3A_1047] : memref<33554432xf32, #tpu.memory_space<hbm>> -> memref<32768xf32, #tpu.memory_space<hbm>>
    %dma_start3A_1062 = tpu.memref_slice %arg4[%add3A_1047] : memref<33554432xf32, #tpu.memory_space<hbm>> -> memref<32768xf32, #tpu.memory_space<hbm>>
    %dma_start3A_1063 = arith.constant 0 : i32
    %dma_start3A_1064 = tpu.memref_slice %arg5[%dma_start3A_1063] : memref<65536xf32, #tpu.memory_space<vmem>> -> memref<32768xf32, #tpu.memory_space<vmem>>
    tpu.enqueue_dma source(%dma_start3A_1064 : memref<32768xf32, #tpu.memory_space<vmem>>) target(%dma_start3A_1062 : memref<32768xf32, #tpu.memory_space<hbm>>) target_semaphore(%arg11 : memref<!tpu.dma_semaphore, #tpu.memory_space<semaphore_mem>>)
    %add3A_1065 = arith.constant 16777216 : i32
    %add3A_1066 = arith.addi %add3A_1065, %mul3A_2 : i32
    %add3A_1067 = arith.constant 229376 : i32
    %add3A_1068 = arith.addi %add3A_1066, %add3A_1067 : i32
    %dma_wait3A_1069 = arith.constant 0 : i32
    %dma_wait3A_1070 = tpu.memref_slice %arg5[%dma_wait3A_1069] : memref<65536xf32, #tpu.memory_space<vmem>> -> memref<32768xf32, #tpu.memory_space<vmem>>
    %dma_wait3A_1071 = tpu.memref_slice %arg4[%add3A_1047] : memref<33554432xf32, #tpu.memory_space<hbm>> -> memref<32768xf32, #tpu.memory_space<hbm>>
    %dma_wait3A_1072 = tpu.memref_slice %arg4[%add3A_1047] : memref<33554432xf32, #tpu.memory_space<hbm>> -> memref<32768xf32, #tpu.memory_space<hbm>>
    %dma_wait3A_1073 = arith.constant 0 : i32
    %dma_wait3A_1074 = tpu.memref_slice %arg5[%dma_wait3A_1073] : memref<65536xf32, #tpu.memory_space<vmem>> -> memref<32768xf32, #tpu.memory_space<vmem>>
    tpu.wait_dma2 semaphore(%arg11 : memref<!tpu.dma_semaphore, #tpu.memory_space<semaphore_mem>>) src(%dma_wait3A_1074 : memref<32768xf32, #tpu.memory_space<vmem>>) dst(%dma_wait3A_1072 : memref<32768xf32, #tpu.memory_space<hbm>>)
    %dma_start3A_1075 = arith.constant 0 : i32
    %dma_start3A_1076 = tpu.memref_slice %arg5[%dma_start3A_1075] : memref<65536xf32, #tpu.memory_space<vmem>> -> memref<32768xf32, #tpu.memory_space<vmem>>
    %dma_start3A_1077 = tpu.memref_slice %arg2[%add3A_1068] : memref<33554432xf32, #tpu.memory_space<hbm>> -> memref<32768xf32, #tpu.memory_space<hbm>>
    %dma_start3A_1078 = arith.constant 0 : i32
    %dma_start3A_1079 = tpu.memref_slice %arg5[%dma_start3A_1078] : memref<65536xf32, #tpu.memory_space<vmem>> -> memref<32768xf32, #tpu.memory_space<vmem>>
    %dma_start3A_1080 = tpu.memref_slice %arg2[%add3A_1068] : memref<33554432xf32, #tpu.memory_space<hbm>> -> memref<32768xf32, #tpu.memory_space<hbm>>
    tpu.enqueue_dma source(%dma_start3A_1080 : memref<32768xf32, #tpu.memory_space<hbm>>) target(%dma_start3A_1079 : memref<32768xf32, #tpu.memory_space<vmem>>) target_semaphore(%arg7 : memref<!tpu.dma_semaphore, #tpu.memory_space<semaphore_mem>>)
    %add3A_1081 = arith.constant 8388608 : i32
    %add3A_1082 = arith.addi %add3A_1081, %mul3A_2 : i32
    %add3A_1083 = arith.constant 229376 : i32
    %add3A_1084 = arith.addi %add3A_1082, %add3A_1083 : i32
    %dma_wait3A_1085 = arith.constant 32768 : i32
    %dma_wait3A_1086 = tpu.memref_slice %arg5[%dma_wait3A_1085] : memref<65536xf32, #tpu.memory_space<vmem>> -> memref<32768xf32, #tpu.memory_space<vmem>>
    %dma_wait3A_1087 = tpu.memref_slice %arg2[%add3A_1031] : memref<33554432xf32, #tpu.memory_space<hbm>> -> memref<32768xf32, #tpu.memory_space<hbm>>
    %dma_wait3A_1088 = arith.constant 32768 : i32
    %dma_wait3A_1089 = tpu.memref_slice %arg5[%dma_wait3A_1088] : memref<65536xf32, #tpu.memory_space<vmem>> -> memref<32768xf32, #tpu.memory_space<vmem>>
    %dma_wait3A_1090 = tpu.memref_slice %arg2[%add3A_1031] : memref<33554432xf32, #tpu.memory_space<hbm>> -> memref<32768xf32, #tpu.memory_space<hbm>>
    tpu.wait_dma2 semaphore(%arg8 : memref<!tpu.dma_semaphore, #tpu.memory_space<semaphore_mem>>) src(%dma_wait3A_1090 : memref<32768xf32, #tpu.memory_space<hbm>>) dst(%dma_wait3A_1089 : memref<32768xf32, #tpu.memory_space<vmem>>)
    %parallel_loop3A_1091 = arith.constant 0 : i32
    %parallel_loop3A_1092 = arith.constant 32768 : i32
    %parallel_loop3A_1093 = arith.constant 16 : i32
    scf.for %parallel_loop3A_1166 = %parallel_loop3A_1091 to %parallel_loop3A_1092 step %parallel_loop3A_1093  : i32 {
      %parallel_loop3A_1167 = arith.constant 32768 : i32
      %parallel_loop3A_1168 = arith.addi %parallel_loop3A_1167, %parallel_loop3A_1166 : i32
      %parallel_loop3A_1169 = arith.constant 0 : i32
      %parallel_loop3A_1170 = arith.addi %parallel_loop3A_1169, %parallel_loop3A_1166 : i32
      %parallel_loop3A_1171 = arith.index_cast %parallel_loop3A_1168 : i32 to index
      %parallel_loop3A_1172 = tpu.vector_load %arg5[%parallel_loop3A_1171] {strides = array<i32>} : memref<65536xf32, #tpu.memory_space<vmem>>, vector<16xf32>,
      %parallel_loop3A_1173 = vector.shape_cast %parallel_loop3A_1172 : vector<16xf32> to vector<16xf32>
      %parallel_loop3A_1174 = arith.index_cast %parallel_loop3A_1170 : i32 to index
      %parallel_loop3A_1175 = tpu.vector_load %arg6[%parallel_loop3A_1174] {strides = array<i32>} : memref<32768xf32, #tpu.memory_space<vmem>>, vector<16xf32>,
      %parallel_loop3A_1176 = vector.shape_cast %parallel_loop3A_1175 : vector<16xf32> to vector<16xf32>
      %parallel_loop3A_1177 = arith.addf %parallel_loop3A_1173, %parallel_loop3A_1176 : vector<16xf32>
      %parallel_loop3A_1178 = arith.index_cast %parallel_loop3A_1168 : i32 to index
      %parallel_loop3A_1179 = tpu.vector_load %arg5[%parallel_loop3A_1178] {strides = array<i32>} : memref<65536xf32, #tpu.memory_space<vmem>>, vector<16xf32>,
      %parallel_loop3A_1180 = vector.shape_cast %parallel_loop3A_1179 : vector<16xf32> to vector<16xf32>
      %parallel_loop3A_1181 = vector.shape_cast %parallel_loop3A_1177 : vector<16xf32> to vector<16xf32>
      tpu.vector_store %arg5[%parallel_loop3A_1178], %parallel_loop3A_1181 {strides = array<i32>} : memref<65536xf32, #tpu.memory_space<vmem>>, vector<16xf32>,
    } {sc.loop_unroll_factor = 8 : i64, sc.parallel_access}
    %dma_start3A_1094 = arith.constant 32768 : i32
    %dma_start3A_1095 = tpu.memref_slice %arg5[%dma_start3A_1094] : memref<65536xf32, #tpu.memory_space<vmem>> -> memref<32768xf32, #tpu.memory_space<vmem>>
    %dma_start3A_1096 = tpu.memref_slice %arg4[%add3A_1084] : memref<33554432xf32, #tpu.memory_space<hbm>> -> memref<32768xf32, #tpu.memory_space<hbm>>
    %dma_start3A_1097 = tpu.memref_slice %arg4[%add3A_1084] : memref<33554432xf32, #tpu.memory_space<hbm>> -> memref<32768xf32, #tpu.memory_space<hbm>>
    %dma_start3A_1098 = arith.constant 32768 : i32
    %dma_start3A_1099 = tpu.memref_slice %arg5[%dma_start3A_1098] : memref<65536xf32, #tpu.memory_space<vmem>> -> memref<32768xf32, #tpu.memory_space<vmem>>
    tpu.enqueue_dma source(%dma_start3A_1099 : memref<32768xf32, #tpu.memory_space<vmem>>) target(%dma_start3A_1097 : memref<32768xf32, #tpu.memory_space<hbm>>) target_semaphore(%arg12 : memref<!tpu.dma_semaphore, #tpu.memory_space<semaphore_mem>>)
    %add3A_1100 = arith.constant 25165824 : i32
    %add3A_1101 = arith.addi %add3A_1100, %mul3A_2 : i32
    %add3A_1102 = arith.constant 229376 : i32
    %add3A_1103 = arith.addi %add3A_1101, %add3A_1102 : i32
    %dma_wait3A_1104 = arith.constant 32768 : i32
    %dma_wait3A_1105 = tpu.memref_slice %arg5[%dma_wait3A_1104] : memref<65536xf32, #tpu.memory_space<vmem>> -> memref<32768xf32, #tpu.memory_space<vmem>>
    %dma_wait3A_1106 = tpu.memref_slice %arg4[%add3A_1084] : memref<33554432xf32, #tpu.memory_space<hbm>> -> memref<32768xf32, #tpu.memory_space<hbm>>
    %dma_wait3A_1107 = tpu.memref_slice %arg4[%add3A_1084] : memref<33554432xf32, #tpu.memory_space<hbm>> -> memref<32768xf32, #tpu.memory_space<hbm>>
    %dma_wait3A_1108 = arith.constant 32768 : i32
    %dma_wait3A_1109 = tpu.memref_slice %arg5[%dma_wait3A_1108] : memref<65536xf32, #tpu.memory_space<vmem>> -> memref<32768xf32, #tpu.memory_space<vmem>>
    tpu.wait_dma2 semaphore(%arg12 : memref<!tpu.dma_semaphore, #tpu.memory_space<semaphore_mem>>) src(%dma_wait3A_1109 : memref<32768xf32, #tpu.memory_space<vmem>>) dst(%dma_wait3A_1107 : memref<32768xf32, #tpu.memory_space<hbm>>)
    %dma_start3A_1110 = arith.constant 32768 : i32
    %dma_start3A_1111 = tpu.memref_slice %arg5[%dma_start3A_1110] : memref<65536xf32, #tpu.memory_space<vmem>> -> memref<32768xf32, #tpu.memory_space<vmem>>
    %dma_start3A_1112 = tpu.memref_slice %arg2[%add3A_1103] : memref<33554432xf32, #tpu.memory_space<hbm>> -> memref<32768xf32, #tpu.memory_space<hbm>>
    %dma_start3A_1113 = arith.constant 32768 : i32
    %dma_start3A_1114 = tpu.memref_slice %arg5[%dma_start3A_1113] : memref<65536xf32, #tpu.memory_space<vmem>> -> memref<32768xf32, #tpu.memory_space<vmem>>
    %dma_start3A_1115 = tpu.memref_slice %arg2[%add3A_1103] : memref<33554432xf32, #tpu.memory_space<hbm>> -> memref<32768xf32, #tpu.memory_space<hbm>>
    tpu.enqueue_dma source(%dma_start3A_1115 : memref<32768xf32, #tpu.memory_space<hbm>>) target(%dma_start3A_1114 : memref<32768xf32, #tpu.memory_space<vmem>>) target_semaphore(%arg8 : memref<!tpu.dma_semaphore, #tpu.memory_space<semaphore_mem>>)
    %add3A_1116 = arith.constant 16777216 : i32
    %add3A_1117 = arith.addi %add3A_1116, %mul3A_2 : i32
    %add3A_1118 = arith.constant 229376 : i32
    %add3A_1119 = arith.addi %add3A_1117, %add3A_1118 : i32
    %dma_wait3A_1120 = arith.constant 0 : i32
    %dma_wait3A_1121 = tpu.memref_slice %arg5[%dma_wait3A_1120] : memref<65536xf32, #tpu.memory_space<vmem>> -> memref<32768xf32, #tpu.memory_space<vmem>>
    %dma_wait3A_1122 = tpu.memref_slice %arg2[%add3A_1068] : memref<33554432xf32, #tpu.memory_space<hbm>> -> memref<32768xf32, #tpu.memory_space<hbm>>
    %dma_wait3A_1123 = arith.constant 0 : i32
    %dma_wait3A_1124 = tpu.memref_slice %arg5[%dma_wait3A_1123] : memref<65536xf32, #tpu.memory_space<vmem>> -> memref<32768xf32, #tpu.memory_space<vmem>>
    %dma_wait3A_1125 = tpu.memref_slice %arg2[%add3A_1068] : memref<33554432xf32, #tpu.memory_space<hbm>> -> memref<32768xf32, #tpu.memory_space<hbm>>
    tpu.wait_dma2 semaphore(%arg7 : memref<!tpu.dma_semaphore, #tpu.memory_space<semaphore_mem>>) src(%dma_wait3A_1125 : memref<32768xf32, #tpu.memory_space<hbm>>) dst(%dma_wait3A_1124 : memref<32768xf32, #tpu.memory_space<vmem>>)
    %parallel_loop3A_1126 = arith.constant 0 : i32
    %parallel_loop3A_1127 = arith.constant 32768 : i32
    %parallel_loop3A_1128 = arith.constant 16 : i32
    scf.for %parallel_loop3A_1166 = %parallel_loop3A_1126 to %parallel_loop3A_1127 step %parallel_loop3A_1128  : i32 {
      %parallel_loop3A_1167 = arith.constant 0 : i32
      %parallel_loop3A_1168 = arith.addi %parallel_loop3A_1167, %parallel_loop3A_1166 : i32
      %parallel_loop3A_1169 = arith.constant 0 : i32
      %parallel_loop3A_1170 = arith.addi %parallel_loop3A_1169, %parallel_loop3A_1166 : i32
      %parallel_loop3A_1171 = arith.index_cast %parallel_loop3A_1168 : i32 to index
      %parallel_loop3A_1172 = tpu.vector_load %arg5[%parallel_loop3A_1171] {strides = array<i32>} : memref<65536xf32, #tpu.memory_space<vmem>>, vector<16xf32>,
      %parallel_loop3A_1173 = vector.shape_cast %parallel_loop3A_1172 : vector<16xf32> to vector<16xf32>
      %parallel_loop3A_1174 = arith.index_cast %parallel_loop3A_1170 : i32 to index
      %parallel_loop3A_1175 = tpu.vector_load %arg6[%parallel_loop3A_1174] {strides = array<i32>} : memref<32768xf32, #tpu.memory_space<vmem>>, vector<16xf32>,
      %parallel_loop3A_1176 = vector.shape_cast %parallel_loop3A_1175 : vector<16xf32> to vector<16xf32>
      %parallel_loop3A_1177 = arith.addf %parallel_loop3A_1173, %parallel_loop3A_1176 : vector<16xf32>
      %parallel_loop3A_1178 = arith.index_cast %parallel_loop3A_1168 : i32 to index
      %parallel_loop3A_1179 = tpu.vector_load %arg5[%parallel_loop3A_1178] {strides = array<i32>} : memref<65536xf32, #tpu.memory_space<vmem>>, vector<16xf32>,
      %parallel_loop3A_1180 = vector.shape_cast %parallel_loop3A_1179 : vector<16xf32> to vector<16xf32>
      %parallel_loop3A_1181 = vector.shape_cast %parallel_loop3A_1177 : vector<16xf32> to vector<16xf32>
      tpu.vector_store %arg5[%parallel_loop3A_1178], %parallel_loop3A_1181 {strides = array<i32>} : memref<65536xf32, #tpu.memory_space<vmem>>, vector<16xf32>,
    } {sc.loop_unroll_factor = 8 : i64, sc.parallel_access}
    %dma_start3A_1129 = arith.constant 0 : i32
    %dma_start3A_1130 = tpu.memref_slice %arg5[%dma_start3A_1129] : memref<65536xf32, #tpu.memory_space<vmem>> -> memref<32768xf32, #tpu.memory_space<vmem>>
    %dma_start3A_1131 = tpu.memref_slice %arg4[%add3A_1119] : memref<33554432xf32, #tpu.memory_space<hbm>> -> memref<32768xf32, #tpu.memory_space<hbm>>
    %dma_start3A_1132 = tpu.memref_slice %arg4[%add3A_1119] : memref<33554432xf32, #tpu.memory_space<hbm>> -> memref<32768xf32, #tpu.memory_space<hbm>>
    %dma_start3A_1133 = arith.constant 0 : i32
    %dma_start3A_1134 = tpu.memref_slice %arg5[%dma_start3A_1133] : memref<65536xf32, #tpu.memory_space<vmem>> -> memref<32768xf32, #tpu.memory_space<vmem>>
    tpu.enqueue_dma source(%dma_start3A_1134 : memref<32768xf32, #tpu.memory_space<vmem>>) target(%dma_start3A_1132 : memref<32768xf32, #tpu.memory_space<hbm>>) target_semaphore(%arg11 : memref<!tpu.dma_semaphore, #tpu.memory_space<semaphore_mem>>)
    %add3A_1135 = arith.constant 25165824 : i32
    %add3A_1136 = arith.addi %add3A_1135, %mul3A_2 : i32
    %add3A_1137 = arith.constant 229376 : i32
    %add3A_1138 = arith.addi %add3A_1136, %add3A_1137 : i32
    %dma_wait3A_1139 = arith.constant 32768 : i32
    %dma_wait3A_1140 = tpu.memref_slice %arg5[%dma_wait3A_1139] : memref<65536xf32, #tpu.memory_space<vmem>> -> memref<32768xf32, #tpu.memory_space<vmem>>
    %dma_wait3A_1141 = tpu.memref_slice %arg2[%add3A_1103] : memref<33554432xf32, #tpu.memory_space<hbm>> -> memref<32768xf32, #tpu.memory_space<hbm>>
    %dma_wait3A_1142 = arith.constant 32768 : i32
    %dma_wait3A_1143 = tpu.memref_slice %arg5[%dma_wait3A_1142] : memref<65536xf32, #tpu.memory_space<vmem>> -> memref<32768xf32, #tpu.memory_space<vmem>>
    %dma_wait3A_1144 = tpu.memref_slice %arg2[%add3A_1103] : memref<33554432xf32, #tpu.memory_space<hbm>> -> memref<32768xf32, #tpu.memory_space<hbm>>
    tpu.wait_dma2 semaphore(%arg8 : memref<!tpu.dma_semaphore, #tpu.memory_space<semaphore_mem>>) src(%dma_wait3A_1144 : memref<32768xf32, #tpu.memory_space<hbm>>) dst(%dma_wait3A_1143 : memref<32768xf32, #tpu.memory_space<vmem>>)
    %parallel_loop3A_1145 = arith.constant 0 : i32
    %parallel_loop3A_1146 = arith.constant 32768 : i32
    %parallel_loop3A_1147 = arith.constant 16 : i32
    scf.for %parallel_loop3A_1166 = %parallel_loop3A_1145 to %parallel_loop3A_1146 step %parallel_loop3A_1147  : i32 {
      %parallel_loop3A_1167 = arith.constant 32768 : i32
      %parallel_loop3A_1168 = arith.addi %parallel_loop3A_1167, %parallel_loop3A_1166 : i32
      %parallel_loop3A_1169 = arith.constant 0 : i32
      %parallel_loop3A_1170 = arith.addi %parallel_loop3A_1169, %parallel_loop3A_1166 : i32
      %parallel_loop3A_1171 = arith.index_cast %parallel_loop3A_1168 : i32 to index
      %parallel_loop3A_1172 = tpu.vector_load %arg5[%parallel_loop3A_1171] {strides = array<i32>} : memref<65536xf32, #tpu.memory_space<vmem>>, vector<16xf32>,
      %parallel_loop3A_1173 = vector.shape_cast %parallel_loop3A_1172 : vector<16xf32> to vector<16xf32>
      %parallel_loop3A_1174 = arith.index_cast %parallel_loop3A_1170 : i32 to index
      %parallel_loop3A_1175 = tpu.vector_load %arg6[%parallel_loop3A_1174] {strides = array<i32>} : memref<32768xf32, #tpu.memory_space<vmem>>, vector<16xf32>,
      %parallel_loop3A_1176 = vector.shape_cast %parallel_loop3A_1175 : vector<16xf32> to vector<16xf32>
      %parallel_loop3A_1177 = arith.addf %parallel_loop3A_1173, %parallel_loop3A_1176 : vector<16xf32>
      %parallel_loop3A_1178 = arith.index_cast %parallel_loop3A_1168 : i32 to index
      %parallel_loop3A_1179 = tpu.vector_load %arg5[%parallel_loop3A_1178] {strides = array<i32>} : memref<65536xf32, #tpu.memory_space<vmem>>, vector<16xf32>,
      %parallel_loop3A_1180 = vector.shape_cast %parallel_loop3A_1179 : vector<16xf32> to vector<16xf32>
      %parallel_loop3A_1181 = vector.shape_cast %parallel_loop3A_1177 : vector<16xf32> to vector<16xf32>
      tpu.vector_store %arg5[%parallel_loop3A_1178], %parallel_loop3A_1181 {strides = array<i32>} : memref<65536xf32, #tpu.memory_space<vmem>>, vector<16xf32>,
    } {sc.loop_unroll_factor = 8 : i64, sc.parallel_access}
    %dma_start3A_1148 = arith.constant 32768 : i32
    %dma_start3A_1149 = tpu.memref_slice %arg5[%dma_start3A_1148] : memref<65536xf32, #tpu.memory_space<vmem>> -> memref<32768xf32, #tpu.memory_space<vmem>>
    %dma_start3A_1150 = tpu.memref_slice %arg4[%add3A_1138] : memref<33554432xf32, #tpu.memory_space<hbm>> -> memref<32768xf32, #tpu.memory_space<hbm>>
    %dma_start3A_1151 = tpu.memref_slice %arg4[%add3A_1138] : memref<33554432xf32, #tpu.memory_space<hbm>> -> memref<32768xf32, #tpu.memory_space<hbm>>
    %dma_start3A_1152 = arith.constant 32768 : i32
    %dma_start3A_1153 = tpu.memref_slice %arg5[%dma_start3A_1152] : memref<65536xf32, #tpu.memory_space<vmem>> -> memref<32768xf32, #tpu.memory_space<vmem>>
    tpu.enqueue_dma source(%dma_start3A_1153 : memref<32768xf32, #tpu.memory_space<vmem>>) target(%dma_start3A_1151 : memref<32768xf32, #tpu.memory_space<hbm>>) target_semaphore(%arg12 : memref<!tpu.dma_semaphore, #tpu.memory_space<semaphore_mem>>)
    %dma_wait3A_1154 = arith.constant 0 : i32
    %dma_wait3A_1155 = tpu.memref_slice %arg5[%dma_wait3A_1154] : memref<65536xf32, #tpu.memory_space<vmem>> -> memref<32768xf32, #tpu.memory_space<vmem>>
    %dma_wait3A_1156 = tpu.memref_slice %arg4[%add3A_1119] : memref<33554432xf32, #tpu.memory_space<hbm>> -> memref<32768xf32, #tpu.memory_space<hbm>>
    %dma_wait3A_1157 = tpu.memref_slice %arg4[%add3A_1119] : memref<33554432xf32, #tpu.memory_space<hbm>> -> memref<32768xf32, #tpu.memory_space<hbm>>
    %dma_wait3A_1158 = arith.constant 0 : i32
    %dma_wait3A_1159 = tpu.memref_slice %arg5[%dma_wait3A_1158] : memref<65536xf32, #tpu.memory_space<vmem>> -> memref<32768xf32, #tpu.memory_space<vmem>>
    tpu.wait_dma2 semaphore(%arg11 : memref<!tpu.dma_semaphore, #tpu.memory_space<semaphore_mem>>) src(%dma_wait3A_1159 : memref<32768xf32, #tpu.memory_space<vmem>>) dst(%dma_wait3A_1157 : memref<32768xf32, #tpu.memory_space<hbm>>)
    %dma_wait3A_1160 = arith.constant 32768 : i32
    %dma_wait3A_1161 = tpu.memref_slice %arg5[%dma_wait3A_1160] : memref<65536xf32, #tpu.memory_space<vmem>> -> memref<32768xf32, #tpu.memory_space<vmem>>
    %dma_wait3A_1162 = tpu.memref_slice %arg4[%add3A_1138] : memref<33554432xf32, #tpu.memory_space<hbm>> -> memref<32768xf32, #tpu.memory_space<hbm>>
    %dma_wait3A_1163 = tpu.memref_slice %arg4[%add3A_1138] : memref<33554432xf32, #tpu.memory_space<hbm>> -> memref<32768xf32, #tpu.memory_space<hbm>>
    %dma_wait3A_1164 = arith.constant 32768 : i32
    %dma_wait3A_1165 = tpu.memref_slice %arg5[%dma_wait3A_1164] : memref<65536xf32, #tpu.memory_space<vmem>> -> memref<32768xf32, #tpu.memory_space<vmem>>
    tpu.wait_dma2 semaphore(%arg12 : memref<!tpu.dma_semaphore, #tpu.memory_space<semaphore_mem>>) src(%dma_wait3A_1165 : memref<32768xf32, #tpu.memory_space<vmem>>) dst(%dma_wait3A_1163 : memref<32768xf32, #tpu.memory_space<hbm>>)
    return
  }
}

</mosaic_0001>

<sc_bundles>
// kernel: kernel.3.cloned.1.call-start
scs
__scs_entry_jumppad:
0x0: {  	(pc) =	sbr.rel $0x88, $3  }
0x1: {  	(tag) =	ssettag $0x0;
	lr =	simm.s32 $0x1  }
0x2: {  	[smem:$0x3F9F] =	sst lr;
	_ =	strace $0xD0000000  }
0x3: {  	_ = 	snop  }
0x4: {  	_ = 	snop  }
0x5: {  	_ = 	snop  }
0x6: {  	_ = 	snop  }
0x7: {  	_ = 	snop  }
__scs_overlays_trampoline_lowered:
0x8: {  	[smem:$0x3FAE] =	sst s0  }
0x9: {  	[smem:$0x3FAF] =	sst s1  }
0xa: {  	[smem:$0x3FB0] =	sst s2  }
0xb: {  	[smem:$0x3FB1] =	sst s3  }
0xc: {  	[smem:$0x3FB2] =	sst s4  }
0xd: {  	[smem:$0x3FB3] =	sst s5  }
0xe: {  	[smem:$0x3FB4] =	sst s6  }
0xf: {  	[smem:$0x3FB5] =	sst s7  }
0x10: {  	[smem:$0x3FB6] =	sst s8  }
0x11: {  	[smem:$0x3FB7] =	sst s9;
	s0 =	simm.s32 @!p0 $0x0  }
0x12: {  	s1 =	sld [smem:$0x3F9D];
	s0 =	simm.s32 @p0 $0x1  }
0x13: {  	[smem:$0x3FB8] =	sst s0;
	s0 =	simm.s32 @!p1 $0x0  }
0x14: {  	s2 =	sld [smem:$0x3F9C];
	s0 =	simm.s32 @p1 $0x1  }
0x15: {  	[smem:$0x3FB9] =	sst s0;
	s0 =	simm.s32 @!p2 $0x0  }
0x16: {  	s3 =	sld [smem:$0x3FDB];
	s0 =	simm.s32 @p2 $0x1  }
0x17: {  	s4 =	simm.s32 $0x1BF5;
	[smem:$0x3FBB] =	sst s0  }
0x18: {  	s0 =	sld [smem:$0x3F9E];
	_ =	swait.ge [sflag:s4], $0x0  }
0x19: {  	s7 =	sld [smem:$0x3F9F]  }
0x1a: {  	s8 =	sadd.s32 $0xFFFFE003, lr  }
0x1b: {  	s9 =	sadd.s32 $0xFFFFFEF7, lr;
	s5 =	simm.s32 $0xFFFFFFFF;
	p2 =	slt.u32 s8, $0xFFFFF086  }
0x1c: {  	p1 =	slt.u32 s9, $0xF7A;
	s5 =	simm.s32 @!p2 $0x0  }
0x1d: {  	s5 =	simm.s32 @p1 $0x1;
	p0 =	seq.s32 s7, s2  }
0x1e: {  	s7 =	smul.u32 @!p0 $0xF7A, s2;
	p2 =	seq.s32 @!p0 s5, $0x0  }
0x1f: {  	s9 =	smul.u32 $0xF7A, s1;
	s8 =	simm.s32 @!p0 $0x1BF5;
	p2 =	por !p2, p0  }
0x20: {  	[sflag:s8] =	ssyncset.s32 @!p0 $0xFFFFF086;
	s6 =	sadd.s32 @!p0 s3, s7;
	s7 =	simm.s32 @!p0 $0x108  }
0x21: {  	s3 =	sadd.s32 s3, s9;
	s6 =	sadd.s32 @!p0 $0x88, s6;
	s7 =	simm.s32 @p2 $0x1082  }
0x22: {  	[simem:s7], [sflag:s8] =	dma.local @!p0 [hbm:s6], $0xF7A  }
0x23: {  	s9 =	sor.u32 $0xD0000000, s2;
	s6 =	simm.s32 $0x108;
	_ =	swait.ge @!p0 [sflag:s8], $0x0  }
0x24: {  	s3 =	sadd.s32 $0x88, s3;
	s6 =	simm.s32 @!p1 $0x1082;
	[sflag:s4] =	ssyncset.s32 $0xFFFFF086  }
0x25: {  	[simem:s6], [sflag:s4] =	dma.local [hbm:s3], $0xF7A  }
0x26: {  	[smem:$0x3F9F] =	sst s1;
	(tag) =	ssettag s2;
	_ =	strace s9  }
0x27: {  	s1 =	sld [smem:$0x3FAF]  }
0x28: {  	s2 =	sld [smem:$0x3FB0]  }
0x29: {  	s4 =	sld [smem:$0x3FB2]  }
0x2a: {  	p0 =	seq.s32 s5, $0x0;
	s5 =	sld [smem:$0x3FB3]  }
0x2b: {  	s6 =	sld [smem:$0x3FB4]  }
0x2c: {  	s7 =	sld [smem:$0x3FB5]  }
0x2d: {  	s3 =	simm.s32 $0x108;
	s8 =	sld [smem:$0x3FB6]  }
0x2e: {  	s3 =	simm.s32 @!p0 $0x1082;
	s9 =	sld [smem:$0x3FB7]  }
0x2f: {  	lr =	sadd.s32 s0, s3;
	s0 =	sld [smem:$0x3FAE]  }
0x30: {  	s3 =	sld [smem:$0x3FB1]  }
0x31: {  	[smem:$0x3FBA] =	sst s10  }
0x32: {  	s10 =	sld [smem:$0x3FB8];
	_ =	sdelay $0x3  }
0x33: {  	p0 =	seq.s32 s10, $0x1;
	s10 =	sld [smem:$0x3FBA];
	_ =	sdelay $0x3  }
0x34: {  	[smem:$0x3FBA] =	sst s10  }
0x35: {  	s10 =	sld [smem:$0x3FB9];
	_ =	sdelay $0x3  }
0x36: {  	p1 =	seq.s32 s10, $0x1;
	s10 =	sld [smem:$0x3FBA];
	_ =	sdelay $0x3  }
0x37: {  	[smem:$0x3FBA] =	sst s10  }
0x38: {  	s10 =	sld [smem:$0x3FBB]  }
0x39: {  	_ = 	snop;
	(pc) =	sbr.ind lr, $3  }
0x3a: {  	_ = 	snop  }
0x3b: {  	_ = 	snop  }
0x3c: {  	p2 =	seq.s32 s10, $0x1;
	s10 =	sld [smem:$0x3FBA]  }
0x3d: {  	_ =	shalt  }
0x3e: {  	_ =	shalt  }
0x3f: {  	_ =	shalt  }
0x40: {  	_ =	shalt  }
0x41: {  	_ =	shalt  }
0x42: {  	_ =	shalt  }
0x43: {  	_ =	shalt  }
0x44: {  	_ =	shalt  }
0x45: {  	_ =	shalt  }
0x46: {  	_ =	shalt  }
0x47: {  	_ =	shalt  }
0x48: {  	_ =	shalt  }
0x49: {  	_ =	shalt  }
0x4a: {  	_ =	shalt  }
0x4b: {  	_ =	shalt  }
0x4c: {  	_ =	shalt  }
0x4d: {  	_ =	shalt  }
0x4e: {  	_ =	shalt  }
0x4f: {  	_ =	shalt  }
0x50: {  	_ =	shalt  }
0x51: {  	_ =	shalt  }
0x52: {  	_ =	shalt  }
0x53: {  	_ =	shalt  }
0x54: {  	_ =	shalt  }
0x55: {  	_ =	shalt  }
0x56: {  	_ =	shalt  }
0x57: {  	_ =	shalt  }
0x58: {  	_ =	shalt  }
0x59: {  	_ =	shalt  }
0x5a: {  	_ =	shalt  }
0x5b: {  	_ =	shalt  }
0x5c: {  	_ =	shalt  }
0x5d: {  	_ =	shalt  }
0x5e: {  	_ =	shalt  }
0x5f: {  	_ =	shalt  }
0x60: {  	_ =	shalt  }
0x61: {  	_ =	shalt  }
0x62: {  	_ =	shalt  }
0x63: {  	_ =	shalt  }
0x64: {  	_ =	shalt  }
0x65: {  	_ =	shalt  }
0x66: {  	_ =	shalt  }
0x67: {  	_ =	shalt  }
0x68: {  	_ =	shalt  }
0x69: {  	_ =	shalt  }
0x6a: {  	_ =	shalt  }
0x6b: {  	_ =	shalt  }
0x6c: {  	_ =	shalt  }
0x6d: {  	_ =	shalt  }
0x6e: {  	_ =	shalt  }
0x6f: {  	_ =	shalt  }
0x70: {  	_ =	shalt  }
0x71: {  	_ =	shalt  }
0x72: {  	_ =	shalt  }
0x73: {  	_ =	shalt  }
0x74: {  	_ =	shalt  }
0x75: {  	_ =	shalt  }
0x76: {  	_ =	shalt  }
0x77: {  	_ =	shalt  }
0x78: {  	_ =	shalt  }
0x79: {  	_ =	shalt  }
0x7a: {  	_ =	shalt  }
0x7b: {  	_ =	shalt  }
0x7c: {  	_ =	shalt  }
0x7d: {  	_ =	shalt  }
0x7e: {  	_ =	shalt  }
0x7f: {  	_ =	shalt  }
0x80: {  	_ =	shalt  }
0x81: {  	_ =	shalt  }
0x82: {  	_ =	shalt  }
0x83: {  	_ =	shalt  }
0x84: {  	_ =	shalt  }
0x85: {  	_ =	shalt  }
0x86: {  	_ =	shalt  }
0x87: {  	_ =	shalt  }
.Lfunc_end0:
.L_simem_size_0:
called_computation.2_lowered:
.L_overlay_start_0:
0x88: {  	s2 =	sld [smem:$0x3FD9]  }
0x89: {  	s3 =	sld [smem:$0x3FFE];
	_ =	sdelay $0x1  }
0x8a: {  	s1 =	srdreg.scid  }
0x8b: {  	s0 =	sand.u32 $0x1, s1  }
0x8c: {  	s17 =	sshll.u32 s0, $0xA;
	s2 =	sadd.s32 s3, s2  }
0x8d: {  	s2 =	sadd.s32 s2, s17  }
0x8e: {  	[smem:$0x3FC6] =	sst s2  }
0x8f: {  	_ = 	snop  }
0x90: {  	s2 =	sld [smem:$0x3FD0];
	(tm) =	ssettm $0x1  }
0x91: {  	s18 =	sld [smem:$0x3FFB];
	_ =	sdelay $0x3  }
0x92: {  	_ =	strace s18  }
0x93: {  	s3 =	sld [smem:$0x3FFC];
	_ =	sdelay $0x3  }
0x94: {  	_ =	strace s3  }
0x95: {  	s3 =	sld [smem:$0x3FFD];
	_ =	sdelay $0x3  }
0x96: {  	_ =	strace s3  }
0x97: {  	_ =	strace $0x8FFFFFFF  }
0x98: {  	s19 =	sld [smem:$0x3FDB];
	_ =	sdelay $0x1  }
0x99: {  	s4 =	simm.s32 $_scs_section_size  }
0x9a: {  	s5 =	simm.s32 $_size__tile_overlayer_lowered;
	s6 =	simm.s32 $_tile_overlayer_lowered  }
0x9b: {  	s22 =	simm.s32 $0x1BFF;
	s21 =	sshll.u32 s6, $0x1;
	s3 =	sadd.s32 s4, s19  }
0x9c: {  	s7 =	simm.s32 $0x0;
	s20 =	sshll.u32 s5, $0x1;
	s5 =	sadd.s32 s21, s3  }
0x9d: {  	[timem:s7], [sflag:s22] =	dma.local [hbm:s5], s20  }
0x9e: {  	_ =	swait.ge [sflag:s22], s20  }
0x9f: {  	s4 =	ssub.s32 $0x0, s20;
	[sflag:s22] =	ssyncset.done $0x0  }
0xa0: {  	[sflag:s22] =	ssyncadd.s32 s4;
	_ =	sdelay $0x1  }
0xa1: {  	s23 =	simm.s32 $0x1B8B  }
0xa2: {  	_ =	swait.ge [sflag:s23], $0x1  }
0xa3: {  	[sflag:s23] =	ssyncset.done $0x0  }
0xa4: {  	s25 =	simm.s32 $0x1B8E;
	s24 =	sld [smem:$0x3FFE];
	[sflag:s23] =	ssyncadd.s32 $0xFFFFFFFF  }
0xa5: {  	s26 =	simm.s32 $execute0_lowered;
	[smem:$0x3FD2] =	sst s25  }
0xa6: {  	s5 =	sshll.u32 s26, $0x1;
	_ =	strace $0x8000004C;
	[dreg:$0x1] =	wrdreg $0xFFFFFFFF  }
0xa7: {  	s28 =	simm.s32 $_size_execute0_lowered;
	s3 =	sadd.s32 s3, s5;
	[dreg:$0x0] =	wrdreg $0x0  }
0xa8: {  	s5 =	sshll.u32 s28, $0x1;
	[dreg:$0x2] =	wrdreg s3  }
0xa9: {  	[dreg:$0x3] =	wrdreg s5  }
0xaa: {  	[dreg:$0x4] =	wrdreg $0xC0  }
0xab: {  	_ =	task [dreg:s7], $0x5FFFF  }
0xac: {  	[dreg:$0x1] =	wrdreg $0xFFFFFFFF  }
0xad: {  	[dreg:$0x0] =	wrdreg $0x60  }
0xae: {  	[dreg:$0x2] =	wrdreg s2  }
0xaf: {  	[dreg:$0x3] =	wrdreg s24  }
0xb0: {  	[dreg:$0x4] =	wrdreg $0x9  }
0xb1: {  	_ =	task.clear_ibuf [dreg:s7], $0x5FFFF;
	_ =	strace $0x9000004C  }
0xb2: {  	s29 =	simm.s32 $0x9;
	_ =	strace $0x8000004E  }
0xb3: {  	_ =	swait.ge [sflag:s29], $0x1  }
0xb4: {  	[sflag:s29] =	ssyncadd.s32 $0xFFFFFFFF  }
0xb5: {  	_ =	strace $0x9000004E  }
0xb6: {  	_ =	sfence  }
0xb7: {  	s30 =	sld [smem:$0x0];
	_ =	sdelay $0x2  }
0xb8: {  	s31 =	sshll.u32 s1, $0xD;
	s1 =	sshrl.u32 s1, $0x2  }
0xb9: {  	s3 =	sand.u32 $0x4000, s31;
	s1 =	sadd.s32 s1, s30  }
0xba: {  	s0 =	sor.u32 s3, s0;
	s1 =	sshll.u32 s1, $0x11  }
0xbb: {  	s0 =	sor.u32 s1, s0  }
0xbc: {  	s0 =	sadd.s32 $0x8F2B, s0  }
0xbd: {  	[sflag:s0] =	ssyncadd.remote.s32 $0x1  }
0xbe: {  	_ =	sfence.sel $0xFFFF  }
0xbf: {  	[dreg:$0x0] =	wrdreg $0xFFFFFFFF;
	(pc) =	sbr.abs _section_cstart, $3  }
0xc0: {  	[dreg:$0x1] =	wrdreg $0xFFFFFFFF  }
0xc1: {  	_ =	task.clear_ibuf [dreg:s7], $0x2FFFF;
	_ =	strace $0x9FFFFFFF  }
0xc2: {  	(tm) =	ssettm $0x7FFFFFFF  }
0xc3: {  	_ =	shalt  }
tec
execute0_lowered:
.L_overlay_start_1:
0x0: {  	(tag) =	ssettag $0x1  }
0x1: {  	s2 =	srdreg.scid  }
0x2: {  	s4 =	stileid.u32;
	s2 =	sand.u32 $0x1, s2  }
0x3: {  	s4 =	sshll.u32 s4, $0x10;
	s5 =	sshll.u32 s2, $0xF  }
0x4: {  	s11 =	rddreg [dreg:$0x0];
	s10 =	sor.u32 s5, s4  }
0x5: {  	s0 =	rddreg [dreg:$0x1];
	s1 =	simm.s32 $0x0;
	s4 =	sor.u32 $0x100000, s10  }
0x6: {  	[smem:$0x7FF] =	sst s1;
	s5 =	sor.u32 $0x200000, s10;
	s23 =	sadd.s32 s11, s4  }
0x7: {  	s13 =	sadd.s32 $0x100C00, s0;
	s24 =	sadd.s32 s11, s5;
	[dreg:$0x3] =	wrdreg s23  }
0x8: {  	s26 =	sor.u32 $0x300000, s10;
	s25 =	sadd.s32 s13, s4;
	[dreg:$0x4] =	wrdreg s24  }
0x9: {  	s3 =	sadd.s32 $0xC00, s0;
	s6 =	sadd.s32 s11, s26;
	[dreg:$0x5] =	wrdreg s25  }
0xa: {  	s28 =	sor.u32 $0x1000, s10;
	s7 =	sadd.s32 s13, s5;
	[dreg:$0x6] =	wrdreg s6  }
0xb: {  	s22 =	ssub.s32 $0x2, s2;
	s8 =	sadd.s32 s11, s28;
	[dreg:$0x7] =	wrdreg s7  }
0xc: {  	s2 =	sshrl.u32 s22, $0x1;
	s0 =	sadd.s32 s13, s26;
	[dreg:$0x8] =	wrdreg s8  }
0xd: {  	s12 =	sor.u32 $0x101000, s10;
	s9 =	sadd.s32 s3, s28;
	[dreg:$0x9] =	wrdreg s0  }
0xe: {  	s14 =	ssub.s32 s22, s2;
	s15 =	sadd.s32 s11, s12;
	[dreg:$0xa] =	wrdreg s9  }
0xf: {  	s16 =	sor.u32 $0x201000, s10;
	s2 =	sadd.s32 s13, s28;
	[dreg:$0xb] =	wrdreg s15  }
0x10: {  	s18 =	sor.u32 $0x301000, s10;
	s17 =	sadd.s32 s11, s16;
	[dreg:$0xc] =	wrdreg s2  }
0x11: {  	s20 =	sor.u32 $0x2000, s10;
	s19 =	sadd.s32 s11, s18;
	[dreg:$0xd] =	wrdreg s17  }
0x12: {  	s21 =	sadd.s32 s11, s20;
	[dreg:$0xf] =	wrdreg s19  }
0x13: {  	s22 =	sadd.s32 s3, s20;
	[dreg:$0x11] =	wrdreg s21  }
0x14: {  	s0 =	sadd.s32 s13, s12;
	[dreg:$0x13] =	wrdreg s22  }
0x15: {  	s5 =	sor.u32 $0x3000, s10;
	s2 =	sadd.s32 s13, s16;
	[dreg:$0xe] =	wrdreg s0  }
0x16: {  	s7 =	sadd.s32 s11, s5;
	[dreg:$0x10] =	wrdreg s2  }
0x17: {  	s8 =	sadd.s32 s3, s5;
	[dreg:$0x1b] =	wrdreg s7  }
0x18: {  	s9 =	sadd.s32 s13, s5;
	[dreg:$0x1c] =	wrdreg s8  }
0x19: {  	s0 =	sadd.s32 s13, s18;
	[dreg:$0x1d] =	wrdreg s9  }
0x1a: {  	s23 =	sor.u32 $0x102000, s10;
	s2 =	sadd.s32 s13, s20;
	[dreg:$0x12] =	wrdreg s0  }
0x1b: {  	s24 =	sor.u32 $0x202000, s10;
	s25 =	sadd.s32 s11, s23;
	[dreg:$0x14] =	wrdreg s2  }
0x1c: {  	s26 =	sadd.s32 s11, s24;
	[dreg:$0x15] =	wrdreg s25  }
0x1d: {  	s12 =	sor.u32 $0x103000, s10;
	s28 =	sadd.s32 s13, s24;
	[dreg:$0x17] =	wrdreg s26  }
0x1e: {  	s16 =	sor.u32 $0x203000, s10;
	s15 =	sadd.s32 s11, s12;
	[dreg:$0x18] =	wrdreg s28  }
0x1f: {  	s5 =	sor.u32 $0x5000, s10;
	s17 =	sadd.s32 s11, s16;
	[dreg:$0x1e] =	wrdreg s15  }
0x20: {  	s14 =	smax.u32 s14, $0x1;
	s7 =	sadd.s32 s3, s5;
	[smem:$0x7E3] =	sst s17  }
0x21: {  	s18 =	sor.u32 $0x303000, s10;
	s0 =	sadd.s32 s13, s23;
	[smem:$0x7F1] =	sst s7  }
0x22: {  	s20 =	sor.u32 $0x4000, s10;
	s19 =	sadd.s32 s11, s18;
	[dreg:$0x16] =	wrdreg s0  }
0x23: {  	s8 =	sor.u32 $0x105000, s10;
	s21 =	sadd.s32 s11, s20;
	[smem:$0x7E5] =	sst s19  }
0x24: {  	s9 =	sor.u32 $0x205000, s10;
	s22 =	sadd.s32 s3, s20;
	[smem:$0x7E7] =	sst s21  }
0x25: {  	s2 =	sor.u32 $0x302000, s10;
	s15 =	sadd.s32 s11, s9;
	[smem:$0x7E8] =	sst s22  }
0x26: {  	s23 =	sor.u32 $0x104000, s10;
	s6 =	sadd.s32 s11, s2;
	[smem:$0x7F5] =	sst s15  }
0x27: {  	s25 =	sor.u32 $0x204000, s10;
	s0 =	sadd.s32 s13, s2;
	[dreg:$0x19] =	wrdreg s6  }
0x28: {  	s28 =	sor.u32 $0x304000, s10;
	s24 =	sadd.s32 s11, s23;
	[dreg:$0x1a] =	wrdreg s0  }
0x29: {  	s17 =	sor.u32 $0x305000, s10;
	s2 =	sadd.s32 s13, s23;
	[smem:$0x7EA] =	sst s24  }
0x2a: {  	s7 =	sor.u32 $0x107000, s10;
	s26 =	sadd.s32 s11, s25;
	[smem:$0x7EB] =	sst s2  }
0x2b: {  	s4 =	sadd.s32 s11, s28;
	s19 =	sadd.s32 s11, s17;
	[smem:$0x7EC] =	sst s26  }
0x2c: {  	s23 =	sor.u32 $0x106000, s10;
	s15 =	sor.u32 $0x307000, s10;
	[smem:$0x7EE] =	sst s4  }
0x2d: {  	s0 =	sadd.s32 s13, s12;
	s2 =	sadd.s32 s13, s28;
	[smem:$0x7F7] =	sst s19  }
0x2e: {  	s6 =	sadd.s32 s11, s5;
	s12 =	sadd.s32 s11, s8;
	[dreg:$0x1f] =	wrdreg s0  }
0x2f: {  	s24 =	sadd.s32 s11, s23;
	s26 =	sor.u32 $0x306000, s10;
	[smem:$0x7EF] =	sst s2  }
0x30: {  	s28 =	sor.u32 $0x7000, s10;
	s19 =	simm.s32 $0x5;
	[smem:$0x7F0] =	sst s6  }
0x31: {  	s0 =	sadd.s32 s13, s16;
	[smem:$0x7F3] =	sst s12;
	s16 =	sadd.s32 s13, s9  }
0x32: {  	[smem:$0x7FC] =	sst s24;
	s31 =	sadd.s32 s11, s26;
	s2 =	sadd.s32 s3, s10  }
0x33: {  	s4 =	sadd.s32 s11, s28;
	s6 =	sadd.s32 s11, s7;
	s7 =	sadd.s32 s13, s7  }
0x34: {  	s12 =	sor.u32 $0x207000, s10;
	s9 =	sadd.s32 s13, s10;
	[smem:$0x7E4] =	sst s0  }
0x35: {  	s0 =	sadd.s32 s13, s18;
	[smem:$0x7F6] =	sst s16;
	s18 =	sor.u32 $0x6000, s10  }
0x36: {  	s16 =	simm.s32 $0x8000;
	[smem:$0x7E6] =	sst s0;
	s0 =	sadd.s32 s13, s20  }
0x37: {  	s20 =	sadd.s32 s11, s18;
	s21 =	sadd.s32 s3, s18;
	[smem:$0x7E9] =	sst s0  }
0x38: {  	s22 =	sadd.s32 s13, s18;
	s3 =	sadd.s32 s3, s28;
	[smem:$0x7F9] =	sst s20  }
0x39: {  	s18 =	simm.s32 $0x3;
	s0 =	sadd.s32 s13, s25;
	[smem:$0x7FA] =	sst s21  }
0x3a: {  	[smem:$0x7FB] =	sst s22;
	s25 =	sor.u32 $0x206000, s10;
	s20 =	simm.s32 $0x2  }
0x3b: {  	s21 =	simm.s32 $0x6;
	s22 =	simm.s32 $0x4;
	[smem:$0x7ED] =	sst s0  }
0x3c: {  	s0 =	sadd.s32 s13, s5;
	s29 =	sadd.s32 s11, s25;
	s30 =	sadd.s32 s13, s25  }
0x3d: {  	s5 =	sadd.s32 s13, s28;
	[smem:$0x7F2] =	sst s0;
	s0 =	sadd.s32 s13, s8  }
0x3e: {  	s8 =	sadd.s32 s11, s10;
	s10 =	sadd.s32 s11, s12;
	s11 =	sadd.s32 s11, s15  }
0x3f: {  	s12 =	sadd.s32 s13, s12;
	[smem:$0x7F4] =	sst s0;
	s0 =	sadd.s32 s13, s17  }
0x40: {  	s17 =	simm.s32 $0x1;
	[smem:$0x7F8] =	sst s0;
	s0 =	sadd.s32 s13, s23  }
0x41: {  	s23 =	simm.s32 $0x0;
	[smem:$0x7FD] =	sst s0;
	s0 =	sadd.s32 s13, s26  }
0x42: {  	s13 =	sadd.s32 s13, s15;
	s15 =	simm.s32 $0x10000;
	_ =	strace $0x8000004D  }
.LBB2_1:
0x43: {  	[tilespmem:s1], [sflag:$0x1] =	stream.linear.gather [hbm4b:s8+s1], $0x8000, $0x38;
	[tilespmem:$0x18000] =	vst v63  }
0x44: {  	_ = 	snop  }
0x45: {  	[tilespmem:s15], [sflag:$0x3] =	stream.linear.gather [hbm4b:s2+s1], $0x8000, $0x38;
	[tilespmem:$0x18000] =	vst v63  }
0x46: {  	s24 =	rddreg [dreg:$0x3]  }
0x47: {  	[tilespmem:s16], [sflag:$0x2] =	stream.linear.gather [hbm4b:s24+s1], $0x8000, $0x38;
	[tilespmem:$0x18000] =	vst v63  }
0x48: {  	_ =	swait.ge [sflag:s17], $0x8000  }
0x49: {  	[sflag:s17] =	ssyncset.done $0x0  }
0x4a: {  	[sflag:s17] =	ssyncadd.s32 $0xFFFF8000  }
0x4b: {  	_ =	swait.ge [sflag:s18], $0x8000  }
0x4c: {  	[sflag:s18] =	ssyncset.done $0x0  }
0x4d: {  	s24 =	simm.s32 $0x40;
	[sflag:s18] =	ssyncadd.s32 $0xFFFF8000  }
0x4e: {  	s25 =	simm.s32 $0x10040;
	v1 =	vld [tilespmem:s24+$0x30]  }
0x4f: {  	v2 =	vld [tilespmem:s25+$0x30]  }
0x50: {  	v0 =	vld [tilespmem:s25+$0xFFFFFFC0]  }
0x51: {  	v3 =	vld [tilespmem:s24+$0xFFFFFFD0]  }
0x52: {  	v4 =	vld [tilespmem:s25+$0xFFFFFFD0]  }
0x53: {  	v5 =	vld [tilespmem:s24+$0xFFFFFFE0]  }
0x54: {  	v6 =	vld [tilespmem:s25+$0xFFFFFFE0]  }
0x55: {  	v7 =	vld [tilespmem:s24+$0xFFFFFFF0]  }
0x56: {  	v8 =	vld [tilespmem:s25+$0xFFFFFFF0]  }
0x57: {  	v9 =	vld [tilespmem:s24+$0x0]  }
0x58: {  	v10 =	vld [tilespmem:s25+$0x0];
	v2 =	vadd.f32 v2, v1  }
0x59: {  	v4 =	vadd.f32 v4, v3;
	v1 =	vld [tilespmem:s24+$0x10]  }
0x5a: {  	v5 =	vadd.f32 v6, v5;
	v3 =	vld [tilespmem:s25+$0x10];
	[tilespmem:s24+$0x30] =	vst v2  }
0x5b: {  	v6 =	vadd.f32 v8, v7;
	[tilespmem:s24+$0xFFFFFFD0] =	vst v4;
	v2 =	vld [tilespmem:s24+$0x20]  }
0x5c: {  	[tilespmem:s24+$0xFFFFFFE0] =	vst v5;
	v5 =	vld [tilespmem:s25+$0x20]  }
0x5d: {  	s26 =	simm.s32 $0x0;
	s28 =	simm.s32 $0xC0;
	v4 =	vld [tilespmem:s24+$0xFFFFFFC0];
	[tilespmem:s24+$0xFFFFFFF0] =	vst v6;
	v6 =	vadd.f32 v10, v9  }
.LBB2_2:
0x5e: {  	v7 =	vld [tilespmem:s28+$0x30];
	s25 =	sadd.s32 $0x80, s25  }
0x5f: {  	s26 =	sadd.s32 $0x80, s26;
	v8 =	vld [tilespmem:s25+$0x30];
	[tilespmem:s24+$0x0] =	vst v6;
	v1 =	vadd.f32 v3, v1  }
0x60: {  	p0 =	slt.u32 s26, $0x7F80;
	v3 =	vld [tilespmem:s25+$0xFFFFFFC0]  }
0x61: {  	v6 =	vld [tilespmem:s28+$0xFFFFFFD0];
	[tilespmem:s24+$0x10] =	vst v1;
	v1 =	vadd.f32 v5, v2  }
0x62: {  	v2 =	vld [tilespmem:s25+$0xFFFFFFD0];
	v9 =	vadd.f32 v0, v4  }
0x63: {  	v4 =	vld [tilespmem:s28+$0xFFFFFFE0];
	[tilespmem:s24+$0x20] =	vst v1  }
0x64: {  	v1 =	vld [tilespmem:s25+$0xFFFFFFE0];
	v5 =	vadd.f32 v8, v7;
	[tilespmem:s24+$0xFFFFFFC0] =	vst v9;
	s24 =	smov.u32 s28  }
0x65: {  	v7 =	vld [tilespmem:s28+$0xFFFFFFF0];
	v0 =	vmov v3  }
0x66: {  	v8 =	vld [tilespmem:s25+$0xFFFFFFF0];
	[tilespmem:s28+$0x30] =	vst v5  }
0x67: {  	v2 =	vadd.f32 v2, v6;
	v6 =	vld [tilespmem:s28+$0x0]  }
0x68: {  	v9 =	vld [tilespmem:s25+$0x0]  }
.Ltmp0:
0x69: {  	[tilespmem:s28+$0xFFFFFFD0] =	vst v2;
	v2 =	vadd.f32 v1, v4;
	v1 =	vld [tilespmem:s28+$0x10];
	(pc) =	sbr.rel @p0 .LBB2_2-.Ltmp0, $4  }
0x6a: {  	v3 =	vld [tilespmem:s25+$0x10]  }
0x6b: {  	[tilespmem:s28+$0xFFFFFFE0] =	vst v2;
	v7 =	vadd.f32 v8, v7;
	v2 =	vld [tilespmem:s28+$0x20]  }
0x6c: {  	v5 =	vld [tilespmem:s25+$0x20]  }
0x6d: {  	s28 =	sadd.s32 $0x80, s28;
	v4 =	vld [tilespmem:s24+$0xFFFFFFC0];
	[tilespmem:s24+$0xFFFFFFF0] =	vst v7;
	v6 =	vadd.f32 v9, v6  }
0x6e: {  	_ =	sdelay $0x1  }
0x6f: {  	v1 =	vadd.f32 v3, v1  }
0x70: {  	[tilespmem:s24+$0x0] =	vst v6;
	v2 =	vadd.f32 v5, v2  }
0x71: {  	[tilespmem:s24+$0x10] =	vst v1;
	v0 =	vadd.f32 v0, v4  }
0x72: {  	[tilespmem:s24+$0x20] =	vst v2  }
0x73: {  	s28 =	simm.s32 $0x0;
	[tilespmem:s24+$0xFFFFFFC0] =	vst v0  }
0x74: {  	[hbm4b:s9+s28] =	stream.linear.scatter [tilespmem:s28], [sflag:$0x5], $0x8000, $0x38;
	[tilespmem:$0x18000] =	vst v63  }
0x75: {  	_ =	swait.ge [sflag:s19], $0x8000  }
0x76: {  	[sflag:s19] =	ssyncset.done $0x0  }
0x77: {  	s25 =	rddreg [dreg:$0x4];
	[sflag:s19] =	ssyncadd.s32 $0xFFFF8000  }
0x78: {  	[tilespmem:s28], [sflag:$0x1] =	stream.linear.gather [hbm4b:s25+s28], $0x8000, $0x38;
	[tilespmem:$0x18000] =	vst v63  }
0x79: {  	_ =	swait.ge [sflag:s20], $0x8000  }
0x7a: {  	[sflag:s20] =	ssyncset.done $0x0  }
0x7b: {  	s24 =	simm.s32 $0x0;
	[sflag:s20] =	ssyncadd.s32 $0xFFFF8000  }
0x7c: {  	v0 =	vld [tilespmem:s24+$0x8070]  }
0x7d: {  	v1 =	vld [tilespmem:s24+$0x10070]  }
0x7e: {  	v2 =	vld [tilespmem:s24+$0x8000]  }
0x7f: {  	v3 =	vld [tilespmem:s24+$0x10000]  }
0x80: {  	v4 =	vld [tilespmem:s24+$0x8010]  }
0x81: {  	v5 =	vld [tilespmem:s24+$0x10010]  }
0x82: {  	v6 =	vld [tilespmem:s24+$0x8020]  }
0x83: {  	v7 =	vld [tilespmem:s24+$0x10020]  }
0x84: {  	v8 =	vld [tilespmem:s24+$0x8030]  }
0x85: {  	v9 =	vld [tilespmem:s24+$0x10030];
	v1 =	vadd.f32 v1, v0  }
0x86: {  	v3 =	vadd.f32 v3, v2;
	v0 =	vld [tilespmem:s24+$0x8040]  }
0x87: {  	v4 =	vadd.f32 v5, v4;
	v2 =	vld [tilespmem:s24+$0x10040];
	[tilespmem:s24+$0x8070] =	vst v1  }
0x88: {  	v5 =	vadd.f32 v7, v6;
	[tilespmem:s24+$0x8000] =	vst v3;
	v1 =	vld [tilespmem:s24+$0x8050]  }
0x89: {  	[tilespmem:s24+$0x8010] =	vst v4;
	v3 =	vld [tilespmem:s24+$0x10050]  }
0x8a: {  	s26 =	simm.s32 $0x200;
	s25 =	simm.s32 $0x0;
	[tilespmem:s24+$0x8020] =	vst v5;
	v5 =	vadd.f32 v9, v8;
	v4 =	vld [tilespmem:s24+$0x8060]  }
.LBB2_4:
0x8b: {  	s28 =	sshra.s32 s26, $0x2;
	v6 =	vld [tilespmem:s24+$0x10060]  }
0x8c: {  	s25 =	sadd.s32 $0x80, s25;
	v7 =	vld [tilespmem:s28+$0x8070];
	[tilespmem:s24+$0x8030] =	vst v5;
	v0 =	vadd.f32 v2, v0  }
0x8d: {  	p0 =	slt.u32 s25, $0x7F80;
	v2 =	vld [tilespmem:s28+$0x10070]  }
0x8e: {  	v5 =	vld [tilespmem:s28+$0x8000];
	[tilespmem:s24+$0x8040] =	vst v0;
	v0 =	vadd.f32 v3, v1  }
0x8f: {  	v1 =	vld [tilespmem:s28+$0x10000]  }
0x90: {  	v3 =	vld [tilespmem:s28+$0x8010];
	[tilespmem:s24+$0x8050] =	vst v0;
	v0 =	vadd.f32 v6, v4  }
0x91: {  	v4 =	vld [tilespmem:s28+$0x10010]  }
0x92: {  	v6 =	vld [tilespmem:s28+$0x8020];
	v2 =	vadd.f32 v2, v7;
	[tilespmem:s24+$0x8060] =	vst v0;
	s24 =	smov.u32 s28  }
0x93: {  	v7 =	vld [tilespmem:s24+$0x10020]  }
0x94: {  	v0 =	vadd.f32 v1, v5;
	v5 =	vld [tilespmem:s24+$0x8030];
	[tilespmem:s24+$0x8070] =	vst v2  }
0x95: {  	v8 =	vld [tilespmem:s24+$0x10030]  }
.Ltmp1:
0x96: {  	[tilespmem:s24+$0x8000] =	vst v0;
	v1 =	vadd.f32 v4, v3;
	v0 =	vld [tilespmem:s24+$0x8040];
	(pc) =	sbr.rel @p0 .LBB2_4-.Ltmp1, $4  }
0x97: {  	v2 =	vld [tilespmem:s24+$0x10040]  }
0x98: {  	[tilespmem:s24+$0x8010] =	vst v1;
	v4 =	vadd.f32 v7, v6;
	v1 =	vld [tilespmem:s24+$0x8050]  }
0x99: {  	v3 =	vld [tilespmem:s24+$0x10050]  }
0x9a: {  	s26 =	sadd.s32 $0x200, s26;
	[tilespmem:s24+$0x8020] =	vst v4;
	v5 =	vadd.f32 v8, v5;
	v4 =	vld [tilespmem:s24+$0x8060]  }
0x9b: {  	v6 =	vld [tilespmem:s24+$0x10060];
	_ =	sdelay $0x2  }
0x9c: {  	v0 =	vadd.f32 v2, v0  }
0x9d: {  	[tilespmem:s24+$0x8030] =	vst v5;
	v1 =	vadd.f32 v3, v1  }
0x9e: {  	[tilespmem:s24+$0x8040] =	vst v0;
	v0 =	vadd.f32 v6, v4  }
0x9f: {  	[tilespmem:s24+$0x8050] =	vst v1  }
0xa0: {  	[tilespmem:s24+$0x8060] =	vst v0  }
0xa1: {  	s24 =	rddreg [dreg:$0x5]  }
0xa2: {  	[hbm4b:s24+s1] =	stream.linear.scatter [tilespmem:s16], [sflag:$0x6], $0x8000, $0x38;
	[tilespmem:$0x18000] =	vst v63  }
0xa3: {  	_ =	swait.ge [sflag:s21], $0x8000  }
0xa4: {  	[sflag:s21] =	ssyncset.done $0x0  }
0xa5: {  	s26 =	rddreg [dreg:$0x6];
	[sflag:s21] =	ssyncadd.s32 $0xFFFF8000  }
0xa6: {  	[tilespmem:s16], [sflag:$0x2] =	stream.linear.gather [hbm4b:s26+s1], $0x8000, $0x38;
	[tilespmem:$0x18000] =	vst v63  }
0xa7: {  	_ =	swait.ge [sflag:s17], $0x8000  }
0xa8: {  	[sflag:s17] =	ssyncset.done $0x0  }
0xa9: {  	s24 =	simm.s32 $0x40;
	[sflag:s17] =	ssyncadd.s32 $0xFFFF8000  }
0xaa: {  	s25 =	simm.s32 $0x10040;
	v1 =	vld [tilespmem:s24+$0x30]  }
0xab: {  	v2 =	vld [tilespmem:s25+$0x30]  }
0xac: {  	v0 =	vld [tilespmem:s25+$0xFFFFFFC0]  }
0xad: {  	v3 =	vld [tilespmem:s24+$0xFFFFFFD0]  }
0xae: {  	v4 =	vld [tilespmem:s25+$0xFFFFFFD0]  }
0xaf: {  	v5 =	vld [tilespmem:s24+$0xFFFFFFE0]  }
0xb0: {  	v6 =	vld [tilespmem:s25+$0xFFFFFFE0]  }
0xb1: {  	v7 =	vld [tilespmem:s24+$0xFFFFFFF0]  }
0xb2: {  	v8 =	vld [tilespmem:s25+$0xFFFFFFF0]  }
0xb3: {  	v9 =	vld [tilespmem:s24+$0x0]  }
0xb4: {  	v10 =	vld [tilespmem:s25+$0x0];
	v2 =	vadd.f32 v2, v1  }
0xb5: {  	v4 =	vadd.f32 v4, v3;
	v1 =	vld [tilespmem:s24+$0x10]  }
0xb6: {  	v5 =	vadd.f32 v6, v5;
	v3 =	vld [tilespmem:s25+$0x10];
	[tilespmem:s24+$0x30] =	vst v2  }
0xb7: {  	v6 =	vadd.f32 v8, v7;
	[tilespmem:s24+$0xFFFFFFD0] =	vst v4;
	v2 =	vld [tilespmem:s24+$0x20]  }
0xb8: {  	[tilespmem:s24+$0xFFFFFFE0] =	vst v5;
	v5 =	vld [tilespmem:s25+$0x20]  }
0xb9: {  	s28 =	simm.s32 $0xC0;
	s26 =	simm.s32 $0x0;
	v4 =	vld [tilespmem:s24+$0xFFFFFFC0];
	[tilespmem:s24+$0xFFFFFFF0] =	vst v6;
	v6 =	vadd.f32 v10, v9  }
.LBB2_6:
0xba: {  	v7 =	vld [tilespmem:s28+$0x30];
	s25 =	sadd.s32 $0x80, s25  }
0xbb: {  	s26 =	sadd.s32 $0x80, s26;
	v8 =	vld [tilespmem:s25+$0x30];
	[tilespmem:s24+$0x0] =	vst v6;
	v1 =	vadd.f32 v3, v1  }
0xbc: {  	p0 =	slt.u32 s26, $0x7F80;
	v3 =	vld [tilespmem:s25+$0xFFFFFFC0]  }
0xbd: {  	v6 =	vld [tilespmem:s28+$0xFFFFFFD0];
	[tilespmem:s24+$0x10] =	vst v1;
	v1 =	vadd.f32 v5, v2  }
0xbe: {  	v2 =	vld [tilespmem:s25+$0xFFFFFFD0];
	v9 =	vadd.f32 v0, v4  }
0xbf: {  	v4 =	vld [tilespmem:s28+$0xFFFFFFE0];
	[tilespmem:s24+$0x20] =	vst v1  }
0xc0: {  	v1 =	vld [tilespmem:s25+$0xFFFFFFE0];
	v5 =	vadd.f32 v8, v7;
	[tilespmem:s24+$0xFFFFFFC0] =	vst v9;
	s24 =	smov.u32 s28  }
0xc1: {  	v7 =	vld [tilespmem:s28+$0xFFFFFFF0];
	v0 =	vmov v3  }
0xc2: {  	v8 =	vld [tilespmem:s25+$0xFFFFFFF0];
	[tilespmem:s28+$0x30] =	vst v5  }
0xc3: {  	v2 =	vadd.f32 v2, v6;
	v6 =	vld [tilespmem:s28+$0x0]  }
0xc4: {  	v9 =	vld [tilespmem:s25+$0x0]  }
.Ltmp2:
0xc5: {  	[tilespmem:s28+$0xFFFFFFD0] =	vst v2;
	v2 =	vadd.f32 v1, v4;
	v1 =	vld [tilespmem:s28+$0x10];
	(pc) =	sbr.rel @p0 .LBB2_6-.Ltmp2, $4  }
0xc6: {  	v3 =	vld [tilespmem:s25+$0x10]  }
0xc7: {  	[tilespmem:s28+$0xFFFFFFE0] =	vst v2;
	v7 =	vadd.f32 v8, v7;
	v2 =	vld [tilespmem:s28+$0x20]  }
0xc8: {  	v5 =	vld [tilespmem:s25+$0x20]  }
0xc9: {  	s28 =	sadd.s32 $0x80, s28;
	v4 =	vld [tilespmem:s24+$0xFFFFFFC0];
	[tilespmem:s24+$0xFFFFFFF0] =	vst v7;
	v6 =	vadd.f32 v9, v6  }
0xca: {  	_ =	sdelay $0x1  }
0xcb: {  	v1 =	vadd.f32 v3, v1  }
0xcc: {  	[tilespmem:s24+$0x0] =	vst v6;
	v2 =	vadd.f32 v5, v2  }
0xcd: {  	[tilespmem:s24+$0x10] =	vst v1;
	v0 =	vadd.f32 v0, v4  }
0xce: {  	[tilespmem:s24+$0x20] =	vst v2  }
0xcf: {  	[tilespmem:s24+$0xFFFFFFC0] =	vst v0  }
0xd0: {  	s26 =	simm.s32 $0x0;
	s25 =	rddreg [dreg:$0x7]  }
0xd1: {  	[hbm4b:s25+s26] =	stream.linear.scatter [tilespmem:s26], [sflag:$0x5], $0x8000, $0x38;
	[tilespmem:$0x18000] =	vst v63  }
0xd2: {  	_ =	swait.ge [sflag:s19], $0x8000  }
0xd3: {  	[sflag:s19] =	ssyncset.done $0x0  }
0xd4: {  	s28 =	rddreg [dreg:$0x8];
	[sflag:s19] =	ssyncadd.s32 $0xFFFF8000  }
0xd5: {  	[tilespmem:s26], [sflag:$0x1] =	stream.linear.gather [hbm4b:s28+s26], $0x8000, $0x38;
	[tilespmem:$0x18000] =	vst v63  }
0xd6: {  	_ =	swait.ge [sflag:s20], $0x8000  }
0xd7: {  	[sflag:s20] =	ssyncset.done $0x0  }
0xd8: {  	s24 =	simm.s32 $0x0;
	[sflag:s20] =	ssyncadd.s32 $0xFFFF8000  }
0xd9: {  	v0 =	vld [tilespmem:s24+$0x8070]  }
0xda: {  	v1 =	vld [tilespmem:s24+$0x10070]  }
0xdb: {  	v2 =	vld [tilespmem:s24+$0x8000]  }
0xdc: {  	v3 =	vld [tilespmem:s24+$0x10000]  }
0xdd: {  	v4 =	vld [tilespmem:s24+$0x8010]  }
0xde: {  	v5 =	vld [tilespmem:s24+$0x10010]  }
0xdf: {  	v6 =	vld [tilespmem:s24+$0x8020]  }
0xe0: {  	v7 =	vld [tilespmem:s24+$0x10020]  }
0xe1: {  	v8 =	vld [tilespmem:s24+$0x8030]  }
0xe2: {  	v9 =	vld [tilespmem:s24+$0x10030];
	v1 =	vadd.f32 v1, v0  }
0xe3: {  	v3 =	vadd.f32 v3, v2;
	v0 =	vld [tilespmem:s24+$0x8040]  }
0xe4: {  	v4 =	vadd.f32 v5, v4;
	v2 =	vld [tilespmem:s24+$0x10040];
	[tilespmem:s24+$0x8070] =	vst v1  }
0xe5: {  	v5 =	vadd.f32 v7, v6;
	[tilespmem:s24+$0x8000] =	vst v3;
	v1 =	vld [tilespmem:s24+$0x8050]  }
0xe6: {  	[tilespmem:s24+$0x8010] =	vst v4;
	v3 =	vld [tilespmem:s24+$0x10050]  }
0xe7: {  	s25 =	simm.s32 $0x0;
	s26 =	simm.s32 $0x200;
	[tilespmem:s24+$0x8020] =	vst v5;
	v5 =	vadd.f32 v9, v8;
	v4 =	vld [tilespmem:s24+$0x8060]  }
.LBB2_8:
0xe8: {  	s28 =	sshra.s32 s26, $0x2;
	v6 =	vld [tilespmem:s24+$0x10060]  }
0xe9: {  	s25 =	sadd.s32 $0x80, s25;
	v7 =	vld [tilespmem:s28+$0x8070];
	[tilespmem:s24+$0x8030] =	vst v5;
	v0 =	vadd.f32 v2, v0  }
0xea: {  	p0 =	slt.u32 s25, $0x7F80;
	v2 =	vld [tilespmem:s28+$0x10070]  }
0xeb: {  	v5 =	vld [tilespmem:s28+$0x8000];
	[tilespmem:s24+$0x8040] =	vst v0;
	v0 =	vadd.f32 v3, v1  }
0xec: {  	v1 =	vld [tilespmem:s28+$0x10000]  }
0xed: {  	v3 =	vld [tilespmem:s28+$0x8010];
	[tilespmem:s24+$0x8050] =	vst v0;
	v0 =	vadd.f32 v6, v4  }
0xee: {  	v4 =	vld [tilespmem:s28+$0x10010]  }
0xef: {  	v6 =	vld [tilespmem:s28+$0x8020];
	v2 =	vadd.f32 v2, v7;
	[tilespmem:s24+$0x8060] =	vst v0;
	s24 =	smov.u32 s28  }
0xf0: {  	v7 =	vld [tilespmem:s24+$0x10020]  }
0xf1: {  	v0 =	vadd.f32 v1, v5;
	v5 =	vld [tilespmem:s24+$0x8030];
	[tilespmem:s24+$0x8070] =	vst v2  }
0xf2: {  	v8 =	vld [tilespmem:s24+$0x10030]  }
.Ltmp3:
0xf3: {  	[tilespmem:s24+$0x8000] =	vst v0;
	v1 =	vadd.f32 v4, v3;
	v0 =	vld [tilespmem:s24+$0x8040];
	(pc) =	sbr.rel @p0 .LBB2_8-.Ltmp3, $4  }
0xf4: {  	v2 =	vld [tilespmem:s24+$0x10040]  }
0xf5: {  	[tilespmem:s24+$0x8010] =	vst v1;
	v4 =	vadd.f32 v7, v6;
	v1 =	vld [tilespmem:s24+$0x8050]  }
0xf6: {  	v3 =	vld [tilespmem:s24+$0x10050]  }
0xf7: {  	s26 =	sadd.s32 $0x200, s26;
	[tilespmem:s24+$0x8020] =	vst v4;
	v5 =	vadd.f32 v8, v5;
	v4 =	vld [tilespmem:s24+$0x8060]  }
0xf8: {  	v6 =	vld [tilespmem:s24+$0x10060];
	_ =	sdelay $0x2  }
0xf9: {  	v0 =	vadd.f32 v2, v0  }
0xfa: {  	[tilespmem:s24+$0x8030] =	vst v5;
	v1 =	vadd.f32 v3, v1  }
0xfb: {  	[tilespmem:s24+$0x8040] =	vst v0;
	v0 =	vadd.f32 v6, v4  }
0xfc: {  	[tilespmem:s24+$0x8050] =	vst v1  }
0xfd: {  	[tilespmem:s24+$0x8060] =	vst v0  }
0xfe: {  	s24 =	rddreg [dreg:$0x9]  }
0xff: {  	[hbm4b:s24+s1] =	stream.linear.scatter [tilespmem:s16], [sflag:$0x6], $0x8000, $0x38;
	[tilespmem:$0x18000] =	vst v63  }
0x100: {  	s25 =	rddreg [dreg:$0xa]  }
0x101: {  	[tilespmem:s15], [sflag:$0x4] =	stream.linear.gather [hbm4b:s25+s1], $0x8000, $0x38;
	[tilespmem:$0x18000] =	vst v63  }
0x102: {  	_ =	swait.ge [sflag:s21], $0x8000  }
0x103: {  	[sflag:s21] =	ssyncset.done $0x0  }
0x104: {  	s26 =	rddreg [dreg:$0xb];
	[sflag:s21] =	ssyncadd.s32 $0xFFFF8000  }
0x105: {  	[tilespmem:s16], [sflag:$0x2] =	stream.linear.gather [hbm4b:s26+s1], $0x8000, $0x38;
	[tilespmem:$0x18000] =	vst v63  }
0x106: {  	_ =	swait.ge [sflag:s17], $0x8000  }
0x107: {  	[sflag:s17] =	ssyncset.done $0x0  }
0x108: {  	[sflag:s17] =	ssyncadd.s32 $0xFFFF8000  }
0x109: {  	_ =	swait.ge [sflag:s22], $0x8000  }
0x10a: {  	[sflag:s22] =	ssyncset.done $0x0  }
0x10b: {  	s24 =	simm.s32 $0x40;
	[sflag:s22] =	ssyncadd.s32 $0xFFFF8000  }
0x10c: {  	s25 =	simm.s32 $0x10040;
	v1 =	vld [tilespmem:s24+$0x30]  }
0x10d: {  	v2 =	vld [tilespmem:s25+$0x30]  }
0x10e: {  	v0 =	vld [tilespmem:s25+$0xFFFFFFC0]  }
0x10f: {  	v3 =	vld [tilespmem:s24+$0xFFFFFFD0]  }
0x110: {  	v4 =	vld [tilespmem:s25+$0xFFFFFFD0]  }
0x111: {  	v5 =	vld [tilespmem:s24+$0xFFFFFFE0]  }
0x112: {  	v6 =	vld [tilespmem:s25+$0xFFFFFFE0]  }
0x113: {  	v7 =	vld [tilespmem:s24+$0xFFFFFFF0]  }
0x114: {  	v8 =	vld [tilespmem:s25+$0xFFFFFFF0]  }
0x115: {  	v9 =	vld [tilespmem:s24+$0x0]  }
0x116: {  	v10 =	vld [tilespmem:s25+$0x0];
	v2 =	vadd.f32 v2, v1  }
0x117: {  	v4 =	vadd.f32 v4, v3;
	v1 =	vld [tilespmem:s24+$0x10]  }
0x118: {  	v5 =	vadd.f32 v6, v5;
	v3 =	vld [tilespmem:s25+$0x10];
	[tilespmem:s24+$0x30] =	vst v2  }
0x119: {  	v6 =	vadd.f32 v8, v7;
	[tilespmem:s24+$0xFFFFFFD0] =	vst v4;
	v2 =	vld [tilespmem:s24+$0x20]  }
0x11a: {  	[tilespmem:s24+$0xFFFFFFE0] =	vst v5;
	v5 =	vld [tilespmem:s25+$0x20]  }
0x11b: {  	s28 =	simm.s32 $0xC0;
	s26 =	simm.s32 $0x0;
	v4 =	vld [tilespmem:s24+$0xFFFFFFC0];
	[tilespmem:s24+$0xFFFFFFF0] =	vst v6;
	v6 =	vadd.f32 v10, v9  }
.LBB2_10:
0x11c: {  	v7 =	vld [tilespmem:s28+$0x30];
	s25 =	sadd.s32 $0x80, s25  }
0x11d: {  	s26 =	sadd.s32 $0x80, s26;
	v8 =	vld [tilespmem:s25+$0x30];
	[tilespmem:s24+$0x0] =	vst v6;
	v1 =	vadd.f32 v3, v1  }
0x11e: {  	p0 =	slt.u32 s26, $0x7F80;
	v3 =	vld [tilespmem:s25+$0xFFFFFFC0]  }
0x11f: {  	v6 =	vld [tilespmem:s28+$0xFFFFFFD0];
	[tilespmem:s24+$0x10] =	vst v1;
	v1 =	vadd.f32 v5, v2  }
0x120: {  	v2 =	vld [tilespmem:s25+$0xFFFFFFD0];
	v9 =	vadd.f32 v0, v4  }
0x121: {  	v4 =	vld [tilespmem:s28+$0xFFFFFFE0];
	[tilespmem:s24+$0x20] =	vst v1  }
0x122: {  	v1 =	vld [tilespmem:s25+$0xFFFFFFE0];
	v5 =	vadd.f32 v8, v7;
	[tilespmem:s24+$0xFFFFFFC0] =	vst v9;
	s24 =	smov.u32 s28  }
0x123: {  	v7 =	vld [tilespmem:s28+$0xFFFFFFF0];
	v0 =	vmov v3  }
0x124: {  	v8 =	vld [tilespmem:s25+$0xFFFFFFF0];
	[tilespmem:s28+$0x30] =	vst v5  }
0x125: {  	v2 =	vadd.f32 v2, v6;
	v6 =	vld [tilespmem:s28+$0x0]  }
0x126: {  	v9 =	vld [tilespmem:s25+$0x0]  }
.Ltmp4:
0x127: {  	[tilespmem:s28+$0xFFFFFFD0] =	vst v2;
	v2 =	vadd.f32 v1, v4;
	v1 =	vld [tilespmem:s28+$0x10];
	(pc) =	sbr.rel @p0 .LBB2_10-.Ltmp4, $4  }
0x128: {  	v3 =	vld [tilespmem:s25+$0x10]  }
0x129: {  	[tilespmem:s28+$0xFFFFFFE0] =	vst v2;
	v7 =	vadd.f32 v8, v7;
	v2 =	vld [tilespmem:s28+$0x20]  }
0x12a: {  	v5 =	vld [tilespmem:s25+$0x20]  }
0x12b: {  	s28 =	sadd.s32 $0x80, s28;
	v4 =	vld [tilespmem:s24+$0xFFFFFFC0];
	[tilespmem:s24+$0xFFFFFFF0] =	vst v7;
	v6 =	vadd.f32 v9, v6  }
0x12c: {  	_ =	sdelay $0x1  }
0x12d: {  	v1 =	vadd.f32 v3, v1  }
0x12e: {  	[tilespmem:s24+$0x0] =	vst v6;
	v2 =	vadd.f32 v5, v2  }
0x12f: {  	[tilespmem:s24+$0x10] =	vst v1;
	v0 =	vadd.f32 v0, v4  }
0x130: {  	[tilespmem:s24+$0x20] =	vst v2  }
0x131: {  	[tilespmem:s24+$0xFFFFFFC0] =	vst v0  }
0x132: {  	s26 =	simm.s32 $0x0;
	s25 =	rddreg [dreg:$0xc]  }
0x133: {  	[hbm4b:s25+s26] =	stream.linear.scatter [tilespmem:s26], [sflag:$0x5], $0x8000, $0x38;
	[tilespmem:$0x18000] =	vst v63  }
0x134: {  	_ =	swait.ge [sflag:s19], $0x8000  }
0x135: {  	[sflag:s19] =	ssyncset.done $0x0  }
0x136: {  	s28 =	rddreg [dreg:$0xd];
	[sflag:s19] =	ssyncadd.s32 $0xFFFF8000  }
0x137: {  	[tilespmem:s26], [sflag:$0x1] =	stream.linear.gather [hbm4b:s28+s26], $0x8000, $0x38;
	[tilespmem:$0x18000] =	vst v63  }
0x138: {  	_ =	swait.ge [sflag:s20], $0x8000  }
0x139: {  	[sflag:s20] =	ssyncset.done $0x0  }
0x13a: {  	s24 =	simm.s32 $0x0;
	[sflag:s20] =	ssyncadd.s32 $0xFFFF8000  }
0x13b: {  	v0 =	vld [tilespmem:s24+$0x8070]  }
0x13c: {  	v1 =	vld [tilespmem:s24+$0x10070]  }
0x13d: {  	v2 =	vld [tilespmem:s24+$0x8000]  }
0x13e: {  	v3 =	vld [tilespmem:s24+$0x10000]  }
0x13f: {  	v4 =	vld [tilespmem:s24+$0x8010]  }
0x140: {  	v5 =	vld [tilespmem:s24+$0x10010]  }
0x141: {  	v6 =	vld [tilespmem:s24+$0x8020]  }
0x142: {  	v7 =	vld [tilespmem:s24+$0x10020]  }
0x143: {  	v8 =	vld [tilespmem:s24+$0x8030]  }
0x144: {  	v9 =	vld [tilespmem:s24+$0x10030];
	v1 =	vadd.f32 v1, v0  }
0x145: {  	v3 =	vadd.f32 v3, v2;
	v0 =	vld [tilespmem:s24+$0x8040]  }
0x146: {  	v4 =	vadd.f32 v5, v4;
	v2 =	vld [tilespmem:s24+$0x10040];
	[tilespmem:s24+$0x8070] =	vst v1  }
0x147: {  	v5 =	vadd.f32 v7, v6;
	[tilespmem:s24+$0x8000] =	vst v3;
	v1 =	vld [tilespmem:s24+$0x8050]  }
0x148: {  	[tilespmem:s24+$0x8010] =	vst v4;
	v3 =	vld [tilespmem:s24+$0x10050]  }
0x149: {  	s25 =	simm.s32 $0x0;
	s26 =	simm.s32 $0x200;
	[tilespmem:s24+$0x8020] =	vst v5;
	v5 =	vadd.f32 v9, v8;
	v4 =	vld [tilespmem:s24+$0x8060]  }
.LBB2_12:
0x14a: {  	s28 =	sshra.s32 s26, $0x2;
	v6 =	vld [tilespmem:s24+$0x10060]  }
0x14b: {  	s25 =	sadd.s32 $0x80, s25;
	v7 =	vld [tilespmem:s28+$0x8070];
	[tilespmem:s24+$0x8030] =	vst v5;
	v0 =	vadd.f32 v2, v0  }
0x14c: {  	p0 =	slt.u32 s25, $0x7F80;
	v2 =	vld [tilespmem:s28+$0x10070]  }
0x14d: {  	v5 =	vld [tilespmem:s28+$0x8000];
	[tilespmem:s24+$0x8040] =	vst v0;
	v0 =	vadd.f32 v3, v1  }
0x14e: {  	v1 =	vld [tilespmem:s28+$0x10000]  }
0x14f: {  	v3 =	vld [tilespmem:s28+$0x8010];
	[tilespmem:s24+$0x8050] =	vst v0;
	v0 =	vadd.f32 v6, v4  }
0x150: {  	v4 =	vld [tilespmem:s28+$0x10010]  }
0x151: {  	v6 =	vld [tilespmem:s28+$0x8020];
	v2 =	vadd.f32 v2, v7;
	[tilespmem:s24+$0x8060] =	vst v0;
	s24 =	smov.u32 s28  }
0x152: {  	v7 =	vld [tilespmem:s24+$0x10020]  }
0x153: {  	v0 =	vadd.f32 v1, v5;
	v5 =	vld [tilespmem:s24+$0x8030];
	[tilespmem:s24+$0x8070] =	vst v2  }
0x154: {  	v8 =	vld [tilespmem:s24+$0x10030]  }
.Ltmp5:
0x155: {  	[tilespmem:s24+$0x8000] =	vst v0;
	v1 =	vadd.f32 v4, v3;
	v0 =	vld [tilespmem:s24+$0x8040];
	(pc) =	sbr.rel @p0 .LBB2_12-.Ltmp5, $4  }
0x156: {  	v2 =	vld [tilespmem:s24+$0x10040]  }
0x157: {  	[tilespmem:s24+$0x8010] =	vst v1;
	v4 =	vadd.f32 v7, v6;
	v1 =	vld [tilespmem:s24+$0x8050]  }
0x158: {  	v3 =	vld [tilespmem:s24+$0x10050]  }
0x159: {  	s26 =	sadd.s32 $0x200, s26;
	[tilespmem:s24+$0x8020] =	vst v4;
	v5 =	vadd.f32 v8, v5;
	v4 =	vld [tilespmem:s24+$0x8060]  }
0x15a: {  	v6 =	vld [tilespmem:s24+$0x10060];
	_ =	sdelay $0x2  }
0x15b: {  	v0 =	vadd.f32 v2, v0  }
0x15c: {  	[tilespmem:s24+$0x8030] =	vst v5;
	v1 =	vadd.f32 v3, v1  }
0x15d: {  	[tilespmem:s24+$0x8040] =	vst v0;
	v0 =	vadd.f32 v6, v4  }
0x15e: {  	[tilespmem:s24+$0x8050] =	vst v1  }
0x15f: {  	[tilespmem:s24+$0x8060] =	vst v0  }
0x160: {  	s24 =	rddreg [dreg:$0xe]  }
0x161: {  	[hbm4b:s24+s1] =	stream.linear.scatter [tilespmem:s16], [sflag:$0x6], $0x8000, $0x38;
	[tilespmem:$0x18000] =	vst v63  }
0x162: {  	_ =	swait.ge [sflag:s21], $0x8000  }
0x163: {  	[sflag:s21] =	ssyncset.done $0x0  }
0x164: {  	s26 =	rddreg [dreg:$0xf];
	[sflag:s21] =	ssyncadd.s32 $0xFFFF8000  }
0x165: {  	[tilespmem:s16], [sflag:$0x2] =	stream.linear.gather [hbm4b:s26+s1], $0x8000, $0x38;
	[tilespmem:$0x18000] =	vst v63  }
0x166: {  	_ =	swait.ge [sflag:s17], $0x8000  }
0x167: {  	[sflag:s17] =	ssyncset.done $0x0  }
0x168: {  	s24 =	simm.s32 $0x40;
	[sflag:s17] =	ssyncadd.s32 $0xFFFF8000  }
0x169: {  	s25 =	simm.s32 $0x10040;
	v1 =	vld [tilespmem:s24+$0x30]  }
0x16a: {  	v2 =	vld [tilespmem:s25+$0x30]  }
0x16b: {  	v0 =	vld [tilespmem:s25+$0xFFFFFFC0]  }
0x16c: {  	v3 =	vld [tilespmem:s24+$0xFFFFFFD0]  }
0x16d: {  	v4 =	vld [tilespmem:s25+$0xFFFFFFD0]  }
0x16e: {  	v5 =	vld [tilespmem:s24+$0xFFFFFFE0]  }
0x16f: {  	v6 =	vld [tilespmem:s25+$0xFFFFFFE0]  }
0x170: {  	v7 =	vld [tilespmem:s24+$0xFFFFFFF0]  }
0x171: {  	v8 =	vld [tilespmem:s25+$0xFFFFFFF0]  }
0x172: {  	v9 =	vld [tilespmem:s24+$0x0]  }
0x173: {  	v10 =	vld [tilespmem:s25+$0x0];
	v2 =	vadd.f32 v2, v1  }
0x174: {  	v4 =	vadd.f32 v4, v3;
	v1 =	vld [tilespmem:s24+$0x10]  }
0x175: {  	v5 =	vadd.f32 v6, v5;
	v3 =	vld [tilespmem:s25+$0x10];
	[tilespmem:s24+$0x30] =	vst v2  }
0x176: {  	v6 =	vadd.f32 v8, v7;
	[tilespmem:s24+$0xFFFFFFD0] =	vst v4;
	v2 =	vld [tilespmem:s24+$0x20]  }
0x177: {  	[tilespmem:s24+$0xFFFFFFE0] =	vst v5;
	v5 =	vld [tilespmem:s25+$0x20]  }
0x178: {  	s28 =	simm.s32 $0xC0;
	s26 =	simm.s32 $0x0;
	v4 =	vld [tilespmem:s24+$0xFFFFFFC0];
	[tilespmem:s24+$0xFFFFFFF0] =	vst v6;
	v6 =	vadd.f32 v10, v9  }
.LBB2_14:
0x179: {  	v7 =	vld [tilespmem:s28+$0x30];
	s25 =	sadd.s32 $0x80, s25  }
0x17a: {  	s26 =	sadd.s32 $0x80, s26;
	v8 =	vld [tilespmem:s25+$0x30];
	[tilespmem:s24+$0x0] =	vst v6;
	v1 =	vadd.f32 v3, v1  }
0x17b: {  	p0 =	slt.u32 s26, $0x7F80;
	v3 =	vld [tilespmem:s25+$0xFFFFFFC0]  }
0x17c: {  	v6 =	vld [tilespmem:s28+$0xFFFFFFD0];
	[tilespmem:s24+$0x10] =	vst v1;
	v1 =	vadd.f32 v5, v2  }
0x17d: {  	v2 =	vld [tilespmem:s25+$0xFFFFFFD0];
	v9 =	vadd.f32 v0, v4  }
0x17e: {  	v4 =	vld [tilespmem:s28+$0xFFFFFFE0];
	[tilespmem:s24+$0x20] =	vst v1  }
0x17f: {  	v1 =	vld [tilespmem:s25+$0xFFFFFFE0];
	v5 =	vadd.f32 v8, v7;
	[tilespmem:s24+$0xFFFFFFC0] =	vst v9;
	s24 =	smov.u32 s28  }
0x180: {  	v7 =	vld [tilespmem:s28+$0xFFFFFFF0];
	v0 =	vmov v3  }
0x181: {  	v8 =	vld [tilespmem:s25+$0xFFFFFFF0];
	[tilespmem:s28+$0x30] =	vst v5  }
0x182: {  	v2 =	vadd.f32 v2, v6;
	v6 =	vld [tilespmem:s28+$0x0]  }
0x183: {  	v9 =	vld [tilespmem:s25+$0x0]  }
.Ltmp6:
0x184: {  	[tilespmem:s28+$0xFFFFFFD0] =	vst v2;
	v2 =	vadd.f32 v1, v4;
	v1 =	vld [tilespmem:s28+$0x10];
	(pc) =	sbr.rel @p0 .LBB2_14-.Ltmp6, $4  }
0x185: {  	v3 =	vld [tilespmem:s25+$0x10]  }
0x186: {  	[tilespmem:s28+$0xFFFFFFE0] =	vst v2;
	v7 =	vadd.f32 v8, v7;
	v2 =	vld [tilespmem:s28+$0x20]  }
0x187: {  	v5 =	vld [tilespmem:s25+$0x20]  }
0x188: {  	s28 =	sadd.s32 $0x80, s28;
	v4 =	vld [tilespmem:s24+$0xFFFFFFC0];
	[tilespmem:s24+$0xFFFFFFF0] =	vst v7;
	v6 =	vadd.f32 v9, v6  }
0x189: {  	_ =	sdelay $0x1  }
0x18a: {  	v1 =	vadd.f32 v3, v1  }
0x18b: {  	[tilespmem:s24+$0x0] =	vst v6;
	v2 =	vadd.f32 v5, v2  }
0x18c: {  	[tilespmem:s24+$0x10] =	vst v1;
	v0 =	vadd.f32 v0, v4  }
0x18d: {  	[tilespmem:s24+$0x20] =	vst v2  }
0x18e: {  	[tilespmem:s24+$0xFFFFFFC0] =	vst v0  }
0x18f: {  	s26 =	simm.s32 $0x0;
	s25 =	rddreg [dreg:$0x10]  }
0x190: {  	[hbm4b:s25+s26] =	stream.linear.scatter [tilespmem:s26], [sflag:$0x5], $0x8000, $0x38;
	[tilespmem:$0x18000] =	vst v63  }
0x191: {  	_ =	swait.ge [sflag:s19], $0x8000  }
0x192: {  	[sflag:s19] =	ssyncset.done $0x0  }
0x193: {  	s28 =	rddreg [dreg:$0x11];
	[sflag:s19] =	ssyncadd.s32 $0xFFFF8000  }
0x194: {  	[tilespmem:s26], [sflag:$0x1] =	stream.linear.gather [hbm4b:s28+s26], $0x8000, $0x38;
	[tilespmem:$0x18000] =	vst v63  }
0x195: {  	_ =	swait.ge [sflag:s20], $0x8000  }
0x196: {  	[sflag:s20] =	ssyncset.done $0x0  }
0x197: {  	s24 =	simm.s32 $0x0;
	[sflag:s20] =	ssyncadd.s32 $0xFFFF8000  }
0x198: {  	v0 =	vld [tilespmem:s24+$0x8070]  }
0x199: {  	v1 =	vld [tilespmem:s24+$0x10070]  }
0x19a: {  	v2 =	vld [tilespmem:s24+$0x8000]  }
0x19b: {  	v3 =	vld [tilespmem:s24+$0x10000]  }
0x19c: {  	v4 =	vld [tilespmem:s24+$0x8010]  }
0x19d: {  	v5 =	vld [tilespmem:s24+$0x10010]  }
0x19e: {  	v6 =	vld [tilespmem:s24+$0x8020]  }
0x19f: {  	v7 =	vld [tilespmem:s24+$0x10020]  }
0x1a0: {  	v8 =	vld [tilespmem:s24+$0x8030]  }
0x1a1: {  	v9 =	vld [tilespmem:s24+$0x10030];
	v1 =	vadd.f32 v1, v0  }
0x1a2: {  	v3 =	vadd.f32 v3, v2;
	v0 =	vld [tilespmem:s24+$0x8040]  }
0x1a3: {  	v4 =	vadd.f32 v5, v4;
	v2 =	vld [tilespmem:s24+$0x10040];
	[tilespmem:s24+$0x8070] =	vst v1  }
0x1a4: {  	v5 =	vadd.f32 v7, v6;
	[tilespmem:s24+$0x8000] =	vst v3;
	v1 =	vld [tilespmem:s24+$0x8050]  }
0x1a5: {  	[tilespmem:s24+$0x8010] =	vst v4;
	v3 =	vld [tilespmem:s24+$0x10050]  }
0x1a6: {  	s25 =	simm.s32 $0x0;
	s26 =	simm.s32 $0x200;
	[tilespmem:s24+$0x8020] =	vst v5;
	v5 =	vadd.f32 v9, v8;
	v4 =	vld [tilespmem:s24+$0x8060]  }
.LBB2_16:
0x1a7: {  	s28 =	sshra.s32 s26, $0x2;
	v6 =	vld [tilespmem:s24+$0x10060]  }
0x1a8: {  	s25 =	sadd.s32 $0x80, s25;
	v7 =	vld [tilespmem:s28+$0x8070];
	[tilespmem:s24+$0x8030] =	vst v5;
	v0 =	vadd.f32 v2, v0  }
0x1a9: {  	p0 =	slt.u32 s25, $0x7F80;
	v2 =	vld [tilespmem:s28+$0x10070]  }
0x1aa: {  	v5 =	vld [tilespmem:s28+$0x8000];
	[tilespmem:s24+$0x8040] =	vst v0;
	v0 =	vadd.f32 v3, v1  }
0x1ab: {  	v1 =	vld [tilespmem:s28+$0x10000]  }
0x1ac: {  	v3 =	vld [tilespmem:s28+$0x8010];
	[tilespmem:s24+$0x8050] =	vst v0;
	v0 =	vadd.f32 v6, v4  }
0x1ad: {  	v4 =	vld [tilespmem:s28+$0x10010]  }
0x1ae: {  	v6 =	vld [tilespmem:s28+$0x8020];
	v2 =	vadd.f32 v2, v7;
	[tilespmem:s24+$0x8060] =	vst v0;
	s24 =	smov.u32 s28  }
0x1af: {  	v7 =	vld [tilespmem:s24+$0x10020]  }
0x1b0: {  	v0 =	vadd.f32 v1, v5;
	v5 =	vld [tilespmem:s24+$0x8030];
	[tilespmem:s24+$0x8070] =	vst v2  }
0x1b1: {  	v8 =	vld [tilespmem:s24+$0x10030]  }
.Ltmp7:
0x1b2: {  	[tilespmem:s24+$0x8000] =	vst v0;
	v1 =	vadd.f32 v4, v3;
	v0 =	vld [tilespmem:s24+$0x8040];
	(pc) =	sbr.rel @p0 .LBB2_16-.Ltmp7, $4  }
0x1b3: {  	v2 =	vld [tilespmem:s24+$0x10040]  }
0x1b4: {  	[tilespmem:s24+$0x8010] =	vst v1;
	v4 =	vadd.f32 v7, v6;
	v1 =	vld [tilespmem:s24+$0x8050]  }
0x1b5: {  	v3 =	vld [tilespmem:s24+$0x10050]  }
0x1b6: {  	s26 =	sadd.s32 $0x200, s26;
	[tilespmem:s24+$0x8020] =	vst v4;
	v5 =	vadd.f32 v8, v5;
	v4 =	vld [tilespmem:s24+$0x8060]  }
0x1b7: {  	v6 =	vld [tilespmem:s24+$0x10060];
	_ =	sdelay $0x2  }
0x1b8: {  	v0 =	vadd.f32 v2, v0  }
0x1b9: {  	[tilespmem:s24+$0x8030] =	vst v5;
	v1 =	vadd.f32 v3, v1  }
0x1ba: {  	[tilespmem:s24+$0x8040] =	vst v0;
	v0 =	vadd.f32 v6, v4  }
0x1bb: {  	[tilespmem:s24+$0x8050] =	vst v1  }
0x1bc: {  	[tilespmem:s24+$0x8060] =	vst v0  }
0x1bd: {  	s24 =	rddreg [dreg:$0x12]  }
0x1be: {  	[hbm4b:s24+s1] =	stream.linear.scatter [tilespmem:s16], [sflag:$0x6], $0x8000, $0x38;
	[tilespmem:$0x18000] =	vst v63  }
0x1bf: {  	s25 =	rddreg [dreg:$0x13]  }
0x1c0: {  	[tilespmem:s15], [sflag:$0x3] =	stream.linear.gather [hbm4b:s25+s1], $0x8000, $0x38;
	[tilespmem:$0x18000] =	vst v63  }
0x1c1: {  	_ =	swait.ge [sflag:s21], $0x8000  }
0x1c2: {  	[sflag:s21] =	ssyncset.done $0x0  }
0x1c3: {  	s26 =	rddreg [dreg:$0x15];
	[sflag:s21] =	ssyncadd.s32 $0xFFFF8000  }
0x1c4: {  	[tilespmem:s16], [sflag:$0x2] =	stream.linear.gather [hbm4b:s26+s1], $0x8000, $0x38;
	[tilespmem:$0x18000] =	vst v63  }
0x1c5: {  	_ =	swait.ge [sflag:s17], $0x8000  }
0x1c6: {  	[sflag:s17] =	ssyncset.done $0x0  }
0x1c7: {  	[sflag:s17] =	ssyncadd.s32 $0xFFFF8000  }
0x1c8: {  	_ =	swait.ge [sflag:s18], $0x8000  }
0x1c9: {  	[sflag:s18] =	ssyncset.done $0x0  }
0x1ca: {  	s24 =	simm.s32 $0x40;
	[sflag:s18] =	ssyncadd.s32 $0xFFFF8000  }
0x1cb: {  	s25 =	simm.s32 $0x10040;
	v1 =	vld [tilespmem:s24+$0x30]  }
0x1cc: {  	v2 =	vld [tilespmem:s25+$0x30]  }
0x1cd: {  	v0 =	vld [tilespmem:s25+$0xFFFFFFC0]  }
0x1ce: {  	v3 =	vld [tilespmem:s24+$0xFFFFFFD0]  }
0x1cf: {  	v4 =	vld [tilespmem:s25+$0xFFFFFFD0]  }
0x1d0: {  	v5 =	vld [tilespmem:s24+$0xFFFFFFE0]  }
0x1d1: {  	v6 =	vld [tilespmem:s25+$0xFFFFFFE0]  }
0x1d2: {  	v7 =	vld [tilespmem:s24+$0xFFFFFFF0]  }
0x1d3: {  	v8 =	vld [tilespmem:s25+$0xFFFFFFF0]  }
0x1d4: {  	v9 =	vld [tilespmem:s24+$0x0]  }
0x1d5: {  	v10 =	vld [tilespmem:s25+$0x0];
	v2 =	vadd.f32 v2, v1  }
0x1d6: {  	v4 =	vadd.f32 v4, v3;
	v1 =	vld [tilespmem:s24+$0x10]  }
0x1d7: {  	v5 =	vadd.f32 v6, v5;
	v3 =	vld [tilespmem:s25+$0x10];
	[tilespmem:s24+$0x30] =	vst v2  }
0x1d8: {  	v6 =	vadd.f32 v8, v7;
	[tilespmem:s24+$0xFFFFFFD0] =	vst v4;
	v2 =	vld [tilespmem:s24+$0x20]  }
0x1d9: {  	[tilespmem:s24+$0xFFFFFFE0] =	vst v5;
	v5 =	vld [tilespmem:s25+$0x20]  }
0x1da: {  	s28 =	simm.s32 $0xC0;
	s26 =	simm.s32 $0x0;
	v4 =	vld [tilespmem:s24+$0xFFFFFFC0];
	[tilespmem:s24+$0xFFFFFFF0] =	vst v6;
	v6 =	vadd.f32 v10, v9  }
.LBB2_18:
0x1db: {  	v7 =	vld [tilespmem:s28+$0x30];
	s25 =	sadd.s32 $0x80, s25  }
0x1dc: {  	s26 =	sadd.s32 $0x80, s26;
	v8 =	vld [tilespmem:s25+$0x30];
	[tilespmem:s24+$0x0] =	vst v6;
	v1 =	vadd.f32 v3, v1  }
0x1dd: {  	p0 =	slt.u32 s26, $0x7F80;
	v3 =	vld [tilespmem:s25+$0xFFFFFFC0]  }
0x1de: {  	v6 =	vld [tilespmem:s28+$0xFFFFFFD0];
	[tilespmem:s24+$0x10] =	vst v1;
	v1 =	vadd.f32 v5, v2  }
0x1df: {  	v2 =	vld [tilespmem:s25+$0xFFFFFFD0];
	v9 =	vadd.f32 v0, v4  }
0x1e0: {  	v4 =	vld [tilespmem:s28+$0xFFFFFFE0];
	[tilespmem:s24+$0x20] =	vst v1  }
0x1e1: {  	v1 =	vld [tilespmem:s25+$0xFFFFFFE0];
	v5 =	vadd.f32 v8, v7;
	[tilespmem:s24+$0xFFFFFFC0] =	vst v9;
	s24 =	smov.u32 s28  }
0x1e2: {  	v7 =	vld [tilespmem:s28+$0xFFFFFFF0];
	v0 =	vmov v3  }
0x1e3: {  	v8 =	vld [tilespmem:s25+$0xFFFFFFF0];
	[tilespmem:s28+$0x30] =	vst v5  }
0x1e4: {  	v2 =	vadd.f32 v2, v6;
	v6 =	vld [tilespmem:s28+$0x0]  }
0x1e5: {  	v9 =	vld [tilespmem:s25+$0x0]  }
.Ltmp8:
0x1e6: {  	[tilespmem:s28+$0xFFFFFFD0] =	vst v2;
	v2 =	vadd.f32 v1, v4;
	v1 =	vld [tilespmem:s28+$0x10];
	(pc) =	sbr.rel @p0 .LBB2_18-.Ltmp8, $4  }
0x1e7: {  	v3 =	vld [tilespmem:s25+$0x10]  }
0x1e8: {  	[tilespmem:s28+$0xFFFFFFE0] =	vst v2;
	v7 =	vadd.f32 v8, v7;
	v2 =	vld [tilespmem:s28+$0x20]  }
0x1e9: {  	v5 =	vld [tilespmem:s25+$0x20]  }
0x1ea: {  	s28 =	sadd.s32 $0x80, s28;
	v4 =	vld [tilespmem:s24+$0xFFFFFFC0];
	[tilespmem:s24+$0xFFFFFFF0] =	vst v7;
	v6 =	vadd.f32 v9, v6  }
0x1eb: {  	_ =	sdelay $0x1  }
0x1ec: {  	v1 =	vadd.f32 v3, v1  }
0x1ed: {  	[tilespmem:s24+$0x0] =	vst v6;
	v2 =	vadd.f32 v5, v2  }
0x1ee: {  	[tilespmem:s24+$0x10] =	vst v1;
	v0 =	vadd.f32 v0, v4  }
0x1ef: {  	[tilespmem:s24+$0x20] =	vst v2  }
0x1f0: {  	[tilespmem:s24+$0xFFFFFFC0] =	vst v0  }
0x1f1: {  	s26 =	simm.s32 $0x0;
	s25 =	rddreg [dreg:$0x14]  }
0x1f2: {  	[hbm4b:s25+s26] =	stream.linear.scatter [tilespmem:s26], [sflag:$0x5], $0x8000, $0x38;
	[tilespmem:$0x18000] =	vst v63  }
0x1f3: {  	_ =	swait.ge [sflag:s19], $0x8000  }
0x1f4: {  	[sflag:s19] =	ssyncset.done $0x0  }
0x1f5: {  	s28 =	rddreg [dreg:$0x17];
	[sflag:s19] =	ssyncadd.s32 $0xFFFF8000  }
0x1f6: {  	[tilespmem:s26], [sflag:$0x1] =	stream.linear.gather [hbm4b:s28+s26], $0x8000, $0x38;
	[tilespmem:$0x18000] =	vst v63  }
0x1f7: {  	_ =	swait.ge [sflag:s20], $0x8000  }
0x1f8: {  	[sflag:s20] =	ssyncset.done $0x0  }
0x1f9: {  	s24 =	simm.s32 $0x0;
	[sflag:s20] =	ssyncadd.s32 $0xFFFF8000  }
0x1fa: {  	v0 =	vld [tilespmem:s24+$0x8070]  }
0x1fb: {  	v1 =	vld [tilespmem:s24+$0x10070]  }
0x1fc: {  	v2 =	vld [tilespmem:s24+$0x8000]  }
0x1fd: {  	v3 =	vld [tilespmem:s24+$0x10000]  }
0x1fe: {  	v4 =	vld [tilespmem:s24+$0x8010]  }
0x1ff: {  	v5 =	vld [tilespmem:s24+$0x10010]  }
0x200: {  	v6 =	vld [tilespmem:s24+$0x8020]  }
0x201: {  	v7 =	vld [tilespmem:s24+$0x10020]  }
0x202: {  	v8 =	vld [tilespmem:s24+$0x8030]  }
0x203: {  	v9 =	vld [tilespmem:s24+$0x10030];
	v1 =	vadd.f32 v1, v0  }
0x204: {  	v3 =	vadd.f32 v3, v2;
	v0 =	vld [tilespmem:s24+$0x8040]  }
0x205: {  	v4 =	vadd.f32 v5, v4;
	v2 =	vld [tilespmem:s24+$0x10040];
	[tilespmem:s24+$0x8070] =	vst v1  }
0x206: {  	v5 =	vadd.f32 v7, v6;
	[tilespmem:s24+$0x8000] =	vst v3;
	v1 =	vld [tilespmem:s24+$0x8050]  }
0x207: {  	[tilespmem:s24+$0x8010] =	vst v4;
	v3 =	vld [tilespmem:s24+$0x10050]  }
0x208: {  	s25 =	simm.s32 $0x0;
	s26 =	simm.s32 $0x200;
	[tilespmem:s24+$0x8020] =	vst v5;
	v5 =	vadd.f32 v9, v8;
	v4 =	vld [tilespmem:s24+$0x8060]  }
.LBB2_20:
0x209: {  	s28 =	sshra.s32 s26, $0x2;
	v6 =	vld [tilespmem:s24+$0x10060]  }
0x20a: {  	s25 =	sadd.s32 $0x80, s25;
	v7 =	vld [tilespmem:s28+$0x8070];
	[tilespmem:s24+$0x8030] =	vst v5;
	v0 =	vadd.f32 v2, v0  }
0x20b: {  	p0 =	slt.u32 s25, $0x7F80;
	v2 =	vld [tilespmem:s28+$0x10070]  }
0x20c: {  	v5 =	vld [tilespmem:s28+$0x8000];
	[tilespmem:s24+$0x8040] =	vst v0;
	v0 =	vadd.f32 v3, v1  }
0x20d: {  	v1 =	vld [tilespmem:s28+$0x10000]  }
0x20e: {  	v3 =	vld [tilespmem:s28+$0x8010];
	[tilespmem:s24+$0x8050] =	vst v0;
	v0 =	vadd.f32 v6, v4  }
0x20f: {  	v4 =	vld [tilespmem:s28+$0x10010]  }
0x210: {  	v6 =	vld [tilespmem:s28+$0x8020];
	v2 =	vadd.f32 v2, v7;
	[tilespmem:s24+$0x8060] =	vst v0;
	s24 =	smov.u32 s28  }
0x211: {  	v7 =	vld [tilespmem:s24+$0x10020]  }
0x212: {  	v0 =	vadd.f32 v1, v5;
	v5 =	vld [tilespmem:s24+$0x8030];
	[tilespmem:s24+$0x8070] =	vst v2  }
0x213: {  	v8 =	vld [tilespmem:s24+$0x10030]  }
.Ltmp9:
0x214: {  	[tilespmem:s24+$0x8000] =	vst v0;
	v1 =	vadd.f32 v4, v3;
	v0 =	vld [tilespmem:s24+$0x8040];
	(pc) =	sbr.rel @p0 .LBB2_20-.Ltmp9, $4  }
0x215: {  	v2 =	vld [tilespmem:s24+$0x10040]  }
0x216: {  	[tilespmem:s24+$0x8010] =	vst v1;
	v4 =	vadd.f32 v7, v6;
	v1 =	vld [tilespmem:s24+$0x8050]  }
0x217: {  	v3 =	vld [tilespmem:s24+$0x10050]  }
0x218: {  	s26 =	sadd.s32 $0x200, s26;
	[tilespmem:s24+$0x8020] =	vst v4;
	v5 =	vadd.f32 v8, v5;
	v4 =	vld [tilespmem:s24+$0x8060]  }
0x219: {  	v6 =	vld [tilespmem:s24+$0x10060];
	_ =	sdelay $0x2  }
0x21a: {  	v0 =	vadd.f32 v2, v0  }
0x21b: {  	[tilespmem:s24+$0x8030] =	vst v5;
	v1 =	vadd.f32 v3, v1  }
0x21c: {  	[tilespmem:s24+$0x8040] =	vst v0;
	v0 =	vadd.f32 v6, v4  }
0x21d: {  	[tilespmem:s24+$0x8050] =	vst v1  }
0x21e: {  	[tilespmem:s24+$0x8060] =	vst v0  }
0x21f: {  	s24 =	rddreg [dreg:$0x16]  }
0x220: {  	[hbm4b:s24+s1] =	stream.linear.scatter [tilespmem:s16], [sflag:$0x6], $0x8000, $0x38;
	[tilespmem:$0x18000] =	vst v63  }
0x221: {  	_ =	swait.ge [sflag:s21], $0x8000  }
0x222: {  	[sflag:s21] =	ssyncset.done $0x0  }
0x223: {  	s26 =	rddreg [dreg:$0x19];
	[sflag:s21] =	ssyncadd.s32 $0xFFFF8000  }
0x224: {  	[tilespmem:s16], [sflag:$0x2] =	stream.linear.gather [hbm4b:s26+s1], $0x8000, $0x38;
	[tilespmem:$0x18000] =	vst v63  }
0x225: {  	_ =	swait.ge [sflag:s17], $0x8000  }
0x226: {  	[sflag:s17] =	ssyncset.done $0x0  }
0x227: {  	s24 =	simm.s32 $0x40;
	[sflag:s17] =	ssyncadd.s32 $0xFFFF8000  }
0x228: {  	s25 =	simm.s32 $0x10040;
	v1 =	vld [tilespmem:s24+$0x30]  }
0x229: {  	v2 =	vld [tilespmem:s25+$0x30]  }
0x22a: {  	v0 =	vld [tilespmem:s25+$0xFFFFFFC0]  }
0x22b: {  	v3 =	vld [tilespmem:s24+$0xFFFFFFD0]  }
0x22c: {  	v4 =	vld [tilespmem:s25+$0xFFFFFFD0]  }
0x22d: {  	v5 =	vld [tilespmem:s24+$0xFFFFFFE0]  }
0x22e: {  	v6 =	vld [tilespmem:s25+$0xFFFFFFE0]  }
0x22f: {  	v7 =	vld [tilespmem:s24+$0xFFFFFFF0]  }
0x230: {  	v8 =	vld [tilespmem:s25+$0xFFFFFFF0]  }
0x231: {  	v9 =	vld [tilespmem:s24+$0x0]  }
0x232: {  	v10 =	vld [tilespmem:s25+$0x0];
	v2 =	vadd.f32 v2, v1  }
0x233: {  	v4 =	vadd.f32 v4, v3;
	v1 =	vld [tilespmem:s24+$0x10]  }
0x234: {  	v5 =	vadd.f32 v6, v5;
	v3 =	vld [tilespmem:s25+$0x10];
	[tilespmem:s24+$0x30] =	vst v2  }
0x235: {  	v6 =	vadd.f32 v8, v7;
	[tilespmem:s24+$0xFFFFFFD0] =	vst v4;
	v2 =	vld [tilespmem:s24+$0x20]  }
0x236: {  	[tilespmem:s24+$0xFFFFFFE0] =	vst v5;
	v5 =	vld [tilespmem:s25+$0x20]  }
0x237: {  	s28 =	simm.s32 $0xC0;
	s26 =	simm.s32 $0x0;
	v4 =	vld [tilespmem:s24+$0xFFFFFFC0];
	[tilespmem:s24+$0xFFFFFFF0] =	vst v6;
	v6 =	vadd.f32 v10, v9  }
.LBB2_22:
0x238: {  	v7 =	vld [tilespmem:s28+$0x30];
	s25 =	sadd.s32 $0x80, s25  }
0x239: {  	s26 =	sadd.s32 $0x80, s26;
	v8 =	vld [tilespmem:s25+$0x30];
	[tilespmem:s24+$0x0] =	vst v6;
	v1 =	vadd.f32 v3, v1  }
0x23a: {  	p0 =	slt.u32 s26, $0x7F80;
	v3 =	vld [tilespmem:s25+$0xFFFFFFC0]  }
0x23b: {  	v6 =	vld [tilespmem:s28+$0xFFFFFFD0];
	[tilespmem:s24+$0x10] =	vst v1;
	v1 =	vadd.f32 v5, v2  }
0x23c: {  	v2 =	vld [tilespmem:s25+$0xFFFFFFD0];
	v9 =	vadd.f32 v0, v4  }
0x23d: {  	v4 =	vld [tilespmem:s28+$0xFFFFFFE0];
	[tilespmem:s24+$0x20] =	vst v1  }
0x23e: {  	v1 =	vld [tilespmem:s25+$0xFFFFFFE0];
	v5 =	vadd.f32 v8, v7;
	[tilespmem:s24+$0xFFFFFFC0] =	vst v9;
	s24 =	smov.u32 s28  }
0x23f: {  	v7 =	vld [tilespmem:s28+$0xFFFFFFF0];
	v0 =	vmov v3  }
0x240: {  	v8 =	vld [tilespmem:s25+$0xFFFFFFF0];
	[tilespmem:s28+$0x30] =	vst v5  }
0x241: {  	v2 =	vadd.f32 v2, v6;
	v6 =	vld [tilespmem:s28+$0x0]  }
0x242: {  	v9 =	vld [tilespmem:s25+$0x0]  }
.Ltmp10:
0x243: {  	[tilespmem:s28+$0xFFFFFFD0] =	vst v2;
	v2 =	vadd.f32 v1, v4;
	v1 =	vld [tilespmem:s28+$0x10];
	(pc) =	sbr.rel @p0 .LBB2_22-.Ltmp10, $4  }
0x244: {  	v3 =	vld [tilespmem:s25+$0x10]  }
0x245: {  	[tilespmem:s28+$0xFFFFFFE0] =	vst v2;
	v7 =	vadd.f32 v8, v7;
	v2 =	vld [tilespmem:s28+$0x20]  }
0x246: {  	v5 =	vld [tilespmem:s25+$0x20]  }
0x247: {  	s28 =	sadd.s32 $0x80, s28;
	v4 =	vld [tilespmem:s24+$0xFFFFFFC0];
	[tilespmem:s24+$0xFFFFFFF0] =	vst v7;
	v6 =	vadd.f32 v9, v6  }
0x248: {  	_ =	sdelay $0x1  }
0x249: {  	v1 =	vadd.f32 v3, v1  }
0x24a: {  	[tilespmem:s24+$0x0] =	vst v6;
	v2 =	vadd.f32 v5, v2  }
0x24b: {  	[tilespmem:s24+$0x10] =	vst v1;
	v0 =	vadd.f32 v0, v4  }
0x24c: {  	[tilespmem:s24+$0x20] =	vst v2  }
0x24d: {  	[tilespmem:s24+$0xFFFFFFC0] =	vst v0  }
0x24e: {  	s26 =	simm.s32 $0x0;
	s25 =	rddreg [dreg:$0x18]  }
0x24f: {  	[hbm4b:s25+s26] =	stream.linear.scatter [tilespmem:s26], [sflag:$0x5], $0x8000, $0x38;
	[tilespmem:$0x18000] =	vst v63  }
0x250: {  	_ =	swait.ge [sflag:s19], $0x8000  }
0x251: {  	[sflag:s19] =	ssyncset.done $0x0  }
0x252: {  	s28 =	rddreg [dreg:$0x1b];
	[sflag:s19] =	ssyncadd.s32 $0xFFFF8000  }
0x253: {  	[tilespmem:s26], [sflag:$0x1] =	stream.linear.gather [hbm4b:s28+s26], $0x8000, $0x38;
	[tilespmem:$0x18000] =	vst v63  }
0x254: {  	_ =	swait.ge [sflag:s20], $0x8000  }
0x255: {  	[sflag:s20] =	ssyncset.done $0x0  }
0x256: {  	s24 =	simm.s32 $0x0;
	[sflag:s20] =	ssyncadd.s32 $0xFFFF8000  }
0x257: {  	v0 =	vld [tilespmem:s24+$0x8070]  }
0x258: {  	v1 =	vld [tilespmem:s24+$0x10070]  }
0x259: {  	v2 =	vld [tilespmem:s24+$0x8000]  }
0x25a: {  	v3 =	vld [tilespmem:s24+$0x10000]  }
0x25b: {  	v4 =	vld [tilespmem:s24+$0x8010]  }
0x25c: {  	v5 =	vld [tilespmem:s24+$0x10010]  }
0x25d: {  	v6 =	vld [tilespmem:s24+$0x8020]  }
0x25e: {  	v7 =	vld [tilespmem:s24+$0x10020]  }
0x25f: {  	v8 =	vld [tilespmem:s24+$0x8030]  }
0x260: {  	v9 =	vld [tilespmem:s24+$0x10030];
	v1 =	vadd.f32 v1, v0  }
0x261: {  	v3 =	vadd.f32 v3, v2;
	v0 =	vld [tilespmem:s24+$0x8040]  }
0x262: {  	v4 =	vadd.f32 v5, v4;
	v2 =	vld [tilespmem:s24+$0x10040];
	[tilespmem:s24+$0x8070] =	vst v1  }
0x263: {  	v5 =	vadd.f32 v7, v6;
	[tilespmem:s24+$0x8000] =	vst v3;
	v1 =	vld [tilespmem:s24+$0x8050]  }
0x264: {  	[tilespmem:s24+$0x8010] =	vst v4;
	v3 =	vld [tilespmem:s24+$0x10050]  }
0x265: {  	s25 =	simm.s32 $0x0;
	s26 =	simm.s32 $0x200;
	[tilespmem:s24+$0x8020] =	vst v5;
	v5 =	vadd.f32 v9, v8;
	v4 =	vld [tilespmem:s24+$0x8060]  }
.LBB2_24:
0x266: {  	s28 =	sshra.s32 s26, $0x2;
	v6 =	vld [tilespmem:s24+$0x10060]  }
0x267: {  	s25 =	sadd.s32 $0x80, s25;
	v7 =	vld [tilespmem:s28+$0x8070];
	[tilespmem:s24+$0x8030] =	vst v5;
	v0 =	vadd.f32 v2, v0  }
0x268: {  	p0 =	slt.u32 s25, $0x7F80;
	v2 =	vld [tilespmem:s28+$0x10070]  }
0x269: {  	v5 =	vld [tilespmem:s28+$0x8000];
	[tilespmem:s24+$0x8040] =	vst v0;
	v0 =	vadd.f32 v3, v1  }
0x26a: {  	v1 =	vld [tilespmem:s28+$0x10000]  }
0x26b: {  	v3 =	vld [tilespmem:s28+$0x8010];
	[tilespmem:s24+$0x8050] =	vst v0;
	v0 =	vadd.f32 v6, v4  }
0x26c: {  	v4 =	vld [tilespmem:s28+$0x10010]  }
0x26d: {  	v6 =	vld [tilespmem:s28+$0x8020];
	v2 =	vadd.f32 v2, v7;
	[tilespmem:s24+$0x8060] =	vst v0;
	s24 =	smov.u32 s28  }
0x26e: {  	v7 =	vld [tilespmem:s24+$0x10020]  }
0x26f: {  	v0 =	vadd.f32 v1, v5;
	v5 =	vld [tilespmem:s24+$0x8030];
	[tilespmem:s24+$0x8070] =	vst v2  }
0x270: {  	v8 =	vld [tilespmem:s24+$0x10030]  }
.Ltmp11:
0x271: {  	[tilespmem:s24+$0x8000] =	vst v0;
	v1 =	vadd.f32 v4, v3;
	v0 =	vld [tilespmem:s24+$0x8040];
	(pc) =	sbr.rel @p0 .LBB2_24-.Ltmp11, $4  }
0x272: {  	v2 =	vld [tilespmem:s24+$0x10040]  }
0x273: {  	[tilespmem:s24+$0x8010] =	vst v1;
	v4 =	vadd.f32 v7, v6;
	v1 =	vld [tilespmem:s24+$0x8050]  }
0x274: {  	v3 =	vld [tilespmem:s24+$0x10050]  }
0x275: {  	s26 =	sadd.s32 $0x200, s26;
	[tilespmem:s24+$0x8020] =	vst v4;
	v5 =	vadd.f32 v8, v5;
	v4 =	vld [tilespmem:s24+$0x8060]  }
0x276: {  	v6 =	vld [tilespmem:s24+$0x10060];
	_ =	sdelay $0x2  }
0x277: {  	v0 =	vadd.f32 v2, v0  }
0x278: {  	[tilespmem:s24+$0x8030] =	vst v5;
	v1 =	vadd.f32 v3, v1  }
0x279: {  	[tilespmem:s24+$0x8040] =	vst v0;
	v0 =	vadd.f32 v6, v4  }
0x27a: {  	[tilespmem:s24+$0x8050] =	vst v1  }
0x27b: {  	[tilespmem:s24+$0x8060] =	vst v0  }
0x27c: {  	s24 =	rddreg [dreg:$0x1a]  }
0x27d: {  	[hbm4b:s24+s1] =	stream.linear.scatter [tilespmem:s16], [sflag:$0x6], $0x8000, $0x38;
	[tilespmem:$0x18000] =	vst v63  }
0x27e: {  	s25 =	rddreg [dreg:$0x1c]  }
0x27f: {  	[tilespmem:s15], [sflag:$0x4] =	stream.linear.gather [hbm4b:s25+s1], $0x8000, $0x38;
	[tilespmem:$0x18000] =	vst v63  }
0x280: {  	_ =	swait.ge [sflag:s21], $0x8000  }
0x281: {  	[sflag:s21] =	ssyncset.done $0x0  }
0x282: {  	s26 =	rddreg [dreg:$0x1e];
	[sflag:s21] =	ssyncadd.s32 $0xFFFF8000  }
0x283: {  	[tilespmem:s16], [sflag:$0x2] =	stream.linear.gather [hbm4b:s26+s1], $0x8000, $0x38;
	[tilespmem:$0x18000] =	vst v63  }
0x284: {  	_ =	swait.ge [sflag:s17], $0x8000  }
0x285: {  	[sflag:s17] =	ssyncset.done $0x0  }
0x286: {  	[sflag:s17] =	ssyncadd.s32 $0xFFFF8000  }
0x287: {  	_ =	swait.ge [sflag:s22], $0x8000  }
0x288: {  	[sflag:s22] =	ssyncset.done $0x0  }
0x289: {  	s24 =	simm.s32 $0x40;
	[sflag:s22] =	ssyncadd.s32 $0xFFFF8000  }
0x28a: {  	s25 =	simm.s32 $0x10040;
	v1 =	vld [tilespmem:s24+$0x30]  }
0x28b: {  	v2 =	vld [tilespmem:s25+$0x30]  }
0x28c: {  	v0 =	vld [tilespmem:s25+$0xFFFFFFC0]  }
0x28d: {  	v3 =	vld [tilespmem:s24+$0xFFFFFFD0]  }
0x28e: {  	v4 =	vld [tilespmem:s25+$0xFFFFFFD0]  }
0x28f: {  	v5 =	vld [tilespmem:s24+$0xFFFFFFE0]  }
0x290: {  	v6 =	vld [tilespmem:s25+$0xFFFFFFE0]  }
0x291: {  	v7 =	vld [tilespmem:s24+$0xFFFFFFF0]  }
0x292: {  	v8 =	vld [tilespmem:s25+$0xFFFFFFF0]  }
0x293: {  	v9 =	vld [tilespmem:s24+$0x0]  }
0x294: {  	v10 =	vld [tilespmem:s25+$0x0];
	v2 =	vadd.f32 v2, v1  }
0x295: {  	v4 =	vadd.f32 v4, v3;
	v1 =	vld [tilespmem:s24+$0x10]  }
0x296: {  	v5 =	vadd.f32 v6, v5;
	v3 =	vld [tilespmem:s25+$0x10];
	[tilespmem:s24+$0x30] =	vst v2  }
0x297: {  	v6 =	vadd.f32 v8, v7;
	[tilespmem:s24+$0xFFFFFFD0] =	vst v4;
	v2 =	vld [tilespmem:s24+$0x20]  }
0x298: {  	[tilespmem:s24+$0xFFFFFFE0] =	vst v5;
	v5 =	vld [tilespmem:s25+$0x20]  }
0x299: {  	s28 =	simm.s32 $0xC0;
	s26 =	simm.s32 $0x0;
	v4 =	vld [tilespmem:s24+$0xFFFFFFC0];
	[tilespmem:s24+$0xFFFFFFF0] =	vst v6;
	v6 =	vadd.f32 v10, v9  }
.LBB2_26:
0x29a: {  	v7 =	vld [tilespmem:s28+$0x30];
	s25 =	sadd.s32 $0x80, s25  }
0x29b: {  	s26 =	sadd.s32 $0x80, s26;
	v8 =	vld [tilespmem:s25+$0x30];
	[tilespmem:s24+$0x0] =	vst v6;
	v1 =	vadd.f32 v3, v1  }
0x29c: {  	p0 =	slt.u32 s26, $0x7F80;
	v3 =	vld [tilespmem:s25+$0xFFFFFFC0]  }
0x29d: {  	v6 =	vld [tilespmem:s28+$0xFFFFFFD0];
	[tilespmem:s24+$0x10] =	vst v1;
	v1 =	vadd.f32 v5, v2  }
0x29e: {  	v2 =	vld [tilespmem:s25+$0xFFFFFFD0];
	v9 =	vadd.f32 v0, v4  }
0x29f: {  	v4 =	vld [tilespmem:s28+$0xFFFFFFE0];
	[tilespmem:s24+$0x20] =	vst v1  }
0x2a0: {  	v1 =	vld [tilespmem:s25+$0xFFFFFFE0];
	v5 =	vadd.f32 v8, v7;
	[tilespmem:s24+$0xFFFFFFC0] =	vst v9;
	s24 =	smov.u32 s28  }
0x2a1: {  	v7 =	vld [tilespmem:s28+$0xFFFFFFF0];
	v0 =	vmov v3  }
0x2a2: {  	v8 =	vld [tilespmem:s25+$0xFFFFFFF0];
	[tilespmem:s28+$0x30] =	vst v5  }
0x2a3: {  	v2 =	vadd.f32 v2, v6;
	v6 =	vld [tilespmem:s28+$0x0]  }
0x2a4: {  	v9 =	vld [tilespmem:s25+$0x0]  }
.Ltmp12:
0x2a5: {  	[tilespmem:s28+$0xFFFFFFD0] =	vst v2;
	v2 =	vadd.f32 v1, v4;
	v1 =	vld [tilespmem:s28+$0x10];
	(pc) =	sbr.rel @p0 .LBB2_26-.Ltmp12, $4  }
0x2a6: {  	v3 =	vld [tilespmem:s25+$0x10]  }
0x2a7: {  	[tilespmem:s28+$0xFFFFFFE0] =	vst v2;
	v7 =	vadd.f32 v8, v7;
	v2 =	vld [tilespmem:s28+$0x20]  }
0x2a8: {  	v5 =	vld [tilespmem:s25+$0x20]  }
0x2a9: {  	s28 =	sadd.s32 $0x80, s28;
	v4 =	vld [tilespmem:s24+$0xFFFFFFC0];
	[tilespmem:s24+$0xFFFFFFF0] =	vst v7;
	v6 =	vadd.f32 v9, v6  }
0x2aa: {  	_ =	sdelay $0x1  }
0x2ab: {  	v1 =	vadd.f32 v3, v1  }
0x2ac: {  	[tilespmem:s24+$0x0] =	vst v6;
	v2 =	vadd.f32 v5, v2  }
0x2ad: {  	[tilespmem:s24+$0x10] =	vst v1;
	v0 =	vadd.f32 v0, v4  }
0x2ae: {  	[tilespmem:s24+$0x20] =	vst v2  }
0x2af: {  	[tilespmem:s24+$0xFFFFFFC0] =	vst v0  }
0x2b0: {  	s26 =	simm.s32 $0x0;
	s25 =	rddreg [dreg:$0x1d]  }
0x2b1: {  	[hbm4b:s25+s26] =	stream.linear.scatter [tilespmem:s26], [sflag:$0x5], $0x8000, $0x38;
	[tilespmem:$0x18000] =	vst v63  }
0x2b2: {  	_ =	swait.ge [sflag:s19], $0x8000  }
0x2b3: {  	s28 =	sld [smem:$0x7E3]  }
0x2b4: {  	[sflag:s19] =	ssyncset.done $0x0  }
0x2b5: {  	[sflag:s19] =	ssyncadd.s32 $0xFFFF8000  }
0x2b6: {  	[tilespmem:s26], [sflag:$0x1] =	stream.linear.gather [hbm4b:s28+s26], $0x8000, $0x38;
	[tilespmem:$0x18000] =	vst v63  }
0x2b7: {  	_ =	swait.ge [sflag:s20], $0x8000  }
0x2b8: {  	[sflag:s20] =	ssyncset.done $0x0  }
0x2b9: {  	s24 =	simm.s32 $0x0;
	[sflag:s20] =	ssyncadd.s32 $0xFFFF8000  }
0x2ba: {  	v0 =	vld [tilespmem:s24+$0x8070]  }
0x2bb: {  	v1 =	vld [tilespmem:s24+$0x10070]  }
0x2bc: {  	v2 =	vld [tilespmem:s24+$0x8000]  }
0x2bd: {  	v3 =	vld [tilespmem:s24+$0x10000]  }
0x2be: {  	v4 =	vld [tilespmem:s24+$0x8010]  }
0x2bf: {  	v5 =	vld [tilespmem:s24+$0x10010]  }
0x2c0: {  	v6 =	vld [tilespmem:s24+$0x8020]  }
0x2c1: {  	v7 =	vld [tilespmem:s24+$0x10020]  }
0x2c2: {  	v8 =	vld [tilespmem:s24+$0x8030]  }
0x2c3: {  	v9 =	vld [tilespmem:s24+$0x10030];
	v1 =	vadd.f32 v1, v0  }
0x2c4: {  	v3 =	vadd.f32 v3, v2;
	v0 =	vld [tilespmem:s24+$0x8040]  }
0x2c5: {  	v4 =	vadd.f32 v5, v4;
	v2 =	vld [tilespmem:s24+$0x10040];
	[tilespmem:s24+$0x8070] =	vst v1  }
0x2c6: {  	v5 =	vadd.f32 v7, v6;
	[tilespmem:s24+$0x8000] =	vst v3;
	v1 =	vld [tilespmem:s24+$0x8050]  }
0x2c7: {  	[tilespmem:s24+$0x8010] =	vst v4;
	v3 =	vld [tilespmem:s24+$0x10050]  }
0x2c8: {  	s25 =	simm.s32 $0x0;
	s26 =	simm.s32 $0x200;
	[tilespmem:s24+$0x8020] =	vst v5;
	v5 =	vadd.f32 v9, v8;
	v4 =	vld [tilespmem:s24+$0x8060]  }
.LBB2_28:
0x2c9: {  	s28 =	sshra.s32 s26, $0x2;
	v6 =	vld [tilespmem:s24+$0x10060]  }
0x2ca: {  	s25 =	sadd.s32 $0x80, s25;
	v7 =	vld [tilespmem:s28+$0x8070];
	[tilespmem:s24+$0x8030] =	vst v5;
	v0 =	vadd.f32 v2, v0  }
0x2cb: {  	p0 =	slt.u32 s25, $0x7F80;
	v2 =	vld [tilespmem:s28+$0x10070]  }
0x2cc: {  	v5 =	vld [tilespmem:s28+$0x8000];
	[tilespmem:s24+$0x8040] =	vst v0;
	v0 =	vadd.f32 v3, v1  }
0x2cd: {  	v1 =	vld [tilespmem:s28+$0x10000]  }
0x2ce: {  	v3 =	vld [tilespmem:s28+$0x8010];
	[tilespmem:s24+$0x8050] =	vst v0;
	v0 =	vadd.f32 v6, v4  }
0x2cf: {  	v4 =	vld [tilespmem:s28+$0x10010]  }
0x2d0: {  	v6 =	vld [tilespmem:s28+$0x8020];
	v2 =	vadd.f32 v2, v7;
	[tilespmem:s24+$0x8060] =	vst v0;
	s24 =	smov.u32 s28  }
0x2d1: {  	v7 =	vld [tilespmem:s24+$0x10020]  }
0x2d2: {  	v0 =	vadd.f32 v1, v5;
	v5 =	vld [tilespmem:s24+$0x8030];
	[tilespmem:s24+$0x8070] =	vst v2  }
0x2d3: {  	v8 =	vld [tilespmem:s24+$0x10030]  }
.Ltmp13:
0x2d4: {  	[tilespmem:s24+$0x8000] =	vst v0;
	v1 =	vadd.f32 v4, v3;
	v0 =	vld [tilespmem:s24+$0x8040];
	(pc) =	sbr.rel @p0 .LBB2_28-.Ltmp13, $4  }
0x2d5: {  	v2 =	vld [tilespmem:s24+$0x10040]  }
0x2d6: {  	[tilespmem:s24+$0x8010] =	vst v1;
	v4 =	vadd.f32 v7, v6;
	v1 =	vld [tilespmem:s24+$0x8050]  }
0x2d7: {  	v3 =	vld [tilespmem:s24+$0x10050]  }
0x2d8: {  	s26 =	sadd.s32 $0x200, s26;
	[tilespmem:s24+$0x8020] =	vst v4;
	v5 =	vadd.f32 v8, v5;
	v4 =	vld [tilespmem:s24+$0x8060]  }
0x2d9: {  	v6 =	vld [tilespmem:s24+$0x10060];
	_ =	sdelay $0x2  }
0x2da: {  	v0 =	vadd.f32 v2, v0  }
0x2db: {  	[tilespmem:s24+$0x8030] =	vst v5;
	v1 =	vadd.f32 v3, v1  }
0x2dc: {  	[tilespmem:s24+$0x8040] =	vst v0;
	v0 =	vadd.f32 v6, v4  }
0x2dd: {  	[tilespmem:s24+$0x8050] =	vst v1  }
0x2de: {  	[tilespmem:s24+$0x8060] =	vst v0  }
0x2df: {  	s24 =	rddreg [dreg:$0x1f]  }
0x2e0: {  	[hbm4b:s24+s1] =	stream.linear.scatter [tilespmem:s16], [sflag:$0x6], $0x8000, $0x38;
	[tilespmem:$0x18000] =	vst v63  }
0x2e1: {  	_ =	swait.ge [sflag:s21], $0x8000  }
0x2e2: {  	s26 =	sld [smem:$0x7E5]  }
0x2e3: {  	[sflag:s21] =	ssyncset.done $0x0  }
0x2e4: {  	[sflag:s21] =	ssyncadd.s32 $0xFFFF8000  }
0x2e5: {  	[tilespmem:s16], [sflag:$0x2] =	stream.linear.gather [hbm4b:s26+s1], $0x8000, $0x38;
	[tilespmem:$0x18000] =	vst v63  }
0x2e6: {  	_ =	swait.ge [sflag:s17], $0x8000  }
0x2e7: {  	[sflag:s17] =	ssyncset.done $0x0  }
0x2e8: {  	s24 =	simm.s32 $0x40;
	[sflag:s17] =	ssyncadd.s32 $0xFFFF8000  }
0x2e9: {  	s25 =	simm.s32 $0x10040;
	v1 =	vld [tilespmem:s24+$0x30]  }
0x2ea: {  	v2 =	vld [tilespmem:s25+$0x30]  }
0x2eb: {  	v0 =	vld [tilespmem:s25+$0xFFFFFFC0]  }
0x2ec: {  	v3 =	vld [tilespmem:s24+$0xFFFFFFD0]  }
0x2ed: {  	v4 =	vld [tilespmem:s25+$0xFFFFFFD0]  }
0x2ee: {  	v5 =	vld [tilespmem:s24+$0xFFFFFFE0]  }
0x2ef: {  	v6 =	vld [tilespmem:s25+$0xFFFFFFE0]  }
0x2f0: {  	v7 =	vld [tilespmem:s24+$0xFFFFFFF0]  }
0x2f1: {  	v8 =	vld [tilespmem:s25+$0xFFFFFFF0]  }
0x2f2: {  	v9 =	vld [tilespmem:s24+$0x0]  }
0x2f3: {  	v10 =	vld [tilespmem:s25+$0x0];
	v2 =	vadd.f32 v2, v1  }
0x2f4: {  	v4 =	vadd.f32 v4, v3;
	v1 =	vld [tilespmem:s24+$0x10]  }
0x2f5: {  	v5 =	vadd.f32 v6, v5;
	v3 =	vld [tilespmem:s25+$0x10];
	[tilespmem:s24+$0x30] =	vst v2  }
0x2f6: {  	v6 =	vadd.f32 v8, v7;
	[tilespmem:s24+$0xFFFFFFD0] =	vst v4;
	v2 =	vld [tilespmem:s24+$0x20]  }
0x2f7: {  	[tilespmem:s24+$0xFFFFFFE0] =	vst v5;
	v5 =	vld [tilespmem:s25+$0x20]  }
0x2f8: {  	s28 =	simm.s32 $0xC0;
	s26 =	simm.s32 $0x0;
	v4 =	vld [tilespmem:s24+$0xFFFFFFC0];
	[tilespmem:s24+$0xFFFFFFF0] =	vst v6;
	v6 =	vadd.f32 v10, v9  }
.LBB2_30:
0x2f9: {  	v7 =	vld [tilespmem:s28+$0x30];
	s25 =	sadd.s32 $0x80, s25  }
0x2fa: {  	s26 =	sadd.s32 $0x80, s26;
	v8 =	vld [tilespmem:s25+$0x30];
	[tilespmem:s24+$0x0] =	vst v6;
	v1 =	vadd.f32 v3, v1  }
0x2fb: {  	p0 =	slt.u32 s26, $0x7F80;
	v3 =	vld [tilespmem:s25+$0xFFFFFFC0]  }
0x2fc: {  	v6 =	vld [tilespmem:s28+$0xFFFFFFD0];
	[tilespmem:s24+$0x10] =	vst v1;
	v1 =	vadd.f32 v5, v2  }
0x2fd: {  	v2 =	vld [tilespmem:s25+$0xFFFFFFD0];
	v9 =	vadd.f32 v0, v4  }
0x2fe: {  	v4 =	vld [tilespmem:s28+$0xFFFFFFE0];
	[tilespmem:s24+$0x20] =	vst v1  }
0x2ff: {  	v1 =	vld [tilespmem:s25+$0xFFFFFFE0];
	v5 =	vadd.f32 v8, v7;
	[tilespmem:s24+$0xFFFFFFC0] =	vst v9;
	s24 =	smov.u32 s28  }
0x300: {  	v7 =	vld [tilespmem:s28+$0xFFFFFFF0];
	v0 =	vmov v3  }
0x301: {  	v8 =	vld [tilespmem:s25+$0xFFFFFFF0];
	[tilespmem:s28+$0x30] =	vst v5  }
0x302: {  	v2 =	vadd.f32 v2, v6;
	v6 =	vld [tilespmem:s28+$0x0]  }
0x303: {  	v9 =	vld [tilespmem:s25+$0x0]  }
.Ltmp14:
0x304: {  	[tilespmem:s28+$0xFFFFFFD0] =	vst v2;
	v2 =	vadd.f32 v1, v4;
	v1 =	vld [tilespmem:s28+$0x10];
	(pc) =	sbr.rel @p0 .LBB2_30-.Ltmp14, $4  }
0x305: {  	v3 =	vld [tilespmem:s25+$0x10]  }
0x306: {  	[tilespmem:s28+$0xFFFFFFE0] =	vst v2;
	v7 =	vadd.f32 v8, v7;
	v2 =	vld [tilespmem:s28+$0x20]  }
0x307: {  	v5 =	vld [tilespmem:s25+$0x20]  }
0x308: {  	s28 =	sadd.s32 $0x80, s28;
	v4 =	vld [tilespmem:s24+$0xFFFFFFC0];
	[tilespmem:s24+$0xFFFFFFF0] =	vst v7;
	v6 =	vadd.f32 v9, v6  }
0x309: {  	_ =	sdelay $0x1  }
0x30a: {  	v1 =	vadd.f32 v3, v1  }
0x30b: {  	[tilespmem:s24+$0x0] =	vst v6;
	v2 =	vadd.f32 v5, v2  }
0x30c: {  	[tilespmem:s24+$0x10] =	vst v1;
	v0 =	vadd.f32 v0, v4  }
0x30d: {  	[tilespmem:s24+$0x20] =	vst v2  }
0x30e: {  	[tilespmem:s24+$0xFFFFFFC0] =	vst v0  }
0x30f: {  	s25 =	sld [smem:$0x7E4];
	_ =	sdelay $0x1  }
0x310: {  	s26 =	simm.s32 $0x0  }
0x311: {  	[hbm4b:s25+s26] =	stream.linear.scatter [tilespmem:s26], [sflag:$0x5], $0x8000, $0x38;
	[tilespmem:$0x18000] =	vst v63  }
0x312: {  	_ =	swait.ge [sflag:s19], $0x8000  }
0x313: {  	s28 =	sld [smem:$0x7E7]  }
0x314: {  	[sflag:s19] =	ssyncset.done $0x0  }
0x315: {  	[sflag:s19] =	ssyncadd.s32 $0xFFFF8000  }
0x316: {  	[tilespmem:s26], [sflag:$0x1] =	stream.linear.gather [hbm4b:s28+s26], $0x8000, $0x38;
	[tilespmem:$0x18000] =	vst v63  }
0x317: {  	_ =	swait.ge [sflag:s20], $0x8000  }
0x318: {  	[sflag:s20] =	ssyncset.done $0x0  }
0x319: {  	s24 =	simm.s32 $0x0;
	[sflag:s20] =	ssyncadd.s32 $0xFFFF8000  }
0x31a: {  	v0 =	vld [tilespmem:s24+$0x8070]  }
0x31b: {  	v1 =	vld [tilespmem:s24+$0x10070]  }
0x31c: {  	v2 =	vld [tilespmem:s24+$0x8000]  }
0x31d: {  	v3 =	vld [tilespmem:s24+$0x10000]  }
0x31e: {  	v4 =	vld [tilespmem:s24+$0x8010]  }
0x31f: {  	v5 =	vld [tilespmem:s24+$0x10010]  }
0x320: {  	v6 =	vld [tilespmem:s24+$0x8020]  }
0x321: {  	v7 =	vld [tilespmem:s24+$0x10020]  }
0x322: {  	v8 =	vld [tilespmem:s24+$0x8030]  }
0x323: {  	v9 =	vld [tilespmem:s24+$0x10030];
	v1 =	vadd.f32 v1, v0  }
0x324: {  	v3 =	vadd.f32 v3, v2;
	v0 =	vld [tilespmem:s24+$0x8040]  }
0x325: {  	v4 =	vadd.f32 v5, v4;
	v2 =	vld [tilespmem:s24+$0x10040];
	[tilespmem:s24+$0x8070] =	vst v1  }
0x326: {  	v5 =	vadd.f32 v7, v6;
	[tilespmem:s24+$0x8000] =	vst v3;
	v1 =	vld [tilespmem:s24+$0x8050]  }
0x327: {  	[tilespmem:s24+$0x8010] =	vst v4;
	v3 =	vld [tilespmem:s24+$0x10050]  }
0x328: {  	s25 =	simm.s32 $0x0;
	s26 =	simm.s32 $0x200;
	[tilespmem:s24+$0x8020] =	vst v5;
	v5 =	vadd.f32 v9, v8;
	v4 =	vld [tilespmem:s24+$0x8060]  }
.LBB2_32:
0x329: {  	s28 =	sshra.s32 s26, $0x2;
	v6 =	vld [tilespmem:s24+$0x10060]  }
0x32a: {  	s25 =	sadd.s32 $0x80, s25;
	v7 =	vld [tilespmem:s28+$0x8070];
	[tilespmem:s24+$0x8030] =	vst v5;
	v0 =	vadd.f32 v2, v0  }
0x32b: {  	p0 =	slt.u32 s25, $0x7F80;
	v2 =	vld [tilespmem:s28+$0x10070]  }
0x32c: {  	v5 =	vld [tilespmem:s28+$0x8000];
	[tilespmem:s24+$0x8040] =	vst v0;
	v0 =	vadd.f32 v3, v1  }
0x32d: {  	v1 =	vld [tilespmem:s28+$0x10000]  }
0x32e: {  	v3 =	vld [tilespmem:s28+$0x8010];
	[tilespmem:s24+$0x8050] =	vst v0;
	v0 =	vadd.f32 v6, v4  }
0x32f: {  	v4 =	vld [tilespmem:s28+$0x10010]  }
0x330: {  	v6 =	vld [tilespmem:s28+$0x8020];
	v2 =	vadd.f32 v2, v7;
	[tilespmem:s24+$0x8060] =	vst v0;
	s24 =	smov.u32 s28  }
0x331: {  	v7 =	vld [tilespmem:s24+$0x10020]  }
0x332: {  	v0 =	vadd.f32 v1, v5;
	v5 =	vld [tilespmem:s24+$0x8030];
	[tilespmem:s24+$0x8070] =	vst v2  }
0x333: {  	v8 =	vld [tilespmem:s24+$0x10030]  }
.Ltmp15:
0x334: {  	[tilespmem:s24+$0x8000] =	vst v0;
	v1 =	vadd.f32 v4, v3;
	v0 =	vld [tilespmem:s24+$0x8040];
	(pc) =	sbr.rel @p0 .LBB2_32-.Ltmp15, $4  }
0x335: {  	v2 =	vld [tilespmem:s24+$0x10040]  }
0x336: {  	[tilespmem:s24+$0x8010] =	vst v1;
	v4 =	vadd.f32 v7, v6;
	v1 =	vld [tilespmem:s24+$0x8050]  }
0x337: {  	v3 =	vld [tilespmem:s24+$0x10050]  }
0x338: {  	s26 =	sadd.s32 $0x200, s26;
	[tilespmem:s24+$0x8020] =	vst v4;
	v5 =	vadd.f32 v8, v5;
	v4 =	vld [tilespmem:s24+$0x8060]  }
0x339: {  	v6 =	vld [tilespmem:s24+$0x10060];
	_ =	sdelay $0x2  }
0x33a: {  	v0 =	vadd.f32 v2, v0  }
0x33b: {  	[tilespmem:s24+$0x8030] =	vst v5;
	v1 =	vadd.f32 v3, v1  }
0x33c: {  	[tilespmem:s24+$0x8040] =	vst v0;
	v0 =	vadd.f32 v6, v4  }
0x33d: {  	[tilespmem:s24+$0x8050] =	vst v1  }
0x33e: {  	[tilespmem:s24+$0x8060] =	vst v0  }
0x33f: {  	s24 =	sld [smem:$0x7E6];
	_ =	sdelay $0x1  }
0x340: {  	s25 =	sld [smem:$0x7E8]  }
0x341: {  	[hbm4b:s24+s1] =	stream.linear.scatter [tilespmem:s16], [sflag:$0x6], $0x8000, $0x38;
	[tilespmem:$0x18000] =	vst v63  }
0x342: {  	_ = 	snop  }
0x343: {  	[tilespmem:s15], [sflag:$0x3] =	stream.linear.gather [hbm4b:s25+s1], $0x8000, $0x38;
	[tilespmem:$0x18000] =	vst v63  }
0x344: {  	_ =	swait.ge [sflag:s21], $0x8000  }
0x345: {  	s26 =	sld [smem:$0x7EA]  }
0x346: {  	[sflag:s21] =	ssyncset.done $0x0  }
0x347: {  	[sflag:s21] =	ssyncadd.s32 $0xFFFF8000  }
0x348: {  	[tilespmem:s16], [sflag:$0x2] =	stream.linear.gather [hbm4b:s26+s1], $0x8000, $0x38;
	[tilespmem:$0x18000] =	vst v63  }
0x349: {  	_ =	swait.ge [sflag:s17], $0x8000  }
0x34a: {  	[sflag:s17] =	ssyncset.done $0x0  }
0x34b: {  	[sflag:s17] =	ssyncadd.s32 $0xFFFF8000  }
0x34c: {  	_ =	swait.ge [sflag:s18], $0x8000  }
0x34d: {  	[sflag:s18] =	ssyncset.done $0x0  }
0x34e: {  	s24 =	simm.s32 $0x40;
	[sflag:s18] =	ssyncadd.s32 $0xFFFF8000  }
0x34f: {  	s25 =	simm.s32 $0x10040;
	v1 =	vld [tilespmem:s24+$0x30]  }
0x350: {  	v2 =	vld [tilespmem:s25+$0x30]  }
0x351: {  	v0 =	vld [tilespmem:s25+$0xFFFFFFC0]  }
0x352: {  	v3 =	vld [tilespmem:s24+$0xFFFFFFD0]  }
0x353: {  	v4 =	vld [tilespmem:s25+$0xFFFFFFD0]  }
0x354: {  	v5 =	vld [tilespmem:s24+$0xFFFFFFE0]  }
0x355: {  	v6 =	vld [tilespmem:s25+$0xFFFFFFE0]  }
0x356: {  	v7 =	vld [tilespmem:s24+$0xFFFFFFF0]  }
0x357: {  	v8 =	vld [tilespmem:s25+$0xFFFFFFF0]  }
0x358: {  	v9 =	vld [tilespmem:s24+$0x0]  }
0x359: {  	v10 =	vld [tilespmem:s25+$0x0];
	v2 =	vadd.f32 v2, v1  }
0x35a: {  	v4 =	vadd.f32 v4, v3;
	v1 =	vld [tilespmem:s24+$0x10]  }
0x35b: {  	v5 =	vadd.f32 v6, v5;
	v3 =	vld [tilespmem:s25+$0x10];
	[tilespmem:s24+$0x30] =	vst v2  }
0x35c: {  	v6 =	vadd.f32 v8, v7;
	[tilespmem:s24+$0xFFFFFFD0] =	vst v4;
	v2 =	vld [tilespmem:s24+$0x20]  }
0x35d: {  	[tilespmem:s24+$0xFFFFFFE0] =	vst v5;
	v5 =	vld [tilespmem:s25+$0x20]  }
0x35e: {  	s28 =	simm.s32 $0xC0;
	s26 =	simm.s32 $0x0;
	v4 =	vld [tilespmem:s24+$0xFFFFFFC0];
	[tilespmem:s24+$0xFFFFFFF0] =	vst v6;
	v6 =	vadd.f32 v10, v9  }
.LBB2_34:
0x35f: {  	v7 =	vld [tilespmem:s28+$0x30];
	s25 =	sadd.s32 $0x80, s25  }
0x360: {  	s26 =	sadd.s32 $0x80, s26;
	v8 =	vld [tilespmem:s25+$0x30];
	[tilespmem:s24+$0x0] =	vst v6;
	v1 =	vadd.f32 v3, v1  }
0x361: {  	p0 =	slt.u32 s26, $0x7F80;
	v3 =	vld [tilespmem:s25+$0xFFFFFFC0]  }
0x362: {  	v6 =	vld [tilespmem:s28+$0xFFFFFFD0];
	[tilespmem:s24+$0x10] =	vst v1;
	v1 =	vadd.f32 v5, v2  }
0x363: {  	v2 =	vld [tilespmem:s25+$0xFFFFFFD0];
	v9 =	vadd.f32 v0, v4  }
0x364: {  	v4 =	vld [tilespmem:s28+$0xFFFFFFE0];
	[tilespmem:s24+$0x20] =	vst v1  }
0x365: {  	v1 =	vld [tilespmem:s25+$0xFFFFFFE0];
	v5 =	vadd.f32 v8, v7;
	[tilespmem:s24+$0xFFFFFFC0] =	vst v9;
	s24 =	smov.u32 s28  }
0x366: {  	v7 =	vld [tilespmem:s28+$0xFFFFFFF0];
	v0 =	vmov v3  }
0x367: {  	v8 =	vld [tilespmem:s25+$0xFFFFFFF0];
	[tilespmem:s28+$0x30] =	vst v5  }
0x368: {  	v2 =	vadd.f32 v2, v6;
	v6 =	vld [tilespmem:s28+$0x0]  }
0x369: {  	v9 =	vld [tilespmem:s25+$0x0]  }
.Ltmp16:
0x36a: {  	[tilespmem:s28+$0xFFFFFFD0] =	vst v2;
	v2 =	vadd.f32 v1, v4;
	v1 =	vld [tilespmem:s28+$0x10];
	(pc) =	sbr.rel @p0 .LBB2_34-.Ltmp16, $4  }
0x36b: {  	v3 =	vld [tilespmem:s25+$0x10]  }
0x36c: {  	[tilespmem:s28+$0xFFFFFFE0] =	vst v2;
	v7 =	vadd.f32 v8, v7;
	v2 =	vld [tilespmem:s28+$0x20]  }
0x36d: {  	v5 =	vld [tilespmem:s25+$0x20]  }
0x36e: {  	s28 =	sadd.s32 $0x80, s28;
	v4 =	vld [tilespmem:s24+$0xFFFFFFC0];
	[tilespmem:s24+$0xFFFFFFF0] =	vst v7;
	v6 =	vadd.f32 v9, v6  }
0x36f: {  	_ =	sdelay $0x1  }
0x370: {  	v1 =	vadd.f32 v3, v1  }
0x371: {  	[tilespmem:s24+$0x0] =	vst v6;
	v2 =	vadd.f32 v5, v2  }
0x372: {  	[tilespmem:s24+$0x10] =	vst v1;
	v0 =	vadd.f32 v0, v4  }
0x373: {  	[tilespmem:s24+$0x20] =	vst v2  }
0x374: {  	[tilespmem:s24+$0xFFFFFFC0] =	vst v0  }
0x375: {  	s25 =	sld [smem:$0x7E9];
	_ =	sdelay $0x1  }
0x376: {  	s26 =	simm.s32 $0x0  }
0x377: {  	[hbm4b:s25+s26] =	stream.linear.scatter [tilespmem:s26], [sflag:$0x5], $0x8000, $0x38;
	[tilespmem:$0x18000] =	vst v63  }
0x378: {  	_ =	swait.ge [sflag:s19], $0x8000  }
0x379: {  	s28 =	sld [smem:$0x7EC]  }
0x37a: {  	[sflag:s19] =	ssyncset.done $0x0  }
0x37b: {  	[sflag:s19] =	ssyncadd.s32 $0xFFFF8000  }
0x37c: {  	[tilespmem:s26], [sflag:$0x1] =	stream.linear.gather [hbm4b:s28+s26], $0x8000, $0x38;
	[tilespmem:$0x18000] =	vst v63  }
0x37d: {  	_ =	swait.ge [sflag:s20], $0x8000  }
0x37e: {  	[sflag:s20] =	ssyncset.done $0x0  }
0x37f: {  	s24 =	simm.s32 $0x0;
	[sflag:s20] =	ssyncadd.s32 $0xFFFF8000  }
0x380: {  	v0 =	vld [tilespmem:s24+$0x8070]  }
0x381: {  	v1 =	vld [tilespmem:s24+$0x10070]  }
0x382: {  	v2 =	vld [tilespmem:s24+$0x8000]  }
0x383: {  	v3 =	vld [tilespmem:s24+$0x10000]  }
0x384: {  	v4 =	vld [tilespmem:s24+$0x8010]  }
0x385: {  	v5 =	vld [tilespmem:s24+$0x10010]  }
0x386: {  	v6 =	vld [tilespmem:s24+$0x8020]  }
0x387: {  	v7 =	vld [tilespmem:s24+$0x10020]  }
0x388: {  	v8 =	vld [tilespmem:s24+$0x8030]  }
0x389: {  	v9 =	vld [tilespmem:s24+$0x10030];
	v1 =	vadd.f32 v1, v0  }
0x38a: {  	v3 =	vadd.f32 v3, v2;
	v0 =	vld [tilespmem:s24+$0x8040]  }
0x38b: {  	v4 =	vadd.f32 v5, v4;
	v2 =	vld [tilespmem:s24+$0x10040];
	[tilespmem:s24+$0x8070] =	vst v1  }
0x38c: {  	v5 =	vadd.f32 v7, v6;
	[tilespmem:s24+$0x8000] =	vst v3;
	v1 =	vld [tilespmem:s24+$0x8050]  }
0x38d: {  	[tilespmem:s24+$0x8010] =	vst v4;
	v3 =	vld [tilespmem:s24+$0x10050]  }
0x38e: {  	s25 =	simm.s32 $0x0;
	s26 =	simm.s32 $0x200;
	[tilespmem:s24+$0x8020] =	vst v5;
	v5 =	vadd.f32 v9, v8;
	v4 =	vld [tilespmem:s24+$0x8060]  }
.LBB2_36:
0x38f: {  	s28 =	sshra.s32 s26, $0x2;
	v6 =	vld [tilespmem:s24+$0x10060]  }
0x390: {  	s25 =	sadd.s32 $0x80, s25;
	v7 =	vld [tilespmem:s28+$0x8070];
	[tilespmem:s24+$0x8030] =	vst v5;
	v0 =	vadd.f32 v2, v0  }
0x391: {  	p0 =	slt.u32 s25, $0x7F80;
	v2 =	vld [tilespmem:s28+$0x10070]  }
0x392: {  	v5 =	vld [tilespmem:s28+$0x8000];
	[tilespmem:s24+$0x8040] =	vst v0;
	v0 =	vadd.f32 v3, v1  }
0x393: {  	v1 =	vld [tilespmem:s28+$0x10000]  }
0x394: {  	v3 =	vld [tilespmem:s28+$0x8010];
	[tilespmem:s24+$0x8050] =	vst v0;
	v0 =	vadd.f32 v6, v4  }
0x395: {  	v4 =	vld [tilespmem:s28+$0x10010]  }
0x396: {  	v6 =	vld [tilespmem:s28+$0x8020];
	v2 =	vadd.f32 v2, v7;
	[tilespmem:s24+$0x8060] =	vst v0;
	s24 =	smov.u32 s28  }
0x397: {  	v7 =	vld [tilespmem:s24+$0x10020]  }
0x398: {  	v0 =	vadd.f32 v1, v5;
	v5 =	vld [tilespmem:s24+$0x8030];
	[tilespmem:s24+$0x8070] =	vst v2  }
0x399: {  	v8 =	vld [tilespmem:s24+$0x10030]  }
.Ltmp17:
0x39a: {  	[tilespmem:s24+$0x8000] =	vst v0;
	v1 =	vadd.f32 v4, v3;
	v0 =	vld [tilespmem:s24+$0x8040];
	(pc) =	sbr.rel @p0 .LBB2_36-.Ltmp17, $4  }
0x39b: {  	v2 =	vld [tilespmem:s24+$0x10040]  }
0x39c: {  	[tilespmem:s24+$0x8010] =	vst v1;
	v4 =	vadd.f32 v7, v6;
	v1 =	vld [tilespmem:s24+$0x8050]  }
0x39d: {  	v3 =	vld [tilespmem:s24+$0x10050]  }
0x39e: {  	s26 =	sadd.s32 $0x200, s26;
	[tilespmem:s24+$0x8020] =	vst v4;
	v5 =	vadd.f32 v8, v5;
	v4 =	vld [tilespmem:s24+$0x8060]  }
0x39f: {  	v6 =	vld [tilespmem:s24+$0x10060];
	_ =	sdelay $0x2  }
0x3a0: {  	v0 =	vadd.f32 v2, v0  }
0x3a1: {  	[tilespmem:s24+$0x8030] =	vst v5;
	v1 =	vadd.f32 v3, v1  }
0x3a2: {  	[tilespmem:s24+$0x8040] =	vst v0;
	v0 =	vadd.f32 v6, v4  }
0x3a3: {  	[tilespmem:s24+$0x8050] =	vst v1  }
0x3a4: {  	[tilespmem:s24+$0x8060] =	vst v0  }
0x3a5: {  	s24 =	sld [smem:$0x7EB];
	_ =	sdelay $0x2  }
0x3a6: {  	[hbm4b:s24+s1] =	stream.linear.scatter [tilespmem:s16], [sflag:$0x6], $0x8000, $0x38;
	[tilespmem:$0x18000] =	vst v63  }
0x3a7: {  	_ =	swait.ge [sflag:s21], $0x8000  }
0x3a8: {  	s26 =	sld [smem:$0x7EE]  }
0x3a9: {  	[sflag:s21] =	ssyncset.done $0x0  }
0x3aa: {  	[sflag:s21] =	ssyncadd.s32 $0xFFFF8000  }
0x3ab: {  	[tilespmem:s16], [sflag:$0x2] =	stream.linear.gather [hbm4b:s26+s1], $0x8000, $0x38;
	[tilespmem:$0x18000] =	vst v63  }
0x3ac: {  	_ =	swait.ge [sflag:s17], $0x8000  }
0x3ad: {  	[sflag:s17] =	ssyncset.done $0x0  }
0x3ae: {  	s24 =	simm.s32 $0x40;
	[sflag:s17] =	ssyncadd.s32 $0xFFFF8000  }
0x3af: {  	s25 =	simm.s32 $0x10040;
	v1 =	vld [tilespmem:s24+$0x30]  }
0x3b0: {  	v2 =	vld [tilespmem:s25+$0x30]  }
0x3b1: {  	v0 =	vld [tilespmem:s25+$0xFFFFFFC0]  }
0x3b2: {  	v3 =	vld [tilespmem:s24+$0xFFFFFFD0]  }
0x3b3: {  	v4 =	vld [tilespmem:s25+$0xFFFFFFD0]  }
0x3b4: {  	v5 =	vld [tilespmem:s24+$0xFFFFFFE0]  }
0x3b5: {  	v6 =	vld [tilespmem:s25+$0xFFFFFFE0]  }
0x3b6: {  	v7 =	vld [tilespmem:s24+$0xFFFFFFF0]  }
0x3b7: {  	v8 =	vld [tilespmem:s25+$0xFFFFFFF0]  }
0x3b8: {  	v9 =	vld [tilespmem:s24+$0x0]  }
0x3b9: {  	v10 =	vld [tilespmem:s25+$0x0];
	v2 =	vadd.f32 v2, v1  }
0x3ba: {  	v4 =	vadd.f32 v4, v3;
	v1 =	vld [tilespmem:s24+$0x10]  }
0x3bb: {  	v5 =	vadd.f32 v6, v5;
	v3 =	vld [tilespmem:s25+$0x10];
	[tilespmem:s24+$0x30] =	vst v2  }
0x3bc: {  	v6 =	vadd.f32 v8, v7;
	[tilespmem:s24+$0xFFFFFFD0] =	vst v4;
	v2 =	vld [tilespmem:s24+$0x20]  }
0x3bd: {  	[tilespmem:s24+$0xFFFFFFE0] =	vst v5;
	v5 =	vld [tilespmem:s25+$0x20]  }
0x3be: {  	s28 =	simm.s32 $0xC0;
	s26 =	simm.s32 $0x0;
	v4 =	vld [tilespmem:s24+$0xFFFFFFC0];
	[tilespmem:s24+$0xFFFFFFF0] =	vst v6;
	v6 =	vadd.f32 v10, v9  }
.LBB2_38:
0x3bf: {  	v7 =	vld [tilespmem:s28+$0x30];
	s25 =	sadd.s32 $0x80, s25  }
0x3c0: {  	s26 =	sadd.s32 $0x80, s26;
	v8 =	vld [tilespmem:s25+$0x30];
	[tilespmem:s24+$0x0] =	vst v6;
	v1 =	vadd.f32 v3, v1  }
0x3c1: {  	p0 =	slt.u32 s26, $0x7F80;
	v3 =	vld [tilespmem:s25+$0xFFFFFFC0]  }
0x3c2: {  	v6 =	vld [tilespmem:s28+$0xFFFFFFD0];
	[tilespmem:s24+$0x10] =	vst v1;
	v1 =	vadd.f32 v5, v2  }
0x3c3: {  	v2 =	vld [tilespmem:s25+$0xFFFFFFD0];
	v9 =	vadd.f32 v0, v4  }
0x3c4: {  	v4 =	vld [tilespmem:s28+$0xFFFFFFE0];
	[tilespmem:s24+$0x20] =	vst v1  }
0x3c5: {  	v1 =	vld [tilespmem:s25+$0xFFFFFFE0];
	v5 =	vadd.f32 v8, v7;
	[tilespmem:s24+$0xFFFFFFC0] =	vst v9;
	s24 =	smov.u32 s28  }
0x3c6: {  	v7 =	vld [tilespmem:s28+$0xFFFFFFF0];
	v0 =	vmov v3  }
0x3c7: {  	v8 =	vld [tilespmem:s25+$0xFFFFFFF0];
	[tilespmem:s28+$0x30] =	vst v5  }
0x3c8: {  	v2 =	vadd.f32 v2, v6;
	v6 =	vld [tilespmem:s28+$0x0]  }
0x3c9: {  	v9 =	vld [tilespmem:s25+$0x0]  }
.Ltmp18:
0x3ca: {  	[tilespmem:s28+$0xFFFFFFD0] =	vst v2;
	v2 =	vadd.f32 v1, v4;
	v1 =	vld [tilespmem:s28+$0x10];
	(pc) =	sbr.rel @p0 .LBB2_38-.Ltmp18, $4  }
0x3cb: {  	v3 =	vld [tilespmem:s25+$0x10]  }
0x3cc: {  	[tilespmem:s28+$0xFFFFFFE0] =	vst v2;
	v7 =	vadd.f32 v8, v7;
	v2 =	vld [tilespmem:s28+$0x20]  }
0x3cd: {  	v5 =	vld [tilespmem:s25+$0x20]  }
0x3ce: {  	s28 =	sadd.s32 $0x80, s28;
	v4 =	vld [tilespmem:s24+$0xFFFFFFC0];
	[tilespmem:s24+$0xFFFFFFF0] =	vst v7;
	v6 =	vadd.f32 v9, v6  }
0x3cf: {  	_ =	sdelay $0x1  }
0x3d0: {  	v1 =	vadd.f32 v3, v1  }
0x3d1: {  	[tilespmem:s24+$0x0] =	vst v6;
	v2 =	vadd.f32 v5, v2  }
0x3d2: {  	[tilespmem:s24+$0x10] =	vst v1;
	v0 =	vadd.f32 v0, v4  }
0x3d3: {  	[tilespmem:s24+$0x20] =	vst v2  }
0x3d4: {  	[tilespmem:s24+$0xFFFFFFC0] =	vst v0  }
0x3d5: {  	s25 =	sld [smem:$0x7ED];
	_ =	sdelay $0x1  }
0x3d6: {  	s26 =	simm.s32 $0x0  }
0x3d7: {  	[hbm4b:s25+s26] =	stream.linear.scatter [tilespmem:s26], [sflag:$0x5], $0x8000, $0x38;
	[tilespmem:$0x18000] =	vst v63  }
0x3d8: {  	_ =	swait.ge [sflag:s19], $0x8000  }
0x3d9: {  	s28 =	sld [smem:$0x7F0]  }
0x3da: {  	[sflag:s19] =	ssyncset.done $0x0  }
0x3db: {  	[sflag:s19] =	ssyncadd.s32 $0xFFFF8000  }
0x3dc: {  	[tilespmem:s26], [sflag:$0x1] =	stream.linear.gather [hbm4b:s28+s26], $0x8000, $0x38;
	[tilespmem:$0x18000] =	vst v63  }
0x3dd: {  	_ =	swait.ge [sflag:s20], $0x8000  }
0x3de: {  	[sflag:s20] =	ssyncset.done $0x0  }
0x3df: {  	s24 =	simm.s32 $0x0;
	[sflag:s20] =	ssyncadd.s32 $0xFFFF8000  }
0x3e0: {  	v0 =	vld [tilespmem:s24+$0x8070]  }
0x3e1: {  	v1 =	vld [tilespmem:s24+$0x10070]  }
0x3e2: {  	v2 =	vld [tilespmem:s24+$0x8000]  }
0x3e3: {  	v3 =	vld [tilespmem:s24+$0x10000]  }
0x3e4: {  	v4 =	vld [tilespmem:s24+$0x8010]  }
0x3e5: {  	v5 =	vld [tilespmem:s24+$0x10010]  }
0x3e6: {  	v6 =	vld [tilespmem:s24+$0x8020]  }
0x3e7: {  	v7 =	vld [tilespmem:s24+$0x10020]  }
0x3e8: {  	v8 =	vld [tilespmem:s24+$0x8030]  }
0x3e9: {  	v9 =	vld [tilespmem:s24+$0x10030];
	v1 =	vadd.f32 v1, v0  }
0x3ea: {  	v3 =	vadd.f32 v3, v2;
	v0 =	vld [tilespmem:s24+$0x8040]  }
0x3eb: {  	v4 =	vadd.f32 v5, v4;
	v2 =	vld [tilespmem:s24+$0x10040];
	[tilespmem:s24+$0x8070] =	vst v1  }
0x3ec: {  	v5 =	vadd.f32 v7, v6;
	[tilespmem:s24+$0x8000] =	vst v3;
	v1 =	vld [tilespmem:s24+$0x8050]  }
0x3ed: {  	[tilespmem:s24+$0x8010] =	vst v4;
	v3 =	vld [tilespmem:s24+$0x10050]  }
0x3ee: {  	s25 =	simm.s32 $0x0;
	s26 =	simm.s32 $0x200;
	[tilespmem:s24+$0x8020] =	vst v5;
	v5 =	vadd.f32 v9, v8;
	v4 =	vld [tilespmem:s24+$0x8060]  }
.LBB2_40:
0x3ef: {  	s28 =	sshra.s32 s26, $0x2;
	v6 =	vld [tilespmem:s24+$0x10060]  }
0x3f0: {  	s25 =	sadd.s32 $0x80, s25;
	v7 =	vld [tilespmem:s28+$0x8070];
	[tilespmem:s24+$0x8030] =	vst v5;
	v0 =	vadd.f32 v2, v0  }
0x3f1: {  	p0 =	slt.u32 s25, $0x7F80;
	v2 =	vld [tilespmem:s28+$0x10070]  }
0x3f2: {  	v5 =	vld [tilespmem:s28+$0x8000];
	[tilespmem:s24+$0x8040] =	vst v0;
	v0 =	vadd.f32 v3, v1  }
0x3f3: {  	v1 =	vld [tilespmem:s28+$0x10000]  }
0x3f4: {  	v3 =	vld [tilespmem:s28+$0x8010];
	[tilespmem:s24+$0x8050] =	vst v0;
	v0 =	vadd.f32 v6, v4  }
0x3f5: {  	v4 =	vld [tilespmem:s28+$0x10010]  }
0x3f6: {  	v6 =	vld [tilespmem:s28+$0x8020];
	v2 =	vadd.f32 v2, v7;
	[tilespmem:s24+$0x8060] =	vst v0;
	s24 =	smov.u32 s28  }
0x3f7: {  	v7 =	vld [tilespmem:s24+$0x10020]  }
0x3f8: {  	v0 =	vadd.f32 v1, v5;
	v5 =	vld [tilespmem:s24+$0x8030];
	[tilespmem:s24+$0x8070] =	vst v2  }
0x3f9: {  	v8 =	vld [tilespmem:s24+$0x10030]  }
.Ltmp19:
0x3fa: {  	[tilespmem:s24+$0x8000] =	vst v0;
	v1 =	vadd.f32 v4, v3;
	v0 =	vld [tilespmem:s24+$0x8040];
	(pc) =	sbr.rel @p0 .LBB2_40-.Ltmp19, $4  }
0x3fb: {  	v2 =	vld [tilespmem:s24+$0x10040]  }
0x3fc: {  	[tilespmem:s24+$0x8010] =	vst v1;
	v4 =	vadd.f32 v7, v6;
	v1 =	vld [tilespmem:s24+$0x8050]  }
0x3fd: {  	v3 =	vld [tilespmem:s24+$0x10050]  }
0x3fe: {  	s26 =	sadd.s32 $0x200, s26;
	[tilespmem:s24+$0x8020] =	vst v4;
	v5 =	vadd.f32 v8, v5;
	v4 =	vld [tilespmem:s24+$0x8060]  }
0x3ff: {  	v6 =	vld [tilespmem:s24+$0x10060];
	_ =	sdelay $0x2  }
0x400: {  	v0 =	vadd.f32 v2, v0  }
0x401: {  	[tilespmem:s24+$0x8030] =	vst v5;
	v1 =	vadd.f32 v3, v1  }
0x402: {  	[tilespmem:s24+$0x8040] =	vst v0;
	v0 =	vadd.f32 v6, v4  }
0x403: {  	[tilespmem:s24+$0x8050] =	vst v1  }
0x404: {  	[tilespmem:s24+$0x8060] =	vst v0  }
0x405: {  	s24 =	sld [smem:$0x7EF];
	_ =	sdelay $0x1  }
0x406: {  	s25 =	sld [smem:$0x7F1]  }
0x407: {  	[hbm4b:s24+s1] =	stream.linear.scatter [tilespmem:s16], [sflag:$0x6], $0x8000, $0x38;
	[tilespmem:$0x18000] =	vst v63  }
0x408: {  	_ = 	snop  }
0x409: {  	[tilespmem:s15], [sflag:$0x4] =	stream.linear.gather [hbm4b:s25+s1], $0x8000, $0x38;
	[tilespmem:$0x18000] =	vst v63  }
0x40a: {  	_ =	swait.ge [sflag:s21], $0x8000  }
0x40b: {  	s26 =	sld [smem:$0x7F3]  }
0x40c: {  	[sflag:s21] =	ssyncset.done $0x0  }
0x40d: {  	[sflag:s21] =	ssyncadd.s32 $0xFFFF8000  }
0x40e: {  	[tilespmem:s16], [sflag:$0x2] =	stream.linear.gather [hbm4b:s26+s1], $0x8000, $0x38;
	[tilespmem:$0x18000] =	vst v63  }
0x40f: {  	_ =	swait.ge [sflag:s17], $0x8000  }
0x410: {  	[sflag:s17] =	ssyncset.done $0x0  }
0x411: {  	[sflag:s17] =	ssyncadd.s32 $0xFFFF8000  }
0x412: {  	_ =	swait.ge [sflag:s22], $0x8000  }
0x413: {  	[sflag:s22] =	ssyncset.done $0x0  }
0x414: {  	s24 =	simm.s32 $0x40;
	[sflag:s22] =	ssyncadd.s32 $0xFFFF8000  }
0x415: {  	s25 =	simm.s32 $0x10040;
	v1 =	vld [tilespmem:s24+$0x30]  }
0x416: {  	v2 =	vld [tilespmem:s25+$0x30]  }
0x417: {  	v0 =	vld [tilespmem:s25+$0xFFFFFFC0]  }
0x418: {  	v3 =	vld [tilespmem:s24+$0xFFFFFFD0]  }
0x419: {  	v4 =	vld [tilespmem:s25+$0xFFFFFFD0]  }
0x41a: {  	v5 =	vld [tilespmem:s24+$0xFFFFFFE0]  }
0x41b: {  	v6 =	vld [tilespmem:s25+$0xFFFFFFE0]  }
0x41c: {  	v7 =	vld [tilespmem:s24+$0xFFFFFFF0]  }
0x41d: {  	v8 =	vld [tilespmem:s25+$0xFFFFFFF0]  }
0x41e: {  	v9 =	vld [tilespmem:s24+$0x0]  }
0x41f: {  	v10 =	vld [tilespmem:s25+$0x0];
	v2 =	vadd.f32 v2, v1  }
0x420: {  	v4 =	vadd.f32 v4, v3;
	v1 =	vld [tilespmem:s24+$0x10]  }
0x421: {  	v5 =	vadd.f32 v6, v5;
	v3 =	vld [tilespmem:s25+$0x10];
	[tilespmem:s24+$0x30] =	vst v2  }
0x422: {  	v6 =	vadd.f32 v8, v7;
	[tilespmem:s24+$0xFFFFFFD0] =	vst v4;
	v2 =	vld [tilespmem:s24+$0x20]  }
0x423: {  	[tilespmem:s24+$0xFFFFFFE0] =	vst v5;
	v5 =	vld [tilespmem:s25+$0x20]  }
0x424: {  	s28 =	simm.s32 $0xC0;
	s26 =	simm.s32 $0x0;
	v4 =	vld [tilespmem:s24+$0xFFFFFFC0];
	[tilespmem:s24+$0xFFFFFFF0] =	vst v6;
	v6 =	vadd.f32 v10, v9  }
.LBB2_42:
0x425: {  	v7 =	vld [tilespmem:s28+$0x30];
	s25 =	sadd.s32 $0x80, s25  }
0x426: {  	s26 =	sadd.s32 $0x80, s26;
	v8 =	vld [tilespmem:s25+$0x30];
	[tilespmem:s24+$0x0] =	vst v6;
	v1 =	vadd.f32 v3, v1  }
0x427: {  	p0 =	slt.u32 s26, $0x7F80;
	v3 =	vld [tilespmem:s25+$0xFFFFFFC0]  }
0x428: {  	v6 =	vld [tilespmem:s28+$0xFFFFFFD0];
	[tilespmem:s24+$0x10] =	vst v1;
	v1 =	vadd.f32 v5, v2  }
0x429: {  	v2 =	vld [tilespmem:s25+$0xFFFFFFD0];
	v9 =	vadd.f32 v0, v4  }
0x42a: {  	v4 =	vld [tilespmem:s28+$0xFFFFFFE0];
	[tilespmem:s24+$0x20] =	vst v1  }
0x42b: {  	v1 =	vld [tilespmem:s25+$0xFFFFFFE0];
	v5 =	vadd.f32 v8, v7;
	[tilespmem:s24+$0xFFFFFFC0] =	vst v9;
	s24 =	smov.u32 s28  }
0x42c: {  	v7 =	vld [tilespmem:s28+$0xFFFFFFF0];
	v0 =	vmov v3  }
0x42d: {  	v8 =	vld [tilespmem:s25+$0xFFFFFFF0];
	[tilespmem:s28+$0x30] =	vst v5  }
0x42e: {  	v2 =	vadd.f32 v2, v6;
	v6 =	vld [tilespmem:s28+$0x0]  }
0x42f: {  	v9 =	vld [tilespmem:s25+$0x0]  }
.Ltmp20:
0x430: {  	[tilespmem:s28+$0xFFFFFFD0] =	vst v2;
	v2 =	vadd.f32 v1, v4;
	v1 =	vld [tilespmem:s28+$0x10];
	(pc) =	sbr.rel @p0 .LBB2_42-.Ltmp20, $4  }
0x431: {  	v3 =	vld [tilespmem:s25+$0x10]  }
0x432: {  	[tilespmem:s28+$0xFFFFFFE0] =	vst v2;
	v7 =	vadd.f32 v8, v7;
	v2 =	vld [tilespmem:s28+$0x20]  }
0x433: {  	v5 =	vld [tilespmem:s25+$0x20]  }
0x434: {  	s28 =	sadd.s32 $0x80, s28;
	v4 =	vld [tilespmem:s24+$0xFFFFFFC0];
	[tilespmem:s24+$0xFFFFFFF0] =	vst v7;
	v6 =	vadd.f32 v9, v6  }
0x435: {  	_ =	sdelay $0x1  }
0x436: {  	v1 =	vadd.f32 v3, v1  }
0x437: {  	[tilespmem:s24+$0x0] =	vst v6;
	v2 =	vadd.f32 v5, v2  }
0x438: {  	[tilespmem:s24+$0x10] =	vst v1;
	v0 =	vadd.f32 v0, v4  }
0x439: {  	[tilespmem:s24+$0x20] =	vst v2  }
0x43a: {  	[tilespmem:s24+$0xFFFFFFC0] =	vst v0  }
0x43b: {  	s25 =	sld [smem:$0x7F2];
	_ =	sdelay $0x1  }
0x43c: {  	s26 =	simm.s32 $0x0  }
0x43d: {  	[hbm4b:s25+s26] =	stream.linear.scatter [tilespmem:s26], [sflag:$0x5], $0x8000, $0x38;
	[tilespmem:$0x18000] =	vst v63  }
0x43e: {  	_ =	swait.ge [sflag:s19], $0x8000  }
0x43f: {  	s28 =	sld [smem:$0x7F5]  }
0x440: {  	[sflag:s19] =	ssyncset.done $0x0  }
0x441: {  	[sflag:s19] =	ssyncadd.s32 $0xFFFF8000  }
0x442: {  	[tilespmem:s26], [sflag:$0x1] =	stream.linear.gather [hbm4b:s28+s26], $0x8000, $0x38;
	[tilespmem:$0x18000] =	vst v63  }
0x443: {  	_ =	swait.ge [sflag:s20], $0x8000  }
0x444: {  	[sflag:s20] =	ssyncset.done $0x0  }
0x445: {  	s24 =	simm.s32 $0x0;
	[sflag:s20] =	ssyncadd.s32 $0xFFFF8000  }
0x446: {  	v0 =	vld [tilespmem:s24+$0x8070]  }
0x447: {  	v1 =	vld [tilespmem:s24+$0x10070]  }
0x448: {  	v2 =	vld [tilespmem:s24+$0x8000]  }
0x449: {  	v3 =	vld [tilespmem:s24+$0x10000]  }
0x44a: {  	v4 =	vld [tilespmem:s24+$0x8010]  }
0x44b: {  	v5 =	vld [tilespmem:s24+$0x10010]  }
0x44c: {  	v6 =	vld [tilespmem:s24+$0x8020]  }
0x44d: {  	v7 =	vld [tilespmem:s24+$0x10020]  }
0x44e: {  	v8 =	vld [tilespmem:s24+$0x8030]  }
0x44f: {  	v9 =	vld [tilespmem:s24+$0x10030];
	v1 =	vadd.f32 v1, v0  }
0x450: {  	v3 =	vadd.f32 v3, v2;
	v0 =	vld [tilespmem:s24+$0x8040]  }
0x451: {  	v4 =	vadd.f32 v5, v4;
	v2 =	vld [tilespmem:s24+$0x10040];
	[tilespmem:s24+$0x8070] =	vst v1  }
0x452: {  	v5 =	vadd.f32 v7, v6;
	[tilespmem:s24+$0x8000] =	vst v3;
	v1 =	vld [tilespmem:s24+$0x8050]  }
0x453: {  	[tilespmem:s24+$0x8010] =	vst v4;
	v3 =	vld [tilespmem:s24+$0x10050]  }
0x454: {  	s25 =	simm.s32 $0x0;
	s26 =	simm.s32 $0x200;
	[tilespmem:s24+$0x8020] =	vst v5;
	v5 =	vadd.f32 v9, v8;
	v4 =	vld [tilespmem:s24+$0x8060]  }
.LBB2_44:
0x455: {  	s28 =	sshra.s32 s26, $0x2;
	v6 =	vld [tilespmem:s24+$0x10060]  }
0x456: {  	s25 =	sadd.s32 $0x80, s25;
	v7 =	vld [tilespmem:s28+$0x8070];
	[tilespmem:s24+$0x8030] =	vst v5;
	v0 =	vadd.f32 v2, v0  }
0x457: {  	p0 =	slt.u32 s25, $0x7F80;
	v2 =	vld [tilespmem:s28+$0x10070]  }
0x458: {  	v5 =	vld [tilespmem:s28+$0x8000];
	[tilespmem:s24+$0x8040] =	vst v0;
	v0 =	vadd.f32 v3, v1  }
0x459: {  	v1 =	vld [tilespmem:s28+$0x10000]  }
0x45a: {  	v3 =	vld [tilespmem:s28+$0x8010];
	[tilespmem:s24+$0x8050] =	vst v0;
	v0 =	vadd.f32 v6, v4  }
0x45b: {  	v4 =	vld [tilespmem:s28+$0x10010]  }
0x45c: {  	v6 =	vld [tilespmem:s28+$0x8020];
	v2 =	vadd.f32 v2, v7;
	[tilespmem:s24+$0x8060] =	vst v0;
	s24 =	smov.u32 s28  }
0x45d: {  	v7 =	vld [tilespmem:s24+$0x10020]  }
0x45e: {  	v0 =	vadd.f32 v1, v5;
	v5 =	vld [tilespmem:s24+$0x8030];
	[tilespmem:s24+$0x8070] =	vst v2  }
0x45f: {  	v8 =	vld [tilespmem:s24+$0x10030]  }
.Ltmp21:
0x460: {  	[tilespmem:s24+$0x8000] =	vst v0;
	v1 =	vadd.f32 v4, v3;
	v0 =	vld [tilespmem:s24+$0x8040];
	(pc) =	sbr.rel @p0 .LBB2_44-.Ltmp21, $4  }
0x461: {  	v2 =	vld [tilespmem:s24+$0x10040]  }
0x462: {  	[tilespmem:s24+$0x8010] =	vst v1;
	v4 =	vadd.f32 v7, v6;
	v1 =	vld [tilespmem:s24+$0x8050]  }
0x463: {  	v3 =	vld [tilespmem:s24+$0x10050]  }
0x464: {  	s26 =	sadd.s32 $0x200, s26;
	[tilespmem:s24+$0x8020] =	vst v4;
	v5 =	vadd.f32 v8, v5;
	v4 =	vld [tilespmem:s24+$0x8060]  }
0x465: {  	v6 =	vld [tilespmem:s24+$0x10060];
	_ =	sdelay $0x2  }
0x466: {  	v0 =	vadd.f32 v2, v0  }
0x467: {  	[tilespmem:s24+$0x8030] =	vst v5;
	v1 =	vadd.f32 v3, v1  }
0x468: {  	[tilespmem:s24+$0x8040] =	vst v0;
	v0 =	vadd.f32 v6, v4  }
0x469: {  	[tilespmem:s24+$0x8050] =	vst v1  }
0x46a: {  	[tilespmem:s24+$0x8060] =	vst v0  }
0x46b: {  	s24 =	sld [smem:$0x7F4];
	_ =	sdelay $0x2  }
0x46c: {  	[hbm4b:s24+s1] =	stream.linear.scatter [tilespmem:s16], [sflag:$0x6], $0x8000, $0x38;
	[tilespmem:$0x18000] =	vst v63  }
0x46d: {  	_ =	swait.ge [sflag:s21], $0x8000  }
0x46e: {  	s26 =	sld [smem:$0x7F7]  }
0x46f: {  	[sflag:s21] =	ssyncset.done $0x0  }
0x470: {  	[sflag:s21] =	ssyncadd.s32 $0xFFFF8000  }
0x471: {  	[tilespmem:s16], [sflag:$0x2] =	stream.linear.gather [hbm4b:s26+s1], $0x8000, $0x38;
	[tilespmem:$0x18000] =	vst v63  }
0x472: {  	_ =	swait.ge [sflag:s17], $0x8000  }
0x473: {  	[sflag:s17] =	ssyncset.done $0x0  }
0x474: {  	s24 =	simm.s32 $0x40;
	[sflag:s17] =	ssyncadd.s32 $0xFFFF8000  }
0x475: {  	s25 =	simm.s32 $0x10040;
	v1 =	vld [tilespmem:s24+$0x30]  }
0x476: {  	v2 =	vld [tilespmem:s25+$0x30]  }
0x477: {  	v0 =	vld [tilespmem:s25+$0xFFFFFFC0]  }
0x478: {  	v3 =	vld [tilespmem:s24+$0xFFFFFFD0]  }
0x479: {  	v4 =	vld [tilespmem:s25+$0xFFFFFFD0]  }
0x47a: {  	v5 =	vld [tilespmem:s24+$0xFFFFFFE0]  }
0x47b: {  	v6 =	vld [tilespmem:s25+$0xFFFFFFE0]  }
0x47c: {  	v7 =	vld [tilespmem:s24+$0xFFFFFFF0]  }
0x47d: {  	v8 =	vld [tilespmem:s25+$0xFFFFFFF0]  }
0x47e: {  	v9 =	vld [tilespmem:s24+$0x0]  }
0x47f: {  	v10 =	vld [tilespmem:s25+$0x0];
	v2 =	vadd.f32 v2, v1  }
0x480: {  	v4 =	vadd.f32 v4, v3;
	v1 =	vld [tilespmem:s24+$0x10]  }
0x481: {  	v5 =	vadd.f32 v6, v5;
	v3 =	vld [tilespmem:s25+$0x10];
	[tilespmem:s24+$0x30] =	vst v2  }
0x482: {  	v6 =	vadd.f32 v8, v7;
	[tilespmem:s24+$0xFFFFFFD0] =	vst v4;
	v2 =	vld [tilespmem:s24+$0x20]  }
0x483: {  	[tilespmem:s24+$0xFFFFFFE0] =	vst v5;
	v5 =	vld [tilespmem:s25+$0x20]  }
0x484: {  	s28 =	simm.s32 $0xC0;
	s26 =	simm.s32 $0x0;
	v4 =	vld [tilespmem:s24+$0xFFFFFFC0];
	[tilespmem:s24+$0xFFFFFFF0] =	vst v6;
	v6 =	vadd.f32 v10, v9  }
.LBB2_46:
0x485: {  	v7 =	vld [tilespmem:s28+$0x30];
	s25 =	sadd.s32 $0x80, s25  }
0x486: {  	s26 =	sadd.s32 $0x80, s26;
	v8 =	vld [tilespmem:s25+$0x30];
	[tilespmem:s24+$0x0] =	vst v6;
	v1 =	vadd.f32 v3, v1  }
0x487: {  	p0 =	slt.u32 s26, $0x7F80;
	v3 =	vld [tilespmem:s25+$0xFFFFFFC0]  }
0x488: {  	v6 =	vld [tilespmem:s28+$0xFFFFFFD0];
	[tilespmem:s24+$0x10] =	vst v1;
	v1 =	vadd.f32 v5, v2  }
0x489: {  	v2 =	vld [tilespmem:s25+$0xFFFFFFD0];
	v9 =	vadd.f32 v0, v4  }
0x48a: {  	v4 =	vld [tilespmem:s28+$0xFFFFFFE0];
	[tilespmem:s24+$0x20] =	vst v1  }
0x48b: {  	v1 =	vld [tilespmem:s25+$0xFFFFFFE0];
	v5 =	vadd.f32 v8, v7;
	[tilespmem:s24+$0xFFFFFFC0] =	vst v9;
	s24 =	smov.u32 s28  }
0x48c: {  	v7 =	vld [tilespmem:s28+$0xFFFFFFF0];
	v0 =	vmov v3  }
0x48d: {  	v8 =	vld [tilespmem:s25+$0xFFFFFFF0];
	[tilespmem:s28+$0x30] =	vst v5  }
0x48e: {  	v2 =	vadd.f32 v2, v6;
	v6 =	vld [tilespmem:s28+$0x0]  }
0x48f: {  	v9 =	vld [tilespmem:s25+$0x0]  }
.Ltmp22:
0x490: {  	[tilespmem:s28+$0xFFFFFFD0] =	vst v2;
	v2 =	vadd.f32 v1, v4;
	v1 =	vld [tilespmem:s28+$0x10];
	(pc) =	sbr.rel @p0 .LBB2_46-.Ltmp22, $4  }
0x491: {  	v3 =	vld [tilespmem:s25+$0x10]  }
0x492: {  	[tilespmem:s28+$0xFFFFFFE0] =	vst v2;
	v7 =	vadd.f32 v8, v7;
	v2 =	vld [tilespmem:s28+$0x20]  }
0x493: {  	v5 =	vld [tilespmem:s25+$0x20]  }
0x494: {  	s28 =	sadd.s32 $0x80, s28;
	v4 =	vld [tilespmem:s24+$0xFFFFFFC0];
	[tilespmem:s24+$0xFFFFFFF0] =	vst v7;
	v6 =	vadd.f32 v9, v6  }
0x495: {  	_ =	sdelay $0x1  }
0x496: {  	v1 =	vadd.f32 v3, v1  }
0x497: {  	[tilespmem:s24+$0x0] =	vst v6;
	v2 =	vadd.f32 v5, v2  }
0x498: {  	[tilespmem:s24+$0x10] =	vst v1;
	v0 =	vadd.f32 v0, v4  }
0x499: {  	[tilespmem:s24+$0x20] =	vst v2  }
0x49a: {  	[tilespmem:s24+$0xFFFFFFC0] =	vst v0  }
0x49b: {  	s25 =	sld [smem:$0x7F6];
	_ =	sdelay $0x1  }
0x49c: {  	s26 =	simm.s32 $0x0  }
0x49d: {  	[hbm4b:s25+s26] =	stream.linear.scatter [tilespmem:s26], [sflag:$0x5], $0x8000, $0x38;
	[tilespmem:$0x18000] =	vst v63  }
0x49e: {  	_ =	swait.ge [sflag:s19], $0x8000  }
0x49f: {  	s28 =	sld [smem:$0x7F9]  }
0x4a0: {  	[sflag:s19] =	ssyncset.done $0x0  }
0x4a1: {  	[sflag:s19] =	ssyncadd.s32 $0xFFFF8000  }
0x4a2: {  	[tilespmem:s26], [sflag:$0x1] =	stream.linear.gather [hbm4b:s28+s26], $0x8000, $0x38;
	[tilespmem:$0x18000] =	vst v63  }
0x4a3: {  	_ =	swait.ge [sflag:s20], $0x8000  }
0x4a4: {  	[sflag:s20] =	ssyncset.done $0x0  }
0x4a5: {  	s24 =	simm.s32 $0x0;
	[sflag:s20] =	ssyncadd.s32 $0xFFFF8000  }
0x4a6: {  	v0 =	vld [tilespmem:s24+$0x8070]  }
0x4a7: {  	v1 =	vld [tilespmem:s24+$0x10070]  }
0x4a8: {  	v2 =	vld [tilespmem:s24+$0x8000]  }
0x4a9: {  	v3 =	vld [tilespmem:s24+$0x10000]  }
0x4aa: {  	v4 =	vld [tilespmem:s24+$0x8010]  }
0x4ab: {  	v5 =	vld [tilespmem:s24+$0x10010]  }
0x4ac: {  	v6 =	vld [tilespmem:s24+$0x8020]  }
0x4ad: {  	v7 =	vld [tilespmem:s24+$0x10020]  }
0x4ae: {  	v8 =	vld [tilespmem:s24+$0x8030]  }
0x4af: {  	v9 =	vld [tilespmem:s24+$0x10030];
	v1 =	vadd.f32 v1, v0  }
0x4b0: {  	v3 =	vadd.f32 v3, v2;
	v0 =	vld [tilespmem:s24+$0x8040]  }
0x4b1: {  	v4 =	vadd.f32 v5, v4;
	v2 =	vld [tilespmem:s24+$0x10040];
	[tilespmem:s24+$0x8070] =	vst v1  }
0x4b2: {  	v5 =	vadd.f32 v7, v6;
	[tilespmem:s24+$0x8000] =	vst v3;
	v1 =	vld [tilespmem:s24+$0x8050]  }
0x4b3: {  	[tilespmem:s24+$0x8010] =	vst v4;
	v3 =	vld [tilespmem:s24+$0x10050]  }
0x4b4: {  	s25 =	simm.s32 $0x0;
	s26 =	simm.s32 $0x200;
	[tilespmem:s24+$0x8020] =	vst v5;
	v5 =	vadd.f32 v9, v8;
	v4 =	vld [tilespmem:s24+$0x8060]  }
.LBB2_48:
0x4b5: {  	s28 =	sshra.s32 s26, $0x2;
	v6 =	vld [tilespmem:s24+$0x10060]  }
0x4b6: {  	s25 =	sadd.s32 $0x80, s25;
	v7 =	vld [tilespmem:s28+$0x8070];
	[tilespmem:s24+$0x8030] =	vst v5;
	v0 =	vadd.f32 v2, v0  }
0x4b7: {  	p0 =	slt.u32 s25, $0x7F80;
	v2 =	vld [tilespmem:s28+$0x10070]  }
0x4b8: {  	v5 =	vld [tilespmem:s28+$0x8000];
	[tilespmem:s24+$0x8040] =	vst v0;
	v0 =	vadd.f32 v3, v1  }
0x4b9: {  	v1 =	vld [tilespmem:s28+$0x10000]  }
0x4ba: {  	v3 =	vld [tilespmem:s28+$0x8010];
	[tilespmem:s24+$0x8050] =	vst v0;
	v0 =	vadd.f32 v6, v4  }
0x4bb: {  	v4 =	vld [tilespmem:s28+$0x10010]  }
0x4bc: {  	v6 =	vld [tilespmem:s28+$0x8020];
	v2 =	vadd.f32 v2, v7;
	[tilespmem:s24+$0x8060] =	vst v0;
	s24 =	smov.u32 s28  }
0x4bd: {  	v7 =	vld [tilespmem:s24+$0x10020]  }
0x4be: {  	v0 =	vadd.f32 v1, v5;
	v5 =	vld [tilespmem:s24+$0x8030];
	[tilespmem:s24+$0x8070] =	vst v2  }
0x4bf: {  	v8 =	vld [tilespmem:s24+$0x10030]  }
.Ltmp23:
0x4c0: {  	[tilespmem:s24+$0x8000] =	vst v0;
	v1 =	vadd.f32 v4, v3;
	v0 =	vld [tilespmem:s24+$0x8040];
	(pc) =	sbr.rel @p0 .LBB2_48-.Ltmp23, $4  }
0x4c1: {  	v2 =	vld [tilespmem:s24+$0x10040]  }
0x4c2: {  	[tilespmem:s24+$0x8010] =	vst v1;
	v4 =	vadd.f32 v7, v6;
	v1 =	vld [tilespmem:s24+$0x8050]  }
0x4c3: {  	v3 =	vld [tilespmem:s24+$0x10050]  }
0x4c4: {  	s26 =	sadd.s32 $0x200, s26;
	[tilespmem:s24+$0x8020] =	vst v4;
	v5 =	vadd.f32 v8, v5;
	v4 =	vld [tilespmem:s24+$0x8060]  }
0x4c5: {  	v6 =	vld [tilespmem:s24+$0x10060];
	_ =	sdelay $0x2  }
0x4c6: {  	v0 =	vadd.f32 v2, v0  }
0x4c7: {  	[tilespmem:s24+$0x8030] =	vst v5;
	v1 =	vadd.f32 v3, v1  }
0x4c8: {  	[tilespmem:s24+$0x8040] =	vst v0;
	v0 =	vadd.f32 v6, v4  }
0x4c9: {  	[tilespmem:s24+$0x8050] =	vst v1  }
0x4ca: {  	[tilespmem:s24+$0x8060] =	vst v0  }
0x4cb: {  	s24 =	sld [smem:$0x7F8];
	_ =	sdelay $0x1  }
0x4cc: {  	s25 =	sld [smem:$0x7FA]  }
0x4cd: {  	[hbm4b:s24+s1] =	stream.linear.scatter [tilespmem:s16], [sflag:$0x6], $0x8000, $0x38;
	[tilespmem:$0x18000] =	vst v63  }
0x4ce: {  	_ = 	snop  }
0x4cf: {  	[tilespmem:s15], [sflag:$0x3] =	stream.linear.gather [hbm4b:s25+s1], $0x8000, $0x38;
	[tilespmem:$0x18000] =	vst v63  }
0x4d0: {  	_ =	swait.ge [sflag:s21], $0x8000  }
0x4d1: {  	s26 =	sld [smem:$0x7FC]  }
0x4d2: {  	[sflag:s21] =	ssyncset.done $0x0  }
0x4d3: {  	[sflag:s21] =	ssyncadd.s32 $0xFFFF8000  }
0x4d4: {  	[tilespmem:s16], [sflag:$0x2] =	stream.linear.gather [hbm4b:s26+s1], $0x8000, $0x38;
	[tilespmem:$0x18000] =	vst v63  }
0x4d5: {  	_ =	swait.ge [sflag:s17], $0x8000  }
0x4d6: {  	[sflag:s17] =	ssyncset.done $0x0  }
0x4d7: {  	[sflag:s17] =	ssyncadd.s32 $0xFFFF8000  }
0x4d8: {  	_ =	swait.ge [sflag:s18], $0x8000  }
0x4d9: {  	[sflag:s18] =	ssyncset.done $0x0  }
0x4da: {  	s24 =	simm.s32 $0x40;
	[sflag:s18] =	ssyncadd.s32 $0xFFFF8000  }
0x4db: {  	s25 =	simm.s32 $0x10040;
	v1 =	vld [tilespmem:s24+$0x30]  }
0x4dc: {  	v2 =	vld [tilespmem:s25+$0x30]  }
0x4dd: {  	v0 =	vld [tilespmem:s25+$0xFFFFFFC0]  }
0x4de: {  	v3 =	vld [tilespmem:s24+$0xFFFFFFD0]  }
0x4df: {  	v4 =	vld [tilespmem:s25+$0xFFFFFFD0]  }
0x4e0: {  	v5 =	vld [tilespmem:s24+$0xFFFFFFE0]  }
0x4e1: {  	v6 =	vld [tilespmem:s25+$0xFFFFFFE0]  }
0x4e2: {  	v7 =	vld [tilespmem:s24+$0xFFFFFFF0]  }
0x4e3: {  	v8 =	vld [tilespmem:s25+$0xFFFFFFF0]  }
0x4e4: {  	v9 =	vld [tilespmem:s24+$0x0]  }
0x4e5: {  	v10 =	vld [tilespmem:s25+$0x0];
	v2 =	vadd.f32 v2, v1  }
0x4e6: {  	v4 =	vadd.f32 v4, v3;
	v1 =	vld [tilespmem:s24+$0x10]  }
0x4e7: {  	v5 =	vadd.f32 v6, v5;
	v3 =	vld [tilespmem:s25+$0x10];
	[tilespmem:s24+$0x30] =	vst v2  }
0x4e8: {  	v6 =	vadd.f32 v8, v7;
	[tilespmem:s24+$0xFFFFFFD0] =	vst v4;
	v2 =	vld [tilespmem:s24+$0x20]  }
0x4e9: {  	[tilespmem:s24+$0xFFFFFFE0] =	vst v5;
	v5 =	vld [tilespmem:s25+$0x20]  }
0x4ea: {  	s28 =	simm.s32 $0xC0;
	s26 =	simm.s32 $0x0;
	v4 =	vld [tilespmem:s24+$0xFFFFFFC0];
	[tilespmem:s24+$0xFFFFFFF0] =	vst v6;
	v6 =	vadd.f32 v10, v9  }
.LBB2_50:
0x4eb: {  	v7 =	vld [tilespmem:s28+$0x30];
	s25 =	sadd.s32 $0x80, s25  }
0x4ec: {  	s26 =	sadd.s32 $0x80, s26;
	v8 =	vld [tilespmem:s25+$0x30];
	[tilespmem:s24+$0x0] =	vst v6;
	v1 =	vadd.f32 v3, v1  }
0x4ed: {  	p0 =	slt.u32 s26, $0x7F80;
	v3 =	vld [tilespmem:s25+$0xFFFFFFC0]  }
0x4ee: {  	v6 =	vld [tilespmem:s28+$0xFFFFFFD0];
	[tilespmem:s24+$0x10] =	vst v1;
	v1 =	vadd.f32 v5, v2  }
0x4ef: {  	v2 =	vld [tilespmem:s25+$0xFFFFFFD0];
	v9 =	vadd.f32 v0, v4  }
0x4f0: {  	v4 =	vld [tilespmem:s28+$0xFFFFFFE0];
	[tilespmem:s24+$0x20] =	vst v1  }
0x4f1: {  	v1 =	vld [tilespmem:s25+$0xFFFFFFE0];
	v5 =	vadd.f32 v8, v7;
	[tilespmem:s24+$0xFFFFFFC0] =	vst v9;
	s24 =	smov.u32 s28  }
0x4f2: {  	v7 =	vld [tilespmem:s28+$0xFFFFFFF0];
	v0 =	vmov v3  }
0x4f3: {  	v8 =	vld [tilespmem:s25+$0xFFFFFFF0];
	[tilespmem:s28+$0x30] =	vst v5  }
0x4f4: {  	v2 =	vadd.f32 v2, v6;
	v6 =	vld [tilespmem:s28+$0x0]  }
0x4f5: {  	v9 =	vld [tilespmem:s25+$0x0]  }
.Ltmp24:
0x4f6: {  	[tilespmem:s28+$0xFFFFFFD0] =	vst v2;
	v2 =	vadd.f32 v1, v4;
	v1 =	vld [tilespmem:s28+$0x10];
	(pc) =	sbr.rel @p0 .LBB2_50-.Ltmp24, $4  }
0x4f7: {  	v3 =	vld [tilespmem:s25+$0x10]  }
0x4f8: {  	[tilespmem:s28+$0xFFFFFFE0] =	vst v2;
	v7 =	vadd.f32 v8, v7;
	v2 =	vld [tilespmem:s28+$0x20]  }
0x4f9: {  	v5 =	vld [tilespmem:s25+$0x20]  }
0x4fa: {  	s28 =	sadd.s32 $0x80, s28;
	v4 =	vld [tilespmem:s24+$0xFFFFFFC0];
	[tilespmem:s24+$0xFFFFFFF0] =	vst v7;
	v6 =	vadd.f32 v9, v6  }
0x4fb: {  	_ =	sdelay $0x1  }
0x4fc: {  	v1 =	vadd.f32 v3, v1  }
0x4fd: {  	[tilespmem:s24+$0x0] =	vst v6;
	v2 =	vadd.f32 v5, v2  }
0x4fe: {  	[tilespmem:s24+$0x10] =	vst v1;
	v0 =	vadd.f32 v0, v4  }
0x4ff: {  	[tilespmem:s24+$0x20] =	vst v2  }
0x500: {  	[tilespmem:s24+$0xFFFFFFC0] =	vst v0  }
0x501: {  	s25 =	sld [smem:$0x7FB];
	_ =	sdelay $0x1  }
0x502: {  	s28 =	simm.s32 $0x0  }
0x503: {  	[hbm4b:s25+s28] =	stream.linear.scatter [tilespmem:s28], [sflag:$0x5], $0x8000, $0x38;
	[tilespmem:$0x18000] =	vst v63  }
0x504: {  	_ =	swait.ge [sflag:s19], $0x8000  }
0x505: {  	[sflag:s19] =	ssyncset.done $0x0  }
0x506: {  	[sflag:s19] =	ssyncadd.s32 $0xFFFF8000  }
0x507: {  	[tilespmem:s28], [sflag:$0x1] =	stream.linear.gather [hbm4b:s29+s28], $0x8000, $0x38;
	[tilespmem:$0x18000] =	vst v63  }
0x508: {  	_ =	swait.ge [sflag:s20], $0x8000  }
0x509: {  	[sflag:s20] =	ssyncset.done $0x0  }
0x50a: {  	s24 =	simm.s32 $0x0;
	[sflag:s20] =	ssyncadd.s32 $0xFFFF8000  }
0x50b: {  	v0 =	vld [tilespmem:s24+$0x8070]  }
0x50c: {  	v1 =	vld [tilespmem:s24+$0x10070]  }
0x50d: {  	v2 =	vld [tilespmem:s24+$0x8000]  }
0x50e: {  	v3 =	vld [tilespmem:s24+$0x10000]  }
0x50f: {  	v4 =	vld [tilespmem:s24+$0x8010]  }
0x510: {  	v5 =	vld [tilespmem:s24+$0x10010]  }
0x511: {  	v6 =	vld [tilespmem:s24+$0x8020]  }
0x512: {  	v7 =	vld [tilespmem:s24+$0x10020]  }
0x513: {  	v8 =	vld [tilespmem:s24+$0x8030]  }
0x514: {  	v9 =	vld [tilespmem:s24+$0x10030];
	v1 =	vadd.f32 v1, v0  }
0x515: {  	v3 =	vadd.f32 v3, v2;
	v0 =	vld [tilespmem:s24+$0x8040]  }
0x516: {  	v4 =	vadd.f32 v5, v4;
	v2 =	vld [tilespmem:s24+$0x10040];
	[tilespmem:s24+$0x8070] =	vst v1  }
0x517: {  	v5 =	vadd.f32 v7, v6;
	[tilespmem:s24+$0x8000] =	vst v3;
	v1 =	vld [tilespmem:s24+$0x8050]  }
0x518: {  	[tilespmem:s24+$0x8010] =	vst v4;
	v3 =	vld [tilespmem:s24+$0x10050]  }
0x519: {  	s26 =	simm.s32 $0x200;
	s25 =	simm.s32 $0x0;
	[tilespmem:s24+$0x8020] =	vst v5;
	v5 =	vadd.f32 v9, v8;
	v4 =	vld [tilespmem:s24+$0x8060]  }
.LBB2_52:
0x51a: {  	s28 =	sshra.s32 s26, $0x2;
	v6 =	vld [tilespmem:s24+$0x10060]  }
0x51b: {  	s25 =	sadd.s32 $0x80, s25;
	v7 =	vld [tilespmem:s28+$0x8070];
	[tilespmem:s24+$0x8030] =	vst v5;
	v0 =	vadd.f32 v2, v0  }
0x51c: {  	p0 =	slt.u32 s25, $0x7F80;
	v2 =	vld [tilespmem:s28+$0x10070]  }
0x51d: {  	v5 =	vld [tilespmem:s28+$0x8000];
	[tilespmem:s24+$0x8040] =	vst v0;
	v0 =	vadd.f32 v3, v1  }
0x51e: {  	v1 =	vld [tilespmem:s28+$0x10000]  }
0x51f: {  	v3 =	vld [tilespmem:s28+$0x8010];
	[tilespmem:s24+$0x8050] =	vst v0;
	v0 =	vadd.f32 v6, v4  }
0x520: {  	v4 =	vld [tilespmem:s28+$0x10010]  }
0x521: {  	v6 =	vld [tilespmem:s28+$0x8020];
	v2 =	vadd.f32 v2, v7;
	[tilespmem:s24+$0x8060] =	vst v0;
	s24 =	smov.u32 s28  }
0x522: {  	v7 =	vld [tilespmem:s24+$0x10020]  }
0x523: {  	v0 =	vadd.f32 v1, v5;
	v5 =	vld [tilespmem:s24+$0x8030];
	[tilespmem:s24+$0x8070] =	vst v2  }
0x524: {  	v8 =	vld [tilespmem:s24+$0x10030]  }
.Ltmp25:
0x525: {  	[tilespmem:s24+$0x8000] =	vst v0;
	v1 =	vadd.f32 v4, v3;
	v0 =	vld [tilespmem:s24+$0x8040];
	(pc) =	sbr.rel @p0 .LBB2_52-.Ltmp25, $4  }
0x526: {  	v2 =	vld [tilespmem:s24+$0x10040]  }
0x527: {  	[tilespmem:s24+$0x8010] =	vst v1;
	v4 =	vadd.f32 v7, v6;
	v1 =	vld [tilespmem:s24+$0x8050]  }
0x528: {  	v3 =	vld [tilespmem:s24+$0x10050]  }
0x529: {  	s26 =	sadd.s32 $0x200, s26;
	[tilespmem:s24+$0x8020] =	vst v4;
	v5 =	vadd.f32 v8, v5;
	v4 =	vld [tilespmem:s24+$0x8060]  }
0x52a: {  	v6 =	vld [tilespmem:s24+$0x10060];
	_ =	sdelay $0x2  }
0x52b: {  	v0 =	vadd.f32 v2, v0  }
0x52c: {  	[tilespmem:s24+$0x8030] =	vst v5;
	v1 =	vadd.f32 v3, v1  }
0x52d: {  	[tilespmem:s24+$0x8040] =	vst v0;
	v0 =	vadd.f32 v6, v4  }
0x52e: {  	[tilespmem:s24+$0x8050] =	vst v1  }
0x52f: {  	[tilespmem:s24+$0x8060] =	vst v0  }
0x530: {  	s24 =	sld [smem:$0x7FD];
	_ =	sdelay $0x2  }
0x531: {  	[hbm4b:s24+s1] =	stream.linear.scatter [tilespmem:s16], [sflag:$0x6], $0x8000, $0x38;
	[tilespmem:$0x18000] =	vst v63  }
0x532: {  	_ =	swait.ge [sflag:s21], $0x8000  }
0x533: {  	[sflag:s21] =	ssyncset.done $0x0  }
0x534: {  	[sflag:s21] =	ssyncadd.s32 $0xFFFF8000  }
0x535: {  	[tilespmem:s16], [sflag:$0x2] =	stream.linear.gather [hbm4b:s31+s1], $0x8000, $0x38;
	[tilespmem:$0x18000] =	vst v63  }
0x536: {  	_ =	swait.ge [sflag:s17], $0x8000  }
0x537: {  	[sflag:s17] =	ssyncset.done $0x0  }
0x538: {  	s24 =	simm.s32 $0x40;
	[sflag:s17] =	ssyncadd.s32 $0xFFFF8000  }
0x539: {  	s25 =	simm.s32 $0x10040;
	v1 =	vld [tilespmem:s24+$0x30]  }
0x53a: {  	v2 =	vld [tilespmem:s25+$0x30]  }
0x53b: {  	v0 =	vld [tilespmem:s25+$0xFFFFFFC0]  }
0x53c: {  	v3 =	vld [tilespmem:s24+$0xFFFFFFD0]  }
0x53d: {  	v4 =	vld [tilespmem:s25+$0xFFFFFFD0]  }
0x53e: {  	v5 =	vld [tilespmem:s24+$0xFFFFFFE0]  }
0x53f: {  	v6 =	vld [tilespmem:s25+$0xFFFFFFE0]  }
0x540: {  	v7 =	vld [tilespmem:s24+$0xFFFFFFF0]  }
0x541: {  	v8 =	vld [tilespmem:s25+$0xFFFFFFF0]  }
0x542: {  	v9 =	vld [tilespmem:s24+$0x0]  }
0x543: {  	v10 =	vld [tilespmem:s25+$0x0];
	v2 =	vadd.f32 v2, v1  }
0x544: {  	v4 =	vadd.f32 v4, v3;
	v1 =	vld [tilespmem:s24+$0x10]  }
0x545: {  	v5 =	vadd.f32 v6, v5;
	v3 =	vld [tilespmem:s25+$0x10];
	[tilespmem:s24+$0x30] =	vst v2  }
0x546: {  	v6 =	vadd.f32 v8, v7;
	[tilespmem:s24+$0xFFFFFFD0] =	vst v4;
	v2 =	vld [tilespmem:s24+$0x20]  }
0x547: {  	[tilespmem:s24+$0xFFFFFFE0] =	vst v5;
	v5 =	vld [tilespmem:s25+$0x20]  }
0x548: {  	s26 =	simm.s32 $0x0;
	s28 =	simm.s32 $0xC0;
	v4 =	vld [tilespmem:s24+$0xFFFFFFC0];
	[tilespmem:s24+$0xFFFFFFF0] =	vst v6;
	v6 =	vadd.f32 v10, v9  }
.LBB2_54:
0x549: {  	v7 =	vld [tilespmem:s28+$0x30];
	s25 =	sadd.s32 $0x80, s25  }
0x54a: {  	s26 =	sadd.s32 $0x80, s26;
	v8 =	vld [tilespmem:s25+$0x30];
	[tilespmem:s24+$0x0] =	vst v6;
	v1 =	vadd.f32 v3, v1  }
0x54b: {  	p0 =	slt.u32 s26, $0x7F80;
	v3 =	vld [tilespmem:s25+$0xFFFFFFC0]  }
0x54c: {  	v6 =	vld [tilespmem:s28+$0xFFFFFFD0];
	[tilespmem:s24+$0x10] =	vst v1;
	v1 =	vadd.f32 v5, v2  }
0x54d: {  	v2 =	vld [tilespmem:s25+$0xFFFFFFD0];
	v9 =	vadd.f32 v0, v4  }
0x54e: {  	v4 =	vld [tilespmem:s28+$0xFFFFFFE0];
	[tilespmem:s24+$0x20] =	vst v1  }
0x54f: {  	v1 =	vld [tilespmem:s25+$0xFFFFFFE0];
	v5 =	vadd.f32 v8, v7;
	[tilespmem:s24+$0xFFFFFFC0] =	vst v9;
	s24 =	smov.u32 s28  }
0x550: {  	v7 =	vld [tilespmem:s28+$0xFFFFFFF0];
	v0 =	vmov v3  }
0x551: {  	v8 =	vld [tilespmem:s25+$0xFFFFFFF0];
	[tilespmem:s28+$0x30] =	vst v5  }
0x552: {  	v2 =	vadd.f32 v2, v6;
	v6 =	vld [tilespmem:s28+$0x0]  }
0x553: {  	v9 =	vld [tilespmem:s25+$0x0]  }
.Ltmp26:
0x554: {  	[tilespmem:s28+$0xFFFFFFD0] =	vst v2;
	v2 =	vadd.f32 v1, v4;
	v1 =	vld [tilespmem:s28+$0x10];
	(pc) =	sbr.rel @p0 .LBB2_54-.Ltmp26, $4  }
0x555: {  	v3 =	vld [tilespmem:s25+$0x10]  }
0x556: {  	[tilespmem:s28+$0xFFFFFFE0] =	vst v2;
	v7 =	vadd.f32 v8, v7;
	v2 =	vld [tilespmem:s28+$0x20]  }
0x557: {  	v5 =	vld [tilespmem:s25+$0x20]  }
0x558: {  	s28 =	sadd.s32 $0x80, s28;
	v4 =	vld [tilespmem:s24+$0xFFFFFFC0];
	[tilespmem:s24+$0xFFFFFFF0] =	vst v7;
	v6 =	vadd.f32 v9, v6  }
0x559: {  	_ =	sdelay $0x1  }
0x55a: {  	v1 =	vadd.f32 v3, v1  }
0x55b: {  	[tilespmem:s24+$0x0] =	vst v6;
	v2 =	vadd.f32 v5, v2  }
0x55c: {  	[tilespmem:s24+$0x10] =	vst v1;
	v0 =	vadd.f32 v0, v4  }
0x55d: {  	[tilespmem:s24+$0x20] =	vst v2  }
0x55e: {  	s28 =	simm.s32 $0x0;
	[tilespmem:s24+$0xFFFFFFC0] =	vst v0  }
0x55f: {  	[hbm4b:s30+s28] =	stream.linear.scatter [tilespmem:s28], [sflag:$0x5], $0x8000, $0x38;
	[tilespmem:$0x18000] =	vst v63  }
0x560: {  	_ =	swait.ge [sflag:s19], $0x8000  }
0x561: {  	[sflag:s19] =	ssyncset.done $0x0  }
0x562: {  	[sflag:s19] =	ssyncadd.s32 $0xFFFF8000  }
0x563: {  	[tilespmem:s28], [sflag:$0x1] =	stream.linear.gather [hbm4b:s4+s28], $0x8000, $0x38;
	[tilespmem:$0x18000] =	vst v63  }
0x564: {  	_ =	swait.ge [sflag:s20], $0x8000  }
0x565: {  	[sflag:s20] =	ssyncset.done $0x0  }
0x566: {  	s24 =	simm.s32 $0x0;
	[sflag:s20] =	ssyncadd.s32 $0xFFFF8000  }
0x567: {  	v0 =	vld [tilespmem:s24+$0x8070]  }
0x568: {  	v1 =	vld [tilespmem:s24+$0x10070]  }
0x569: {  	v2 =	vld [tilespmem:s24+$0x8000]  }
0x56a: {  	v3 =	vld [tilespmem:s24+$0x10000]  }
0x56b: {  	v4 =	vld [tilespmem:s24+$0x8010]  }
0x56c: {  	v5 =	vld [tilespmem:s24+$0x10010]  }
0x56d: {  	v6 =	vld [tilespmem:s24+$0x8020]  }
0x56e: {  	v7 =	vld [tilespmem:s24+$0x10020]  }
0x56f: {  	v8 =	vld [tilespmem:s24+$0x8030]  }
0x570: {  	v9 =	vld [tilespmem:s24+$0x10030];
	v1 =	vadd.f32 v1, v0  }
0x571: {  	v3 =	vadd.f32 v3, v2;
	v0 =	vld [tilespmem:s24+$0x8040]  }
0x572: {  	v4 =	vadd.f32 v5, v4;
	v2 =	vld [tilespmem:s24+$0x10040];
	[tilespmem:s24+$0x8070] =	vst v1  }
0x573: {  	v5 =	vadd.f32 v7, v6;
	[tilespmem:s24+$0x8000] =	vst v3;
	v1 =	vld [tilespmem:s24+$0x8050]  }
0x574: {  	[tilespmem:s24+$0x8010] =	vst v4;
	v3 =	vld [tilespmem:s24+$0x10050]  }
0x575: {  	s25 =	simm.s32 $0x0;
	s26 =	simm.s32 $0x200;
	[tilespmem:s24+$0x8020] =	vst v5;
	v5 =	vadd.f32 v9, v8;
	v4 =	vld [tilespmem:s24+$0x8060]  }
.LBB2_56:
0x576: {  	s28 =	sshra.s32 s26, $0x2;
	v6 =	vld [tilespmem:s24+$0x10060]  }
0x577: {  	s25 =	sadd.s32 $0x80, s25;
	v7 =	vld [tilespmem:s28+$0x8070];
	[tilespmem:s24+$0x8030] =	vst v5;
	v0 =	vadd.f32 v2, v0  }
0x578: {  	p0 =	slt.u32 s25, $0x7F80;
	v2 =	vld [tilespmem:s28+$0x10070]  }
0x579: {  	v5 =	vld [tilespmem:s28+$0x8000];
	[tilespmem:s24+$0x8040] =	vst v0;
	v0 =	vadd.f32 v3, v1  }
0x57a: {  	v1 =	vld [tilespmem:s28+$0x10000]  }
0x57b: {  	v3 =	vld [tilespmem:s28+$0x8010];
	[tilespmem:s24+$0x8050] =	vst v0;
	v0 =	vadd.f32 v6, v4  }
0x57c: {  	v4 =	vld [tilespmem:s28+$0x10010]  }
0x57d: {  	v6 =	vld [tilespmem:s28+$0x8020];
	v2 =	vadd.f32 v2, v7;
	[tilespmem:s24+$0x8060] =	vst v0;
	s24 =	smov.u32 s28  }
0x57e: {  	v7 =	vld [tilespmem:s24+$0x10020]  }
0x57f: {  	v0 =	vadd.f32 v1, v5;
	v5 =	vld [tilespmem:s24+$0x8030];
	[tilespmem:s24+$0x8070] =	vst v2  }
0x580: {  	v8 =	vld [tilespmem:s24+$0x10030]  }
.Ltmp27:
0x581: {  	[tilespmem:s24+$0x8000] =	vst v0;
	v1 =	vadd.f32 v4, v3;
	v0 =	vld [tilespmem:s24+$0x8040];
	(pc) =	sbr.rel @p0 .LBB2_56-.Ltmp27, $4  }
0x582: {  	v2 =	vld [tilespmem:s24+$0x10040]  }
0x583: {  	[tilespmem:s24+$0x8010] =	vst v1;
	v4 =	vadd.f32 v7, v6;
	v1 =	vld [tilespmem:s24+$0x8050]  }
0x584: {  	v3 =	vld [tilespmem:s24+$0x10050]  }
0x585: {  	s26 =	sadd.s32 $0x200, s26;
	[tilespmem:s24+$0x8020] =	vst v4;
	v5 =	vadd.f32 v8, v5;
	v4 =	vld [tilespmem:s24+$0x8060]  }
0x586: {  	v6 =	vld [tilespmem:s24+$0x10060];
	_ =	sdelay $0x2  }
0x587: {  	v0 =	vadd.f32 v2, v0  }
0x588: {  	[tilespmem:s24+$0x8030] =	vst v5;
	v1 =	vadd.f32 v3, v1  }
0x589: {  	[tilespmem:s24+$0x8040] =	vst v0;
	v0 =	vadd.f32 v6, v4  }
0x58a: {  	[tilespmem:s24+$0x8050] =	vst v1  }
0x58b: {  	[tilespmem:s24+$0x8060] =	vst v0  }
0x58c: {  	[hbm4b:s0+s1] =	stream.linear.scatter [tilespmem:s16], [sflag:$0x6], $0x8000, $0x38;
	[tilespmem:$0x18000] =	vst v63  }
0x58d: {  	_ = 	snop  }
0x58e: {  	[tilespmem:s15], [sflag:$0x4] =	stream.linear.gather [hbm4b:s3+s1], $0x8000, $0x38;
	[tilespmem:$0x18000] =	vst v63  }
0x58f: {  	_ =	swait.ge [sflag:s21], $0x8000  }
0x590: {  	[sflag:s21] =	ssyncset.done $0x0  }
0x591: {  	[sflag:s21] =	ssyncadd.s32 $0xFFFF8000  }
0x592: {  	[tilespmem:s16], [sflag:$0x2] =	stream.linear.gather [hbm4b:s6+s1], $0x8000, $0x38;
	[tilespmem:$0x18000] =	vst v63  }
0x593: {  	_ =	swait.ge [sflag:s17], $0x8000  }
0x594: {  	[sflag:s17] =	ssyncset.done $0x0  }
0x595: {  	[sflag:s17] =	ssyncadd.s32 $0xFFFF8000  }
0x596: {  	_ =	swait.ge [sflag:s22], $0x8000  }
0x597: {  	[sflag:s22] =	ssyncset.done $0x0  }
0x598: {  	s24 =	simm.s32 $0x40;
	[sflag:s22] =	ssyncadd.s32 $0xFFFF8000  }
0x599: {  	s25 =	simm.s32 $0x10040;
	v1 =	vld [tilespmem:s24+$0x30]  }
0x59a: {  	v2 =	vld [tilespmem:s25+$0x30]  }
0x59b: {  	v0 =	vld [tilespmem:s25+$0xFFFFFFC0]  }
0x59c: {  	v3 =	vld [tilespmem:s24+$0xFFFFFFD0]  }
0x59d: {  	v4 =	vld [tilespmem:s25+$0xFFFFFFD0]  }
0x59e: {  	v5 =	vld [tilespmem:s24+$0xFFFFFFE0]  }
0x59f: {  	v6 =	vld [tilespmem:s25+$0xFFFFFFE0]  }
0x5a0: {  	v7 =	vld [tilespmem:s24+$0xFFFFFFF0]  }
0x5a1: {  	v8 =	vld [tilespmem:s25+$0xFFFFFFF0]  }
0x5a2: {  	v9 =	vld [tilespmem:s24+$0x0]  }
0x5a3: {  	v10 =	vld [tilespmem:s25+$0x0];
	v2 =	vadd.f32 v2, v1  }
0x5a4: {  	v4 =	vadd.f32 v4, v3;
	v1 =	vld [tilespmem:s24+$0x10]  }
0x5a5: {  	v5 =	vadd.f32 v6, v5;
	v3 =	vld [tilespmem:s25+$0x10];
	[tilespmem:s24+$0x30] =	vst v2  }
0x5a6: {  	v6 =	vadd.f32 v8, v7;
	[tilespmem:s24+$0xFFFFFFD0] =	vst v4;
	v2 =	vld [tilespmem:s24+$0x20]  }
0x5a7: {  	[tilespmem:s24+$0xFFFFFFE0] =	vst v5;
	v5 =	vld [tilespmem:s25+$0x20]  }
0x5a8: {  	s26 =	simm.s32 $0x0;
	s28 =	simm.s32 $0xC0;
	v4 =	vld [tilespmem:s24+$0xFFFFFFC0];
	[tilespmem:s24+$0xFFFFFFF0] =	vst v6;
	v6 =	vadd.f32 v10, v9  }
.LBB2_58:
0x5a9: {  	v7 =	vld [tilespmem:s28+$0x30];
	s25 =	sadd.s32 $0x80, s25  }
0x5aa: {  	s26 =	sadd.s32 $0x80, s26;
	v8 =	vld [tilespmem:s25+$0x30];
	[tilespmem:s24+$0x0] =	vst v6;
	v1 =	vadd.f32 v3, v1  }
0x5ab: {  	p0 =	slt.u32 s26, $0x7F80;
	v3 =	vld [tilespmem:s25+$0xFFFFFFC0]  }
0x5ac: {  	v6 =	vld [tilespmem:s28+$0xFFFFFFD0];
	[tilespmem:s24+$0x10] =	vst v1;
	v1 =	vadd.f32 v5, v2  }
0x5ad: {  	v2 =	vld [tilespmem:s25+$0xFFFFFFD0];
	v9 =	vadd.f32 v0, v4  }
0x5ae: {  	v4 =	vld [tilespmem:s28+$0xFFFFFFE0];
	[tilespmem:s24+$0x20] =	vst v1  }
0x5af: {  	v1 =	vld [tilespmem:s25+$0xFFFFFFE0];
	v5 =	vadd.f32 v8, v7;
	[tilespmem:s24+$0xFFFFFFC0] =	vst v9;
	s24 =	smov.u32 s28  }
0x5b0: {  	v7 =	vld [tilespmem:s28+$0xFFFFFFF0];
	v0 =	vmov v3  }
0x5b1: {  	v8 =	vld [tilespmem:s25+$0xFFFFFFF0];
	[tilespmem:s28+$0x30] =	vst v5  }
0x5b2: {  	v2 =	vadd.f32 v2, v6;
	v6 =	vld [tilespmem:s28+$0x0]  }
0x5b3: {  	v9 =	vld [tilespmem:s25+$0x0]  }
.Ltmp28:
0x5b4: {  	[tilespmem:s28+$0xFFFFFFD0] =	vst v2;
	v2 =	vadd.f32 v1, v4;
	v1 =	vld [tilespmem:s28+$0x10];
	(pc) =	sbr.rel @p0 .LBB2_58-.Ltmp28, $4  }
0x5b5: {  	v3 =	vld [tilespmem:s25+$0x10]  }
0x5b6: {  	[tilespmem:s28+$0xFFFFFFE0] =	vst v2;
	v7 =	vadd.f32 v8, v7;
	v2 =	vld [tilespmem:s28+$0x20]  }
0x5b7: {  	v5 =	vld [tilespmem:s25+$0x20]  }
0x5b8: {  	s28 =	sadd.s32 $0x80, s28;
	v4 =	vld [tilespmem:s24+$0xFFFFFFC0];
	[tilespmem:s24+$0xFFFFFFF0] =	vst v7;
	v6 =	vadd.f32 v9, v6  }
0x5b9: {  	_ =	sdelay $0x1  }
0x5ba: {  	v1 =	vadd.f32 v3, v1  }
0x5bb: {  	[tilespmem:s24+$0x0] =	vst v6;
	v2 =	vadd.f32 v5, v2  }
0x5bc: {  	[tilespmem:s24+$0x10] =	vst v1;
	v0 =	vadd.f32 v0, v4  }
0x5bd: {  	[tilespmem:s24+$0x20] =	vst v2  }
0x5be: {  	s28 =	simm.s32 $0x0;
	[tilespmem:s24+$0xFFFFFFC0] =	vst v0  }
0x5bf: {  	[hbm4b:s5+s28] =	stream.linear.scatter [tilespmem:s28], [sflag:$0x5], $0x8000, $0x38;
	[tilespmem:$0x18000] =	vst v63  }
0x5c0: {  	_ =	swait.ge [sflag:s19], $0x8000  }
0x5c1: {  	[sflag:s19] =	ssyncset.done $0x0  }
0x5c2: {  	[sflag:s19] =	ssyncadd.s32 $0xFFFF8000  }
0x5c3: {  	[tilespmem:s28], [sflag:$0x1] =	stream.linear.gather [hbm4b:s10+s28], $0x8000, $0x38;
	[tilespmem:$0x18000] =	vst v63  }
0x5c4: {  	_ =	swait.ge [sflag:s20], $0x8000  }
0x5c5: {  	[sflag:s20] =	ssyncset.done $0x0  }
0x5c6: {  	s24 =	simm.s32 $0x0;
	[sflag:s20] =	ssyncadd.s32 $0xFFFF8000  }
0x5c7: {  	v0 =	vld [tilespmem:s24+$0x8070]  }
0x5c8: {  	v1 =	vld [tilespmem:s24+$0x10070]  }
0x5c9: {  	v2 =	vld [tilespmem:s24+$0x8000]  }
0x5ca: {  	v3 =	vld [tilespmem:s24+$0x10000]  }
0x5cb: {  	v4 =	vld [tilespmem:s24+$0x8010]  }
0x5cc: {  	v5 =	vld [tilespmem:s24+$0x10010]  }
0x5cd: {  	v6 =	vld [tilespmem:s24+$0x8020]  }
0x5ce: {  	v7 =	vld [tilespmem:s24+$0x10020]  }
0x5cf: {  	v8 =	vld [tilespmem:s24+$0x8030]  }
0x5d0: {  	v9 =	vld [tilespmem:s24+$0x10030];
	v1 =	vadd.f32 v1, v0  }
0x5d1: {  	v3 =	vadd.f32 v3, v2;
	v0 =	vld [tilespmem:s24+$0x8040]  }
0x5d2: {  	v4 =	vadd.f32 v5, v4;
	v2 =	vld [tilespmem:s24+$0x10040];
	[tilespmem:s24+$0x8070] =	vst v1  }
0x5d3: {  	v5 =	vadd.f32 v7, v6;
	[tilespmem:s24+$0x8000] =	vst v3;
	v1 =	vld [tilespmem:s24+$0x8050]  }
0x5d4: {  	[tilespmem:s24+$0x8010] =	vst v4;
	v3 =	vld [tilespmem:s24+$0x10050]  }
0x5d5: {  	s25 =	simm.s32 $0x0;
	s26 =	simm.s32 $0x200;
	[tilespmem:s24+$0x8020] =	vst v5;
	v5 =	vadd.f32 v9, v8;
	v4 =	vld [tilespmem:s24+$0x8060]  }
.LBB2_60:
0x5d6: {  	s28 =	sshra.s32 s26, $0x2;
	v6 =	vld [tilespmem:s24+$0x10060]  }
0x5d7: {  	s25 =	sadd.s32 $0x80, s25;
	v7 =	vld [tilespmem:s28+$0x8070];
	[tilespmem:s24+$0x8030] =	vst v5;
	v0 =	vadd.f32 v2, v0  }
0x5d8: {  	p0 =	slt.u32 s25, $0x7F80;
	v2 =	vld [tilespmem:s28+$0x10070]  }
0x5d9: {  	v5 =	vld [tilespmem:s28+$0x8000];
	[tilespmem:s24+$0x8040] =	vst v0;
	v0 =	vadd.f32 v3, v1  }
0x5da: {  	v1 =	vld [tilespmem:s28+$0x10000]  }
0x5db: {  	v3 =	vld [tilespmem:s28+$0x8010];
	[tilespmem:s24+$0x8050] =	vst v0;
	v0 =	vadd.f32 v6, v4  }
0x5dc: {  	v4 =	vld [tilespmem:s28+$0x10010]  }
0x5dd: {  	v6 =	vld [tilespmem:s28+$0x8020];
	v2 =	vadd.f32 v2, v7;
	[tilespmem:s24+$0x8060] =	vst v0;
	s24 =	smov.u32 s28  }
0x5de: {  	v7 =	vld [tilespmem:s24+$0x10020]  }
0x5df: {  	v0 =	vadd.f32 v1, v5;
	v5 =	vld [tilespmem:s24+$0x8030];
	[tilespmem:s24+$0x8070] =	vst v2  }
0x5e0: {  	v8 =	vld [tilespmem:s24+$0x10030]  }
.Ltmp29:
0x5e1: {  	[tilespmem:s24+$0x8000] =	vst v0;
	v1 =	vadd.f32 v4, v3;
	v0 =	vld [tilespmem:s24+$0x8040];
	(pc) =	sbr.rel @p0 .LBB2_60-.Ltmp29, $4  }
0x5e2: {  	v2 =	vld [tilespmem:s24+$0x10040]  }
0x5e3: {  	[tilespmem:s24+$0x8010] =	vst v1;
	v4 =	vadd.f32 v7, v6;
	v1 =	vld [tilespmem:s24+$0x8050]  }
0x5e4: {  	v3 =	vld [tilespmem:s24+$0x10050]  }
0x5e5: {  	s26 =	sadd.s32 $0x200, s26;
	[tilespmem:s24+$0x8020] =	vst v4;
	v5 =	vadd.f32 v8, v5;
	v4 =	vld [tilespmem:s24+$0x8060]  }
0x5e6: {  	v6 =	vld [tilespmem:s24+$0x10060];
	_ =	sdelay $0x2  }
0x5e7: {  	v0 =	vadd.f32 v2, v0  }
0x5e8: {  	[tilespmem:s24+$0x8030] =	vst v5;
	v1 =	vadd.f32 v3, v1  }
0x5e9: {  	[tilespmem:s24+$0x8040] =	vst v0;
	v0 =	vadd.f32 v6, v4  }
0x5ea: {  	[tilespmem:s24+$0x8050] =	vst v1  }
0x5eb: {  	[tilespmem:s24+$0x8060] =	vst v0  }
0x5ec: {  	[hbm4b:s7+s1] =	stream.linear.scatter [tilespmem:s16], [sflag:$0x6], $0x8000, $0x38;
	[tilespmem:$0x18000] =	vst v63  }
0x5ed: {  	_ =	swait.ge [sflag:s21], $0x8000  }
0x5ee: {  	[sflag:s21] =	ssyncset.done $0x0  }
0x5ef: {  	[sflag:s21] =	ssyncadd.s32 $0xFFFF8000  }
0x5f0: {  	[tilespmem:s16], [sflag:$0x2] =	stream.linear.gather [hbm4b:s11+s1], $0x8000, $0x38;
	[tilespmem:$0x18000] =	vst v63  }
0x5f1: {  	_ =	swait.ge [sflag:s17], $0x8000  }
0x5f2: {  	[sflag:s17] =	ssyncset.done $0x0  }
0x5f3: {  	s24 =	simm.s32 $0x40;
	[sflag:s17] =	ssyncadd.s32 $0xFFFF8000  }
0x5f4: {  	s25 =	simm.s32 $0x10040;
	v1 =	vld [tilespmem:s24+$0x30]  }
0x5f5: {  	v2 =	vld [tilespmem:s25+$0x30]  }
0x5f6: {  	v0 =	vld [tilespmem:s25+$0xFFFFFFC0]  }
0x5f7: {  	v3 =	vld [tilespmem:s24+$0xFFFFFFD0]  }
0x5f8: {  	v4 =	vld [tilespmem:s25+$0xFFFFFFD0]  }
0x5f9: {  	v5 =	vld [tilespmem:s24+$0xFFFFFFE0]  }
0x5fa: {  	v6 =	vld [tilespmem:s25+$0xFFFFFFE0]  }
0x5fb: {  	v7 =	vld [tilespmem:s24+$0xFFFFFFF0]  }
0x5fc: {  	v8 =	vld [tilespmem:s25+$0xFFFFFFF0]  }
0x5fd: {  	v9 =	vld [tilespmem:s24+$0x0]  }
0x5fe: {  	v10 =	vld [tilespmem:s25+$0x0];
	v2 =	vadd.f32 v2, v1  }
0x5ff: {  	v4 =	vadd.f32 v4, v3;
	v1 =	vld [tilespmem:s24+$0x10]  }
0x600: {  	v5 =	vadd.f32 v6, v5;
	v3 =	vld [tilespmem:s25+$0x10];
	[tilespmem:s24+$0x30] =	vst v2  }
0x601: {  	v6 =	vadd.f32 v8, v7;
	[tilespmem:s24+$0xFFFFFFD0] =	vst v4;
	v2 =	vld [tilespmem:s24+$0x20]  }
0x602: {  	[tilespmem:s24+$0xFFFFFFE0] =	vst v5;
	v5 =	vld [tilespmem:s25+$0x20]  }
0x603: {  	s26 =	simm.s32 $0x0;
	s28 =	simm.s32 $0xC0;
	v4 =	vld [tilespmem:s24+$0xFFFFFFC0];
	[tilespmem:s24+$0xFFFFFFF0] =	vst v6;
	v6 =	vadd.f32 v10, v9  }
.LBB2_62:
0x604: {  	v7 =	vld [tilespmem:s28+$0x30];
	s25 =	sadd.s32 $0x80, s25  }
0x605: {  	s26 =	sadd.s32 $0x80, s26;
	v8 =	vld [tilespmem:s25+$0x30];
	[tilespmem:s24+$0x0] =	vst v6;
	v1 =	vadd.f32 v3, v1  }
0x606: {  	p0 =	slt.u32 s26, $0x7F80;
	v3 =	vld [tilespmem:s25+$0xFFFFFFC0]  }
0x607: {  	v6 =	vld [tilespmem:s28+$0xFFFFFFD0];
	[tilespmem:s24+$0x10] =	vst v1;
	v1 =	vadd.f32 v5, v2  }
0x608: {  	v2 =	vld [tilespmem:s25+$0xFFFFFFD0];
	v9 =	vadd.f32 v0, v4  }
0x609: {  	v4 =	vld [tilespmem:s28+$0xFFFFFFE0];
	[tilespmem:s24+$0x20] =	vst v1  }
0x60a: {  	v1 =	vld [tilespmem:s25+$0xFFFFFFE0];
	v5 =	vadd.f32 v8, v7;
	[tilespmem:s24+$0xFFFFFFC0] =	vst v9;
	s24 =	smov.u32 s28  }
0x60b: {  	v7 =	vld [tilespmem:s28+$0xFFFFFFF0];
	v0 =	vmov v3  }
0x60c: {  	v8 =	vld [tilespmem:s25+$0xFFFFFFF0];
	[tilespmem:s28+$0x30] =	vst v5  }
0x60d: {  	v2 =	vadd.f32 v2, v6;
	v6 =	vld [tilespmem:s28+$0x0]  }
0x60e: {  	v9 =	vld [tilespmem:s25+$0x0]  }
.Ltmp30:
0x60f: {  	[tilespmem:s28+$0xFFFFFFD0] =	vst v2;
	v2 =	vadd.f32 v1, v4;
	v1 =	vld [tilespmem:s28+$0x10];
	(pc) =	sbr.rel @p0 .LBB2_62-.Ltmp30, $4  }
0x610: {  	v3 =	vld [tilespmem:s25+$0x10]  }
0x611: {  	[tilespmem:s28+$0xFFFFFFE0] =	vst v2;
	v7 =	vadd.f32 v8, v7;
	v2 =	vld [tilespmem:s28+$0x20]  }
0x612: {  	v5 =	vld [tilespmem:s25+$0x20]  }
0x613: {  	s28 =	sadd.s32 $0x80, s28;
	v4 =	vld [tilespmem:s24+$0xFFFFFFC0];
	[tilespmem:s24+$0xFFFFFFF0] =	vst v7;
	v6 =	vadd.f32 v9, v6  }
0x614: {  	_ =	sdelay $0x1  }
0x615: {  	v1 =	vadd.f32 v3, v1  }
0x616: {  	[tilespmem:s24+$0x0] =	vst v6;
	v2 =	vadd.f32 v5, v2  }
0x617: {  	[tilespmem:s24+$0x10] =	vst v1;
	v0 =	vadd.f32 v0, v4  }
0x618: {  	[tilespmem:s24+$0x20] =	vst v2  }
0x619: {  	s28 =	simm.s32 $0x0;
	[tilespmem:s24+$0xFFFFFFC0] =	vst v0  }
0x61a: {  	[hbm4b:s12+s28] =	stream.linear.scatter [tilespmem:s28], [sflag:$0x5], $0x8000, $0x38;
	[tilespmem:$0x18000] =	vst v63  }
0x61b: {  	_ =	swait.ge [sflag:s20], $0x8000  }
0x61c: {  	[sflag:s20] =	ssyncset.done $0x0  }
0x61d: {  	s24 =	simm.s32 $0x0;
	[sflag:s20] =	ssyncadd.s32 $0xFFFF8000  }
0x61e: {  	v0 =	vld [tilespmem:s24+$0x8070]  }
0x61f: {  	v1 =	vld [tilespmem:s24+$0x10070]  }
0x620: {  	v2 =	vld [tilespmem:s24+$0x8000]  }
0x621: {  	v3 =	vld [tilespmem:s24+$0x10000]  }
0x622: {  	v4 =	vld [tilespmem:s24+$0x8010]  }
0x623: {  	v5 =	vld [tilespmem:s24+$0x10010]  }
0x624: {  	v6 =	vld [tilespmem:s24+$0x8020]  }
0x625: {  	v7 =	vld [tilespmem:s24+$0x10020]  }
0x626: {  	v8 =	vld [tilespmem:s24+$0x8030]  }
0x627: {  	v9 =	vld [tilespmem:s24+$0x10030];
	v1 =	vadd.f32 v1, v0  }
0x628: {  	v3 =	vadd.f32 v3, v2;
	v0 =	vld [tilespmem:s24+$0x8040]  }
0x629: {  	v4 =	vadd.f32 v5, v4;
	v2 =	vld [tilespmem:s24+$0x10040];
	[tilespmem:s24+$0x8070] =	vst v1  }
0x62a: {  	v5 =	vadd.f32 v7, v6;
	[tilespmem:s24+$0x8000] =	vst v3;
	v1 =	vld [tilespmem:s24+$0x8050]  }
0x62b: {  	[tilespmem:s24+$0x8010] =	vst v4;
	v3 =	vld [tilespmem:s24+$0x10050]  }
0x62c: {  	s25 =	simm.s32 $0x0;
	s26 =	simm.s32 $0x200;
	[tilespmem:s24+$0x8020] =	vst v5;
	v5 =	vadd.f32 v9, v8;
	v4 =	vld [tilespmem:s24+$0x8060]  }
.LBB2_64:
0x62d: {  	s28 =	sshra.s32 s26, $0x2;
	v6 =	vld [tilespmem:s24+$0x10060]  }
0x62e: {  	s25 =	sadd.s32 $0x80, s25;
	v7 =	vld [tilespmem:s28+$0x8070];
	[tilespmem:s24+$0x8030] =	vst v5;
	v0 =	vadd.f32 v2, v0  }
0x62f: {  	p0 =	slt.u32 s25, $0x7F80;
	v2 =	vld [tilespmem:s28+$0x10070]  }
0x630: {  	v5 =	vld [tilespmem:s28+$0x8000];
	[tilespmem:s24+$0x8040] =	vst v0;
	v0 =	vadd.f32 v3, v1  }
0x631: {  	v1 =	vld [tilespmem:s28+$0x10000]  }
0x632: {  	v3 =	vld [tilespmem:s28+$0x8010];
	[tilespmem:s24+$0x8050] =	vst v0;
	v0 =	vadd.f32 v6, v4  }
0x633: {  	v4 =	vld [tilespmem:s28+$0x10010]  }
0x634: {  	v6 =	vld [tilespmem:s28+$0x8020];
	v2 =	vadd.f32 v2, v7;
	[tilespmem:s24+$0x8060] =	vst v0;
	s24 =	smov.u32 s28  }
0x635: {  	v7 =	vld [tilespmem:s24+$0x10020]  }
0x636: {  	v0 =	vadd.f32 v1, v5;
	v5 =	vld [tilespmem:s24+$0x8030];
	[tilespmem:s24+$0x8070] =	vst v2  }
0x637: {  	v8 =	vld [tilespmem:s24+$0x10030]  }
.Ltmp31:
0x638: {  	[tilespmem:s24+$0x8000] =	vst v0;
	v1 =	vadd.f32 v4, v3;
	v0 =	vld [tilespmem:s24+$0x8040];
	(pc) =	sbr.rel @p0 .LBB2_64-.Ltmp31, $4  }
0x639: {  	v2 =	vld [tilespmem:s24+$0x10040]  }
0x63a: {  	[tilespmem:s24+$0x8010] =	vst v1;
	v4 =	vadd.f32 v7, v6;
	v1 =	vld [tilespmem:s24+$0x8050]  }
0x63b: {  	v3 =	vld [tilespmem:s24+$0x10050]  }
0x63c: {  	s26 =	sadd.s32 $0x200, s26;
	[tilespmem:s24+$0x8020] =	vst v4;
	v5 =	vadd.f32 v8, v5;
	v4 =	vld [tilespmem:s24+$0x8060]  }
0x63d: {  	v6 =	vld [tilespmem:s24+$0x10060];
	_ =	sdelay $0x2  }
0x63e: {  	v0 =	vadd.f32 v2, v0  }
0x63f: {  	[tilespmem:s24+$0x8030] =	vst v5;
	v1 =	vadd.f32 v3, v1  }
0x640: {  	[tilespmem:s24+$0x8040] =	vst v0;
	v63 =	vadd.f32 v6, v4  }
0x641: {  	[tilespmem:s24+$0x8050] =	vst v1  }
0x642: {  	s23 =	sadd.s32 $0x1, s23;
	[tilespmem:s24+$0x8060] =	vst v63  }
0x643: {  	[hbm4b:s13+s1] =	stream.linear.scatter [tilespmem:s16], [sflag:$0x6], $0x8000, $0x38;
	[tilespmem:$0x18000] =	vst v63  }
0x644: {  	p0 =	sne.s32 s23, s14;
	_ =	swait.ge [sflag:s19], $0x8000  }
.Ltmp32:
0x645: {  	[sflag:s19] =	ssyncset.done $0x0;
	(pc) =	sbr.rel @p0 .LBB2_1-.Ltmp32, $4  }
0x646: {  	[sflag:s19] =	ssyncadd.s32 $0xFFFF8000  }
0x647: {  	_ =	swait.ge [sflag:s21], $0x8000  }
0x648: {  	[sflag:s21] =	ssyncset.done $0x0  }
0x649: {  	[sflag:s21] =	ssyncadd.s32 $0xFFFF8000  }
0x64a: {  	_ =	sfence.sel $0x180000  }
0x64b: {  	[bflag:$0x0] =	sbarrier.arrive $0xFFFF  }
0x64c: {  	_ =	strace $0x9000004D  }
0x64d: {  	s0 =	stileid.u32;
	[bflag:$0x2] =	sbarrier.arrive $0xFFFF  }
0x64e: {  	p0 =	sne.s32 s0, $0x0;
	s0 =	rddreg [dreg:$0x2]  }
0x64f: {  	s0 =	sadd.s32 @!p0 $0x100000, s0  }
0x650: {  	[sflag:s0] =	ssyncadd.tile.s32 @!p0 $0x1;
	_ =	shalt  }
.Lfunc_end2:
_tile_overlayer_lowered:
.L_overlay_start_2:
0x651: {  	(tag) =	ssettag $0x2  }
0x652: {  	s0 =	rddreg [dreg:$0x0];
	s2 =	stileid.u32  }
0x653: {  	s1 =	rddreg [dreg:$0x1];
	p0 =	sne.s32 s2, $0x0  }
0x654: {  	s3 =	rddreg [dreg:$0x2];
	[bflag:$0x3] =	sbarrier.arrive $0xFFFF;
	s2 =	simm.s32 @!p0 $0x1C07  }
0x655: {  	[timem:s3], [sflag:s2] =	dma.local @!p0 [hbm:s0], s1  }
0x656: {  	s0 =	simm.s32 @!p0 $0x7  }
0x657: {  	_ =	swait.ge @!p0 [sflag:s0], s1  }
0x658: {  	s1 =	ssub.s32 @!p0 $0x0, s1;
	[sflag:s0] =	ssyncset.done @!p0 $0x0  }
0x659: {  	[sflag:s0] =	ssyncadd.s32 @!p0 s1  }
0x65a: {  	[bflag:$0x3] =	sbarrier.arrive $0xFFFF  }
0x65b: {  	_ =	shalt  }

// kernel: sparse-core-data-format-call.1.cloned.1.call-start
scs
called_computation.1_lowered:
.L_overlay_start_0:
0x0: {  	s2 =	sld [smem:$0x3FD9]  }
0x1: {  	s3 =	sld [smem:$0x3FFE];
	_ =	sdelay $0x1  }
0x2: {  	s1 =	srdreg.scid  }
0x3: {  	s0 =	sand.u32 $0x1, s1  }
0x4: {  	s19 =	sshll.u32 s0, $0xA;
	s2 =	sadd.s32 s3, s2  }
0x5: {  	s2 =	sadd.s32 s2, s19  }
0x6: {  	[smem:$0x3FC6] =	sst s2  }
0x7: {  	_ = 	snop  }
0x8: {  	s20 =	sld [smem:$0x3FC9]  }
0x9: {  	s4 =	sld [smem:$0x3FD0];
	(tm) =	ssettm $0x1  }
0xa: {  	s21 =	sld [smem:$0x3FFB];
	_ =	sdelay $0x3  }
0xb: {  	_ =	strace s21  }
0xc: {  	s2 =	sld [smem:$0x3FFC];
	_ =	sdelay $0x3  }
0xd: {  	_ =	strace s2  }
0xe: {  	s2 =	sld [smem:$0x3FFD];
	_ =	sdelay $0x3  }
0xf: {  	_ =	strace s2  }
0x10: {  	_ =	strace $0x8FFFFFFF  }
0x11: {  	s22 =	sld [smem:$0x3FDB];
	_ =	sdelay $0x1  }
0x12: {  	s5 =	simm.s32 $_scs_section_size  }
0x13: {  	s6 =	simm.s32 $_size__tile_overlayer_lowered;
	s7 =	simm.s32 $_tile_overlayer_lowered  }
0x14: {  	s8 =	simm.s32 $0x1BFF;
	s23 =	sshll.u32 s7, $0x1;
	s5 =	sadd.s32 s5, s22  }
0x15: {  	s24 =	simm.s32 $0x0;
	s6 =	sshll.u32 s6, $0x1;
	s7 =	sadd.s32 s23, s5  }
0x16: {  	[timem:s24], [sflag:s8] =	dma.local [hbm:s7], s6  }
0x17: {  	_ =	swait.ge [sflag:s8], s6  }
0x18: {  	s6 =	ssub.s32 $0x0, s6;
	[sflag:s8] =	ssyncset.done $0x0  }
0x19: {  	[sflag:s8] =	ssyncadd.s32 s6;
	_ =	sdelay $0x1  }
0x1a: {  	s25 =	simm.s32 $0x1B8B  }
0x1b: {  	_ =	swait.ge [sflag:s25], $0x1  }
0x1c: {  	[sflag:s25] =	ssyncset.done $0x0  }
0x1d: {  	[sflag:s25] =	ssyncadd.s32 $0xFFFFFFFF  }
0x1e: {  	s6 =	sld [smem:$0x0]  }
0x1f: {  	s7 =	sand.u32 $0xFFFFFFFE, s1  }
0x20: {  	p0 =	sne.s32 s1, s7  }
0x21: {  	s7 =	sshll.u32 @p0 s7, $0xE  }
0x22: {  	s7 =	sadd.s32 @p0 $0x11B8D, s7;
	s8 =	sshll.u32 @p0 s6, $0x11  }
0x23: {  	s7 =	sor.u32 @p0 s8, s7  }
0x24: {  	[sflag:s7] =	ssyncadd.remote.s32 @p0 $0x1;
	_ =	sdelay $0x1  }
0x25: {  	s7 =	simm.s32 @p0 $0x1B8D  }
0x26: {  	_ =	swait.eq @p0 [sflag:s7], $0x1  }
0x27: {  	[sflag:s7] =	ssyncadd.s32 @p0 $0xFFFFFFFF  }
0x28: {  	s8 =	sshll.u32 @!p0 s1, $0xE  }
0x29: {  	s8 =	sor.u32 @!p0 $0x4000, s8;
	s7 =	simm.s32 @!p0 $0x1B8D  }
0x2a: {  	s6 =	sshll.u32 @!p0 s6, $0x11;
	s8 =	sadd.s32 @!p0 $0x11B8D, s8;
	_ =	swait.eq @!p0 [sflag:s7], $0x1  }
0x2b: {  	s6 =	sor.u32 @!p0 s6, s8;
	[sflag:s7] =	ssyncadd.s32 @!p0 $0xFFFFFFFF  }
0x2c: {  	s26 =	simm.s32 $0x1B8E;
	[sflag:s6] =	ssyncadd.remote.s32 @!p0 $0x1  }
0x2d: {  	s27 =	simm.s32 $execute0_lowered;
	[smem:$0x3FD2] =	sst s26  }
0x2e: {  	s6 =	sshll.u32 s27, $0x1;
	_ =	strace $0x80000049;
	[dreg:$0x1] =	wrdreg $0xFFFFFFFF  }
0x2f: {  	s28 =	simm.s32 $_size_execute0_lowered;
	s5 =	sadd.s32 s5, s6;
	[dreg:$0x0] =	wrdreg $0x0  }
0x30: {  	s6 =	sshll.u32 s28, $0x1;
	[dreg:$0x2] =	wrdreg s5  }
0x31: {  	[dreg:$0x3] =	wrdreg s6  }
0x32: {  	[dreg:$0x4] =	wrdreg $0xC0  }
0x33: {  	_ =	task [dreg:s24], $0x5FFFF  }
0x34: {  	[dreg:$0x1] =	wrdreg $0xFFFFFFFF  }
0x35: {  	[dreg:$0x0] =	wrdreg $0x60  }
0x36: {  	[dreg:$0x2] =	wrdreg s20  }
0x37: {  	[dreg:$0x3] =	wrdreg s4  }
0x38: {  	[dreg:$0x4] =	wrdreg $0xA  }
0x39: {  	_ =	task.clear_ibuf [dreg:s24], $0x5FFFF;
	_ =	strace $0x90000049  }
0x3a: {  	s29 =	simm.s32 $0xA;
	_ =	strace $0x8000004B  }
0x3b: {  	_ =	swait.ge [sflag:s29], $0x1  }
0x3c: {  	[sflag:s29] =	ssyncadd.s32 $0xFFFFFFFF  }
0x3d: {  	_ =	strace $0x9000004B  }
0x3e: {  	_ =	sfence  }
0x3f: {  	s30 =	sld [smem:$0x0];
	_ =	sdelay $0x2  }
0x40: {  	s31 =	sshll.u32 s1, $0xD;
	s1 =	sshrl.u32 s1, $0x2  }
0x41: {  	s4 =	sand.u32 $0x4000, s31;
	s1 =	sadd.s32 s1, s30  }
0x42: {  	s0 =	sor.u32 s4, s0;
	s1 =	sshll.u32 s1, $0x11  }
0x43: {  	s0 =	sor.u32 s1, s0  }
0x44: {  	s0 =	sadd.s32 $0x8F2B, s0  }
0x45: {  	[sflag:s0] =	ssyncadd.remote.s32 $0x1  }
0x46: {  	_ =	sfence.sel $0xFFFF  }
0x47: {  	[dreg:$0x0] =	wrdreg $0xFFFFFFFF;
	(pc) =	sbr.abs _section_cstart, $3  }
0x48: {  	[dreg:$0x1] =	wrdreg $0xFFFFFFFF  }
0x49: {  	_ =	task.clear_ibuf [dreg:s24], $0x2FFFF;
	_ =	strace $0x9FFFFFFF  }
0x4a: {  	(tm) =	ssettm $0x7FFFFFFF  }
0x4b: {  	_ =	shalt  }
tec
execute0_lowered:
.L_overlay_start_1:
0x0: {  	(tag) =	ssettag $0x1  }
0x1: {  	s0 =	srdreg.scid  }
0x2: {  	s1 =	sshll.u32 s0, $0x4  }
0x3: {  	s2 =	rddreg [dreg:$0x0];
	s0 =	stileid.u32;
	s1 =	sand.u32 $0x10, s1  }
0x4: {  	s4 =	rddreg [dreg:$0x1];
	s1 =	sor.u32 s0, s1  }
0x5: {  	s7 =	simm.s32 $0x1;
	s8 =	simm.s32 $0x2;
	s3 =	sshll.u32 s1, $0x1  }
0x6: {  	s9 =	simm.s32 $0x0;
	s12 =	simm.s32 $0x0;
	s6 =	ssub.s32 $0x1000, s3  }
.Ltmp0:
0x7: {  	s11 =	simm.s32 $0x0;
	s5 =	sand.u32 $0x3E, s6;
	(pc) =	sbr.rel .LBB1_1-.Ltmp0, $4  }
0x8: {  	s1 =	rddreg [dreg:$0x2];
	_ =	strace $0x8000004A;
	p0 =	sne.s32 s5, $0x0  }
0x9: {  	s6 =	sshrl.u32 s6, $0x6;
	s5 =	simm.s32 $0x1;
	s7 =	simm.s32 @!p0 $0x0  }
0xa: {  	s10 =	smov.u32 s3;
	[sflag:s5] =	ssyncpa.u1 $0x0;
	s6 =	sadd.s32 s7, s6  }
0xb: {  	[sflag:s8] =	ssyncpa.u1 $0x0;
	s8 =	simm.s32 $0x0;
	s7 =	sadd.s32 $0x1, s6  }
.LBB1_9:
0xc: {  	s14 =	sadd.s32 $0x40, s10  }
0xd: {  	p1 =	sgt.s32 s14, $0xFFF  }
0xe: {  	s14 =	smov.u32 @p1 s3;
	p1 =	sne.s32 s11, s7  }
.Ltmp1:
0xf: {  	p0 =	slt.u32 s11, $0x2;
	(pc) =	sbr.rel @!p1 .LBB1_10-.Ltmp1, $4  }
0x10: {  	s13 =	simm.s32 @!p0 $0x2  }
0x11: {  	s15 =	sadd.s32 $0x1, s11;
	_ =	swait.ge @!p0 [sflag:s13], $0x4000  }
0x12: {  	s12 =	smov.u32 s10;
	s9 =	sadd.s32 $0x4000, s9;
	[sflag:s13] =	ssyncset.done @!p0 $0x0  }
0x13: {  	s11 =	smov.u32 s15;
	s10 =	smov.u32 s14;
	[sflag:s13] =	ssyncadd.s32 @!p0 $0xFFFFC000  }
.LBB1_1:
0x14: {  	p0 =	sge.u32 s11, s6  }
0x15: {  	s13 =	sxor.u32 @!p0 $0xFFFFFFFF, s11  }
0x16: {  	s31 =	sadd.s32 $0xFFFFFFFF, s11;
	s14 =	sshll.u32 @!p0 s10, $0xA;
	s13 =	sshll.u32 @!p0 s13, $0xE  }
0x17: {  	s15 =	simm.s32 @!p0 $0x0;
	s14 =	sadd.s32 @!p0 s2, s14;
	s13 =	sand.u32 @!p0 $0x4000, s13  }
0x18: {  	[tilespmem:s13], [sflag:$0x1] =	stream.linear.gather @!p0 [hbm4b:s14+s15], $0x4000, $0x38;
	[tilespmem:$0x10000] =	vst v63  }
0x19: {  	p0 =	sge.u32 s31, s6  }
.Ltmp2:
0x1a: {  	_ = 	snop;
	(pc) =	sbr.rel @p0 .LBB1_9-.Ltmp2, $1  }
0x1b: {  	_ =	sdelay $0x3  }
0x1c: {  	s13 =	sshll.u32 s9, $0x2  }
0x1d: {  	_ =	swait.ge [sflag:s5], $0x4000;
	s14 =	sshll.u32 s11, $0xE;
	s16 =	simm.s32 $0x0  }
0x1e: {  	p1 =	por $0x1, $0x1;
	s13 =	sand.u32 $0x10000, s13;
	[sflag:s5] =	ssyncset.done $0x0  }
0x1f: {  	s14 =	sand.u32 $0x4000, s14;
	s15 =	sshrl.u32 s13, $0x2;
	[sflag:s5] =	ssyncadd.s32 $0xFFFFC000  }
0x20: {  	s13 =	sor.u32 $0x8000, s14;
	s14 =	sadd.s32 $0x8040, s15;
	s15 =	sadd.s32 $0x40, s15  }
.LBB1_3:
0x21: {  	s16 =	sshll.u32 s16, $0x2  }
0x22: {  	p0 =	por p1, p1;
	s17 =	sshra.s32 s16, $0x2  }
0x23: {  	s18 =	simm.s32 $0x0;
	s16 =	sadd.s32 s17, s14;
	s17 =	sadd.s32 s17, s15  }
.LBB1_4:
0x24: {  	v0 =	vmov s17;
	_ =	sdelay $0x3  }
0x25: {  	s20 =	simm.s32 $0x0  }
0x26: {  	v6 =	vld.idx.msk [tilespmem:v0+s20+$0x30 ss:$0x1], $0xffff  }
0x27: {  	v7 =	vld.idx.msk [tilespmem:v0+s20+$0xFFFFFFC0 ss:$0x1], $0xffff  }
0x28: {  	v5 =	vld.idx.msk [tilespmem:v0+s20+$0xFFFFFFD0 ss:$0x1], $0xffff  }
0x29: {  	v4 =	vld.idx.msk [tilespmem:v0+s20+$0xFFFFFFE0 ss:$0x1], $0xffff  }
0x2a: {  	v3 =	vld.idx.msk [tilespmem:v0+s20+$0xFFFFFFF0 ss:$0x1], $0xffff  }
0x2b: {  	v1 =	vld.idx.msk [tilespmem:v0+s20+$0x0 ss:$0x1], $0xffff  }
0x2c: {  	v2 =	vld.idx.msk [tilespmem:v0+s20+$0x10 ss:$0x1], $0xffff;
	[tilespmem:s16+$0x30] =	vst v6  }
0x2d: {  	s19 =	simm.s32 $0x80;
	s21 =	simm.s32 $0x400;
	[tilespmem:s16+$0xFFFFFFC0] =	vst v7;
	v6 =	vld.idx.msk [tilespmem:v0+s20+$0x20 ss:$0x1], $0xffff;
	s20 =	smov.u32 s16  }
.LBB1_5:
0x2e: {  	p1 =	sne.s32 s21, $0xE00;
	v7 =	vld.idx.msk [tilespmem:v0+s19+$0x30 ss:$0x1], $0xffff;
	[tilespmem:s20+$0xFFFFFFD0] =	vst v5  }
0x2f: {  	v8 =	vld.idx.msk [tilespmem:v0+s19+$0xFFFFFFC0 ss:$0x1], $0xffff;
	[tilespmem:s20+$0xFFFFFFE0] =	vst v4  }
0x30: {  	v5 =	vld.idx.msk [tilespmem:v0+s19+$0xFFFFFFD0 ss:$0x1], $0xffff;
	[tilespmem:s20+$0xFFFFFFF0] =	vst v3  }
.Ltmp3:
0x31: {  	v4 =	vld.idx.msk [tilespmem:v0+s19+$0xFFFFFFE0 ss:$0x1], $0xffff;
	[tilespmem:s20+$0x0] =	vst v1;
	(pc) =	sbr.rel @p1 .LBB1_5-.Ltmp3, $4  }
0x32: {  	v3 =	vld.idx.msk [tilespmem:v0+s19+$0xFFFFFFF0 ss:$0x1], $0xffff;
	[tilespmem:s20+$0x10] =	vst v2  }
0x33: {  	v1 =	vld.idx.msk [tilespmem:v0+s19+$0x0 ss:$0x1], $0xffff;
	[tilespmem:s20+$0x20] =	vst v6;
	s20 =	sadd.s32 $0x400, s20  }
0x34: {  	v2 =	vld.idx.msk [tilespmem:v0+s19+$0x10 ss:$0x1], $0xffff;
	[tilespmem:s20+$0x30] =	vst v7  }
0x35: {  	[tilespmem:s20+$0xFFFFFFC0] =	vst v8;
	v6 =	vld.idx.msk [tilespmem:v0+s19+$0x20 ss:$0x1], $0xffff;
	s19 =	sshra.s32 s21, $0x2;
	s21 =	sadd.s32 $0x200, s21  }
0x36: {  	_ =	sdelay $0x2  }
0x37: {  	[tilespmem:s20+$0xFFFFFFD0] =	vst v5  }
0x38: {  	v56 =	vld.idx.msk [tilespmem:v0+s19+$0x30 ss:$0x1], $0xffff;
	[tilespmem:s20+$0xFFFFFFE0] =	vst v4  }
0x39: {  	v57 =	vld.idx.msk [tilespmem:v0+s19+$0xFFFFFFC0 ss:$0x1], $0xffff;
	[tilespmem:s20+$0xFFFFFFF0] =	vst v3  }
0x3a: {  	v58 =	vld.idx.msk [tilespmem:v0+s19+$0xFFFFFFD0 ss:$0x1], $0xffff;
	[tilespmem:s20+$0x0] =	vst v1  }
0x3b: {  	v59 =	vld.idx.msk [tilespmem:v0+s19+$0xFFFFFFE0 ss:$0x1], $0xffff;
	[tilespmem:s20+$0x10] =	vst v2  }
0x3c: {  	v60 =	vld.idx.msk [tilespmem:v0+s19+$0xFFFFFFF0 ss:$0x1], $0xffff;
	s31 =	sadd.s32 $0x400, s20;
	[tilespmem:s20+$0x20] =	vst v6  }
0x3d: {  	v61 =	vld.idx.msk [tilespmem:v0+s19+$0x0 ss:$0x1], $0xffff;
	[tilespmem:s31+$0x30] =	vst v56  }
0x3e: {  	v62 =	vld.idx.msk [tilespmem:v0+s19+$0x10 ss:$0x1], $0xffff;
	s18 =	sadd.s32 $0x1, s18;
	[tilespmem:s31+$0xFFFFFFC0] =	vst v57  }
0x3f: {  	v63 =	vld.idx.msk [tilespmem:v0+s19+$0x20 ss:$0x1], $0xffff;
	p1 =	sne.s32 s18, $0x8;
	[tilespmem:s31+$0xFFFFFFD0] =	vst v58  }
.Ltmp4:
0x40: {  	[tilespmem:s31+$0xFFFFFFE0] =	vst v59;
	(pc) =	sbr.rel @p1 .LBB1_4-.Ltmp4, $4  }
0x41: {  	[tilespmem:s31+$0xFFFFFFF0] =	vst v60  }
0x42: {  	[tilespmem:s31+$0x0] =	vst v61  }
0x43: {  	[tilespmem:s31+$0x10] =	vst v62  }
0x44: {  	s16 =	sadd.s32 $0x80, s16;
	s17 =	sadd.s32 $0x400, s17;
	[tilespmem:s31+$0x20] =	vst v63  }
.Ltmp5:
0x45: {  	(pc) =	sbr.rel @p0 .LBB1_3-.Ltmp5, $2  }
0x46: {  	_ =	sdelay $0x2  }
0x47: {  	s16 =	simm.s32 $0x2000;
	p1 =	por $0x0, $0x0  }
.Ltmp6:
0x48: {  	(pc) =	sbr.rel .LBB1_9-.Ltmp6, $4  }
0x49: {  	_ = 	snop  }
0x4a: {  	s12 =	sshll.u32 s12, $0xA  }
0x4b: {  	s12 =	sadd.s32 s4, s12  }
0x4c: {  	[hbm4b:s12+s8] =	stream.linear.scatter [tilespmem:s13], [sflag:$0x2], $0x4000, $0x38;
	[tilespmem:$0x10000] =	vst v63  }
.LBB1_10:
0x4d: {  	_ =	sfence.sel $0x180000  }
0x4e: {  	s2 =	simm.s32 $0x1;
	[bflag:$0x0] =	sbarrier.arrive $0xFFFF  }
0x4f: {  	s31 =	simm.s32 $0x2;
	[sflag:s2] =	ssyncpa.u1 $0x1  }
0x50: {  	[sflag:s31] =	ssyncpa.u1 $0x1  }
0x51: {  	p0 =	sne.s32 s0, $0x0;
	_ =	strace $0x9000004A  }
0x52: {  	s0 =	sadd.s32 @!p0 $0x100000, s1;
	[bflag:$0x2] =	sbarrier.arrive $0xFFFF  }
0x53: {  	[sflag:s0] =	ssyncadd.tile.s32 @!p0 $0x1;
	_ =	shalt  }
.Lfunc_end1:
_tile_overlayer_lowered:
.L_overlay_start_2:
0x54: {  	(tag) =	ssettag $0x2  }
0x55: {  	s0 =	rddreg [dreg:$0x0];
	s2 =	stileid.u32  }
0x56: {  	s1 =	rddreg [dreg:$0x1];
	p0 =	sne.s32 s2, $0x0  }
0x57: {  	s3 =	rddreg [dreg:$0x2];
	[bflag:$0x3] =	sbarrier.arrive $0xFFFF;
	s2 =	simm.s32 @!p0 $0x1C01  }
0x58: {  	[timem:s3], [sflag:s2] =	dma.local @!p0 [hbm:s0], s1  }
0x59: {  	s0 =	simm.s32 @!p0 $0x1  }
0x5a: {  	_ =	swait.ge @!p0 [sflag:s0], s1  }
0x5b: {  	s1 =	ssub.s32 @!p0 $0x0, s1;
	[sflag:s0] =	ssyncset.done @!p0 $0x0  }
0x5c: {  	[sflag:s0] =	ssyncadd.s32 @!p0 s1  }
0x5d: {  	[bflag:$0x3] =	sbarrier.arrive $0xFFFF  }
0x5e: {  	_ =	shalt  }

// kernel: sparse-core-data-format-call.cloned.1.call-start
scs
called_computation_lowered:
.L_overlay_start_0:
0x0: {  	s2 =	sld [smem:$0x3FD9]  }
0x1: {  	s3 =	sld [smem:$0x3FFE];
	_ =	sdelay $0x1  }
0x2: {  	s1 =	srdreg.scid  }
0x3: {  	s0 =	sand.u32 $0x1, s1  }
0x4: {  	s18 =	sshll.u32 s0, $0xA;
	s2 =	sadd.s32 s3, s2  }
0x5: {  	s2 =	sadd.s32 s2, s18  }
0x6: {  	[smem:$0x3FC6] =	sst s2  }
0x7: {  	_ = 	snop  }
0x8: {  	s2 =	sld [smem:$0x3FC8];
	(tm) =	ssettm $0x1  }
0x9: {  	s19 =	sld [smem:$0x3FFB];
	_ =	sdelay $0x3  }
0xa: {  	_ =	strace s19  }
0xb: {  	s3 =	sld [smem:$0x3FFC];
	_ =	sdelay $0x3  }
0xc: {  	_ =	strace s3  }
0xd: {  	s3 =	sld [smem:$0x3FFD];
	_ =	sdelay $0x3  }
0xe: {  	_ =	strace s3  }
0xf: {  	_ =	strace $0x8FFFFFFF  }
0x10: {  	s20 =	sld [smem:$0x3FDB];
	_ =	sdelay $0x1  }
0x11: {  	s4 =	simm.s32 $_scs_section_size  }
0x12: {  	s5 =	simm.s32 $_size__tile_overlayer_lowered;
	s6 =	simm.s32 $_tile_overlayer_lowered  }
0x13: {  	s23 =	simm.s32 $0x1BFF;
	s22 =	sshll.u32 s6, $0x1;
	s3 =	sadd.s32 s4, s20  }
0x14: {  	s7 =	simm.s32 $0x0;
	s21 =	sshll.u32 s5, $0x1;
	s5 =	sadd.s32 s22, s3  }
0x15: {  	[timem:s7], [sflag:s23] =	dma.local [hbm:s5], s21  }
0x16: {  	_ =	swait.ge [sflag:s23], s21  }
0x17: {  	s4 =	ssub.s32 $0x0, s21;
	[sflag:s23] =	ssyncset.done $0x0  }
0x18: {  	[sflag:s23] =	ssyncadd.s32 s4;
	_ =	sdelay $0x1  }
0x19: {  	s24 =	simm.s32 $0x1B8B  }
0x1a: {  	_ =	swait.ge [sflag:s24], $0x1  }
0x1b: {  	[sflag:s24] =	ssyncset.done $0x0  }
0x1c: {  	s26 =	simm.s32 $0x1B8E;
	s25 =	sld [smem:$0x3FFE];
	[sflag:s24] =	ssyncadd.s32 $0xFFFFFFFF  }
0x1d: {  	s27 =	simm.s32 $execute0_lowered;
	[smem:$0x3FD2] =	sst s26  }
0x1e: {  	s5 =	sshll.u32 s27, $0x1;
	_ =	strace $0x80000046;
	[dreg:$0x1] =	wrdreg $0xFFFFFFFF  }
0x1f: {  	s28 =	simm.s32 $_size_execute0_lowered;
	s3 =	sadd.s32 s3, s5;
	[dreg:$0x0] =	wrdreg $0x0  }
0x20: {  	s5 =	sshll.u32 s28, $0x1;
	[dreg:$0x2] =	wrdreg s3  }
0x21: {  	[dreg:$0x3] =	wrdreg s5  }
0x22: {  	[dreg:$0x4] =	wrdreg $0xC0  }
0x23: {  	_ =	task [dreg:s7], $0x5FFFF  }
0x24: {  	[dreg:$0x1] =	wrdreg $0xFFFFFFFF  }
0x25: {  	[dreg:$0x0] =	wrdreg $0x60  }
0x26: {  	[dreg:$0x2] =	wrdreg s2  }
0x27: {  	[dreg:$0x3] =	wrdreg s25  }
0x28: {  	[dreg:$0x4] =	wrdreg $0x9  }
0x29: {  	_ =	task.clear_ibuf [dreg:s7], $0x5FFFF;
	_ =	strace $0x90000046  }
0x2a: {  	s29 =	simm.s32 $0x9;
	_ =	strace $0x80000048  }
0x2b: {  	_ =	swait.ge [sflag:s29], $0x1  }
0x2c: {  	[sflag:s29] =	ssyncadd.s32 $0xFFFFFFFF  }
0x2d: {  	_ =	strace $0x90000048  }
0x2e: {  	_ =	sfence  }
0x2f: {  	s30 =	sld [smem:$0x0];
	_ =	sdelay $0x2  }
0x30: {  	s31 =	sshll.u32 s1, $0xD;
	s1 =	sshrl.u32 s1, $0x2  }
0x31: {  	s3 =	sand.u32 $0x4000, s31;
	s1 =	sadd.s32 s1, s30  }
0x32: {  	s0 =	sor.u32 s3, s0;
	s1 =	sshll.u32 s1, $0x11  }
0x33: {  	s0 =	sor.u32 s1, s0  }
0x34: {  	s0 =	sadd.s32 $0x8F2B, s0  }
0x35: {  	[sflag:s0] =	ssyncadd.remote.s32 $0x1  }
0x36: {  	_ =	sfence.sel $0xFFFF  }
0x37: {  	[dreg:$0x0] =	wrdreg $0xFFFFFFFF;
	(pc) =	sbr.abs _section_cstart, $3  }
0x38: {  	[dreg:$0x1] =	wrdreg $0xFFFFFFFF  }
0x39: {  	_ =	task.clear_ibuf [dreg:s7], $0x2FFFF;
	_ =	strace $0x9FFFFFFF  }
0x3a: {  	(tm) =	ssettm $0x7FFFFFFF  }
0x3b: {  	_ =	shalt  }
tec
execute0_lowered:
.L_overlay_start_1:
0x0: {  	(tag) =	ssettag $0x1  }
0x1: {  	s0 =	srdreg.scid  }
0x2: {  	s1 =	sshll.u32 s0, $0x4  }
0x3: {  	s2 =	rddreg [dreg:$0x0];
	s0 =	stileid.u32;
	s1 =	sand.u32 $0x10, s1  }
0x4: {  	s4 =	rddreg [dreg:$0x1];
	s7 =	simm.s32 $0x1;
	s1 =	sor.u32 s0, s1  }
0x5: {  	s8 =	simm.s32 $0x2;
	s9 =	simm.s32 $0x0;
	s3 =	sshll.u32 s1, $0x1  }
0x6: {  	s12 =	simm.s32 $0x0;
	s11 =	simm.s32 $0x0;
	s6 =	ssub.s32 $0x400, s3  }
.Ltmp0:
0x7: {  	s4 =	sadd.s32 $0xC00, s4;
	s5 =	sand.u32 $0x3E, s6;
	(pc) =	sbr.rel .LBB1_1-.Ltmp0, $4  }
0x8: {  	s1 =	rddreg [dreg:$0x2];
	_ =	strace $0x80000047;
	p0 =	sne.s32 s5, $0x0  }
0x9: {  	s6 =	sshrl.u32 s6, $0x6;
	s5 =	simm.s32 $0x1;
	s7 =	simm.s32 @!p0 $0x0  }
0xa: {  	s10 =	smov.u32 s3;
	[sflag:s5] =	ssyncpa.u1 $0x0;
	s6 =	sadd.s32 s7, s6  }
0xb: {  	[sflag:s8] =	ssyncpa.u1 $0x0;
	s8 =	simm.s32 $0x0;
	s7 =	sadd.s32 $0x1, s6  }
.LBB1_9:
0xc: {  	s14 =	sadd.s32 $0x40, s10  }
0xd: {  	p1 =	sgt.s32 s14, $0x3FF  }
0xe: {  	s14 =	smov.u32 @p1 s3;
	p1 =	sne.s32 s11, s7  }
.Ltmp1:
0xf: {  	p0 =	slt.u32 s11, $0x2;
	(pc) =	sbr.rel @!p1 .LBB1_10-.Ltmp1, $4  }
0x10: {  	s13 =	simm.s32 @!p0 $0x2  }
0x11: {  	s15 =	sadd.s32 $0x1, s11;
	_ =	swait.ge @!p0 [sflag:s13], $0x4000  }
0x12: {  	s12 =	smov.u32 s10;
	s9 =	sadd.s32 $0x4000, s9;
	[sflag:s13] =	ssyncset.done @!p0 $0x0  }
0x13: {  	s11 =	smov.u32 s15;
	s10 =	smov.u32 s14;
	[sflag:s13] =	ssyncadd.s32 @!p0 $0xFFFFC000  }
.LBB1_1:
0x14: {  	p0 =	sge.u32 s11, s6  }
0x15: {  	s13 =	sxor.u32 @!p0 $0xFFFFFFFF, s11  }
0x16: {  	s31 =	sadd.s32 $0xFFFFFFFF, s11;
	s14 =	sshll.u32 @!p0 s10, $0xA;
	s13 =	sshll.u32 @!p0 s13, $0xE  }
0x17: {  	s15 =	simm.s32 @!p0 $0x0;
	s14 =	sadd.s32 @!p0 s2, s14;
	s13 =	sand.u32 @!p0 $0x4000, s13  }
0x18: {  	[tilespmem:s13], [sflag:$0x1] =	stream.linear.gather @!p0 [hbm4b:s14+s15], $0x4000, $0x38;
	[tilespmem:$0x10000] =	vst v63  }
0x19: {  	p0 =	sge.u32 s31, s6  }
.Ltmp2:
0x1a: {  	_ = 	snop;
	(pc) =	sbr.rel @p0 .LBB1_9-.Ltmp2, $1  }
0x1b: {  	_ =	sdelay $0x3  }
0x1c: {  	s13 =	sshll.u32 s9, $0x2  }
0x1d: {  	_ =	swait.ge [sflag:s5], $0x4000;
	s14 =	sshll.u32 s11, $0xE;
	s16 =	simm.s32 $0x0  }
0x1e: {  	p1 =	por $0x1, $0x1;
	s13 =	sand.u32 $0x10000, s13;
	[sflag:s5] =	ssyncset.done $0x0  }
0x1f: {  	s14 =	sand.u32 $0x4000, s14;
	s15 =	sshrl.u32 s13, $0x2;
	[sflag:s5] =	ssyncadd.s32 $0xFFFFC000  }
0x20: {  	s13 =	sor.u32 $0x8000, s14;
	s14 =	sadd.s32 $0x8040, s15;
	s15 =	sadd.s32 $0x40, s15  }
.LBB1_3:
0x21: {  	s16 =	sshll.u32 s16, $0x2  }
0x22: {  	p0 =	por p1, p1;
	s17 =	sshra.s32 s16, $0x2  }
0x23: {  	s18 =	simm.s32 $0x0;
	s16 =	sadd.s32 s17, s14;
	s17 =	sadd.s32 s17, s15  }
.LBB1_4:
0x24: {  	v0 =	vmov s17;
	_ =	sdelay $0x3  }
0x25: {  	s20 =	simm.s32 $0x0  }
0x26: {  	v6 =	vld.idx.msk [tilespmem:v0+s20+$0x30 ss:$0x1], $0xffff  }
0x27: {  	v7 =	vld.idx.msk [tilespmem:v0+s20+$0xFFFFFFC0 ss:$0x1], $0xffff  }
0x28: {  	v5 =	vld.idx.msk [tilespmem:v0+s20+$0xFFFFFFD0 ss:$0x1], $0xffff  }
0x29: {  	v4 =	vld.idx.msk [tilespmem:v0+s20+$0xFFFFFFE0 ss:$0x1], $0xffff  }
0x2a: {  	v3 =	vld.idx.msk [tilespmem:v0+s20+$0xFFFFFFF0 ss:$0x1], $0xffff  }
0x2b: {  	v1 =	vld.idx.msk [tilespmem:v0+s20+$0x0 ss:$0x1], $0xffff  }
0x2c: {  	v2 =	vld.idx.msk [tilespmem:v0+s20+$0x10 ss:$0x1], $0xffff;
	[tilespmem:s16+$0x30] =	vst v6  }
0x2d: {  	s19 =	simm.s32 $0x80;
	s21 =	simm.s32 $0x400;
	[tilespmem:s16+$0xFFFFFFC0] =	vst v7;
	v6 =	vld.idx.msk [tilespmem:v0+s20+$0x20 ss:$0x1], $0xffff;
	s20 =	smov.u32 s16  }
.LBB1_5:
0x2e: {  	p1 =	sne.s32 s21, $0xE00;
	v7 =	vld.idx.msk [tilespmem:v0+s19+$0x30 ss:$0x1], $0xffff;
	[tilespmem:s20+$0xFFFFFFD0] =	vst v5  }
0x2f: {  	v8 =	vld.idx.msk [tilespmem:v0+s19+$0xFFFFFFC0 ss:$0x1], $0xffff;
	[tilespmem:s20+$0xFFFFFFE0] =	vst v4  }
0x30: {  	v5 =	vld.idx.msk [tilespmem:v0+s19+$0xFFFFFFD0 ss:$0x1], $0xffff;
	[tilespmem:s20+$0xFFFFFFF0] =	vst v3  }
.Ltmp3:
0x31: {  	v4 =	vld.idx.msk [tilespmem:v0+s19+$0xFFFFFFE0 ss:$0x1], $0xffff;
	[tilespmem:s20+$0x0] =	vst v1;
	(pc) =	sbr.rel @p1 .LBB1_5-.Ltmp3, $4  }
0x32: {  	v3 =	vld.idx.msk [tilespmem:v0+s19+$0xFFFFFFF0 ss:$0x1], $0xffff;
	[tilespmem:s20+$0x10] =	vst v2  }
0x33: {  	v1 =	vld.idx.msk [tilespmem:v0+s19+$0x0 ss:$0x1], $0xffff;
	[tilespmem:s20+$0x20] =	vst v6;
	s20 =	sadd.s32 $0x400, s20  }
0x34: {  	v2 =	vld.idx.msk [tilespmem:v0+s19+$0x10 ss:$0x1], $0xffff;
	[tilespmem:s20+$0x30] =	vst v7  }
0x35: {  	[tilespmem:s20+$0xFFFFFFC0] =	vst v8;
	v6 =	vld.idx.msk [tilespmem:v0+s19+$0x20 ss:$0x1], $0xffff;
	s19 =	sshra.s32 s21, $0x2;
	s21 =	sadd.s32 $0x200, s21  }
0x36: {  	_ =	sdelay $0x2  }
0x37: {  	[tilespmem:s20+$0xFFFFFFD0] =	vst v5  }
0x38: {  	v56 =	vld.idx.msk [tilespmem:v0+s19+$0x30 ss:$0x1], $0xffff;
	[tilespmem:s20+$0xFFFFFFE0] =	vst v4  }
0x39: {  	v57 =	vld.idx.msk [tilespmem:v0+s19+$0xFFFFFFC0 ss:$0x1], $0xffff;
	[tilespmem:s20+$0xFFFFFFF0] =	vst v3  }
0x3a: {  	v58 =	vld.idx.msk [tilespmem:v0+s19+$0xFFFFFFD0 ss:$0x1], $0xffff;
	[tilespmem:s20+$0x0] =	vst v1  }
0x3b: {  	v59 =	vld.idx.msk [tilespmem:v0+s19+$0xFFFFFFE0 ss:$0x1], $0xffff;
	[tilespmem:s20+$0x10] =	vst v2  }
0x3c: {  	v60 =	vld.idx.msk [tilespmem:v0+s19+$0xFFFFFFF0 ss:$0x1], $0xffff;
	s31 =	sadd.s32 $0x400, s20;
	[tilespmem:s20+$0x20] =	vst v6  }
0x3d: {  	v61 =	vld.idx.msk [tilespmem:v0+s19+$0x0 ss:$0x1], $0xffff;
	[tilespmem:s31+$0x30] =	vst v56  }
0x3e: {  	v62 =	vld.idx.msk [tilespmem:v0+s19+$0x10 ss:$0x1], $0xffff;
	s18 =	sadd.s32 $0x1, s18;
	[tilespmem:s31+$0xFFFFFFC0] =	vst v57  }
0x3f: {  	v63 =	vld.idx.msk [tilespmem:v0+s19+$0x20 ss:$0x1], $0xffff;
	p1 =	sne.s32 s18, $0x8;
	[tilespmem:s31+$0xFFFFFFD0] =	vst v58  }
.Ltmp4:
0x40: {  	[tilespmem:s31+$0xFFFFFFE0] =	vst v59;
	(pc) =	sbr.rel @p1 .LBB1_4-.Ltmp4, $4  }
0x41: {  	[tilespmem:s31+$0xFFFFFFF0] =	vst v60  }
0x42: {  	[tilespmem:s31+$0x0] =	vst v61  }
0x43: {  	[tilespmem:s31+$0x10] =	vst v62  }
0x44: {  	s16 =	sadd.s32 $0x80, s16;
	s17 =	sadd.s32 $0x400, s17;
	[tilespmem:s31+$0x20] =	vst v63  }
.Ltmp5:
0x45: {  	(pc) =	sbr.rel @p0 .LBB1_3-.Ltmp5, $2  }
0x46: {  	_ =	sdelay $0x2  }
0x47: {  	s16 =	simm.s32 $0x2000;
	p1 =	por $0x0, $0x0  }
.Ltmp6:
0x48: {  	(pc) =	sbr.rel .LBB1_9-.Ltmp6, $4  }
0x49: {  	_ = 	snop  }
0x4a: {  	s12 =	sshll.u32 s12, $0xA  }
0x4b: {  	s12 =	sadd.s32 s4, s12  }
0x4c: {  	[hbm4b:s12+s8] =	stream.linear.scatter [tilespmem:s13], [sflag:$0x2], $0x4000, $0x38;
	[tilespmem:$0x10000] =	vst v63  }
.LBB1_10:
0x4d: {  	_ =	sfence.sel $0x180000  }
0x4e: {  	s2 =	simm.s32 $0x1;
	[bflag:$0x0] =	sbarrier.arrive $0xFFFF  }
0x4f: {  	s31 =	simm.s32 $0x2;
	[sflag:s2] =	ssyncpa.u1 $0x1  }
0x50: {  	[sflag:s31] =	ssyncpa.u1 $0x1  }
0x51: {  	p0 =	sne.s32 s0, $0x0;
	_ =	strace $0x90000047  }
0x52: {  	s0 =	sadd.s32 @!p0 $0x100000, s1;
	[bflag:$0x2] =	sbarrier.arrive $0xFFFF  }
0x53: {  	[sflag:s0] =	ssyncadd.tile.s32 @!p0 $0x1;
	_ =	shalt  }
.Lfunc_end1:
_tile_overlayer_lowered:
.L_overlay_start_2:
0x54: {  	(tag) =	ssettag $0x2  }
0x55: {  	s0 =	rddreg [dreg:$0x0];
	s2 =	stileid.u32  }
0x56: {  	s1 =	rddreg [dreg:$0x1];
	p0 =	sne.s32 s2, $0x0  }
0x57: {  	s3 =	rddreg [dreg:$0x2];
	[bflag:$0x3] =	sbarrier.arrive $0xFFFF;
	s2 =	simm.s32 @!p0 $0x1C01  }
0x58: {  	[timem:s3], [sflag:s2] =	dma.local @!p0 [hbm:s0], s1  }
0x59: {  	s0 =	simm.s32 @!p0 $0x1  }
0x5a: {  	_ =	swait.ge @!p0 [sflag:s0], s1  }
0x5b: {  	s1 =	ssub.s32 @!p0 $0x0, s1;
	[sflag:s0] =	ssyncset.done @!p0 $0x0  }
0x5c: {  	[sflag:s0] =	ssyncadd.s32 @!p0 s1  }
0x5d: {  	[bflag:$0x3] =	sbarrier.arrive $0xFFFF  }
0x5e: {  	_ =	shalt  }

</sc_bundles>
